<compile_context>
chip_gen: v7x
topology: tpu7x:2x2x1
jax: 0.10.2.dev20260603
libtpu: 0.0.44.dev20260713+nightly
codegen_flags: <defaults>
</compile_context>

<pallas_src>
import functools

import jax
import jax.numpy as jnp
from jax import lax
from jax.experimental import pallas as pl
from jax.experimental.pallas import tpu as pltpu
from jax.experimental.pallas import tpu_sc as plsc

NUM_KP = 10
H = 128
W = 128
C = 32
BS = 4

R = BS * (NUM_KP + 1) * H * W
NGRP = 4
CG = C // NGRP
PW = CG // 2
WPG = 8
RW = R // WPG
CB = 1024
NCHUNK = RW // CB
L = 16
TS = H * W * PW


def _sc_deform(tab_g, gx, gy):
    mesh = plsc.VectorSubcoreMesh(
        core_axis_name="c", subcore_axis_name="s", num_cores=2, num_subcores=16
    )

    @functools.partial(
        pl.kernel,
        out_type=jax.ShapeDtypeStruct((NGRP * R * CG,), jnp.float32),
        mesh=mesh,
        compiler_params=pltpu.CompilerParams(
            needs_layout_passes=False, use_tc_tiling_on_sc=False
        ),
        scratch_types=[
            pltpu.VMEM((TS,), jnp.int32),
            pltpu.VMEM((CB,), jnp.float32),
            pltpu.VMEM((CB,), jnp.float32),
            pltpu.VMEM((CB,), jnp.float32),
            pltpu.VMEM((CB,), jnp.float32),
            pltpu.VMEM((CB * CG,), jnp.float32),
            pltpu.VMEM((CB * CG,), jnp.float32),
            pltpu.SemaphoreType.DMA,
            pltpu.SemaphoreType.DMA,
        ],
    )
    def k(tab_hbm, gx_hbm, gy_hbm, out_hbm,
          tab_v, gxv0, gxv1, gyv0, gyv1, outv0, outv1, semg, semo):
        cid = lax.axis_index("c")
        sid = lax.axis_index("s")
        wid = sid * 2 + cid
        grp = wid // WPG
        sub = wid % WPG
        base = sub * RW

        pltpu.sync_copy(tab_hbm.at[pl.ds(grp * TS, TS)], tab_v)

        iota = lax.iota(jnp.int32, L)
        gxv = (gxv0, gxv1)
        gyv = (gyv0, gyv1)
        outv = (outv0, outv1)

        pltpu.async_copy(gx_hbm.at[pl.ds(base, CB)], gxv0, semg)
        pltpu.async_copy(gy_hbm.at[pl.ds(base, CB)], gyv0, semg)

        @pl.loop(0, NCHUNK // 2)
        def _chunk2(ii):
            for b in range(2):
                i = ii * 2 + b
                r0 = base + i * CB
                gxb, gyb, ob = gxv[b], gyv[b], outv[b]
                gxn, gyn = gxv[1 - b], gyv[1 - b]

                pltpu.make_async_copy(gx_hbm.at[pl.ds(0, CB)], gxb, semg).wait()
                pltpu.make_async_copy(gy_hbm.at[pl.ds(0, CB)], gyb, semg).wait()

                @pl.when(i + 1 < NCHUNK)
                def _pf():
                    r1 = base + (i + 1) * CB
                    pltpu.async_copy(gx_hbm.at[pl.ds(r1, CB)], gxn, semg)
                    pltpu.async_copy(gy_hbm.at[pl.ds(r1, CB)], gyn, semg)

                @pl.when(i >= 2)
                def _drain():
                    pltpu.make_async_copy(
                        ob, out_hbm.at[pl.ds(0, CB * CG)], semo
                    ).wait()

                @pl.loop(0, CB // L, unroll=4)
                def _grp16(g):
                    gx16 = gxb[pl.ds(g * L, L)]
                    gy16 = gyb[pl.ds(g * L, L)]
                    px = gx16 * (W / 2.0) + (W / 2.0 - 0.5)
                    py = gy16 * (H / 2.0) + (H / 2.0 - 0.5)
                    tx = px.astype(jnp.int32).astype(jnp.float32)
                    ty = py.astype(jnp.int32).astype(jnp.float32)
                    xw = jnp.where(px < tx, tx - 1.0, tx)
                    yn = jnp.where(py < ty, ty - 1.0, ty)
                    fx = px - xw
                    fy = py - yn
                    gx1 = 1.0 - fx
                    gy1 = 1.0 - fy
                    xe = xw + 1.0
                    ys = yn + 1.0
                    wm = (xw > -1.0) & (xw < float(W))
                    em = (xe > -1.0) & (xe < float(W))
                    nm = (yn > -1.0) & (yn < float(H))
                    sm = (ys > -1.0) & (ys < float(H))
                    mnw = wm & nm
                    mne = em & nm
                    msw = wm & sm
                    mse = em & sm
                    zero = jnp.zeros((L,), jnp.float32)
                    w_nw = jnp.where(mnw, gy1 * gx1, zero)
                    w_ne = jnp.where(mne, gy1 * fx, zero)
                    w_sw = jnp.where(msw, fy * gx1, zero)
                    w_se = jnp.where(mse, fy * fx, zero)
                    bn = yn * float(W)
                    bs_ = ys * float(W)
                    i_nw = jnp.where(mnw, bn + xw, zero).astype(jnp.int32) * PW
                    i_ne = jnp.where(mne, bn + xe, zero).astype(jnp.int32) * PW
                    i_sw = jnp.where(msw, bs_ + xw, zero).astype(jnp.int32) * PW
                    i_se = jnp.where(mse, bs_ + xe, zero).astype(jnp.int32) * PW
                    rloc = (g * L + iota) * CG
                    corners = ((w_nw, i_nw), (w_ne, i_ne), (w_sw, i_sw),
                               (w_se, i_se))
                    for p in range(PW):
                        acc0 = zero
                        acc1 = zero
                        for wgt, idx in corners:
                            v = plsc.load_gather(tab_v, [idx + p])
                            a, bb = plsc.unpack(
                                plsc.bitcast(v, jnp.bfloat16),
                                format=plsc.PackFormat.INTERLEAVED,
                            )
                            acc0 = acc0 + wgt * a
                            acc1 = acc1 + wgt * bb
                        plsc.store_scatter(ob, [rloc + 2 * p], acc0)
                        plsc.store_scatter(ob, [rloc + 2 * p + 1], acc1)

                pltpu.async_copy(
                    ob, out_hbm.at[pl.ds((grp * R + r0) * CG, CB * CG)], semo
                )

        pltpu.make_async_copy(outv0, out_hbm.at[pl.ds(0, CB * CG)], semo).wait()
        pltpu.make_async_copy(outv1, out_hbm.at[pl.ds(0, CB * CG)], semo).wait()

    return k(tab_g, gx, gy)


CB2 = 512
RW2 = R // 32
NCHUNK2 = RW2 // CB2
INW = CB2 * CG


def _sc_interleave(inter):
    mesh = plsc.VectorSubcoreMesh(
        core_axis_name="c", subcore_axis_name="s", num_cores=2, num_subcores=16
    )

    @functools.partial(
        pl.kernel,
        out_type=jax.ShapeDtypeStruct((R * C,), jnp.float32),
        mesh=mesh,
        compiler_params=pltpu.CompilerParams(
            needs_layout_passes=False, use_tc_tiling_on_sc=False
        ),
        scratch_types=[
            pltpu.VMEM((NGRP * INW,), jnp.float32),
            pltpu.VMEM((NGRP * INW,), jnp.float32),
            pltpu.VMEM((CB2 * C,), jnp.float32),
            pltpu.VMEM((CB2 * C,), jnp.float32),
            pltpu.SemaphoreType.DMA,
            pltpu.SemaphoreType.DMA,
        ],
    )
    def k(in_hbm, out_hbm, inb0, inb1, outb0, outb1, semi, semo):
        cid = lax.axis_index("c")
        sid = lax.axis_index("s")
        wid = sid * 2 + cid
        base = wid * RW2

        iota = lax.iota(jnp.int32, L)
        iotac = lax.shift_right_logical(iota, 3)
        iotamc = lax.bitwise_and(iota, jnp.full((L,), CG - 1, jnp.int32))
        inb = (inb0, inb1)
        outb = (outb0, outb1)

        def issue_in(i, buf):
            r0 = base + i * CB2
            for g in range(NGRP):
                pltpu.async_copy(
                    in_hbm.at[pl.ds((g * R + r0) * CG, INW)],
                    buf.at[pl.ds(g * INW, INW)],
                    semi,
                )

        issue_in(0, inb0)

        @pl.loop(0, NCHUNK2 // 2)
        def _chunk2(ii):
            for b in range(2):
                i = ii * 2 + b
                r0 = base + i * CB2
                ib, ob = inb[b], outb[b]

                for g in range(NGRP):
                    pltpu.make_async_copy(
                        in_hbm.at[pl.ds(0, INW)], ib.at[pl.ds(g * INW, INW)],
                        semi,
                    ).wait()

                @pl.when(i + 1 < NCHUNK2)
                def _pf():
                    issue_in(i + 1, inb[1 - b])

                @pl.when(i >= 2)
                def _drain():
                    pltpu.make_async_copy(
                        ob, out_hbm.at[pl.ds(0, CB2 * C)], semo
                    ).wait()

                for g in range(NGRP):
                    vbase = iotac * C + (g * CG) + iotamc

                    @pl.loop(0, INW // L, unroll=4)
                    def _q(q):
                        v = ib[pl.ds(g * INW + q * L, L)]
                        plsc.store_scatter(ob, [vbase + q * ((L // CG) * C)], v)

                pltpu.async_copy(
                    ob, out_hbm.at[pl.ds(r0 * C, CB2 * C)], semo
                )

        pltpu.make_async_copy(outb0, out_hbm.at[pl.ds(0, CB2 * C)], semo).wait()
        pltpu.make_async_copy(outb1, out_hbm.at[pl.ds(0, CB2 * C)], semo).wait()

    return k(inter)


def kernel(source, sparse_motions):
    table = source.reshape(H * W, C).astype(jnp.bfloat16)
    bits = jax.lax.bitcast_convert_type(table, jnp.uint16)
    lo = bits[:, 0::2].astype(jnp.uint32)
    hi = bits[:, 1::2].astype(jnp.uint32)
    packed = jax.lax.bitcast_convert_type(lo | (hi << 16), jnp.int32)
    tab_g = packed.reshape(H * W, NGRP, PW).transpose(1, 0, 2).reshape(-1)
    sm = sparse_motions.reshape(R, 2)
    gx = sm[:, 0]
    gy = sm[:, 1]
    inter = _sc_deform(tab_g, gx, gy)
    out = _sc_interleave(inter)
    return out.reshape(-1, H * W, C)

# --- scband reference (transcript-rebuilt; emitter-appended) ---
"""Pipeline reference for scband-deform-11209864642861 (READ-ONLY COPY).

The authoritative reference and input builder live on the scoring server;
editing this copy changes nothing except your own understanding.
"""

import jax, jax.numpy as jnp
import numpy as np

NUM_KP = 10
H = 128
W = 128
C = 32
BS = 4


def _grt(x, y):
    z = jnp.maximum(x - y, 0.0)
    z = z / (z + 1.0)
    return -1.0 * (jnp.floor(1.0 - z) - 1.0)


def _grid_sample(img, grid):
    # img: (N, iH, iW, C); grid: (N, gH, gW, 2) in [-1, 1]
    N = img.shape[0]
    gH, gW = grid.shape[1], grid.shape[2]
    Hf = float(gH)
    Wf = float(gW)
    x = grid[:, :, :, 0:1]
    y = grid[:, :, :, 1:2]
    x = (x + 1.0) * (Wf / 2.0) - 0.5
    y = (y + 1.0) * (Hf / 2.0) - 0.5
    x_w = jnp.floor(x)
    y_n = jnp.floor(y)
    x_e = x_w + 1.0
    y_s = y_n + 1.0
    w = x - x_w
    e = 1.0 - w
    n = y - y_n
    s = 1.0 - n
    nw = s * e
    ne = s * w
    sw = n * e
    se = n * w
    w_mask = _grt(x_w, -1.0) * _grt(float(gW), x_w)
    n_mask = _grt(y_n, -1.0) * _grt(float(gH), y_n)
    e_mask = _grt(x_e, -1.0) * _grt(float(gW), x_e)
    s_mask = _grt(y_s, -1.0) * _grt(float(gH), y_s)
    nw_mask = w_mask * n_mask
    ne_mask = e_mask * n_mask
    sw_mask = s_mask * w_mask
    se_mask = e_mask * s_mask
    b = jnp.arange(N, dtype=jnp.float32).reshape(-1, 1, 1, 1)
    b = jnp.tile(b, (1, gH, gW, 1))

    def _gather(mask, yy, xx):
        g = jnp.concatenate([b, yy, xx], axis=3)
        g = (mask * g).astype(jnp.int32)
        val = img[g[..., 0], g[..., 1], g[..., 2]]
        return mask * val

    nw_val = _gather(nw_mask, y_n, x_w)
    ne_val = _gather(ne_mask, y_n, x_e)
    sw_val = _gather(sw_mask, y_s, x_w)
    se_val = _gather(se_mask, y_s, x_e)
    out = nw * nw_val + sw * sw_val + ne * ne_val + se * se_val
    return out


def _deform(source, sparse_motions):
    bs = sparse_motions.shape[0]
    h, w = H, W
    source_repeat = jnp.tile(source, (bs * (NUM_KP + 1), 1, 1, 1))
    sm = sparse_motions.reshape(-1, h, w, 2)
    sparse_deformed = _grid_sample(source_repeat, sm)
    return sparse_deformed.reshape(-1, h * w, C)


def setup_inputs(seed: int = 0) -> dict:
    key = jax.random.key(seed)
    k1, k2 = jax.random.split(key)
    source = jax.random.normal(k1, (1, H, W, C), dtype=jnp.float32)
    sparse_motions = jax.random.uniform(k2, (BS, NUM_KP + 1, H, W, 2), dtype=jnp.float32) * 2.0 - 1.0
    return {"source": source, "sparse_motions": sparse_motions}


def reference(source, sparse_motions):
    return _deform(source, sparse_motions)

if __name__ == "__main__":
    import jax
    _d = setup_inputs()
    print(jax.jit(kernel)(*tuple(_d.values())))

</pallas_src>

<mosaic_0001>
#map = affine_map<(d0, d1) -> (0)>
module attributes {stable_mosaic.version = 14 : i64} {
  func.func @k(%arg0: i32, %arg1: i32, %arg2: memref<23068672xf32, #tpu.memory_space<hbm>>, %arg3: memref<23068672xf32, #tpu.memory_space<hbm>>, %arg4: memref<16384xf32, #tpu.memory_space<vmem>>, %arg5: memref<16384xf32, #tpu.memory_space<vmem>>, %arg6: memref<16384xf32, #tpu.memory_space<vmem>>, %arg7: memref<16384xf32, #tpu.memory_space<vmem>>, %arg8: memref<!tpu.dma_semaphore, #tpu.memory_space<semaphore_mem>>, %arg9: memref<!tpu.dma_semaphore, #tpu.memory_space<semaphore_mem>>) attributes {dimension_semantics = [#tpu.dimension_semantics<core_parallel>, #tpu.dimension_semantics<subcore_parallel>], iteration_bounds = array<i64: 2, 16>, scalar_prefetch = 0 : i64, scratch_operands = 6 : i64, tpu.core_type = #tpu.core_type<sc_vector_subcore>, window_params = [{transform_indices = #map}, {transform_indices = #map}]} {
    %mul3A = arith.constant 2 : i32
    %mul3A_0 = arith.muli %arg1, %mul3A : i32
    %add3A = arith.addi %mul3A_0, %arg0 : i32
    %mul3A_1 = arith.constant 22528 : i32
    %mul3A_2 = arith.muli %add3A, %mul3A_1 : i32
    %iota3A = tpu.iota {dimensions = array<i32: 0>} : vector<16xi32>
    %shift_right_logical3A = arith.constant 3 : i32
    %shift_right_logical3A_3 = vector.broadcast %shift_right_logical3A : i32 to vector<16xi32>
    %shift_right_logical3A_4 = arith.shrui %iota3A, %shift_right_logical3A_3 : vector<16xi32>
    %broadcast_in_dim3A = arith.constant 7 : i32
    %broadcast_in_dim3A_5 = vector.broadcast %broadcast_in_dim3A : i32 to vector<16xi32>
    %and3A = arith.andi %iota3A, %broadcast_in_dim3A_5 : vector<16xi32>
    %add3A_6 = arith.constant 0 : i32
    %add3A_7 = arith.addi %mul3A_2, %add3A_6 : i32
    %add3A_8 = arith.constant 0 : i32
    %add3A_9 = arith.addi %add3A_8, %add3A_7 : i32
    %mul3A_10 = arith.constant 8 : i32
    %mul3A_11 = arith.muli %add3A_9, %mul3A_10 : i32
    %dma_start3A = arith.constant 0 : i32
    %dma_start3A_12 = tpu.memref_slice %arg4[%dma_start3A] : memref<16384xf32, #tpu.memory_space<vmem>> -> memref<4096xf32, #tpu.memory_space<vmem>>
    %dma_start3A_13 = tpu.memref_slice %arg2[%mul3A_11] : memref<23068672xf32, #tpu.memory_space<hbm>> -> memref<4096xf32, #tpu.memory_space<hbm>>
    %dma_start3A_14 = arith.constant 0 : i32
    %dma_start3A_15 = tpu.memref_slice %arg4[%dma_start3A_14] : memref<16384xf32, #tpu.memory_space<vmem>> -> memref<4096xf32, #tpu.memory_space<vmem>>
    %dma_start3A_16 = tpu.memref_slice %arg2[%mul3A_11] : memref<23068672xf32, #tpu.memory_space<hbm>> -> memref<4096xf32, #tpu.memory_space<hbm>>
    tpu.enqueue_dma source(%dma_start3A_16 : memref<4096xf32, #tpu.memory_space<hbm>>) target(%dma_start3A_15 : memref<4096xf32, #tpu.memory_space<vmem>>) target_semaphore(%arg8 : memref<!tpu.dma_semaphore, #tpu.memory_space<semaphore_mem>>)
    %add3A_17 = arith.constant 720896 : i32
    %add3A_18 = arith.addi %add3A_17, %add3A_7 : i32
    %mul3A_19 = arith.constant 8 : i32
    %mul3A_20 = arith.muli %add3A_18, %mul3A_19 : i32
    %dma_start3A_21 = arith.constant 4096 : i32
    %dma_start3A_22 = tpu.memref_slice %arg4[%dma_start3A_21] : memref<16384xf32, #tpu.memory_space<vmem>> -> memref<4096xf32, #tpu.memory_space<vmem>>
    %dma_start3A_23 = tpu.memref_slice %arg2[%mul3A_20] : memref<23068672xf32, #tpu.memory_space<hbm>> -> memref<4096xf32, #tpu.memory_space<hbm>>
    %dma_start3A_24 = arith.constant 4096 : i32
    %dma_start3A_25 = tpu.memref_slice %arg4[%dma_start3A_24] : memref<16384xf32, #tpu.memory_space<vmem>> -> memref<4096xf32, #tpu.memory_space<vmem>>
    %dma_start3A_26 = tpu.memref_slice %arg2[%mul3A_20] : memref<23068672xf32, #tpu.memory_space<hbm>> -> memref<4096xf32, #tpu.memory_space<hbm>>
    tpu.enqueue_dma source(%dma_start3A_26 : memref<4096xf32, #tpu.memory_space<hbm>>) target(%dma_start3A_25 : memref<4096xf32, #tpu.memory_space<vmem>>) target_semaphore(%arg8 : memref<!tpu.dma_semaphore, #tpu.memory_space<semaphore_mem>>)
    %add3A_27 = arith.constant 1441792 : i32
    %add3A_28 = arith.addi %add3A_27, %add3A_7 : i32
    %mul3A_29 = arith.constant 8 : i32
    %mul3A_30 = arith.muli %add3A_28, %mul3A_29 : i32
    %dma_start3A_31 = arith.constant 8192 : i32
    %dma_start3A_32 = tpu.memref_slice %arg4[%dma_start3A_31] : memref<16384xf32, #tpu.memory_space<vmem>> -> memref<4096xf32, #tpu.memory_space<vmem>>
    %dma_start3A_33 = tpu.memref_slice %arg2[%mul3A_30] : memref<23068672xf32, #tpu.memory_space<hbm>> -> memref<4096xf32, #tpu.memory_space<hbm>>
    %dma_start3A_34 = arith.constant 8192 : i32
    %dma_start3A_35 = tpu.memref_slice %arg4[%dma_start3A_34] : memref<16384xf32, #tpu.memory_space<vmem>> -> memref<4096xf32, #tpu.memory_space<vmem>>
    %dma_start3A_36 = tpu.memref_slice %arg2[%mul3A_30] : memref<23068672xf32, #tpu.memory_space<hbm>> -> memref<4096xf32, #tpu.memory_space<hbm>>
    tpu.enqueue_dma source(%dma_start3A_36 : memref<4096xf32, #tpu.memory_space<hbm>>) target(%dma_start3A_35 : memref<4096xf32, #tpu.memory_space<vmem>>) target_semaphore(%arg8 : memref<!tpu.dma_semaphore, #tpu.memory_space<semaphore_mem>>)
    %add3A_37 = arith.constant 2162688 : i32
    %add3A_38 = arith.addi %add3A_37, %add3A_7 : i32
    %mul3A_39 = arith.constant 8 : i32
    %mul3A_40 = arith.muli %add3A_38, %mul3A_39 : i32
    %dma_start3A_41 = arith.constant 12288 : i32
    %dma_start3A_42 = tpu.memref_slice %arg4[%dma_start3A_41] : memref<16384xf32, #tpu.memory_space<vmem>> -> memref<4096xf32, #tpu.memory_space<vmem>>
    %dma_start3A_43 = tpu.memref_slice %arg2[%mul3A_40] : memref<23068672xf32, #tpu.memory_space<hbm>> -> memref<4096xf32, #tpu.memory_space<hbm>>
    %dma_start3A_44 = arith.constant 12288 : i32
    %dma_start3A_45 = tpu.memref_slice %arg4[%dma_start3A_44] : memref<16384xf32, #tpu.memory_space<vmem>> -> memref<4096xf32, #tpu.memory_space<vmem>>
    %dma_start3A_46 = tpu.memref_slice %arg2[%mul3A_40] : memref<23068672xf32, #tpu.memory_space<hbm>> -> memref<4096xf32, #tpu.memory_space<hbm>>
    tpu.enqueue_dma source(%dma_start3A_46 : memref<4096xf32, #tpu.memory_space<hbm>>) target(%dma_start3A_45 : memref<4096xf32, #tpu.memory_space<vmem>>) target_semaphore(%arg8 : memref<!tpu.dma_semaphore, #tpu.memory_space<semaphore_mem>>)
    %scan3A = arith.constant 0 : i32
    %scan3A_47 = arith.constant 22 : i32
    %scan3A_48 = arith.addi %scan3A, %scan3A_47 : i32
    %scan3A_49 = arith.constant 1 : i32
    scf.for %scan3A_58 = %scan3A to %scan3A_48 step %scan3A_49  : i32 {
      %mul3A_59 = arith.constant 1 : i32
      %mul3A_60 = arith.muli %scan3A_58, %mul3A_59 : i32
      %add3A_61 = arith.constant 0 : i32
      %add3A_62 = arith.addi %add3A_61, %mul3A_60 : i32
      %mul3A_63 = arith.constant 2 : i32
      %mul3A_64 = arith.muli %add3A_62, %mul3A_63 : i32
      %add3A_65 = arith.constant 0 : i32
      %add3A_66 = arith.addi %mul3A_64, %add3A_65 : i32
      %mul3A_67 = arith.constant 512 : i32
      %mul3A_68 = arith.muli %add3A_66, %mul3A_67 : i32
      %add3A_69 = arith.addi %mul3A_2, %mul3A_68 : i32
      %dma_wait3A_70 = arith.constant 0 : i32
      %dma_wait3A_71 = tpu.memref_slice %arg4[%dma_wait3A_70] : memref<16384xf32, #tpu.memory_space<vmem>> -> memref<4096xf32, #tpu.memory_space<vmem>>
      %dma_wait3A_72 = arith.constant 0 : i32
      %dma_wait3A_73 = tpu.memref_slice %arg2[%dma_wait3A_72] : memref<23068672xf32, #tpu.memory_space<hbm>> -> memref<4096xf32, #tpu.memory_space<hbm>>
      %dma_wait3A_74 = arith.constant 0 : i32
      %dma_wait3A_75 = tpu.memref_slice %arg4[%dma_wait3A_74] : memref<16384xf32, #tpu.memory_space<vmem>> -> memref<4096xf32, #tpu.memory_space<vmem>>
      %dma_wait3A_76 = arith.constant 0 : i32
      %dma_wait3A_77 = tpu.memref_slice %arg2[%dma_wait3A_76] : memref<23068672xf32, #tpu.memory_space<hbm>> -> memref<4096xf32, #tpu.memory_space<hbm>>
      tpu.wait_dma2 semaphore(%arg8 : memref<!tpu.dma_semaphore, #tpu.memory_space<semaphore_mem>>) src(%dma_wait3A_77 : memref<4096xf32, #tpu.memory_space<hbm>>) dst(%dma_wait3A_75 : memref<4096xf32, #tpu.memory_space<vmem>>)
      %dma_wait3A_78 = arith.constant 4096 : i32
      %dma_wait3A_79 = tpu.memref_slice %arg4[%dma_wait3A_78] : memref<16384xf32, #tpu.memory_space<vmem>> -> memref<4096xf32, #tpu.memory_space<vmem>>
      %dma_wait3A_80 = arith.constant 0 : i32
      %dma_wait3A_81 = tpu.memref_slice %arg2[%dma_wait3A_80] : memref<23068672xf32, #tpu.memory_space<hbm>> -> memref<4096xf32, #tpu.memory_space<hbm>>
      %dma_wait3A_82 = arith.constant 4096 : i32
      %dma_wait3A_83 = tpu.memref_slice %arg4[%dma_wait3A_82] : memref<16384xf32, #tpu.memory_space<vmem>> -> memref<4096xf32, #tpu.memory_space<vmem>>
      %dma_wait3A_84 = arith.constant 0 : i32
      %dma_wait3A_85 = tpu.memref_slice %arg2[%dma_wait3A_84] : memref<23068672xf32, #tpu.memory_space<hbm>> -> memref<4096xf32, #tpu.memory_space<hbm>>
      tpu.wait_dma2 semaphore(%arg8 : memref<!tpu.dma_semaphore, #tpu.memory_space<semaphore_mem>>) src(%dma_wait3A_85 : memref<4096xf32, #tpu.memory_space<hbm>>) dst(%dma_wait3A_83 : memref<4096xf32, #tpu.memory_space<vmem>>)
      %dma_wait3A_86 = arith.constant 8192 : i32
      %dma_wait3A_87 = tpu.memref_slice %arg4[%dma_wait3A_86] : memref<16384xf32, #tpu.memory_space<vmem>> -> memref<4096xf32, #tpu.memory_space<vmem>>
      %dma_wait3A_88 = arith.constant 0 : i32
      %dma_wait3A_89 = tpu.memref_slice %arg2[%dma_wait3A_88] : memref<23068672xf32, #tpu.memory_space<hbm>> -> memref<4096xf32, #tpu.memory_space<hbm>>
      %dma_wait3A_90 = arith.constant 8192 : i32
      %dma_wait3A_91 = tpu.memref_slice %arg4[%dma_wait3A_90] : memref<16384xf32, #tpu.memory_space<vmem>> -> memref<4096xf32, #tpu.memory_space<vmem>>
      %dma_wait3A_92 = arith.constant 0 : i32
      %dma_wait3A_93 = tpu.memref_slice %arg2[%dma_wait3A_92] : memref<23068672xf32, #tpu.memory_space<hbm>> -> memref<4096xf32, #tpu.memory_space<hbm>>
      tpu.wait_dma2 semaphore(%arg8 : memref<!tpu.dma_semaphore, #tpu.memory_space<semaphore_mem>>) src(%dma_wait3A_93 : memref<4096xf32, #tpu.memory_space<hbm>>) dst(%dma_wait3A_91 : memref<4096xf32, #tpu.memory_space<vmem>>)
      %dma_wait3A_94 = arith.constant 12288 : i32
      %dma_wait3A_95 = tpu.memref_slice %arg4[%dma_wait3A_94] : memref<16384xf32, #tpu.memory_space<vmem>> -> memref<4096xf32, #tpu.memory_space<vmem>>
      %dma_wait3A_96 = arith.constant 0 : i32
      %dma_wait3A_97 = tpu.memref_slice %arg2[%dma_wait3A_96] : memref<23068672xf32, #tpu.memory_space<hbm>> -> memref<4096xf32, #tpu.memory_space<hbm>>
      %dma_wait3A_98 = arith.constant 12288 : i32
      %dma_wait3A_99 = tpu.memref_slice %arg4[%dma_wait3A_98] : memref<16384xf32, #tpu.memory_space<vmem>> -> memref<4096xf32, #tpu.memory_space<vmem>>
      %dma_wait3A_100 = arith.constant 0 : i32
      %dma_wait3A_101 = tpu.memref_slice %arg2[%dma_wait3A_100] : memref<23068672xf32, #tpu.memory_space<hbm>> -> memref<4096xf32, #tpu.memory_space<hbm>>
      tpu.wait_dma2 semaphore(%arg8 : memref<!tpu.dma_semaphore, #tpu.memory_space<semaphore_mem>>) src(%dma_wait3A_101 : memref<4096xf32, #tpu.memory_space<hbm>>) dst(%dma_wait3A_99 : memref<4096xf32, #tpu.memory_space<vmem>>)
      %add3A_102 = arith.constant 1 : i32
      %add3A_103 = arith.addi %add3A_66, %add3A_102 : i32
      %lt3A = arith.constant 44 : i32
      %lt3A_104 = arith.cmpi slt, %add3A_103, %lt3A : i32
      %convert_element_type3A = arith.extui %lt3A_104 : i1 to i32
      %cond3A = arith.constant 0 : i32
      %cond3A_105 = arith.cmpi ne, %convert_element_type3A, %cond3A : i32
      scf.if %cond3A_105 {
        %add3A_265 = arith.constant 1 : i32
        %add3A_266 = arith.addi %add3A_66, %add3A_265 : i32
        %mul3A_267 = arith.constant 512 : i32
        %mul3A_268 = arith.muli %add3A_266, %mul3A_267 : i32
        %add3A_269 = arith.addi %mul3A_2, %mul3A_268 : i32
        %add3A_270 = arith.constant 0 : i32
        %add3A_271 = arith.addi %add3A_270, %add3A_269 : i32
        %mul3A_272 = arith.constant 8 : i32
        %mul3A_273 = arith.muli %add3A_271, %mul3A_272 : i32
        %dma_start3A_274 = arith.constant 0 : i32
        %dma_start3A_275 = tpu.memref_slice %arg5[%dma_start3A_274] : memref<16384xf32, #tpu.memory_space<vmem>> -> memref<4096xf32, #tpu.memory_space<vmem>>
        %dma_start3A_276 = tpu.memref_slice %arg2[%mul3A_273] : memref<23068672xf32, #tpu.memory_space<hbm>> -> memref<4096xf32, #tpu.memory_space<hbm>>
        %dma_start3A_277 = arith.constant 0 : i32
        %dma_start3A_278 = tpu.memref_slice %arg5[%dma_start3A_277] : memref<16384xf32, #tpu.memory_space<vmem>> -> memref<4096xf32, #tpu.memory_space<vmem>>
        %dma_start3A_279 = tpu.memref_slice %arg2[%mul3A_273] : memref<23068672xf32, #tpu.memory_space<hbm>> -> memref<4096xf32, #tpu.memory_space<hbm>>
        tpu.enqueue_dma source(%dma_start3A_279 : memref<4096xf32, #tpu.memory_space<hbm>>) target(%dma_start3A_278 : memref<4096xf32, #tpu.memory_space<vmem>>) target_semaphore(%arg8 : memref<!tpu.dma_semaphore, #tpu.memory_space<semaphore_mem>>)
        %add3A_280 = arith.constant 720896 : i32
        %add3A_281 = arith.addi %add3A_280, %add3A_269 : i32
        %mul3A_282 = arith.constant 8 : i32
        %mul3A_283 = arith.muli %add3A_281, %mul3A_282 : i32
        %dma_start3A_284 = arith.constant 4096 : i32
        %dma_start3A_285 = tpu.memref_slice %arg5[%dma_start3A_284] : memref<16384xf32, #tpu.memory_space<vmem>> -> memref<4096xf32, #tpu.memory_space<vmem>>
        %dma_start3A_286 = tpu.memref_slice %arg2[%mul3A_283] : memref<23068672xf32, #tpu.memory_space<hbm>> -> memref<4096xf32, #tpu.memory_space<hbm>>
        %dma_start3A_287 = arith.constant 4096 : i32
        %dma_start3A_288 = tpu.memref_slice %arg5[%dma_start3A_287] : memref<16384xf32, #tpu.memory_space<vmem>> -> memref<4096xf32, #tpu.memory_space<vmem>>
        %dma_start3A_289 = tpu.memref_slice %arg2[%mul3A_283] : memref<23068672xf32, #tpu.memory_space<hbm>> -> memref<4096xf32, #tpu.memory_space<hbm>>
        tpu.enqueue_dma source(%dma_start3A_289 : memref<4096xf32, #tpu.memory_space<hbm>>) target(%dma_start3A_288 : memref<4096xf32, #tpu.memory_space<vmem>>) target_semaphore(%arg8 : memref<!tpu.dma_semaphore, #tpu.memory_space<semaphore_mem>>)
        %add3A_290 = arith.constant 1441792 : i32
        %add3A_291 = arith.addi %add3A_290, %add3A_269 : i32
        %mul3A_292 = arith.constant 8 : i32
        %mul3A_293 = arith.muli %add3A_291, %mul3A_292 : i32
        %dma_start3A_294 = arith.constant 8192 : i32
        %dma_start3A_295 = tpu.memref_slice %arg5[%dma_start3A_294] : memref<16384xf32, #tpu.memory_space<vmem>> -> memref<4096xf32, #tpu.memory_space<vmem>>
        %dma_start3A_296 = tpu.memref_slice %arg2[%mul3A_293] : memref<23068672xf32, #tpu.memory_space<hbm>> -> memref<4096xf32, #tpu.memory_space<hbm>>
        %dma_start3A_297 = arith.constant 8192 : i32
        %dma_start3A_298 = tpu.memref_slice %arg5[%dma_start3A_297] : memref<16384xf32, #tpu.memory_space<vmem>> -> memref<4096xf32, #tpu.memory_space<vmem>>
        %dma_start3A_299 = tpu.memref_slice %arg2[%mul3A_293] : memref<23068672xf32, #tpu.memory_space<hbm>> -> memref<4096xf32, #tpu.memory_space<hbm>>
        tpu.enqueue_dma source(%dma_start3A_299 : memref<4096xf32, #tpu.memory_space<hbm>>) target(%dma_start3A_298 : memref<4096xf32, #tpu.memory_space<vmem>>) target_semaphore(%arg8 : memref<!tpu.dma_semaphore, #tpu.memory_space<semaphore_mem>>)
        %add3A_300 = arith.constant 2162688 : i32
        %add3A_301 = arith.addi %add3A_300, %add3A_269 : i32
        %mul3A_302 = arith.constant 8 : i32
        %mul3A_303 = arith.muli %add3A_301, %mul3A_302 : i32
        %dma_start3A_304 = arith.constant 12288 : i32
        %dma_start3A_305 = tpu.memref_slice %arg5[%dma_start3A_304] : memref<16384xf32, #tpu.memory_space<vmem>> -> memref<4096xf32, #tpu.memory_space<vmem>>
        %dma_start3A_306 = tpu.memref_slice %arg2[%mul3A_303] : memref<23068672xf32, #tpu.memory_space<hbm>> -> memref<4096xf32, #tpu.memory_space<hbm>>
        %dma_start3A_307 = arith.constant 12288 : i32
        %dma_start3A_308 = tpu.memref_slice %arg5[%dma_start3A_307] : memref<16384xf32, #tpu.memory_space<vmem>> -> memref<4096xf32, #tpu.memory_space<vmem>>
        %dma_start3A_309 = tpu.memref_slice %arg2[%mul3A_303] : memref<23068672xf32, #tpu.memory_space<hbm>> -> memref<4096xf32, #tpu.memory_space<hbm>>
        tpu.enqueue_dma source(%dma_start3A_309 : memref<4096xf32, #tpu.memory_space<hbm>>) target(%dma_start3A_308 : memref<4096xf32, #tpu.memory_space<vmem>>) target_semaphore(%arg8 : memref<!tpu.dma_semaphore, #tpu.memory_space<semaphore_mem>>)
      } else {
      }
      %ge3A = arith.constant 2 : i32
      %ge3A_106 = arith.cmpi sge, %add3A_66, %ge3A : i32
      %convert_element_type3A_107 = arith.extui %ge3A_106 : i1 to i32
      %cond3A_108 = arith.constant 0 : i32
      %cond3A_109 = arith.cmpi ne, %convert_element_type3A_107, %cond3A_108 : i32
      scf.if %cond3A_109 {
        %dma_wait3A_265 = arith.constant 0 : i32
        %dma_wait3A_266 = tpu.memref_slice %arg3[%dma_wait3A_265] : memref<23068672xf32, #tpu.memory_space<hbm>> -> memref<16384xf32, #tpu.memory_space<hbm>>
        %dma_wait3A_267 = arith.constant 0 : i32
        %dma_wait3A_268 = tpu.memref_slice %arg3[%dma_wait3A_267] : memref<23068672xf32, #tpu.memory_space<hbm>> -> memref<16384xf32, #tpu.memory_space<hbm>>
        tpu.wait_dma2 semaphore(%arg9 : memref<!tpu.dma_semaphore, #tpu.memory_space<semaphore_mem>>) src(%arg6 : memref<16384xf32, #tpu.memory_space<vmem>>) dst(%dma_wait3A_268 : memref<16384xf32, #tpu.memory_space<hbm>>)
      } else {
      }
      %mul3A_110 = arith.constant 32 : i32
      %mul3A_111 = vector.broadcast %mul3A_110 : i32 to vector<16xi32>
      %mul3A_112 = arith.muli %shift_right_logical3A_4, %mul3A_111 : vector<16xi32>
      %add3A_113 = arith.constant 0 : i32
      %add3A_114 = vector.broadcast %add3A_113 : i32 to vector<16xi32>
      %add3A_115 = arith.addi %mul3A_112, %add3A_114 : vector<16xi32>
      %add3A_116 = arith.addi %add3A_115, %and3A : vector<16xi32>
      %scan3A_117 = arith.constant 0 : i32
      %scan3A_118 = arith.constant 256 : i32
      %scan3A_119 = arith.addi %scan3A_117, %scan3A_118 : i32
      %scan3A_120 = arith.constant 4 : i32
      scf.for %scan3A_265 = %scan3A_117 to %scan3A_119 step %scan3A_120  : i32 {
        %mul3A_266 = arith.constant 1 : i32
        %mul3A_267 = arith.muli %scan3A_265, %mul3A_266 : i32
        %add3A_268 = arith.constant 0 : i32
        %add3A_269 = arith.addi %add3A_268, %mul3A_267 : i32
        %mul3A_270 = arith.constant 16 : i32
        %mul3A_271 = arith.muli %add3A_269, %mul3A_270 : i32
        %add3A_272 = arith.constant 0 : i32
        %add3A_273 = arith.addi %add3A_272, %mul3A_271 : i32
        %get3A = arith.index_cast %add3A_273 : i32 to index
        %get3A_274 = tpu.vector_load %arg4[%get3A] {strides = array<i32>} : memref<16384xf32, #tpu.memory_space<vmem>>, vector<16xf32>,
        %mul3A_275 = arith.constant 64 : i32
        %mul3A_276 = arith.muli %add3A_269, %mul3A_275 : i32
        %add3A_277 = vector.broadcast %mul3A_276 : i32 to vector<16xi32>
        %add3A_278 = arith.addi %add3A_116, %add3A_277 : vector<16xi32>
        tpu.vector_store_idx %arg6[%add3A_278], %get3A_274 : memref<16384xf32, #tpu.memory_space<vmem>>[vector<16xi32>], vector<16xf32>,
        %scan3A_279 = arith.constant 1 : i32
        %scan3A_280 = arith.addi %scan3A_265, %scan3A_279 : i32
        %mul3A_281 = arith.constant 1 : i32
        %mul3A_282 = arith.muli %scan3A_280, %mul3A_281 : i32
        %add3A_283 = arith.constant 0 : i32
        %add3A_284 = arith.addi %add3A_283, %mul3A_282 : i32
        %mul3A_285 = arith.constant 16 : i32
        %mul3A_286 = arith.muli %add3A_284, %mul3A_285 : i32
        %add3A_287 = arith.constant 0 : i32
        %add3A_288 = arith.addi %add3A_287, %mul3A_286 : i32
        %get3A_289 = arith.index_cast %add3A_288 : i32 to index
        %get3A_290 = tpu.vector_load %arg4[%get3A_289] {strides = array<i32>} : memref<16384xf32, #tpu.memory_space<vmem>>, vector<16xf32>,
        %mul3A_291 = arith.constant 64 : i32
        %mul3A_292 = arith.muli %add3A_284, %mul3A_291 : i32
        %add3A_293 = vector.broadcast %mul3A_292 : i32 to vector<16xi32>
        %add3A_294 = arith.addi %add3A_116, %add3A_293 : vector<16xi32>
        tpu.vector_store_idx %arg6[%add3A_294], %get3A_290 : memref<16384xf32, #tpu.memory_space<vmem>>[vector<16xi32>], vector<16xf32>,
        %scan3A_295 = arith.constant 2 : i32
        %scan3A_296 = arith.addi %scan3A_265, %scan3A_295 : i32
        %mul3A_297 = arith.constant 1 : i32
        %mul3A_298 = arith.muli %scan3A_296, %mul3A_297 : i32
        %add3A_299 = arith.constant 0 : i32
        %add3A_300 = arith.addi %add3A_299, %mul3A_298 : i32
        %mul3A_301 = arith.constant 16 : i32
        %mul3A_302 = arith.muli %add3A_300, %mul3A_301 : i32
        %add3A_303 = arith.constant 0 : i32
        %add3A_304 = arith.addi %add3A_303, %mul3A_302 : i32
        %get3A_305 = arith.index_cast %add3A_304 : i32 to index
        %get3A_306 = tpu.vector_load %arg4[%get3A_305] {strides = array<i32>} : memref<16384xf32, #tpu.memory_space<vmem>>, vector<16xf32>,
        %mul3A_307 = arith.constant 64 : i32
        %mul3A_308 = arith.muli %add3A_300, %mul3A_307 : i32
        %add3A_309 = vector.broadcast %mul3A_308 : i32 to vector<16xi32>
        %add3A_310 = arith.addi %add3A_116, %add3A_309 : vector<16xi32>
        tpu.vector_store_idx %arg6[%add3A_310], %get3A_306 : memref<16384xf32, #tpu.memory_space<vmem>>[vector<16xi32>], vector<16xf32>,
        %scan3A_311 = arith.constant 3 : i32
        %scan3A_312 = arith.addi %scan3A_265, %scan3A_311 : i32
        %mul3A_313 = arith.constant 1 : i32
        %mul3A_314 = arith.muli %scan3A_312, %mul3A_313 : i32
        %add3A_315 = arith.constant 0 : i32
        %add3A_316 = arith.addi %add3A_315, %mul3A_314 : i32
        %mul3A_317 = arith.constant 16 : i32
        %mul3A_318 = arith.muli %add3A_316, %mul3A_317 : i32
        %add3A_319 = arith.constant 0 : i32
        %add3A_320 = arith.addi %add3A_319, %mul3A_318 : i32
        %get3A_321 = arith.index_cast %add3A_320 : i32 to index
        %get3A_322 = tpu.vector_load %arg4[%get3A_321] {strides = array<i32>} : memref<16384xf32, #tpu.memory_space<vmem>>, vector<16xf32>,
        %mul3A_323 = arith.constant 64 : i32
        %mul3A_324 = arith.muli %add3A_316, %mul3A_323 : i32
        %add3A_325 = vector.broadcast %mul3A_324 : i32 to vector<16xi32>
        %add3A_326 = arith.addi %add3A_116, %add3A_325 : vector<16xi32>
        tpu.vector_store_idx %arg6[%add3A_326], %get3A_322 : memref<16384xf32, #tpu.memory_space<vmem>>[vector<16xi32>], vector<16xf32>,
      }
      %scan3A_121 = arith.constant 256 : i32
      %mul3A_122 = arith.constant 32 : i32
      %mul3A_123 = vector.broadcast %mul3A_122 : i32 to vector<16xi32>
      %mul3A_124 = arith.muli %shift_right_logical3A_4, %mul3A_123 : vector<16xi32>
      %add3A_125 = arith.constant 8 : i32
      %add3A_126 = vector.broadcast %add3A_125 : i32 to vector<16xi32>
      %add3A_127 = arith.addi %mul3A_124, %add3A_126 : vector<16xi32>
      %add3A_128 = arith.addi %add3A_127, %and3A : vector<16xi32>
      %scan3A_129 = arith.constant 0 : i32
      %scan3A_130 = arith.constant 256 : i32
      %scan3A_131 = arith.addi %scan3A_129, %scan3A_130 : i32
      %scan3A_132 = arith.constant 4 : i32
      scf.for %scan3A_265 = %scan3A_129 to %scan3A_131 step %scan3A_132  : i32 {
        %mul3A_266 = arith.constant 1 : i32
        %mul3A_267 = arith.muli %scan3A_265, %mul3A_266 : i32
        %add3A_268 = arith.constant 0 : i32
        %add3A_269 = arith.addi %add3A_268, %mul3A_267 : i32
        %mul3A_270 = arith.constant 16 : i32
        %mul3A_271 = arith.muli %add3A_269, %mul3A_270 : i32
        %add3A_272 = arith.constant 4096 : i32
        %add3A_273 = arith.addi %add3A_272, %mul3A_271 : i32
        %get3A = arith.index_cast %add3A_273 : i32 to index
        %get3A_274 = tpu.vector_load %arg4[%get3A] {strides = array<i32>} : memref<16384xf32, #tpu.memory_space<vmem>>, vector<16xf32>,
        %mul3A_275 = arith.constant 64 : i32
        %mul3A_276 = arith.muli %add3A_269, %mul3A_275 : i32
        %add3A_277 = vector.broadcast %mul3A_276 : i32 to vector<16xi32>
        %add3A_278 = arith.addi %add3A_128, %add3A_277 : vector<16xi32>
        tpu.vector_store_idx %arg6[%add3A_278], %get3A_274 : memref<16384xf32, #tpu.memory_space<vmem>>[vector<16xi32>], vector<16xf32>,
        %scan3A_279 = arith.constant 1 : i32
        %scan3A_280 = arith.addi %scan3A_265, %scan3A_279 : i32
        %mul3A_281 = arith.constant 1 : i32
        %mul3A_282 = arith.muli %scan3A_280, %mul3A_281 : i32
        %add3A_283 = arith.constant 0 : i32
        %add3A_284 = arith.addi %add3A_283, %mul3A_282 : i32
        %mul3A_285 = arith.constant 16 : i32
        %mul3A_286 = arith.muli %add3A_284, %mul3A_285 : i32
        %add3A_287 = arith.constant 4096 : i32
        %add3A_288 = arith.addi %add3A_287, %mul3A_286 : i32
        %get3A_289 = arith.index_cast %add3A_288 : i32 to index
        %get3A_290 = tpu.vector_load %arg4[%get3A_289] {strides = array<i32>} : memref<16384xf32, #tpu.memory_space<vmem>>, vector<16xf32>,
        %mul3A_291 = arith.constant 64 : i32
        %mul3A_292 = arith.muli %add3A_284, %mul3A_291 : i32
        %add3A_293 = vector.broadcast %mul3A_292 : i32 to vector<16xi32>
        %add3A_294 = arith.addi %add3A_128, %add3A_293 : vector<16xi32>
        tpu.vector_store_idx %arg6[%add3A_294], %get3A_290 : memref<16384xf32, #tpu.memory_space<vmem>>[vector<16xi32>], vector<16xf32>,
        %scan3A_295 = arith.constant 2 : i32
        %scan3A_296 = arith.addi %scan3A_265, %scan3A_295 : i32
        %mul3A_297 = arith.constant 1 : i32
        %mul3A_298 = arith.muli %scan3A_296, %mul3A_297 : i32
        %add3A_299 = arith.constant 0 : i32
        %add3A_300 = arith.addi %add3A_299, %mul3A_298 : i32
        %mul3A_301 = arith.constant 16 : i32
        %mul3A_302 = arith.muli %add3A_300, %mul3A_301 : i32
        %add3A_303 = arith.constant 4096 : i32
        %add3A_304 = arith.addi %add3A_303, %mul3A_302 : i32
        %get3A_305 = arith.index_cast %add3A_304 : i32 to index
        %get3A_306 = tpu.vector_load %arg4[%get3A_305] {strides = array<i32>} : memref<16384xf32, #tpu.memory_space<vmem>>, vector<16xf32>,
        %mul3A_307 = arith.constant 64 : i32
        %mul3A_308 = arith.muli %add3A_300, %mul3A_307 : i32
        %add3A_309 = vector.broadcast %mul3A_308 : i32 to vector<16xi32>
        %add3A_310 = arith.addi %add3A_128, %add3A_309 : vector<16xi32>
        tpu.vector_store_idx %arg6[%add3A_310], %get3A_306 : memref<16384xf32, #tpu.memory_space<vmem>>[vector<16xi32>], vector<16xf32>,
        %scan3A_311 = arith.constant 3 : i32
        %scan3A_312 = arith.addi %scan3A_265, %scan3A_311 : i32
        %mul3A_313 = arith.constant 1 : i32
        %mul3A_314 = arith.muli %scan3A_312, %mul3A_313 : i32
        %add3A_315 = arith.constant 0 : i32
        %add3A_316 = arith.addi %add3A_315, %mul3A_314 : i32
        %mul3A_317 = arith.constant 16 : i32
        %mul3A_318 = arith.muli %add3A_316, %mul3A_317 : i32
        %add3A_319 = arith.constant 4096 : i32
        %add3A_320 = arith.addi %add3A_319, %mul3A_318 : i32
        %get3A_321 = arith.index_cast %add3A_320 : i32 to index
        %get3A_322 = tpu.vector_load %arg4[%get3A_321] {strides = array<i32>} : memref<16384xf32, #tpu.memory_space<vmem>>, vector<16xf32>,
        %mul3A_323 = arith.constant 64 : i32
        %mul3A_324 = arith.muli %add3A_316, %mul3A_323 : i32
        %add3A_325 = vector.broadcast %mul3A_324 : i32 to vector<16xi32>
        %add3A_326 = arith.addi %add3A_128, %add3A_325 : vector<16xi32>
        tpu.vector_store_idx %arg6[%add3A_326], %get3A_322 : memref<16384xf32, #tpu.memory_space<vmem>>[vector<16xi32>], vector<16xf32>,
      }
      %scan3A_133 = arith.constant 256 : i32
      %mul3A_134 = arith.constant 32 : i32
      %mul3A_135 = vector.broadcast %mul3A_134 : i32 to vector<16xi32>
      %mul3A_136 = arith.muli %shift_right_logical3A_4, %mul3A_135 : vector<16xi32>
      %add3A_137 = arith.constant 16 : i32
      %add3A_138 = vector.broadcast %add3A_137 : i32 to vector<16xi32>
      %add3A_139 = arith.addi %mul3A_136, %add3A_138 : vector<16xi32>
      %add3A_140 = arith.addi %add3A_139, %and3A : vector<16xi32>
      %scan3A_141 = arith.constant 0 : i32
      %scan3A_142 = arith.constant 256 : i32
      %scan3A_143 = arith.addi %scan3A_141, %scan3A_142 : i32
      %scan3A_144 = arith.constant 4 : i32
      scf.for %scan3A_265 = %scan3A_141 to %scan3A_143 step %scan3A_144  : i32 {
        %mul3A_266 = arith.constant 1 : i32
        %mul3A_267 = arith.muli %scan3A_265, %mul3A_266 : i32
        %add3A_268 = arith.constant 0 : i32
        %add3A_269 = arith.addi %add3A_268, %mul3A_267 : i32
        %mul3A_270 = arith.constant 16 : i32
        %mul3A_271 = arith.muli %add3A_269, %mul3A_270 : i32
        %add3A_272 = arith.constant 8192 : i32
        %add3A_273 = arith.addi %add3A_272, %mul3A_271 : i32
        %get3A = arith.index_cast %add3A_273 : i32 to index
        %get3A_274 = tpu.vector_load %arg4[%get3A] {strides = array<i32>} : memref<16384xf32, #tpu.memory_space<vmem>>, vector<16xf32>,
        %mul3A_275 = arith.constant 64 : i32
        %mul3A_276 = arith.muli %add3A_269, %mul3A_275 : i32
        %add3A_277 = vector.broadcast %mul3A_276 : i32 to vector<16xi32>
        %add3A_278 = arith.addi %add3A_140, %add3A_277 : vector<16xi32>
        tpu.vector_store_idx %arg6[%add3A_278], %get3A_274 : memref<16384xf32, #tpu.memory_space<vmem>>[vector<16xi32>], vector<16xf32>,
        %scan3A_279 = arith.constant 1 : i32
        %scan3A_280 = arith.addi %scan3A_265, %scan3A_279 : i32
        %mul3A_281 = arith.constant 1 : i32
        %mul3A_282 = arith.muli %scan3A_280, %mul3A_281 : i32
        %add3A_283 = arith.constant 0 : i32
        %add3A_284 = arith.addi %add3A_283, %mul3A_282 : i32
        %mul3A_285 = arith.constant 16 : i32
        %mul3A_286 = arith.muli %add3A_284, %mul3A_285 : i32
        %add3A_287 = arith.constant 8192 : i32
        %add3A_288 = arith.addi %add3A_287, %mul3A_286 : i32
        %get3A_289 = arith.index_cast %add3A_288 : i32 to index
        %get3A_290 = tpu.vector_load %arg4[%get3A_289] {strides = array<i32>} : memref<16384xf32, #tpu.memory_space<vmem>>, vector<16xf32>,
        %mul3A_291 = arith.constant 64 : i32
        %mul3A_292 = arith.muli %add3A_284, %mul3A_291 : i32
        %add3A_293 = vector.broadcast %mul3A_292 : i32 to vector<16xi32>
        %add3A_294 = arith.addi %add3A_140, %add3A_293 : vector<16xi32>
        tpu.vector_store_idx %arg6[%add3A_294], %get3A_290 : memref<16384xf32, #tpu.memory_space<vmem>>[vector<16xi32>], vector<16xf32>,
        %scan3A_295 = arith.constant 2 : i32
        %scan3A_296 = arith.addi %scan3A_265, %scan3A_295 : i32
        %mul3A_297 = arith.constant 1 : i32
        %mul3A_298 = arith.muli %scan3A_296, %mul3A_297 : i32
        %add3A_299 = arith.constant 0 : i32
        %add3A_300 = arith.addi %add3A_299, %mul3A_298 : i32
        %mul3A_301 = arith.constant 16 : i32
        %mul3A_302 = arith.muli %add3A_300, %mul3A_301 : i32
        %add3A_303 = arith.constant 8192 : i32
        %add3A_304 = arith.addi %add3A_303, %mul3A_302 : i32
        %get3A_305 = arith.index_cast %add3A_304 : i32 to index
        %get3A_306 = tpu.vector_load %arg4[%get3A_305] {strides = array<i32>} : memref<16384xf32, #tpu.memory_space<vmem>>, vector<16xf32>,
        %mul3A_307 = arith.constant 64 : i32
        %mul3A_308 = arith.muli %add3A_300, %mul3A_307 : i32
        %add3A_309 = vector.broadcast %mul3A_308 : i32 to vector<16xi32>
        %add3A_310 = arith.addi %add3A_140, %add3A_309 : vector<16xi32>
        tpu.vector_store_idx %arg6[%add3A_310], %get3A_306 : memref<16384xf32, #tpu.memory_space<vmem>>[vector<16xi32>], vector<16xf32>,
        %scan3A_311 = arith.constant 3 : i32
        %scan3A_312 = arith.addi %scan3A_265, %scan3A_311 : i32
        %mul3A_313 = arith.constant 1 : i32
        %mul3A_314 = arith.muli %scan3A_312, %mul3A_313 : i32
        %add3A_315 = arith.constant 0 : i32
        %add3A_316 = arith.addi %add3A_315, %mul3A_314 : i32
        %mul3A_317 = arith.constant 16 : i32
        %mul3A_318 = arith.muli %add3A_316, %mul3A_317 : i32
        %add3A_319 = arith.constant 8192 : i32
        %add3A_320 = arith.addi %add3A_319, %mul3A_318 : i32
        %get3A_321 = arith.index_cast %add3A_320 : i32 to index
        %get3A_322 = tpu.vector_load %arg4[%get3A_321] {strides = array<i32>} : memref<16384xf32, #tpu.memory_space<vmem>>, vector<16xf32>,
        %mul3A_323 = arith.constant 64 : i32
        %mul3A_324 = arith.muli %add3A_316, %mul3A_323 : i32
        %add3A_325 = vector.broadcast %mul3A_324 : i32 to vector<16xi32>
        %add3A_326 = arith.addi %add3A_140, %add3A_325 : vector<16xi32>
        tpu.vector_store_idx %arg6[%add3A_326], %get3A_322 : memref<16384xf32, #tpu.memory_space<vmem>>[vector<16xi32>], vector<16xf32>,
      }
      %scan3A_145 = arith.constant 256 : i32
      %mul3A_146 = arith.constant 32 : i32
      %mul3A_147 = vector.broadcast %mul3A_146 : i32 to vector<16xi32>
      %mul3A_148 = arith.muli %shift_right_logical3A_4, %mul3A_147 : vector<16xi32>
      %add3A_149 = arith.constant 24 : i32
      %add3A_150 = vector.broadcast %add3A_149 : i32 to vector<16xi32>
      %add3A_151 = arith.addi %mul3A_148, %add3A_150 : vector<16xi32>
      %add3A_152 = arith.addi %add3A_151, %and3A : vector<16xi32>
      %scan3A_153 = arith.constant 0 : i32
      %scan3A_154 = arith.constant 256 : i32
      %scan3A_155 = arith.addi %scan3A_153, %scan3A_154 : i32
      %scan3A_156 = arith.constant 4 : i32
      scf.for %scan3A_265 = %scan3A_153 to %scan3A_155 step %scan3A_156  : i32 {
        %mul3A_266 = arith.constant 1 : i32
        %mul3A_267 = arith.muli %scan3A_265, %mul3A_266 : i32
        %add3A_268 = arith.constant 0 : i32
        %add3A_269 = arith.addi %add3A_268, %mul3A_267 : i32
        %mul3A_270 = arith.constant 16 : i32
        %mul3A_271 = arith.muli %add3A_269, %mul3A_270 : i32
        %add3A_272 = arith.constant 12288 : i32
        %add3A_273 = arith.addi %add3A_272, %mul3A_271 : i32
        %get3A = arith.index_cast %add3A_273 : i32 to index
        %get3A_274 = tpu.vector_load %arg4[%get3A] {strides = array<i32>} : memref<16384xf32, #tpu.memory_space<vmem>>, vector<16xf32>,
        %mul3A_275 = arith.constant 64 : i32
        %mul3A_276 = arith.muli %add3A_269, %mul3A_275 : i32
        %add3A_277 = vector.broadcast %mul3A_276 : i32 to vector<16xi32>
        %add3A_278 = arith.addi %add3A_152, %add3A_277 : vector<16xi32>
        tpu.vector_store_idx %arg6[%add3A_278], %get3A_274 : memref<16384xf32, #tpu.memory_space<vmem>>[vector<16xi32>], vector<16xf32>,
        %scan3A_279 = arith.constant 1 : i32
        %scan3A_280 = arith.addi %scan3A_265, %scan3A_279 : i32
        %mul3A_281 = arith.constant 1 : i32
        %mul3A_282 = arith.muli %scan3A_280, %mul3A_281 : i32
        %add3A_283 = arith.constant 0 : i32
        %add3A_284 = arith.addi %add3A_283, %mul3A_282 : i32
        %mul3A_285 = arith.constant 16 : i32
        %mul3A_286 = arith.muli %add3A_284, %mul3A_285 : i32
        %add3A_287 = arith.constant 12288 : i32
        %add3A_288 = arith.addi %add3A_287, %mul3A_286 : i32
        %get3A_289 = arith.index_cast %add3A_288 : i32 to index
        %get3A_290 = tpu.vector_load %arg4[%get3A_289] {strides = array<i32>} : memref<16384xf32, #tpu.memory_space<vmem>>, vector<16xf32>,
        %mul3A_291 = arith.constant 64 : i32
        %mul3A_292 = arith.muli %add3A_284, %mul3A_291 : i32
        %add3A_293 = vector.broadcast %mul3A_292 : i32 to vector<16xi32>
        %add3A_294 = arith.addi %add3A_152, %add3A_293 : vector<16xi32>
        tpu.vector_store_idx %arg6[%add3A_294], %get3A_290 : memref<16384xf32, #tpu.memory_space<vmem>>[vector<16xi32>], vector<16xf32>,
        %scan3A_295 = arith.constant 2 : i32
        %scan3A_296 = arith.addi %scan3A_265, %scan3A_295 : i32
        %mul3A_297 = arith.constant 1 : i32
        %mul3A_298 = arith.muli %scan3A_296, %mul3A_297 : i32
        %add3A_299 = arith.constant 0 : i32
        %add3A_300 = arith.addi %add3A_299, %mul3A_298 : i32
        %mul3A_301 = arith.constant 16 : i32
        %mul3A_302 = arith.muli %add3A_300, %mul3A_301 : i32
        %add3A_303 = arith.constant 12288 : i32
        %add3A_304 = arith.addi %add3A_303, %mul3A_302 : i32
        %get3A_305 = arith.index_cast %add3A_304 : i32 to index
        %get3A_306 = tpu.vector_load %arg4[%get3A_305] {strides = array<i32>} : memref<16384xf32, #tpu.memory_space<vmem>>, vector<16xf32>,
        %mul3A_307 = arith.constant 64 : i32
        %mul3A_308 = arith.muli %add3A_300, %mul3A_307 : i32
        %add3A_309 = vector.broadcast %mul3A_308 : i32 to vector<16xi32>
        %add3A_310 = arith.addi %add3A_152, %add3A_309 : vector<16xi32>
        tpu.vector_store_idx %arg6[%add3A_310], %get3A_306 : memref<16384xf32, #tpu.memory_space<vmem>>[vector<16xi32>], vector<16xf32>,
        %scan3A_311 = arith.constant 3 : i32
        %scan3A_312 = arith.addi %scan3A_265, %scan3A_311 : i32
        %mul3A_313 = arith.constant 1 : i32
        %mul3A_314 = arith.muli %scan3A_312, %mul3A_313 : i32
        %add3A_315 = arith.constant 0 : i32
        %add3A_316 = arith.addi %add3A_315, %mul3A_314 : i32
        %mul3A_317 = arith.constant 16 : i32
        %mul3A_318 = arith.muli %add3A_316, %mul3A_317 : i32
        %add3A_319 = arith.constant 12288 : i32
        %add3A_320 = arith.addi %add3A_319, %mul3A_318 : i32
        %get3A_321 = arith.index_cast %add3A_320 : i32 to index
        %get3A_322 = tpu.vector_load %arg4[%get3A_321] {strides = array<i32>} : memref<16384xf32, #tpu.memory_space<vmem>>, vector<16xf32>,
        %mul3A_323 = arith.constant 64 : i32
        %mul3A_324 = arith.muli %add3A_316, %mul3A_323 : i32
        %add3A_325 = vector.broadcast %mul3A_324 : i32 to vector<16xi32>
        %add3A_326 = arith.addi %add3A_152, %add3A_325 : vector<16xi32>
        tpu.vector_store_idx %arg6[%add3A_326], %get3A_322 : memref<16384xf32, #tpu.memory_space<vmem>>[vector<16xi32>], vector<16xf32>,
      }
      %scan3A_157 = arith.constant 256 : i32
      %mul3A_158 = arith.constant 32 : i32
      %mul3A_159 = arith.muli %add3A_69, %mul3A_158 : i32
      %dma_start3A_160 = tpu.memref_slice %arg3[%mul3A_159] : memref<23068672xf32, #tpu.memory_space<hbm>> -> memref<16384xf32, #tpu.memory_space<hbm>>
      %dma_start3A_161 = tpu.memref_slice %arg3[%mul3A_159] : memref<23068672xf32, #tpu.memory_space<hbm>> -> memref<16384xf32, #tpu.memory_space<hbm>>
      tpu.enqueue_dma source(%arg6 : memref<16384xf32, #tpu.memory_space<vmem>>) target(%dma_start3A_161 : memref<16384xf32, #tpu.memory_space<hbm>>) target_semaphore(%arg9 : memref<!tpu.dma_semaphore, #tpu.memory_space<semaphore_mem>>)
      %mul3A_162 = arith.constant 2 : i32
      %mul3A_163 = arith.muli %add3A_62, %mul3A_162 : i32
      %add3A_164 = arith.constant 1 : i32
      %add3A_165 = arith.addi %mul3A_163, %add3A_164 : i32
      %mul3A_166 = arith.constant 512 : i32
      %mul3A_167 = arith.muli %add3A_165, %mul3A_166 : i32
      %add3A_168 = arith.addi %mul3A_2, %mul3A_167 : i32
      %dma_wait3A_169 = arith.constant 0 : i32
      %dma_wait3A_170 = tpu.memref_slice %arg5[%dma_wait3A_169] : memref<16384xf32, #tpu.memory_space<vmem>> -> memref<4096xf32, #tpu.memory_space<vmem>>
      %dma_wait3A_171 = arith.constant 0 : i32
      %dma_wait3A_172 = tpu.memref_slice %arg2[%dma_wait3A_171] : memref<23068672xf32, #tpu.memory_space<hbm>> -> memref<4096xf32, #tpu.memory_space<hbm>>
      %dma_wait3A_173 = arith.constant 0 : i32
      %dma_wait3A_174 = tpu.memref_slice %arg5[%dma_wait3A_173] : memref<16384xf32, #tpu.memory_space<vmem>> -> memref<4096xf32, #tpu.memory_space<vmem>>
      %dma_wait3A_175 = arith.constant 0 : i32
      %dma_wait3A_176 = tpu.memref_slice %arg2[%dma_wait3A_175] : memref<23068672xf32, #tpu.memory_space<hbm>> -> memref<4096xf32, #tpu.memory_space<hbm>>
      tpu.wait_dma2 semaphore(%arg8 : memref<!tpu.dma_semaphore, #tpu.memory_space<semaphore_mem>>) src(%dma_wait3A_176 : memref<4096xf32, #tpu.memory_space<hbm>>) dst(%dma_wait3A_174 : memref<4096xf32, #tpu.memory_space<vmem>>)
      %dma_wait3A_177 = arith.constant 4096 : i32
      %dma_wait3A_178 = tpu.memref_slice %arg5[%dma_wait3A_177] : memref<16384xf32, #tpu.memory_space<vmem>> -> memref<4096xf32, #tpu.memory_space<vmem>>
      %dma_wait3A_179 = arith.constant 0 : i32
      %dma_wait3A_180 = tpu.memref_slice %arg2[%dma_wait3A_179] : memref<23068672xf32, #tpu.memory_space<hbm>> -> memref<4096xf32, #tpu.memory_space<hbm>>
      %dma_wait3A_181 = arith.constant 4096 : i32
      %dma_wait3A_182 = tpu.memref_slice %arg5[%dma_wait3A_181] : memref<16384xf32, #tpu.memory_space<vmem>> -> memref<4096xf32, #tpu.memory_space<vmem>>
      %dma_wait3A_183 = arith.constant 0 : i32
      %dma_wait3A_184 = tpu.memref_slice %arg2[%dma_wait3A_183] : memref<23068672xf32, #tpu.memory_space<hbm>> -> memref<4096xf32, #tpu.memory_space<hbm>>
      tpu.wait_dma2 semaphore(%arg8 : memref<!tpu.dma_semaphore, #tpu.memory_space<semaphore_mem>>) src(%dma_wait3A_184 : memref<4096xf32, #tpu.memory_space<hbm>>) dst(%dma_wait3A_182 : memref<4096xf32, #tpu.memory_space<vmem>>)
      %dma_wait3A_185 = arith.constant 8192 : i32
      %dma_wait3A_186 = tpu.memref_slice %arg5[%dma_wait3A_185] : memref<16384xf32, #tpu.memory_space<vmem>> -> memref<4096xf32, #tpu.memory_space<vmem>>
      %dma_wait3A_187 = arith.constant 0 : i32
      %dma_wait3A_188 = tpu.memref_slice %arg2[%dma_wait3A_187] : memref<23068672xf32, #tpu.memory_space<hbm>> -> memref<4096xf32, #tpu.memory_space<hbm>>
      %dma_wait3A_189 = arith.constant 8192 : i32
      %dma_wait3A_190 = tpu.memref_slice %arg5[%dma_wait3A_189] : memref<16384xf32, #tpu.memory_space<vmem>> -> memref<4096xf32, #tpu.memory_space<vmem>>
      %dma_wait3A_191 = arith.constant 0 : i32
      %dma_wait3A_192 = tpu.memref_slice %arg2[%dma_wait3A_191] : memref<23068672xf32, #tpu.memory_space<hbm>> -> memref<4096xf32, #tpu.memory_space<hbm>>
      tpu.wait_dma2 semaphore(%arg8 : memref<!tpu.dma_semaphore, #tpu.memory_space<semaphore_mem>>) src(%dma_wait3A_192 : memref<4096xf32, #tpu.memory_space<hbm>>) dst(%dma_wait3A_190 : memref<4096xf32, #tpu.memory_space<vmem>>)
      %dma_wait3A_193 = arith.constant 12288 : i32
      %dma_wait3A_194 = tpu.memref_slice %arg5[%dma_wait3A_193] : memref<16384xf32, #tpu.memory_space<vmem>> -> memref<4096xf32, #tpu.memory_space<vmem>>
      %dma_wait3A_195 = arith.constant 0 : i32
      %dma_wait3A_196 = tpu.memref_slice %arg2[%dma_wait3A_195] : memref<23068672xf32, #tpu.memory_space<hbm>> -> memref<4096xf32, #tpu.memory_space<hbm>>
      %dma_wait3A_197 = arith.constant 12288 : i32
      %dma_wait3A_198 = tpu.memref_slice %arg5[%dma_wait3A_197] : memref<16384xf32, #tpu.memory_space<vmem>> -> memref<4096xf32, #tpu.memory_space<vmem>>
      %dma_wait3A_199 = arith.constant 0 : i32
      %dma_wait3A_200 = tpu.memref_slice %arg2[%dma_wait3A_199] : memref<23068672xf32, #tpu.memory_space<hbm>> -> memref<4096xf32, #tpu.memory_space<hbm>>
      tpu.wait_dma2 semaphore(%arg8 : memref<!tpu.dma_semaphore, #tpu.memory_space<semaphore_mem>>) src(%dma_wait3A_200 : memref<4096xf32, #tpu.memory_space<hbm>>) dst(%dma_wait3A_198 : memref<4096xf32, #tpu.memory_space<vmem>>)
      %add3A_201 = arith.constant 1 : i32
      %add3A_202 = arith.addi %add3A_165, %add3A_201 : i32
      %lt3A_203 = arith.constant 44 : i32
      %lt3A_204 = arith.cmpi slt, %add3A_202, %lt3A_203 : i32
      %convert_element_type3A_205 = arith.extui %lt3A_204 : i1 to i32
      %cond3A_206 = arith.constant 0 : i32
      %cond3A_207 = arith.cmpi ne, %convert_element_type3A_205, %cond3A_206 : i32
      scf.if %cond3A_207 {
        %add3A_265 = arith.constant 1 : i32
        %add3A_266 = arith.addi %add3A_165, %add3A_265 : i32
        %mul3A_267 = arith.constant 512 : i32
        %mul3A_268 = arith.muli %add3A_266, %mul3A_267 : i32
        %add3A_269 = arith.addi %mul3A_2, %mul3A_268 : i32
        %add3A_270 = arith.constant 0 : i32
        %add3A_271 = arith.addi %add3A_270, %add3A_269 : i32
        %mul3A_272 = arith.constant 8 : i32
        %mul3A_273 = arith.muli %add3A_271, %mul3A_272 : i32
        %dma_start3A_274 = arith.constant 0 : i32
        %dma_start3A_275 = tpu.memref_slice %arg4[%dma_start3A_274] : memref<16384xf32, #tpu.memory_space<vmem>> -> memref<4096xf32, #tpu.memory_space<vmem>>
        %dma_start3A_276 = tpu.memref_slice %arg2[%mul3A_273] : memref<23068672xf32, #tpu.memory_space<hbm>> -> memref<4096xf32, #tpu.memory_space<hbm>>
        %dma_start3A_277 = arith.constant 0 : i32
        %dma_start3A_278 = tpu.memref_slice %arg4[%dma_start3A_277] : memref<16384xf32, #tpu.memory_space<vmem>> -> memref<4096xf32, #tpu.memory_space<vmem>>
        %dma_start3A_279 = tpu.memref_slice %arg2[%mul3A_273] : memref<23068672xf32, #tpu.memory_space<hbm>> -> memref<4096xf32, #tpu.memory_space<hbm>>
        tpu.enqueue_dma source(%dma_start3A_279 : memref<4096xf32, #tpu.memory_space<hbm>>) target(%dma_start3A_278 : memref<4096xf32, #tpu.memory_space<vmem>>) target_semaphore(%arg8 : memref<!tpu.dma_semaphore, #tpu.memory_space<semaphore_mem>>)
        %add3A_280 = arith.constant 720896 : i32
        %add3A_281 = arith.addi %add3A_280, %add3A_269 : i32
        %mul3A_282 = arith.constant 8 : i32
        %mul3A_283 = arith.muli %add3A_281, %mul3A_282 : i32
        %dma_start3A_284 = arith.constant 4096 : i32
        %dma_start3A_285 = tpu.memref_slice %arg4[%dma_start3A_284] : memref<16384xf32, #tpu.memory_space<vmem>> -> memref<4096xf32, #tpu.memory_space<vmem>>
        %dma_start3A_286 = tpu.memref_slice %arg2[%mul3A_283] : memref<23068672xf32, #tpu.memory_space<hbm>> -> memref<4096xf32, #tpu.memory_space<hbm>>
        %dma_start3A_287 = arith.constant 4096 : i32
        %dma_start3A_288 = tpu.memref_slice %arg4[%dma_start3A_287] : memref<16384xf32, #tpu.memory_space<vmem>> -> memref<4096xf32, #tpu.memory_space<vmem>>
        %dma_start3A_289 = tpu.memref_slice %arg2[%mul3A_283] : memref<23068672xf32, #tpu.memory_space<hbm>> -> memref<4096xf32, #tpu.memory_space<hbm>>
        tpu.enqueue_dma source(%dma_start3A_289 : memref<4096xf32, #tpu.memory_space<hbm>>) target(%dma_start3A_288 : memref<4096xf32, #tpu.memory_space<vmem>>) target_semaphore(%arg8 : memref<!tpu.dma_semaphore, #tpu.memory_space<semaphore_mem>>)
        %add3A_290 = arith.constant 1441792 : i32
        %add3A_291 = arith.addi %add3A_290, %add3A_269 : i32
        %mul3A_292 = arith.constant 8 : i32
        %mul3A_293 = arith.muli %add3A_291, %mul3A_292 : i32
        %dma_start3A_294 = arith.constant 8192 : i32
        %dma_start3A_295 = tpu.memref_slice %arg4[%dma_start3A_294] : memref<16384xf32, #tpu.memory_space<vmem>> -> memref<4096xf32, #tpu.memory_space<vmem>>
        %dma_start3A_296 = tpu.memref_slice %arg2[%mul3A_293] : memref<23068672xf32, #tpu.memory_space<hbm>> -> memref<4096xf32, #tpu.memory_space<hbm>>
        %dma_start3A_297 = arith.constant 8192 : i32
        %dma_start3A_298 = tpu.memref_slice %arg4[%dma_start3A_297] : memref<16384xf32, #tpu.memory_space<vmem>> -> memref<4096xf32, #tpu.memory_space<vmem>>
        %dma_start3A_299 = tpu.memref_slice %arg2[%mul3A_293] : memref<23068672xf32, #tpu.memory_space<hbm>> -> memref<4096xf32, #tpu.memory_space<hbm>>
        tpu.enqueue_dma source(%dma_start3A_299 : memref<4096xf32, #tpu.memory_space<hbm>>) target(%dma_start3A_298 : memref<4096xf32, #tpu.memory_space<vmem>>) target_semaphore(%arg8 : memref<!tpu.dma_semaphore, #tpu.memory_space<semaphore_mem>>)
        %add3A_300 = arith.constant 2162688 : i32
        %add3A_301 = arith.addi %add3A_300, %add3A_269 : i32
        %mul3A_302 = arith.constant 8 : i32
        %mul3A_303 = arith.muli %add3A_301, %mul3A_302 : i32
        %dma_start3A_304 = arith.constant 12288 : i32
        %dma_start3A_305 = tpu.memref_slice %arg4[%dma_start3A_304] : memref<16384xf32, #tpu.memory_space<vmem>> -> memref<4096xf32, #tpu.memory_space<vmem>>
        %dma_start3A_306 = tpu.memref_slice %arg2[%mul3A_303] : memref<23068672xf32, #tpu.memory_space<hbm>> -> memref<4096xf32, #tpu.memory_space<hbm>>
        %dma_start3A_307 = arith.constant 12288 : i32
        %dma_start3A_308 = tpu.memref_slice %arg4[%dma_start3A_307] : memref<16384xf32, #tpu.memory_space<vmem>> -> memref<4096xf32, #tpu.memory_space<vmem>>
        %dma_start3A_309 = tpu.memref_slice %arg2[%mul3A_303] : memref<23068672xf32, #tpu.memory_space<hbm>> -> memref<4096xf32, #tpu.memory_space<hbm>>
        tpu.enqueue_dma source(%dma_start3A_309 : memref<4096xf32, #tpu.memory_space<hbm>>) target(%dma_start3A_308 : memref<4096xf32, #tpu.memory_space<vmem>>) target_semaphore(%arg8 : memref<!tpu.dma_semaphore, #tpu.memory_space<semaphore_mem>>)
      } else {
      }
      %ge3A_208 = arith.constant 2 : i32
      %ge3A_209 = arith.cmpi sge, %add3A_165, %ge3A_208 : i32
      %convert_element_type3A_210 = arith.extui %ge3A_209 : i1 to i32
      %cond3A_211 = arith.constant 0 : i32
      %cond3A_212 = arith.cmpi ne, %convert_element_type3A_210, %cond3A_211 : i32
      scf.if %cond3A_212 {
        %dma_wait3A_265 = arith.constant 0 : i32
        %dma_wait3A_266 = tpu.memref_slice %arg3[%dma_wait3A_265] : memref<23068672xf32, #tpu.memory_space<hbm>> -> memref<16384xf32, #tpu.memory_space<hbm>>
        %dma_wait3A_267 = arith.constant 0 : i32
        %dma_wait3A_268 = tpu.memref_slice %arg3[%dma_wait3A_267] : memref<23068672xf32, #tpu.memory_space<hbm>> -> memref<16384xf32, #tpu.memory_space<hbm>>
        tpu.wait_dma2 semaphore(%arg9 : memref<!tpu.dma_semaphore, #tpu.memory_space<semaphore_mem>>) src(%arg7 : memref<16384xf32, #tpu.memory_space<vmem>>) dst(%dma_wait3A_268 : memref<16384xf32, #tpu.memory_space<hbm>>)
      } else {
      }
      %mul3A_213 = arith.constant 32 : i32
      %mul3A_214 = vector.broadcast %mul3A_213 : i32 to vector<16xi32>
      %mul3A_215 = arith.muli %shift_right_logical3A_4, %mul3A_214 : vector<16xi32>
      %add3A_216 = arith.constant 0 : i32
      %add3A_217 = vector.broadcast %add3A_216 : i32 to vector<16xi32>
      %add3A_218 = arith.addi %mul3A_215, %add3A_217 : vector<16xi32>
      %add3A_219 = arith.addi %add3A_218, %and3A : vector<16xi32>
      %scan3A_220 = arith.constant 0 : i32
      %scan3A_221 = arith.constant 256 : i32
      %scan3A_222 = arith.addi %scan3A_220, %scan3A_221 : i32
      %scan3A_223 = arith.constant 4 : i32
      scf.for %scan3A_265 = %scan3A_220 to %scan3A_222 step %scan3A_223  : i32 {
        %mul3A_266 = arith.constant 1 : i32
        %mul3A_267 = arith.muli %scan3A_265, %mul3A_266 : i32
        %add3A_268 = arith.constant 0 : i32
        %add3A_269 = arith.addi %add3A_268, %mul3A_267 : i32
        %mul3A_270 = arith.constant 16 : i32
        %mul3A_271 = arith.muli %add3A_269, %mul3A_270 : i32
        %add3A_272 = arith.constant 0 : i32
        %add3A_273 = arith.addi %add3A_272, %mul3A_271 : i32
        %get3A = arith.index_cast %add3A_273 : i32 to index
        %get3A_274 = tpu.vector_load %arg5[%get3A] {strides = array<i32>} : memref<16384xf32, #tpu.memory_space<vmem>>, vector<16xf32>,
        %mul3A_275 = arith.constant 64 : i32
        %mul3A_276 = arith.muli %add3A_269, %mul3A_275 : i32
        %add3A_277 = vector.broadcast %mul3A_276 : i32 to vector<16xi32>
        %add3A_278 = arith.addi %add3A_219, %add3A_277 : vector<16xi32>
        tpu.vector_store_idx %arg7[%add3A_278], %get3A_274 : memref<16384xf32, #tpu.memory_space<vmem>>[vector<16xi32>], vector<16xf32>,
        %scan3A_279 = arith.constant 1 : i32
        %scan3A_280 = arith.addi %scan3A_265, %scan3A_279 : i32
        %mul3A_281 = arith.constant 1 : i32
        %mul3A_282 = arith.muli %scan3A_280, %mul3A_281 : i32
        %add3A_283 = arith.constant 0 : i32
        %add3A_284 = arith.addi %add3A_283, %mul3A_282 : i32
        %mul3A_285 = arith.constant 16 : i32
        %mul3A_286 = arith.muli %add3A_284, %mul3A_285 : i32
        %add3A_287 = arith.constant 0 : i32
        %add3A_288 = arith.addi %add3A_287, %mul3A_286 : i32
        %get3A_289 = arith.index_cast %add3A_288 : i32 to index
        %get3A_290 = tpu.vector_load %arg5[%get3A_289] {strides = array<i32>} : memref<16384xf32, #tpu.memory_space<vmem>>, vector<16xf32>,
        %mul3A_291 = arith.constant 64 : i32
        %mul3A_292 = arith.muli %add3A_284, %mul3A_291 : i32
        %add3A_293 = vector.broadcast %mul3A_292 : i32 to vector<16xi32>
        %add3A_294 = arith.addi %add3A_219, %add3A_293 : vector<16xi32>
        tpu.vector_store_idx %arg7[%add3A_294], %get3A_290 : memref<16384xf32, #tpu.memory_space<vmem>>[vector<16xi32>], vector<16xf32>,
        %scan3A_295 = arith.constant 2 : i32
        %scan3A_296 = arith.addi %scan3A_265, %scan3A_295 : i32
        %mul3A_297 = arith.constant 1 : i32
        %mul3A_298 = arith.muli %scan3A_296, %mul3A_297 : i32
        %add3A_299 = arith.constant 0 : i32
        %add3A_300 = arith.addi %add3A_299, %mul3A_298 : i32
        %mul3A_301 = arith.constant 16 : i32
        %mul3A_302 = arith.muli %add3A_300, %mul3A_301 : i32
        %add3A_303 = arith.constant 0 : i32
        %add3A_304 = arith.addi %add3A_303, %mul3A_302 : i32
        %get3A_305 = arith.index_cast %add3A_304 : i32 to index
        %get3A_306 = tpu.vector_load %arg5[%get3A_305] {strides = array<i32>} : memref<16384xf32, #tpu.memory_space<vmem>>, vector<16xf32>,
        %mul3A_307 = arith.constant 64 : i32
        %mul3A_308 = arith.muli %add3A_300, %mul3A_307 : i32
        %add3A_309 = vector.broadcast %mul3A_308 : i32 to vector<16xi32>
        %add3A_310 = arith.addi %add3A_219, %add3A_309 : vector<16xi32>
        tpu.vector_store_idx %arg7[%add3A_310], %get3A_306 : memref<16384xf32, #tpu.memory_space<vmem>>[vector<16xi32>], vector<16xf32>,
        %scan3A_311 = arith.constant 3 : i32
        %scan3A_312 = arith.addi %scan3A_265, %scan3A_311 : i32
        %mul3A_313 = arith.constant 1 : i32
        %mul3A_314 = arith.muli %scan3A_312, %mul3A_313 : i32
        %add3A_315 = arith.constant 0 : i32
        %add3A_316 = arith.addi %add3A_315, %mul3A_314 : i32
        %mul3A_317 = arith.constant 16 : i32
        %mul3A_318 = arith.muli %add3A_316, %mul3A_317 : i32
        %add3A_319 = arith.constant 0 : i32
        %add3A_320 = arith.addi %add3A_319, %mul3A_318 : i32
        %get3A_321 = arith.index_cast %add3A_320 : i32 to index
        %get3A_322 = tpu.vector_load %arg5[%get3A_321] {strides = array<i32>} : memref<16384xf32, #tpu.memory_space<vmem>>, vector<16xf32>,
        %mul3A_323 = arith.constant 64 : i32
        %mul3A_324 = arith.muli %add3A_316, %mul3A_323 : i32
        %add3A_325 = vector.broadcast %mul3A_324 : i32 to vector<16xi32>
        %add3A_326 = arith.addi %add3A_219, %add3A_325 : vector<16xi32>
        tpu.vector_store_idx %arg7[%add3A_326], %get3A_322 : memref<16384xf32, #tpu.memory_space<vmem>>[vector<16xi32>], vector<16xf32>,
      }
      %scan3A_224 = arith.constant 256 : i32
      %mul3A_225 = arith.constant 32 : i32
      %mul3A_226 = vector.broadcast %mul3A_225 : i32 to vector<16xi32>
      %mul3A_227 = arith.muli %shift_right_logical3A_4, %mul3A_226 : vector<16xi32>
      %add3A_228 = arith.constant 8 : i32
      %add3A_229 = vector.broadcast %add3A_228 : i32 to vector<16xi32>
      %add3A_230 = arith.addi %mul3A_227, %add3A_229 : vector<16xi32>
      %add3A_231 = arith.addi %add3A_230, %and3A : vector<16xi32>
      %scan3A_232 = arith.constant 0 : i32
      %scan3A_233 = arith.constant 256 : i32
      %scan3A_234 = arith.addi %scan3A_232, %scan3A_233 : i32
      %scan3A_235 = arith.constant 4 : i32
      scf.for %scan3A_265 = %scan3A_232 to %scan3A_234 step %scan3A_235  : i32 {
        %mul3A_266 = arith.constant 1 : i32
        %mul3A_267 = arith.muli %scan3A_265, %mul3A_266 : i32
        %add3A_268 = arith.constant 0 : i32
        %add3A_269 = arith.addi %add3A_268, %mul3A_267 : i32
        %mul3A_270 = arith.constant 16 : i32
        %mul3A_271 = arith.muli %add3A_269, %mul3A_270 : i32
        %add3A_272 = arith.constant 4096 : i32
        %add3A_273 = arith.addi %add3A_272, %mul3A_271 : i32
        %get3A = arith.index_cast %add3A_273 : i32 to index
        %get3A_274 = tpu.vector_load %arg5[%get3A] {strides = array<i32>} : memref<16384xf32, #tpu.memory_space<vmem>>, vector<16xf32>,
        %mul3A_275 = arith.constant 64 : i32
        %mul3A_276 = arith.muli %add3A_269, %mul3A_275 : i32
        %add3A_277 = vector.broadcast %mul3A_276 : i32 to vector<16xi32>
        %add3A_278 = arith.addi %add3A_231, %add3A_277 : vector<16xi32>
        tpu.vector_store_idx %arg7[%add3A_278], %get3A_274 : memref<16384xf32, #tpu.memory_space<vmem>>[vector<16xi32>], vector<16xf32>,
        %scan3A_279 = arith.constant 1 : i32
        %scan3A_280 = arith.addi %scan3A_265, %scan3A_279 : i32
        %mul3A_281 = arith.constant 1 : i32
        %mul3A_282 = arith.muli %scan3A_280, %mul3A_281 : i32
        %add3A_283 = arith.constant 0 : i32
        %add3A_284 = arith.addi %add3A_283, %mul3A_282 : i32
        %mul3A_285 = arith.constant 16 : i32
        %mul3A_286 = arith.muli %add3A_284, %mul3A_285 : i32
        %add3A_287 = arith.constant 4096 : i32
        %add3A_288 = arith.addi %add3A_287, %mul3A_286 : i32
        %get3A_289 = arith.index_cast %add3A_288 : i32 to index
        %get3A_290 = tpu.vector_load %arg5[%get3A_289] {strides = array<i32>} : memref<16384xf32, #tpu.memory_space<vmem>>, vector<16xf32>,
        %mul3A_291 = arith.constant 64 : i32
        %mul3A_292 = arith.muli %add3A_284, %mul3A_291 : i32
        %add3A_293 = vector.broadcast %mul3A_292 : i32 to vector<16xi32>
        %add3A_294 = arith.addi %add3A_231, %add3A_293 : vector<16xi32>
        tpu.vector_store_idx %arg7[%add3A_294], %get3A_290 : memref<16384xf32, #tpu.memory_space<vmem>>[vector<16xi32>], vector<16xf32>,
        %scan3A_295 = arith.constant 2 : i32
        %scan3A_296 = arith.addi %scan3A_265, %scan3A_295 : i32
        %mul3A_297 = arith.constant 1 : i32
        %mul3A_298 = arith.muli %scan3A_296, %mul3A_297 : i32
        %add3A_299 = arith.constant 0 : i32
        %add3A_300 = arith.addi %add3A_299, %mul3A_298 : i32
        %mul3A_301 = arith.constant 16 : i32
        %mul3A_302 = arith.muli %add3A_300, %mul3A_301 : i32
        %add3A_303 = arith.constant 4096 : i32
        %add3A_304 = arith.addi %add3A_303, %mul3A_302 : i32
        %get3A_305 = arith.index_cast %add3A_304 : i32 to index
        %get3A_306 = tpu.vector_load %arg5[%get3A_305] {strides = array<i32>} : memref<16384xf32, #tpu.memory_space<vmem>>, vector<16xf32>,
        %mul3A_307 = arith.constant 64 : i32
        %mul3A_308 = arith.muli %add3A_300, %mul3A_307 : i32
        %add3A_309 = vector.broadcast %mul3A_308 : i32 to vector<16xi32>
        %add3A_310 = arith.addi %add3A_231, %add3A_309 : vector<16xi32>
        tpu.vector_store_idx %arg7[%add3A_310], %get3A_306 : memref<16384xf32, #tpu.memory_space<vmem>>[vector<16xi32>], vector<16xf32>,
        %scan3A_311 = arith.constant 3 : i32
        %scan3A_312 = arith.addi %scan3A_265, %scan3A_311 : i32
        %mul3A_313 = arith.constant 1 : i32
        %mul3A_314 = arith.muli %scan3A_312, %mul3A_313 : i32
        %add3A_315 = arith.constant 0 : i32
        %add3A_316 = arith.addi %add3A_315, %mul3A_314 : i32
        %mul3A_317 = arith.constant 16 : i32
        %mul3A_318 = arith.muli %add3A_316, %mul3A_317 : i32
        %add3A_319 = arith.constant 4096 : i32
        %add3A_320 = arith.addi %add3A_319, %mul3A_318 : i32
        %get3A_321 = arith.index_cast %add3A_320 : i32 to index
        %get3A_322 = tpu.vector_load %arg5[%get3A_321] {strides = array<i32>} : memref<16384xf32, #tpu.memory_space<vmem>>, vector<16xf32>,
        %mul3A_323 = arith.constant 64 : i32
        %mul3A_324 = arith.muli %add3A_316, %mul3A_323 : i32
        %add3A_325 = vector.broadcast %mul3A_324 : i32 to vector<16xi32>
        %add3A_326 = arith.addi %add3A_231, %add3A_325 : vector<16xi32>
        tpu.vector_store_idx %arg7[%add3A_326], %get3A_322 : memref<16384xf32, #tpu.memory_space<vmem>>[vector<16xi32>], vector<16xf32>,
      }
      %scan3A_236 = arith.constant 256 : i32
      %mul3A_237 = arith.constant 32 : i32
      %mul3A_238 = vector.broadcast %mul3A_237 : i32 to vector<16xi32>
      %mul3A_239 = arith.muli %shift_right_logical3A_4, %mul3A_238 : vector<16xi32>
      %add3A_240 = arith.constant 16 : i32
      %add3A_241 = vector.broadcast %add3A_240 : i32 to vector<16xi32>
      %add3A_242 = arith.addi %mul3A_239, %add3A_241 : vector<16xi32>
      %add3A_243 = arith.addi %add3A_242, %and3A : vector<16xi32>
      %scan3A_244 = arith.constant 0 : i32
      %scan3A_245 = arith.constant 256 : i32
      %scan3A_246 = arith.addi %scan3A_244, %scan3A_245 : i32
      %scan3A_247 = arith.constant 4 : i32
      scf.for %scan3A_265 = %scan3A_244 to %scan3A_246 step %scan3A_247  : i32 {
        %mul3A_266 = arith.constant 1 : i32
        %mul3A_267 = arith.muli %scan3A_265, %mul3A_266 : i32
        %add3A_268 = arith.constant 0 : i32
        %add3A_269 = arith.addi %add3A_268, %mul3A_267 : i32
        %mul3A_270 = arith.constant 16 : i32
        %mul3A_271 = arith.muli %add3A_269, %mul3A_270 : i32
        %add3A_272 = arith.constant 8192 : i32
        %add3A_273 = arith.addi %add3A_272, %mul3A_271 : i32
        %get3A = arith.index_cast %add3A_273 : i32 to index
        %get3A_274 = tpu.vector_load %arg5[%get3A] {strides = array<i32>} : memref<16384xf32, #tpu.memory_space<vmem>>, vector<16xf32>,
        %mul3A_275 = arith.constant 64 : i32
        %mul3A_276 = arith.muli %add3A_269, %mul3A_275 : i32
        %add3A_277 = vector.broadcast %mul3A_276 : i32 to vector<16xi32>
        %add3A_278 = arith.addi %add3A_243, %add3A_277 : vector<16xi32>
        tpu.vector_store_idx %arg7[%add3A_278], %get3A_274 : memref<16384xf32, #tpu.memory_space<vmem>>[vector<16xi32>], vector<16xf32>,
        %scan3A_279 = arith.constant 1 : i32
        %scan3A_280 = arith.addi %scan3A_265, %scan3A_279 : i32
        %mul3A_281 = arith.constant 1 : i32
        %mul3A_282 = arith.muli %scan3A_280, %mul3A_281 : i32
        %add3A_283 = arith.constant 0 : i32
        %add3A_284 = arith.addi %add3A_283, %mul3A_282 : i32
        %mul3A_285 = arith.constant 16 : i32
        %mul3A_286 = arith.muli %add3A_284, %mul3A_285 : i32
        %add3A_287 = arith.constant 8192 : i32
        %add3A_288 = arith.addi %add3A_287, %mul3A_286 : i32
        %get3A_289 = arith.index_cast %add3A_288 : i32 to index
        %get3A_290 = tpu.vector_load %arg5[%get3A_289] {strides = array<i32>} : memref<16384xf32, #tpu.memory_space<vmem>>, vector<16xf32>,
        %mul3A_291 = arith.constant 64 : i32
        %mul3A_292 = arith.muli %add3A_284, %mul3A_291 : i32
        %add3A_293 = vector.broadcast %mul3A_292 : i32 to vector<16xi32>
        %add3A_294 = arith.addi %add3A_243, %add3A_293 : vector<16xi32>
        tpu.vector_store_idx %arg7[%add3A_294], %get3A_290 : memref<16384xf32, #tpu.memory_space<vmem>>[vector<16xi32>], vector<16xf32>,
        %scan3A_295 = arith.constant 2 : i32
        %scan3A_296 = arith.addi %scan3A_265, %scan3A_295 : i32
        %mul3A_297 = arith.constant 1 : i32
        %mul3A_298 = arith.muli %scan3A_296, %mul3A_297 : i32
        %add3A_299 = arith.constant 0 : i32
        %add3A_300 = arith.addi %add3A_299, %mul3A_298 : i32
        %mul3A_301 = arith.constant 16 : i32
        %mul3A_302 = arith.muli %add3A_300, %mul3A_301 : i32
        %add3A_303 = arith.constant 8192 : i32
        %add3A_304 = arith.addi %add3A_303, %mul3A_302 : i32
        %get3A_305 = arith.index_cast %add3A_304 : i32 to index
        %get3A_306 = tpu.vector_load %arg5[%get3A_305] {strides = array<i32>} : memref<16384xf32, #tpu.memory_space<vmem>>, vector<16xf32>,
        %mul3A_307 = arith.constant 64 : i32
        %mul3A_308 = arith.muli %add3A_300, %mul3A_307 : i32
        %add3A_309 = vector.broadcast %mul3A_308 : i32 to vector<16xi32>
        %add3A_310 = arith.addi %add3A_243, %add3A_309 : vector<16xi32>
        tpu.vector_store_idx %arg7[%add3A_310], %get3A_306 : memref<16384xf32, #tpu.memory_space<vmem>>[vector<16xi32>], vector<16xf32>,
        %scan3A_311 = arith.constant 3 : i32
        %scan3A_312 = arith.addi %scan3A_265, %scan3A_311 : i32
        %mul3A_313 = arith.constant 1 : i32
        %mul3A_314 = arith.muli %scan3A_312, %mul3A_313 : i32
        %add3A_315 = arith.constant 0 : i32
        %add3A_316 = arith.addi %add3A_315, %mul3A_314 : i32
        %mul3A_317 = arith.constant 16 : i32
        %mul3A_318 = arith.muli %add3A_316, %mul3A_317 : i32
        %add3A_319 = arith.constant 8192 : i32
        %add3A_320 = arith.addi %add3A_319, %mul3A_318 : i32
        %get3A_321 = arith.index_cast %add3A_320 : i32 to index
        %get3A_322 = tpu.vector_load %arg5[%get3A_321] {strides = array<i32>} : memref<16384xf32, #tpu.memory_space<vmem>>, vector<16xf32>,
        %mul3A_323 = arith.constant 64 : i32
        %mul3A_324 = arith.muli %add3A_316, %mul3A_323 : i32
        %add3A_325 = vector.broadcast %mul3A_324 : i32 to vector<16xi32>
        %add3A_326 = arith.addi %add3A_243, %add3A_325 : vector<16xi32>
        tpu.vector_store_idx %arg7[%add3A_326], %get3A_322 : memref<16384xf32, #tpu.memory_space<vmem>>[vector<16xi32>], vector<16xf32>,
      }
      %scan3A_248 = arith.constant 256 : i32
      %mul3A_249 = arith.constant 32 : i32
      %mul3A_250 = vector.broadcast %mul3A_249 : i32 to vector<16xi32>
      %mul3A_251 = arith.muli %shift_right_logical3A_4, %mul3A_250 : vector<16xi32>
      %add3A_252 = arith.constant 24 : i32
      %add3A_253 = vector.broadcast %add3A_252 : i32 to vector<16xi32>
      %add3A_254 = arith.addi %mul3A_251, %add3A_253 : vector<16xi32>
      %add3A_255 = arith.addi %add3A_254, %and3A : vector<16xi32>
      %scan3A_256 = arith.constant 0 : i32
      %scan3A_257 = arith.constant 256 : i32
      %scan3A_258 = arith.addi %scan3A_256, %scan3A_257 : i32
      %scan3A_259 = arith.constant 4 : i32
      scf.for %scan3A_265 = %scan3A_256 to %scan3A_258 step %scan3A_259  : i32 {
        %mul3A_266 = arith.constant 1 : i32
        %mul3A_267 = arith.muli %scan3A_265, %mul3A_266 : i32
        %add3A_268 = arith.constant 0 : i32
        %add3A_269 = arith.addi %add3A_268, %mul3A_267 : i32
        %mul3A_270 = arith.constant 16 : i32
        %mul3A_271 = arith.muli %add3A_269, %mul3A_270 : i32
        %add3A_272 = arith.constant 12288 : i32
        %add3A_273 = arith.addi %add3A_272, %mul3A_271 : i32
        %get3A = arith.index_cast %add3A_273 : i32 to index
        %get3A_274 = tpu.vector_load %arg5[%get3A] {strides = array<i32>} : memref<16384xf32, #tpu.memory_space<vmem>>, vector<16xf32>,
        %mul3A_275 = arith.constant 64 : i32
        %mul3A_276 = arith.muli %add3A_269, %mul3A_275 : i32
        %add3A_277 = vector.broadcast %mul3A_276 : i32 to vector<16xi32>
        %add3A_278 = arith.addi %add3A_255, %add3A_277 : vector<16xi32>
        tpu.vector_store_idx %arg7[%add3A_278], %get3A_274 : memref<16384xf32, #tpu.memory_space<vmem>>[vector<16xi32>], vector<16xf32>,
        %scan3A_279 = arith.constant 1 : i32
        %scan3A_280 = arith.addi %scan3A_265, %scan3A_279 : i32
        %mul3A_281 = arith.constant 1 : i32
        %mul3A_282 = arith.muli %scan3A_280, %mul3A_281 : i32
        %add3A_283 = arith.constant 0 : i32
        %add3A_284 = arith.addi %add3A_283, %mul3A_282 : i32
        %mul3A_285 = arith.constant 16 : i32
        %mul3A_286 = arith.muli %add3A_284, %mul3A_285 : i32
        %add3A_287 = arith.constant 12288 : i32
        %add3A_288 = arith.addi %add3A_287, %mul3A_286 : i32
        %get3A_289 = arith.index_cast %add3A_288 : i32 to index
        %get3A_290 = tpu.vector_load %arg5[%get3A_289] {strides = array<i32>} : memref<16384xf32, #tpu.memory_space<vmem>>, vector<16xf32>,
        %mul3A_291 = arith.constant 64 : i32
        %mul3A_292 = arith.muli %add3A_284, %mul3A_291 : i32
        %add3A_293 = vector.broadcast %mul3A_292 : i32 to vector<16xi32>
        %add3A_294 = arith.addi %add3A_255, %add3A_293 : vector<16xi32>
        tpu.vector_store_idx %arg7[%add3A_294], %get3A_290 : memref<16384xf32, #tpu.memory_space<vmem>>[vector<16xi32>], vector<16xf32>,
        %scan3A_295 = arith.constant 2 : i32
        %scan3A_296 = arith.addi %scan3A_265, %scan3A_295 : i32
        %mul3A_297 = arith.constant 1 : i32
        %mul3A_298 = arith.muli %scan3A_296, %mul3A_297 : i32
        %add3A_299 = arith.constant 0 : i32
        %add3A_300 = arith.addi %add3A_299, %mul3A_298 : i32
        %mul3A_301 = arith.constant 16 : i32
        %mul3A_302 = arith.muli %add3A_300, %mul3A_301 : i32
        %add3A_303 = arith.constant 12288 : i32
        %add3A_304 = arith.addi %add3A_303, %mul3A_302 : i32
        %get3A_305 = arith.index_cast %add3A_304 : i32 to index
        %get3A_306 = tpu.vector_load %arg5[%get3A_305] {strides = array<i32>} : memref<16384xf32, #tpu.memory_space<vmem>>, vector<16xf32>,
        %mul3A_307 = arith.constant 64 : i32
        %mul3A_308 = arith.muli %add3A_300, %mul3A_307 : i32
        %add3A_309 = vector.broadcast %mul3A_308 : i32 to vector<16xi32>
        %add3A_310 = arith.addi %add3A_255, %add3A_309 : vector<16xi32>
        tpu.vector_store_idx %arg7[%add3A_310], %get3A_306 : memref<16384xf32, #tpu.memory_space<vmem>>[vector<16xi32>], vector<16xf32>,
        %scan3A_311 = arith.constant 3 : i32
        %scan3A_312 = arith.addi %scan3A_265, %scan3A_311 : i32
        %mul3A_313 = arith.constant 1 : i32
        %mul3A_314 = arith.muli %scan3A_312, %mul3A_313 : i32
        %add3A_315 = arith.constant 0 : i32
        %add3A_316 = arith.addi %add3A_315, %mul3A_314 : i32
        %mul3A_317 = arith.constant 16 : i32
        %mul3A_318 = arith.muli %add3A_316, %mul3A_317 : i32
        %add3A_319 = arith.constant 12288 : i32
        %add3A_320 = arith.addi %add3A_319, %mul3A_318 : i32
        %get3A_321 = arith.index_cast %add3A_320 : i32 to index
        %get3A_322 = tpu.vector_load %arg5[%get3A_321] {strides = array<i32>} : memref<16384xf32, #tpu.memory_space<vmem>>, vector<16xf32>,
        %mul3A_323 = arith.constant 64 : i32
        %mul3A_324 = arith.muli %add3A_316, %mul3A_323 : i32
        %add3A_325 = vector.broadcast %mul3A_324 : i32 to vector<16xi32>
        %add3A_326 = arith.addi %add3A_255, %add3A_325 : vector<16xi32>
        tpu.vector_store_idx %arg7[%add3A_326], %get3A_322 : memref<16384xf32, #tpu.memory_space<vmem>>[vector<16xi32>], vector<16xf32>,
      }
      %scan3A_260 = arith.constant 256 : i32
      %mul3A_261 = arith.constant 32 : i32
      %mul3A_262 = arith.muli %add3A_168, %mul3A_261 : i32
      %dma_start3A_263 = tpu.memref_slice %arg3[%mul3A_262] : memref<23068672xf32, #tpu.memory_space<hbm>> -> memref<16384xf32, #tpu.memory_space<hbm>>
      %dma_start3A_264 = tpu.memref_slice %arg3[%mul3A_262] : memref<23068672xf32, #tpu.memory_space<hbm>> -> memref<16384xf32, #tpu.memory_space<hbm>>
      tpu.enqueue_dma source(%arg7 : memref<16384xf32, #tpu.memory_space<vmem>>) target(%dma_start3A_264 : memref<16384xf32, #tpu.memory_space<hbm>>) target_semaphore(%arg9 : memref<!tpu.dma_semaphore, #tpu.memory_space<semaphore_mem>>)
    }
    %scan3A_50 = arith.constant 22 : i32
    %dma_wait3A = arith.constant 0 : i32
    %dma_wait3A_51 = tpu.memref_slice %arg3[%dma_wait3A] : memref<23068672xf32, #tpu.memory_space<hbm>> -> memref<16384xf32, #tpu.memory_space<hbm>>
    %dma_wait3A_52 = arith.constant 0 : i32
    %dma_wait3A_53 = tpu.memref_slice %arg3[%dma_wait3A_52] : memref<23068672xf32, #tpu.memory_space<hbm>> -> memref<16384xf32, #tpu.memory_space<hbm>>
    tpu.wait_dma2 semaphore(%arg9 : memref<!tpu.dma_semaphore, #tpu.memory_space<semaphore_mem>>) src(%arg6 : memref<16384xf32, #tpu.memory_space<vmem>>) dst(%dma_wait3A_53 : memref<16384xf32, #tpu.memory_space<hbm>>)
    %dma_wait3A_54 = arith.constant 0 : i32
    %dma_wait3A_55 = tpu.memref_slice %arg3[%dma_wait3A_54] : memref<23068672xf32, #tpu.memory_space<hbm>> -> memref<16384xf32, #tpu.memory_space<hbm>>
    %dma_wait3A_56 = arith.constant 0 : i32
    %dma_wait3A_57 = tpu.memref_slice %arg3[%dma_wait3A_56] : memref<23068672xf32, #tpu.memory_space<hbm>> -> memref<16384xf32, #tpu.memory_space<hbm>>
    tpu.wait_dma2 semaphore(%arg9 : memref<!tpu.dma_semaphore, #tpu.memory_space<semaphore_mem>>) src(%arg7 : memref<16384xf32, #tpu.memory_space<vmem>>) dst(%dma_wait3A_57 : memref<16384xf32, #tpu.memory_space<hbm>>)
    return
  }
}

#map = affine_map<(d0, d1) -> (0)>
module attributes {stable_mosaic.version = 14 : i64} {
  func.func @k(%arg0: i32, %arg1: i32, %arg2: memref<262144xi32, #tpu.memory_space<hbm>>, %arg3: memref<720896xf32, #tpu.memory_space<hbm>>, %arg4: memref<720896xf32, #tpu.memory_space<hbm>>, %arg5: memref<23068672xf32, #tpu.memory_space<hbm>>, %arg6: memref<65536xi32, #tpu.memory_space<vmem>>, %arg7: memref<1024xf32, #tpu.memory_space<vmem>>, %arg8: memref<1024xf32, #tpu.memory_space<vmem>>, %arg9: memref<1024xf32, #tpu.memory_space<vmem>>, %arg10: memref<1024xf32, #tpu.memory_space<vmem>>, %arg11: memref<8192xf32, #tpu.memory_space<vmem>>, %arg12: memref<8192xf32, #tpu.memory_space<vmem>>, %arg13: memref<!tpu.dma_semaphore, #tpu.memory_space<semaphore_mem>>, %arg14: memref<!tpu.dma_semaphore, #tpu.memory_space<semaphore_mem>>) attributes {dimension_semantics = [#tpu.dimension_semantics<core_parallel>, #tpu.dimension_semantics<subcore_parallel>], iteration_bounds = array<i64: 2, 16>, scalar_prefetch = 0 : i64, scratch_operands = 9 : i64, tpu.core_type = #tpu.core_type<sc_vector_subcore>, window_params = [{transform_indices = #map}, {transform_indices = #map}, {transform_indices = #map}, {transform_indices = #map}]} {
    %mul3A = arith.constant 2 : i32
    %mul3A_0 = arith.muli %arg1, %mul3A : i32
    %add3A = arith.addi %mul3A_0, %arg0 : i32
    %jit3A = arith.constant 8 : i32
    %div3A = arith.divsi %add3A, %jit3A : i32
    %sign3A = arith.constant 0 : i32
    %sign3A_1 = arith.cmpi sgt, %add3A, %sign3A : i32
    %sign3A_2 = arith.extui %sign3A_1 : i1 to i32
    %sign3A_3 = arith.constant 0 : i32
    %sign3A_4 = arith.cmpi slt, %add3A, %sign3A_3 : i32
    %sign3A_5 = arith.extui %sign3A_4 : i1 to i32
    %sign3A_6 = arith.subi %sign3A_2, %sign3A_5 : i32
    %sign3A_7 = arith.constant 0 : i32
    %sign3A_8 = arith.cmpi sgt, %jit3A, %sign3A_7 : i32
    %sign3A_9 = arith.extui %sign3A_8 : i1 to i32
    %sign3A_10 = arith.constant 0 : i32
    %sign3A_11 = arith.cmpi slt, %jit3A, %sign3A_10 : i32
    %sign3A_12 = arith.extui %sign3A_11 : i1 to i32
    %sign3A_13 = arith.subi %sign3A_9, %sign3A_12 : i32
    %ne3A = arith.cmpi ne, %sign3A_6, %sign3A_13 : i32
    %rem3A = arith.remsi %add3A, %jit3A : i32
    %ne3A_14 = arith.constant 0 : i32
    %ne3A_15 = arith.cmpi ne, %rem3A, %ne3A_14 : i32
    %and3A = arith.andi %ne3A, %ne3A_15 : i1
    %sub3A = arith.constant 1 : i32
    %sub3A_16 = arith.subi %div3A, %sub3A : i32
    %select_n3A = arith.select %and3A, %sub3A_16, %div3A : i32
    %jit3A_17 = arith.constant 8 : i32
    %eq3A = arith.constant 0 : i32
    %eq3A_18 = arith.cmpi eq, %jit3A_17, %eq3A : i32
    %jit3A_19 = arith.constant 1 : i32
    %select_n3A_20 = arith.select %eq3A_18, %jit3A_19, %jit3A_17 : i32
    %rem3A_21 = arith.remsi %add3A, %select_n3A_20 : i32
    %ne3A_22 = arith.constant 0 : i32
    %ne3A_23 = arith.cmpi ne, %rem3A_21, %ne3A_22 : i32
    %lt3A = arith.constant 0 : i32
    %lt3A_24 = arith.cmpi slt, %rem3A_21, %lt3A : i32
    %lt3A_25 = arith.constant 0 : i32
    %lt3A_26 = arith.cmpi slt, %select_n3A_20, %lt3A_25 : i32
    %ne3A_27 = arith.xori %lt3A_24, %lt3A_26 : i1
    %and3A_28 = arith.andi %ne3A_27, %ne3A_23 : i1
    %add3A_29 = arith.addi %rem3A_21, %select_n3A_20 : i32
    %select_n3A_30 = arith.select %and3A_28, %add3A_29, %rem3A_21 : i32
    %mul3A_31 = arith.constant 90112 : i32
    %mul3A_32 = arith.muli %select_n3A_30, %mul3A_31 : i32
    %mul3A_33 = arith.constant 65536 : i32
    %mul3A_34 = arith.muli %select_n3A, %mul3A_33 : i32
    "tpu.region"() ({
      %run_scoped3A = tpu.sem_alloc : memref<!tpu.dma_semaphore, #tpu.memory_space<semaphore_mem>>
      %dma_start3A_49 = tpu.memref_slice %arg2[%mul3A_34] : memref<262144xi32, #tpu.memory_space<hbm>> -> memref<65536xi32, #tpu.memory_space<hbm>>
      %dma_start3A_50 = tpu.memref_slice %arg2[%mul3A_34] : memref<262144xi32, #tpu.memory_space<hbm>> -> memref<65536xi32, #tpu.memory_space<hbm>>
      tpu.enqueue_dma source(%dma_start3A_50 : memref<65536xi32, #tpu.memory_space<hbm>>) target(%arg6 : memref<65536xi32, #tpu.memory_space<vmem>>) target_semaphore(%run_scoped3A : memref<!tpu.dma_semaphore, #tpu.memory_space<semaphore_mem>>)
      %dma_wait3A_51 = tpu.memref_slice %arg2[%mul3A_34] : memref<262144xi32, #tpu.memory_space<hbm>> -> memref<65536xi32, #tpu.memory_space<hbm>>
      %dma_wait3A_52 = tpu.memref_slice %arg2[%mul3A_34] : memref<262144xi32, #tpu.memory_space<hbm>> -> memref<65536xi32, #tpu.memory_space<hbm>>
      tpu.wait_dma2 semaphore(%run_scoped3A : memref<!tpu.dma_semaphore, #tpu.memory_space<semaphore_mem>>) src(%dma_wait3A_52 : memref<65536xi32, #tpu.memory_space<hbm>>) dst(%arg6 : memref<65536xi32, #tpu.memory_space<vmem>>)
      tpu.yield
    }) : () -> ()
    %iota3A = tpu.iota {dimensions = array<i32: 0>} : vector<16xi32>
    %dma_start3A = tpu.memref_slice %arg3[%mul3A_32] : memref<720896xf32, #tpu.memory_space<hbm>> -> memref<1024xf32, #tpu.memory_space<hbm>>
    %dma_start3A_35 = tpu.memref_slice %arg3[%mul3A_32] : memref<720896xf32, #tpu.memory_space<hbm>> -> memref<1024xf32, #tpu.memory_space<hbm>>
    tpu.enqueue_dma source(%dma_start3A_35 : memref<1024xf32, #tpu.memory_space<hbm>>) target(%arg7 : memref<1024xf32, #tpu.memory_space<vmem>>) target_semaphore(%arg13 : memref<!tpu.dma_semaphore, #tpu.memory_space<semaphore_mem>>)
    %dma_start3A_36 = tpu.memref_slice %arg4[%mul3A_32] : memref<720896xf32, #tpu.memory_space<hbm>> -> memref<1024xf32, #tpu.memory_space<hbm>>
    %dma_start3A_37 = tpu.memref_slice %arg4[%mul3A_32] : memref<720896xf32, #tpu.memory_space<hbm>> -> memref<1024xf32, #tpu.memory_space<hbm>>
    tpu.enqueue_dma source(%dma_start3A_37 : memref<1024xf32, #tpu.memory_space<hbm>>) target(%arg9 : memref<1024xf32, #tpu.memory_space<vmem>>) target_semaphore(%arg13 : memref<!tpu.dma_semaphore, #tpu.memory_space<semaphore_mem>>)
    %scan3A = arith.constant 0 : i32
    %scan3A_38 = arith.constant 44 : i32
    %scan3A_39 = arith.addi %scan3A, %scan3A_38 : i32
    %scan3A_40 = arith.constant 1 : i32
    scf.for %scan3A_49 = %scan3A to %scan3A_39 step %scan3A_40  : i32 {
      %mul3A_50 = arith.constant 1 : i32
      %mul3A_51 = arith.muli %scan3A_49, %mul3A_50 : i32
      %add3A_52 = arith.constant 0 : i32
      %add3A_53 = arith.addi %add3A_52, %mul3A_51 : i32
      %mul3A_54 = arith.constant 2 : i32
      %mul3A_55 = arith.muli %add3A_53, %mul3A_54 : i32
      %add3A_56 = arith.constant 0 : i32
      %add3A_57 = arith.addi %mul3A_55, %add3A_56 : i32
      %mul3A_58 = arith.constant 1024 : i32
      %mul3A_59 = arith.muli %add3A_57, %mul3A_58 : i32
      %add3A_60 = arith.addi %mul3A_32, %mul3A_59 : i32
      %dma_wait3A_61 = arith.constant 0 : i32
      %dma_wait3A_62 = tpu.memref_slice %arg3[%dma_wait3A_61] : memref<720896xf32, #tpu.memory_space<hbm>> -> memref<1024xf32, #tpu.memory_space<hbm>>
      %dma_wait3A_63 = arith.constant 0 : i32
      %dma_wait3A_64 = tpu.memref_slice %arg3[%dma_wait3A_63] : memref<720896xf32, #tpu.memory_space<hbm>> -> memref<1024xf32, #tpu.memory_space<hbm>>
      tpu.wait_dma2 semaphore(%arg13 : memref<!tpu.dma_semaphore, #tpu.memory_space<semaphore_mem>>) src(%dma_wait3A_64 : memref<1024xf32, #tpu.memory_space<hbm>>) dst(%arg7 : memref<1024xf32, #tpu.memory_space<vmem>>)
      %dma_wait3A_65 = arith.constant 0 : i32
      %dma_wait3A_66 = tpu.memref_slice %arg4[%dma_wait3A_65] : memref<720896xf32, #tpu.memory_space<hbm>> -> memref<1024xf32, #tpu.memory_space<hbm>>
      %dma_wait3A_67 = arith.constant 0 : i32
      %dma_wait3A_68 = tpu.memref_slice %arg4[%dma_wait3A_67] : memref<720896xf32, #tpu.memory_space<hbm>> -> memref<1024xf32, #tpu.memory_space<hbm>>
      tpu.wait_dma2 semaphore(%arg13 : memref<!tpu.dma_semaphore, #tpu.memory_space<semaphore_mem>>) src(%dma_wait3A_68 : memref<1024xf32, #tpu.memory_space<hbm>>) dst(%arg9 : memref<1024xf32, #tpu.memory_space<vmem>>)
      %add3A_69 = arith.constant 1 : i32
      %add3A_70 = arith.addi %add3A_57, %add3A_69 : i32
      %lt3A_71 = arith.constant 88 : i32
      %lt3A_72 = arith.cmpi slt, %add3A_70, %lt3A_71 : i32
      %convert_element_type3A = arith.extui %lt3A_72 : i1 to i32
      %cond3A = arith.constant 0 : i32
      %cond3A_73 = arith.cmpi ne, %convert_element_type3A, %cond3A : i32
      scf.if %cond3A_73 {
        %add3A_129 = arith.constant 1 : i32
        %add3A_130 = arith.addi %add3A_57, %add3A_129 : i32
        %mul3A_131 = arith.constant 1024 : i32
        %mul3A_132 = arith.muli %add3A_130, %mul3A_131 : i32
        %add3A_133 = arith.addi %mul3A_32, %mul3A_132 : i32
        %dma_start3A_134 = tpu.memref_slice %arg3[%add3A_133] : memref<720896xf32, #tpu.memory_space<hbm>> -> memref<1024xf32, #tpu.memory_space<hbm>>
        %dma_start3A_135 = tpu.memref_slice %arg3[%add3A_133] : memref<720896xf32, #tpu.memory_space<hbm>> -> memref<1024xf32, #tpu.memory_space<hbm>>
        tpu.enqueue_dma source(%dma_start3A_135 : memref<1024xf32, #tpu.memory_space<hbm>>) target(%arg8 : memref<1024xf32, #tpu.memory_space<vmem>>) target_semaphore(%arg13 : memref<!tpu.dma_semaphore, #tpu.memory_space<semaphore_mem>>)
        %dma_start3A_136 = tpu.memref_slice %arg4[%add3A_133] : memref<720896xf32, #tpu.memory_space<hbm>> -> memref<1024xf32, #tpu.memory_space<hbm>>
        %dma_start3A_137 = tpu.memref_slice %arg4[%add3A_133] : memref<720896xf32, #tpu.memory_space<hbm>> -> memref<1024xf32, #tpu.memory_space<hbm>>
        tpu.enqueue_dma source(%dma_start3A_137 : memref<1024xf32, #tpu.memory_space<hbm>>) target(%arg10 : memref<1024xf32, #tpu.memory_space<vmem>>) target_semaphore(%arg13 : memref<!tpu.dma_semaphore, #tpu.memory_space<semaphore_mem>>)
      } else {
      }
      %ge3A = arith.constant 2 : i32
      %ge3A_74 = arith.cmpi sge, %add3A_57, %ge3A : i32
      %convert_element_type3A_75 = arith.extui %ge3A_74 : i1 to i32
      %cond3A_76 = arith.constant 0 : i32
      %cond3A_77 = arith.cmpi ne, %convert_element_type3A_75, %cond3A_76 : i32
      scf.if %cond3A_77 {
        %dma_wait3A_129 = arith.constant 0 : i32
        %dma_wait3A_130 = tpu.memref_slice %arg5[%dma_wait3A_129] : memref<23068672xf32, #tpu.memory_space<hbm>> -> memref<8192xf32, #tpu.memory_space<hbm>>
        %dma_wait3A_131 = arith.constant 0 : i32
        %dma_wait3A_132 = tpu.memref_slice %arg5[%dma_wait3A_131] : memref<23068672xf32, #tpu.memory_space<hbm>> -> memref<8192xf32, #tpu.memory_space<hbm>>
        tpu.wait_dma2 semaphore(%arg14 : memref<!tpu.dma_semaphore, #tpu.memory_space<semaphore_mem>>) src(%arg11 : memref<8192xf32, #tpu.memory_space<vmem>>) dst(%dma_wait3A_132 : memref<8192xf32, #tpu.memory_space<hbm>>)
      } else {
      }
      %scan3A_78 = arith.constant 0 : i32
      %scan3A_79 = arith.constant 64 : i32
      %scan3A_80 = arith.addi %scan3A_78, %scan3A_79 : i32
      %scan3A_81 = arith.constant 4 : i32
      scf.for %scan3A_129 = %scan3A_78 to %scan3A_80 step %scan3A_81  : i32 {
        %mul3A_130 = arith.constant 1 : i32
        %mul3A_131 = arith.muli %scan3A_129, %mul3A_130 : i32
        %add3A_132 = arith.constant 0 : i32
        %add3A_133 = arith.addi %add3A_132, %mul3A_131 : i32
        %mul3A_134 = arith.constant 16 : i32
        %mul3A_135 = arith.muli %add3A_133, %mul3A_134 : i32
        %get3A = arith.index_cast %mul3A_135 : i32 to index
        %get3A_136 = tpu.vector_load %arg7[%get3A] {strides = array<i32>} : memref<1024xf32, #tpu.memory_space<vmem>>, vector<16xf32>,
        %mul3A_137 = arith.constant 16 : i32
        %mul3A_138 = arith.muli %add3A_133, %mul3A_137 : i32
        %get3A_139 = arith.index_cast %mul3A_138 : i32 to index
        %get3A_140 = tpu.vector_load %arg9[%get3A_139] {strides = array<i32>} : memref<1024xf32, #tpu.memory_space<vmem>>, vector<16xf32>,
        %mul3A_141 = arith.constant 6.400000e+01 : f32
        %mul3A_142 = vector.broadcast %mul3A_141 : f32 to vector<16xf32>
        %mul3A_143 = arith.mulf %get3A_136, %mul3A_142 : vector<16xf32>
        %add3A_144 = arith.constant 6.350000e+01 : f32
        %add3A_145 = vector.broadcast %add3A_144 : f32 to vector<16xf32>
        %add3A_146 = arith.addf %mul3A_143, %add3A_145 : vector<16xf32>
        %mul3A_147 = arith.constant 6.400000e+01 : f32
        %mul3A_148 = vector.broadcast %mul3A_147 : f32 to vector<16xf32>
        %mul3A_149 = arith.mulf %get3A_140, %mul3A_148 : vector<16xf32>
        %add3A_150 = arith.constant 6.350000e+01 : f32
        %add3A_151 = vector.broadcast %add3A_150 : f32 to vector<16xf32>
        %add3A_152 = arith.addf %mul3A_149, %add3A_151 : vector<16xf32>
        %convert_element_type3A_153 = arith.fptosi %add3A_146 : vector<16xf32> to vector<16xi32>
        %convert_element_type3A_154 = arith.sitofp %convert_element_type3A_153 : vector<16xi32> to vector<16xf32>
        %convert_element_type3A_155 = arith.fptosi %add3A_152 : vector<16xf32> to vector<16xi32>
        %convert_element_type3A_156 = arith.sitofp %convert_element_type3A_155 : vector<16xi32> to vector<16xf32>
        %lt3A_157 = arith.cmpf olt, %add3A_146, %convert_element_type3A_154 : vector<16xf32>
        %sub3A_158 = arith.constant 1.000000e+00 : f32
        %sub3A_159 = vector.broadcast %sub3A_158 : f32 to vector<16xf32>
        %sub3A_160 = arith.subf %convert_element_type3A_154, %sub3A_159 : vector<16xf32>
        %select_n3A_161 = arith.select %lt3A_157, %sub3A_160, %convert_element_type3A_154 : vector<16xi1>, vector<16xf32>
        %lt3A_162 = arith.cmpf olt, %add3A_152, %convert_element_type3A_156 : vector<16xf32>
        %sub3A_163 = arith.constant 1.000000e+00 : f32
        %sub3A_164 = vector.broadcast %sub3A_163 : f32 to vector<16xf32>
        %sub3A_165 = arith.subf %convert_element_type3A_156, %sub3A_164 : vector<16xf32>
        %select_n3A_166 = arith.select %lt3A_162, %sub3A_165, %convert_element_type3A_156 : vector<16xi1>, vector<16xf32>
        %sub3A_167 = arith.subf %add3A_146, %select_n3A_161 : vector<16xf32>
        %sub3A_168 = arith.subf %add3A_152, %select_n3A_166 : vector<16xf32>
        %sub3A_169 = arith.constant 1.000000e+00 : f32
        %sub3A_170 = vector.broadcast %sub3A_169 : f32 to vector<16xf32>
        %sub3A_171 = arith.subf %sub3A_170, %sub3A_167 : vector<16xf32>
        %sub3A_172 = arith.constant 1.000000e+00 : f32
        %sub3A_173 = vector.broadcast %sub3A_172 : f32 to vector<16xf32>
        %sub3A_174 = arith.subf %sub3A_173, %sub3A_168 : vector<16xf32>
        %add3A_175 = arith.constant 1.000000e+00 : f32
        %add3A_176 = vector.broadcast %add3A_175 : f32 to vector<16xf32>
        %add3A_177 = arith.addf %select_n3A_161, %add3A_176 : vector<16xf32>
        %add3A_178 = arith.constant 1.000000e+00 : f32
        %add3A_179 = vector.broadcast %add3A_178 : f32 to vector<16xf32>
        %add3A_180 = arith.addf %select_n3A_166, %add3A_179 : vector<16xf32>
        %gt3A = arith.constant -1.000000e+00 : f32
        %gt3A_181 = vector.broadcast %gt3A : f32 to vector<16xf32>
        %gt3A_182 = arith.cmpf ogt, %select_n3A_161, %gt3A_181 : vector<16xf32>
        %lt3A_183 = arith.constant 1.280000e+02 : f32
        %lt3A_184 = vector.broadcast %lt3A_183 : f32 to vector<16xf32>
        %lt3A_185 = arith.cmpf olt, %select_n3A_161, %lt3A_184 : vector<16xf32>
        %and3A_186 = arith.andi %gt3A_182, %lt3A_185 : vector<16xi1>
        %gt3A_187 = arith.constant -1.000000e+00 : f32
        %gt3A_188 = vector.broadcast %gt3A_187 : f32 to vector<16xf32>
        %gt3A_189 = arith.cmpf ogt, %add3A_177, %gt3A_188 : vector<16xf32>
        %lt3A_190 = arith.constant 1.280000e+02 : f32
        %lt3A_191 = vector.broadcast %lt3A_190 : f32 to vector<16xf32>
        %lt3A_192 = arith.cmpf olt, %add3A_177, %lt3A_191 : vector<16xf32>
        %and3A_193 = arith.andi %gt3A_189, %lt3A_192 : vector<16xi1>
        %gt3A_194 = arith.constant -1.000000e+00 : f32
        %gt3A_195 = vector.broadcast %gt3A_194 : f32 to vector<16xf32>
        %gt3A_196 = arith.cmpf ogt, %select_n3A_166, %gt3A_195 : vector<16xf32>
        %lt3A_197 = arith.constant 1.280000e+02 : f32
        %lt3A_198 = vector.broadcast %lt3A_197 : f32 to vector<16xf32>
        %lt3A_199 = arith.cmpf olt, %select_n3A_166, %lt3A_198 : vector<16xf32>
        %and3A_200 = arith.andi %gt3A_196, %lt3A_199 : vector<16xi1>
        %gt3A_201 = arith.constant -1.000000e+00 : f32
        %gt3A_202 = vector.broadcast %gt3A_201 : f32 to vector<16xf32>
        %gt3A_203 = arith.cmpf ogt, %add3A_180, %gt3A_202 : vector<16xf32>
        %lt3A_204 = arith.constant 1.280000e+02 : f32
        %lt3A_205 = vector.broadcast %lt3A_204 : f32 to vector<16xf32>
        %lt3A_206 = arith.cmpf olt, %add3A_180, %lt3A_205 : vector<16xf32>
        %and3A_207 = arith.andi %gt3A_203, %lt3A_206 : vector<16xi1>
        %and3A_208 = arith.andi %and3A_186, %and3A_200 : vector<16xi1>
        %and3A_209 = arith.andi %and3A_193, %and3A_200 : vector<16xi1>
        %and3A_210 = arith.andi %and3A_186, %and3A_207 : vector<16xi1>
        %and3A_211 = arith.andi %and3A_193, %and3A_207 : vector<16xi1>
        %broadcast_in_dim3A = arith.constant 0.000000e+00 : f32
        %broadcast_in_dim3A_212 = vector.broadcast %broadcast_in_dim3A : f32 to vector<16xf32>
        %mul3A_213 = arith.mulf %sub3A_174, %sub3A_171 : vector<16xf32>
        %select_n3A_214 = arith.select %and3A_208, %mul3A_213, %broadcast_in_dim3A_212 : vector<16xi1>, vector<16xf32>
        %mul3A_215 = arith.mulf %sub3A_174, %sub3A_167 : vector<16xf32>
        %select_n3A_216 = arith.select %and3A_209, %mul3A_215, %broadcast_in_dim3A_212 : vector<16xi1>, vector<16xf32>
        %mul3A_217 = arith.mulf %sub3A_168, %sub3A_171 : vector<16xf32>
        %select_n3A_218 = arith.select %and3A_210, %mul3A_217, %broadcast_in_dim3A_212 : vector<16xi1>, vector<16xf32>
        %mul3A_219 = arith.mulf %sub3A_168, %sub3A_167 : vector<16xf32>
        %select_n3A_220 = arith.select %and3A_211, %mul3A_219, %broadcast_in_dim3A_212 : vector<16xi1>, vector<16xf32>
        %mul3A_221 = arith.constant 1.280000e+02 : f32
        %mul3A_222 = vector.broadcast %mul3A_221 : f32 to vector<16xf32>
        %mul3A_223 = arith.mulf %select_n3A_166, %mul3A_222 : vector<16xf32>
        %mul3A_224 = arith.constant 1.280000e+02 : f32
        %mul3A_225 = vector.broadcast %mul3A_224 : f32 to vector<16xf32>
        %mul3A_226 = arith.mulf %add3A_180, %mul3A_225 : vector<16xf32>
        %add3A_227 = arith.addf %mul3A_223, %select_n3A_161 : vector<16xf32>
        %select_n3A_228 = arith.select %and3A_208, %add3A_227, %broadcast_in_dim3A_212 : vector<16xi1>, vector<16xf32>
        %convert_element_type3A_229 = arith.fptosi %select_n3A_228 : vector<16xf32> to vector<16xi32>
        %mul3A_230 = arith.constant 4 : i32
        %mul3A_231 = vector.broadcast %mul3A_230 : i32 to vector<16xi32>
        %mul3A_232 = arith.muli %convert_element_type3A_229, %mul3A_231 : vector<16xi32>
        %add3A_233 = arith.addf %mul3A_223, %add3A_177 : vector<16xf32>
        %select_n3A_234 = arith.select %and3A_209, %add3A_233, %broadcast_in_dim3A_212 : vector<16xi1>, vector<16xf32>
        %convert_element_type3A_235 = arith.fptosi %select_n3A_234 : vector<16xf32> to vector<16xi32>
        %mul3A_236 = arith.constant 4 : i32
        %mul3A_237 = vector.broadcast %mul3A_236 : i32 to vector<16xi32>
        %mul3A_238 = arith.muli %convert_element_type3A_235, %mul3A_237 : vector<16xi32>
        %add3A_239 = arith.addf %mul3A_226, %select_n3A_161 : vector<16xf32>
        %select_n3A_240 = arith.select %and3A_210, %add3A_239, %broadcast_in_dim3A_212 : vector<16xi1>, vector<16xf32>
        %convert_element_type3A_241 = arith.fptosi %select_n3A_240 : vector<16xf32> to vector<16xi32>
        %mul3A_242 = arith.constant 4 : i32
        %mul3A_243 = vector.broadcast %mul3A_242 : i32 to vector<16xi32>
        %mul3A_244 = arith.muli %convert_element_type3A_241, %mul3A_243 : vector<16xi32>
        %add3A_245 = arith.addf %mul3A_226, %add3A_177 : vector<16xf32>
        %select_n3A_246 = arith.select %and3A_211, %add3A_245, %broadcast_in_dim3A_212 : vector<16xi1>, vector<16xf32>
        %convert_element_type3A_247 = arith.fptosi %select_n3A_246 : vector<16xf32> to vector<16xi32>
        %mul3A_248 = arith.constant 4 : i32
        %mul3A_249 = vector.broadcast %mul3A_248 : i32 to vector<16xi32>
        %mul3A_250 = arith.muli %convert_element_type3A_247, %mul3A_249 : vector<16xi32>
        %mul3A_251 = arith.constant 16 : i32
        %mul3A_252 = arith.muli %add3A_133, %mul3A_251 : i32
        %add3A_253 = vector.broadcast %mul3A_252 : i32 to vector<16xi32>
        %add3A_254 = arith.addi %add3A_253, %iota3A : vector<16xi32>
        %mul3A_255 = arith.constant 8 : i32
        %mul3A_256 = vector.broadcast %mul3A_255 : i32 to vector<16xi32>
        %mul3A_257 = arith.muli %add3A_254, %mul3A_256 : vector<16xi32>
        %add3A_258 = arith.constant 0 : i32
        %add3A_259 = vector.broadcast %add3A_258 : i32 to vector<16xi32>
        %add3A_260 = arith.addi %mul3A_232, %add3A_259 : vector<16xi32>
        %gather3A = tpu.vector_load_idx %arg6[%add3A_260] : memref<65536xi32, #tpu.memory_space<vmem>>[vector<16xi32>], vector<16xi32>,
        %bitcast3A = vector.bitcast %gather3A : vector<16xi32> to vector<32xbf16>
        %unpack3A = tpu.unpack_subelements %bitcast3A, 0 {pack_format = #tpu.pack_format<interleaved>} : vector<32xbf16> -> vector<16xf32>
        %unpack3A_261 = tpu.unpack_subelements %bitcast3A, 1 {pack_format = #tpu.pack_format<interleaved>} : vector<32xbf16> -> vector<16xf32>
        %mul3A_262 = arith.mulf %select_n3A_214, %unpack3A : vector<16xf32>
        %add3A_263 = arith.addf %broadcast_in_dim3A_212, %mul3A_262 : vector<16xf32>
        %mul3A_264 = arith.mulf %select_n3A_214, %unpack3A_261 : vector<16xf32>
        %add3A_265 = arith.addf %broadcast_in_dim3A_212, %mul3A_264 : vector<16xf32>
        %add3A_266 = arith.constant 0 : i32
        %add3A_267 = vector.broadcast %add3A_266 : i32 to vector<16xi32>
        %add3A_268 = arith.addi %mul3A_238, %add3A_267 : vector<16xi32>
        %gather3A_269 = tpu.vector_load_idx %arg6[%add3A_268] : memref<65536xi32, #tpu.memory_space<vmem>>[vector<16xi32>], vector<16xi32>,
        %bitcast3A_270 = vector.bitcast %gather3A_269 : vector<16xi32> to vector<32xbf16>
        %unpack3A_271 = tpu.unpack_subelements %bitcast3A_270, 0 {pack_format = #tpu.pack_format<interleaved>} : vector<32xbf16> -> vector<16xf32>
        %unpack3A_272 = tpu.unpack_subelements %bitcast3A_270, 1 {pack_format = #tpu.pack_format<interleaved>} : vector<32xbf16> -> vector<16xf32>
        %mul3A_273 = arith.mulf %select_n3A_216, %unpack3A_271 : vector<16xf32>
        %add3A_274 = arith.addf %add3A_263, %mul3A_273 : vector<16xf32>
        %mul3A_275 = arith.mulf %select_n3A_216, %unpack3A_272 : vector<16xf32>
        %add3A_276 = arith.addf %add3A_265, %mul3A_275 : vector<16xf32>
        %add3A_277 = arith.constant 0 : i32
        %add3A_278 = vector.broadcast %add3A_277 : i32 to vector<16xi32>
        %add3A_279 = arith.addi %mul3A_244, %add3A_278 : vector<16xi32>
        %gather3A_280 = tpu.vector_load_idx %arg6[%add3A_279] : memref<65536xi32, #tpu.memory_space<vmem>>[vector<16xi32>], vector<16xi32>,
        %bitcast3A_281 = vector.bitcast %gather3A_280 : vector<16xi32> to vector<32xbf16>
        %unpack3A_282 = tpu.unpack_subelements %bitcast3A_281, 0 {pack_format = #tpu.pack_format<interleaved>} : vector<32xbf16> -> vector<16xf32>
        %unpack3A_283 = tpu.unpack_subelements %bitcast3A_281, 1 {pack_format = #tpu.pack_format<interleaved>} : vector<32xbf16> -> vector<16xf32>
        %mul3A_284 = arith.mulf %select_n3A_218, %unpack3A_282 : vector<16xf32>
        %add3A_285 = arith.addf %add3A_274, %mul3A_284 : vector<16xf32>
        %mul3A_286 = arith.mulf %select_n3A_218, %unpack3A_283 : vector<16xf32>
        %add3A_287 = arith.addf %add3A_276, %mul3A_286 : vector<16xf32>
        %add3A_288 = arith.constant 0 : i32
        %add3A_289 = vector.broadcast %add3A_288 : i32 to vector<16xi32>
        %add3A_290 = arith.addi %mul3A_250, %add3A_289 : vector<16xi32>
        %gather3A_291 = tpu.vector_load_idx %arg6[%add3A_290] : memref<65536xi32, #tpu.memory_space<vmem>>[vector<16xi32>], vector<16xi32>,
        %bitcast3A_292 = vector.bitcast %gather3A_291 : vector<16xi32> to vector<32xbf16>
        %unpack3A_293 = tpu.unpack_subelements %bitcast3A_292, 0 {pack_format = #tpu.pack_format<interleaved>} : vector<32xbf16> -> vector<16xf32>
        %unpack3A_294 = tpu.unpack_subelements %bitcast3A_292, 1 {pack_format = #tpu.pack_format<interleaved>} : vector<32xbf16> -> vector<16xf32>
        %mul3A_295 = arith.mulf %select_n3A_220, %unpack3A_293 : vector<16xf32>
        %add3A_296 = arith.addf %add3A_285, %mul3A_295 : vector<16xf32>
        %mul3A_297 = arith.mulf %select_n3A_220, %unpack3A_294 : vector<16xf32>
        %add3A_298 = arith.addf %add3A_287, %mul3A_297 : vector<16xf32>
        %add3A_299 = arith.constant 0 : i32
        %add3A_300 = vector.broadcast %add3A_299 : i32 to vector<16xi32>
        %add3A_301 = arith.addi %mul3A_257, %add3A_300 : vector<16xi32>
        tpu.vector_store_idx %arg11[%add3A_301], %add3A_296 : memref<8192xf32, #tpu.memory_space<vmem>>[vector<16xi32>], vector<16xf32>,
        %add3A_302 = arith.constant 0 : i32
        %add3A_303 = vector.broadcast %add3A_302 : i32 to vector<16xi32>
        %add3A_304 = arith.addi %mul3A_257, %add3A_303 : vector<16xi32>
        %add3A_305 = arith.constant 1 : i32
        %add3A_306 = vector.broadcast %add3A_305 : i32 to vector<16xi32>
        %add3A_307 = arith.addi %add3A_304, %add3A_306 : vector<16xi32>
        tpu.vector_store_idx %arg11[%add3A_307], %add3A_298 : memref<8192xf32, #tpu.memory_space<vmem>>[vector<16xi32>], vector<16xf32>,
        %add3A_308 = arith.constant 1 : i32
        %add3A_309 = vector.broadcast %add3A_308 : i32 to vector<16xi32>
        %add3A_310 = arith.addi %mul3A_232, %add3A_309 : vector<16xi32>
        %gather3A_311 = tpu.vector_load_idx %arg6[%add3A_310] : memref<65536xi32, #tpu.memory_space<vmem>>[vector<16xi32>], vector<16xi32>,
        %bitcast3A_312 = vector.bitcast %gather3A_311 : vector<16xi32> to vector<32xbf16>
        %unpack3A_313 = tpu.unpack_subelements %bitcast3A_312, 0 {pack_format = #tpu.pack_format<interleaved>} : vector<32xbf16> -> vector<16xf32>
        %unpack3A_314 = tpu.unpack_subelements %bitcast3A_312, 1 {pack_format = #tpu.pack_format<interleaved>} : vector<32xbf16> -> vector<16xf32>
        %mul3A_315 = arith.mulf %select_n3A_214, %unpack3A_313 : vector<16xf32>
        %add3A_316 = arith.addf %broadcast_in_dim3A_212, %mul3A_315 : vector<16xf32>
        %mul3A_317 = arith.mulf %select_n3A_214, %unpack3A_314 : vector<16xf32>
        %add3A_318 = arith.addf %broadcast_in_dim3A_212, %mul3A_317 : vector<16xf32>
        %add3A_319 = arith.constant 1 : i32
        %add3A_320 = vector.broadcast %add3A_319 : i32 to vector<16xi32>
        %add3A_321 = arith.addi %mul3A_238, %add3A_320 : vector<16xi32>
        %gather3A_322 = tpu.vector_load_idx %arg6[%add3A_321] : memref<65536xi32, #tpu.memory_space<vmem>>[vector<16xi32>], vector<16xi32>,
        %bitcast3A_323 = vector.bitcast %gather3A_322 : vector<16xi32> to vector<32xbf16>
        %unpack3A_324 = tpu.unpack_subelements %bitcast3A_323, 0 {pack_format = #tpu.pack_format<interleaved>} : vector<32xbf16> -> vector<16xf32>
        %unpack3A_325 = tpu.unpack_subelements %bitcast3A_323, 1 {pack_format = #tpu.pack_format<interleaved>} : vector<32xbf16> -> vector<16xf32>
        %mul3A_326 = arith.mulf %select_n3A_216, %unpack3A_324 : vector<16xf32>
        %add3A_327 = arith.addf %add3A_316, %mul3A_326 : vector<16xf32>
        %mul3A_328 = arith.mulf %select_n3A_216, %unpack3A_325 : vector<16xf32>
        %add3A_329 = arith.addf %add3A_318, %mul3A_328 : vector<16xf32>
        %add3A_330 = arith.constant 1 : i32
        %add3A_331 = vector.broadcast %add3A_330 : i32 to vector<16xi32>
        %add3A_332 = arith.addi %mul3A_244, %add3A_331 : vector<16xi32>
        %gather3A_333 = tpu.vector_load_idx %arg6[%add3A_332] : memref<65536xi32, #tpu.memory_space<vmem>>[vector<16xi32>], vector<16xi32>,
        %bitcast3A_334 = vector.bitcast %gather3A_333 : vector<16xi32> to vector<32xbf16>
        %unpack3A_335 = tpu.unpack_subelements %bitcast3A_334, 0 {pack_format = #tpu.pack_format<interleaved>} : vector<32xbf16> -> vector<16xf32>
        %unpack3A_336 = tpu.unpack_subelements %bitcast3A_334, 1 {pack_format = #tpu.pack_format<interleaved>} : vector<32xbf16> -> vector<16xf32>
        %mul3A_337 = arith.mulf %select_n3A_218, %unpack3A_335 : vector<16xf32>
        %add3A_338 = arith.addf %add3A_327, %mul3A_337 : vector<16xf32>
        %mul3A_339 = arith.mulf %select_n3A_218, %unpack3A_336 : vector<16xf32>
        %add3A_340 = arith.addf %add3A_329, %mul3A_339 : vector<16xf32>
        %add3A_341 = arith.constant 1 : i32
        %add3A_342 = vector.broadcast %add3A_341 : i32 to vector<16xi32>
        %add3A_343 = arith.addi %mul3A_250, %add3A_342 : vector<16xi32>
        %gather3A_344 = tpu.vector_load_idx %arg6[%add3A_343] : memref<65536xi32, #tpu.memory_space<vmem>>[vector<16xi32>], vector<16xi32>,
        %bitcast3A_345 = vector.bitcast %gather3A_344 : vector<16xi32> to vector<32xbf16>
        %unpack3A_346 = tpu.unpack_subelements %bitcast3A_345, 0 {pack_format = #tpu.pack_format<interleaved>} : vector<32xbf16> -> vector<16xf32>
        %unpack3A_347 = tpu.unpack_subelements %bitcast3A_345, 1 {pack_format = #tpu.pack_format<interleaved>} : vector<32xbf16> -> vector<16xf32>
        %mul3A_348 = arith.mulf %select_n3A_220, %unpack3A_346 : vector<16xf32>
        %add3A_349 = arith.addf %add3A_338, %mul3A_348 : vector<16xf32>
        %mul3A_350 = arith.mulf %select_n3A_220, %unpack3A_347 : vector<16xf32>
        %add3A_351 = arith.addf %add3A_340, %mul3A_350 : vector<16xf32>
        %add3A_352 = arith.constant 2 : i32
        %add3A_353 = vector.broadcast %add3A_352 : i32 to vector<16xi32>
        %add3A_354 = arith.addi %mul3A_257, %add3A_353 : vector<16xi32>
        tpu.vector_store_idx %arg11[%add3A_354], %add3A_349 : memref<8192xf32, #tpu.memory_space<vmem>>[vector<16xi32>], vector<16xf32>,
        %add3A_355 = arith.constant 2 : i32
        %add3A_356 = vector.broadcast %add3A_355 : i32 to vector<16xi32>
        %add3A_357 = arith.addi %mul3A_257, %add3A_356 : vector<16xi32>
        %add3A_358 = arith.constant 1 : i32
        %add3A_359 = vector.broadcast %add3A_358 : i32 to vector<16xi32>
        %add3A_360 = arith.addi %add3A_357, %add3A_359 : vector<16xi32>
        tpu.vector_store_idx %arg11[%add3A_360], %add3A_351 : memref<8192xf32, #tpu.memory_space<vmem>>[vector<16xi32>], vector<16xf32>,
        %add3A_361 = arith.constant 2 : i32
        %add3A_362 = vector.broadcast %add3A_361 : i32 to vector<16xi32>
        %add3A_363 = arith.addi %mul3A_232, %add3A_362 : vector<16xi32>
        %gather3A_364 = tpu.vector_load_idx %arg6[%add3A_363] : memref<65536xi32, #tpu.memory_space<vmem>>[vector<16xi32>], vector<16xi32>,
        %bitcast3A_365 = vector.bitcast %gather3A_364 : vector<16xi32> to vector<32xbf16>
        %unpack3A_366 = tpu.unpack_subelements %bitcast3A_365, 0 {pack_format = #tpu.pack_format<interleaved>} : vector<32xbf16> -> vector<16xf32>
        %unpack3A_367 = tpu.unpack_subelements %bitcast3A_365, 1 {pack_format = #tpu.pack_format<interleaved>} : vector<32xbf16> -> vector<16xf32>
        %mul3A_368 = arith.mulf %select_n3A_214, %unpack3A_366 : vector<16xf32>
        %add3A_369 = arith.addf %broadcast_in_dim3A_212, %mul3A_368 : vector<16xf32>
        %mul3A_370 = arith.mulf %select_n3A_214, %unpack3A_367 : vector<16xf32>
        %add3A_371 = arith.addf %broadcast_in_dim3A_212, %mul3A_370 : vector<16xf32>
        %add3A_372 = arith.constant 2 : i32
        %add3A_373 = vector.broadcast %add3A_372 : i32 to vector<16xi32>
        %add3A_374 = arith.addi %mul3A_238, %add3A_373 : vector<16xi32>
        %gather3A_375 = tpu.vector_load_idx %arg6[%add3A_374] : memref<65536xi32, #tpu.memory_space<vmem>>[vector<16xi32>], vector<16xi32>,
        %bitcast3A_376 = vector.bitcast %gather3A_375 : vector<16xi32> to vector<32xbf16>
        %unpack3A_377 = tpu.unpack_subelements %bitcast3A_376, 0 {pack_format = #tpu.pack_format<interleaved>} : vector<32xbf16> -> vector<16xf32>
        %unpack3A_378 = tpu.unpack_subelements %bitcast3A_376, 1 {pack_format = #tpu.pack_format<interleaved>} : vector<32xbf16> -> vector<16xf32>
        %mul3A_379 = arith.mulf %select_n3A_216, %unpack3A_377 : vector<16xf32>
        %add3A_380 = arith.addf %add3A_369, %mul3A_379 : vector<16xf32>
        %mul3A_381 = arith.mulf %select_n3A_216, %unpack3A_378 : vector<16xf32>
        %add3A_382 = arith.addf %add3A_371, %mul3A_381 : vector<16xf32>
        %add3A_383 = arith.constant 2 : i32
        %add3A_384 = vector.broadcast %add3A_383 : i32 to vector<16xi32>
        %add3A_385 = arith.addi %mul3A_244, %add3A_384 : vector<16xi32>
        %gather3A_386 = tpu.vector_load_idx %arg6[%add3A_385] : memref<65536xi32, #tpu.memory_space<vmem>>[vector<16xi32>], vector<16xi32>,
        %bitcast3A_387 = vector.bitcast %gather3A_386 : vector<16xi32> to vector<32xbf16>
        %unpack3A_388 = tpu.unpack_subelements %bitcast3A_387, 0 {pack_format = #tpu.pack_format<interleaved>} : vector<32xbf16> -> vector<16xf32>
        %unpack3A_389 = tpu.unpack_subelements %bitcast3A_387, 1 {pack_format = #tpu.pack_format<interleaved>} : vector<32xbf16> -> vector<16xf32>
        %mul3A_390 = arith.mulf %select_n3A_218, %unpack3A_388 : vector<16xf32>
        %add3A_391 = arith.addf %add3A_380, %mul3A_390 : vector<16xf32>
        %mul3A_392 = arith.mulf %select_n3A_218, %unpack3A_389 : vector<16xf32>
        %add3A_393 = arith.addf %add3A_382, %mul3A_392 : vector<16xf32>
        %add3A_394 = arith.constant 2 : i32
        %add3A_395 = vector.broadcast %add3A_394 : i32 to vector<16xi32>
        %add3A_396 = arith.addi %mul3A_250, %add3A_395 : vector<16xi32>
        %gather3A_397 = tpu.vector_load_idx %arg6[%add3A_396] : memref<65536xi32, #tpu.memory_space<vmem>>[vector<16xi32>], vector<16xi32>,
        %bitcast3A_398 = vector.bitcast %gather3A_397 : vector<16xi32> to vector<32xbf16>
        %unpack3A_399 = tpu.unpack_subelements %bitcast3A_398, 0 {pack_format = #tpu.pack_format<interleaved>} : vector<32xbf16> -> vector<16xf32>
        %unpack3A_400 = tpu.unpack_subelements %bitcast3A_398, 1 {pack_format = #tpu.pack_format<interleaved>} : vector<32xbf16> -> vector<16xf32>
        %mul3A_401 = arith.mulf %select_n3A_220, %unpack3A_399 : vector<16xf32>
        %add3A_402 = arith.addf %add3A_391, %mul3A_401 : vector<16xf32>
        %mul3A_403 = arith.mulf %select_n3A_220, %unpack3A_400 : vector<16xf32>
        %add3A_404 = arith.addf %add3A_393, %mul3A_403 : vector<16xf32>
        %add3A_405 = arith.constant 4 : i32
        %add3A_406 = vector.broadcast %add3A_405 : i32 to vector<16xi32>
        %add3A_407 = arith.addi %mul3A_257, %add3A_406 : vector<16xi32>
        tpu.vector_store_idx %arg11[%add3A_407], %add3A_402 : memref<8192xf32, #tpu.memory_space<vmem>>[vector<16xi32>], vector<16xf32>,
        %add3A_408 = arith.constant 4 : i32
        %add3A_409 = vector.broadcast %add3A_408 : i32 to vector<16xi32>
        %add3A_410 = arith.addi %mul3A_257, %add3A_409 : vector<16xi32>
        %add3A_411 = arith.constant 1 : i32
        %add3A_412 = vector.broadcast %add3A_411 : i32 to vector<16xi32>
        %add3A_413 = arith.addi %add3A_410, %add3A_412 : vector<16xi32>
        tpu.vector_store_idx %arg11[%add3A_413], %add3A_404 : memref<8192xf32, #tpu.memory_space<vmem>>[vector<16xi32>], vector<16xf32>,
        %add3A_414 = arith.constant 3 : i32
        %add3A_415 = vector.broadcast %add3A_414 : i32 to vector<16xi32>
        %add3A_416 = arith.addi %mul3A_232, %add3A_415 : vector<16xi32>
        %gather3A_417 = tpu.vector_load_idx %arg6[%add3A_416] : memref<65536xi32, #tpu.memory_space<vmem>>[vector<16xi32>], vector<16xi32>,
        %bitcast3A_418 = vector.bitcast %gather3A_417 : vector<16xi32> to vector<32xbf16>
        %unpack3A_419 = tpu.unpack_subelements %bitcast3A_418, 0 {pack_format = #tpu.pack_format<interleaved>} : vector<32xbf16> -> vector<16xf32>
        %unpack3A_420 = tpu.unpack_subelements %bitcast3A_418, 1 {pack_format = #tpu.pack_format<interleaved>} : vector<32xbf16> -> vector<16xf32>
        %mul3A_421 = arith.mulf %select_n3A_214, %unpack3A_419 : vector<16xf32>
        %add3A_422 = arith.addf %broadcast_in_dim3A_212, %mul3A_421 : vector<16xf32>
        %mul3A_423 = arith.mulf %select_n3A_214, %unpack3A_420 : vector<16xf32>
        %add3A_424 = arith.addf %broadcast_in_dim3A_212, %mul3A_423 : vector<16xf32>
        %add3A_425 = arith.constant 3 : i32
        %add3A_426 = vector.broadcast %add3A_425 : i32 to vector<16xi32>
        %add3A_427 = arith.addi %mul3A_238, %add3A_426 : vector<16xi32>
        %gather3A_428 = tpu.vector_load_idx %arg6[%add3A_427] : memref<65536xi32, #tpu.memory_space<vmem>>[vector<16xi32>], vector<16xi32>,
        %bitcast3A_429 = vector.bitcast %gather3A_428 : vector<16xi32> to vector<32xbf16>
        %unpack3A_430 = tpu.unpack_subelements %bitcast3A_429, 0 {pack_format = #tpu.pack_format<interleaved>} : vector<32xbf16> -> vector<16xf32>
        %unpack3A_431 = tpu.unpack_subelements %bitcast3A_429, 1 {pack_format = #tpu.pack_format<interleaved>} : vector<32xbf16> -> vector<16xf32>
        %mul3A_432 = arith.mulf %select_n3A_216, %unpack3A_430 : vector<16xf32>
        %add3A_433 = arith.addf %add3A_422, %mul3A_432 : vector<16xf32>
        %mul3A_434 = arith.mulf %select_n3A_216, %unpack3A_431 : vector<16xf32>
        %add3A_435 = arith.addf %add3A_424, %mul3A_434 : vector<16xf32>
        %add3A_436 = arith.constant 3 : i32
        %add3A_437 = vector.broadcast %add3A_436 : i32 to vector<16xi32>
        %add3A_438 = arith.addi %mul3A_244, %add3A_437 : vector<16xi32>
        %gather3A_439 = tpu.vector_load_idx %arg6[%add3A_438] : memref<65536xi32, #tpu.memory_space<vmem>>[vector<16xi32>], vector<16xi32>,
        %bitcast3A_440 = vector.bitcast %gather3A_439 : vector<16xi32> to vector<32xbf16>
        %unpack3A_441 = tpu.unpack_subelements %bitcast3A_440, 0 {pack_format = #tpu.pack_format<interleaved>} : vector<32xbf16> -> vector<16xf32>
        %unpack3A_442 = tpu.unpack_subelements %bitcast3A_440, 1 {pack_format = #tpu.pack_format<interleaved>} : vector<32xbf16> -> vector<16xf32>
        %mul3A_443 = arith.mulf %select_n3A_218, %unpack3A_441 : vector<16xf32>
        %add3A_444 = arith.addf %add3A_433, %mul3A_443 : vector<16xf32>
        %mul3A_445 = arith.mulf %select_n3A_218, %unpack3A_442 : vector<16xf32>
        %add3A_446 = arith.addf %add3A_435, %mul3A_445 : vector<16xf32>
        %add3A_447 = arith.constant 3 : i32
        %add3A_448 = vector.broadcast %add3A_447 : i32 to vector<16xi32>
        %add3A_449 = arith.addi %mul3A_250, %add3A_448 : vector<16xi32>
        %gather3A_450 = tpu.vector_load_idx %arg6[%add3A_449] : memref<65536xi32, #tpu.memory_space<vmem>>[vector<16xi32>], vector<16xi32>,
        %bitcast3A_451 = vector.bitcast %gather3A_450 : vector<16xi32> to vector<32xbf16>
        %unpack3A_452 = tpu.unpack_subelements %bitcast3A_451, 0 {pack_format = #tpu.pack_format<interleaved>} : vector<32xbf16> -> vector<16xf32>
        %unpack3A_453 = tpu.unpack_subelements %bitcast3A_451, 1 {pack_format = #tpu.pack_format<interleaved>} : vector<32xbf16> -> vector<16xf32>
        %mul3A_454 = arith.mulf %select_n3A_220, %unpack3A_452 : vector<16xf32>
        %add3A_455 = arith.addf %add3A_444, %mul3A_454 : vector<16xf32>
        %mul3A_456 = arith.mulf %select_n3A_220, %unpack3A_453 : vector<16xf32>
        %add3A_457 = arith.addf %add3A_446, %mul3A_456 : vector<16xf32>
        %add3A_458 = arith.constant 6 : i32
        %add3A_459 = vector.broadcast %add3A_458 : i32 to vector<16xi32>
        %add3A_460 = arith.addi %mul3A_257, %add3A_459 : vector<16xi32>
        tpu.vector_store_idx %arg11[%add3A_460], %add3A_455 : memref<8192xf32, #tpu.memory_space<vmem>>[vector<16xi32>], vector<16xf32>,
        %add3A_461 = arith.constant 6 : i32
        %add3A_462 = vector.broadcast %add3A_461 : i32 to vector<16xi32>
        %add3A_463 = arith.addi %mul3A_257, %add3A_462 : vector<16xi32>
        %add3A_464 = arith.constant 1 : i32
        %add3A_465 = vector.broadcast %add3A_464 : i32 to vector<16xi32>
        %add3A_466 = arith.addi %add3A_463, %add3A_465 : vector<16xi32>
        tpu.vector_store_idx %arg11[%add3A_466], %add3A_457 : memref<8192xf32, #tpu.memory_space<vmem>>[vector<16xi32>], vector<16xf32>,
        %scan3A_467 = arith.constant 1 : i32
        %scan3A_468 = arith.addi %scan3A_129, %scan3A_467 : i32
        %mul3A_469 = arith.constant 1 : i32
        %mul3A_470 = arith.muli %scan3A_468, %mul3A_469 : i32
        %add3A_471 = arith.constant 0 : i32
        %add3A_472 = arith.addi %add3A_471, %mul3A_470 : i32
        %mul3A_473 = arith.constant 16 : i32
        %mul3A_474 = arith.muli %add3A_472, %mul3A_473 : i32
        %get3A_475 = arith.index_cast %mul3A_474 : i32 to index
        %get3A_476 = tpu.vector_load %arg7[%get3A_475] {strides = array<i32>} : memref<1024xf32, #tpu.memory_space<vmem>>, vector<16xf32>,
        %mul3A_477 = arith.constant 16 : i32
        %mul3A_478 = arith.muli %add3A_472, %mul3A_477 : i32
        %get3A_479 = arith.index_cast %mul3A_478 : i32 to index
        %get3A_480 = tpu.vector_load %arg9[%get3A_479] {strides = array<i32>} : memref<1024xf32, #tpu.memory_space<vmem>>, vector<16xf32>,
        %mul3A_481 = arith.constant 6.400000e+01 : f32
        %mul3A_482 = vector.broadcast %mul3A_481 : f32 to vector<16xf32>
        %mul3A_483 = arith.mulf %get3A_476, %mul3A_482 : vector<16xf32>
        %add3A_484 = arith.constant 6.350000e+01 : f32
        %add3A_485 = vector.broadcast %add3A_484 : f32 to vector<16xf32>
        %add3A_486 = arith.addf %mul3A_483, %add3A_485 : vector<16xf32>
        %mul3A_487 = arith.constant 6.400000e+01 : f32
        %mul3A_488 = vector.broadcast %mul3A_487 : f32 to vector<16xf32>
        %mul3A_489 = arith.mulf %get3A_480, %mul3A_488 : vector<16xf32>
        %add3A_490 = arith.constant 6.350000e+01 : f32
        %add3A_491 = vector.broadcast %add3A_490 : f32 to vector<16xf32>
        %add3A_492 = arith.addf %mul3A_489, %add3A_491 : vector<16xf32>
        %convert_element_type3A_493 = arith.fptosi %add3A_486 : vector<16xf32> to vector<16xi32>
        %convert_element_type3A_494 = arith.sitofp %convert_element_type3A_493 : vector<16xi32> to vector<16xf32>
        %convert_element_type3A_495 = arith.fptosi %add3A_492 : vector<16xf32> to vector<16xi32>
        %convert_element_type3A_496 = arith.sitofp %convert_element_type3A_495 : vector<16xi32> to vector<16xf32>
        %lt3A_497 = arith.cmpf olt, %add3A_486, %convert_element_type3A_494 : vector<16xf32>
        %sub3A_498 = arith.constant 1.000000e+00 : f32
        %sub3A_499 = vector.broadcast %sub3A_498 : f32 to vector<16xf32>
        %sub3A_500 = arith.subf %convert_element_type3A_494, %sub3A_499 : vector<16xf32>
        %select_n3A_501 = arith.select %lt3A_497, %sub3A_500, %convert_element_type3A_494 : vector<16xi1>, vector<16xf32>
        %lt3A_502 = arith.cmpf olt, %add3A_492, %convert_element_type3A_496 : vector<16xf32>
        %sub3A_503 = arith.constant 1.000000e+00 : f32
        %sub3A_504 = vector.broadcast %sub3A_503 : f32 to vector<16xf32>
        %sub3A_505 = arith.subf %convert_element_type3A_496, %sub3A_504 : vector<16xf32>
        %select_n3A_506 = arith.select %lt3A_502, %sub3A_505, %convert_element_type3A_496 : vector<16xi1>, vector<16xf32>
        %sub3A_507 = arith.subf %add3A_486, %select_n3A_501 : vector<16xf32>
        %sub3A_508 = arith.subf %add3A_492, %select_n3A_506 : vector<16xf32>
        %sub3A_509 = arith.constant 1.000000e+00 : f32
        %sub3A_510 = vector.broadcast %sub3A_509 : f32 to vector<16xf32>
        %sub3A_511 = arith.subf %sub3A_510, %sub3A_507 : vector<16xf32>
        %sub3A_512 = arith.constant 1.000000e+00 : f32
        %sub3A_513 = vector.broadcast %sub3A_512 : f32 to vector<16xf32>
        %sub3A_514 = arith.subf %sub3A_513, %sub3A_508 : vector<16xf32>
        %add3A_515 = arith.constant 1.000000e+00 : f32
        %add3A_516 = vector.broadcast %add3A_515 : f32 to vector<16xf32>
        %add3A_517 = arith.addf %select_n3A_501, %add3A_516 : vector<16xf32>
        %add3A_518 = arith.constant 1.000000e+00 : f32
        %add3A_519 = vector.broadcast %add3A_518 : f32 to vector<16xf32>
        %add3A_520 = arith.addf %select_n3A_506, %add3A_519 : vector<16xf32>
        %gt3A_521 = arith.constant -1.000000e+00 : f32
        %gt3A_522 = vector.broadcast %gt3A_521 : f32 to vector<16xf32>
        %gt3A_523 = arith.cmpf ogt, %select_n3A_501, %gt3A_522 : vector<16xf32>
        %lt3A_524 = arith.constant 1.280000e+02 : f32
        %lt3A_525 = vector.broadcast %lt3A_524 : f32 to vector<16xf32>
        %lt3A_526 = arith.cmpf olt, %select_n3A_501, %lt3A_525 : vector<16xf32>
        %and3A_527 = arith.andi %gt3A_523, %lt3A_526 : vector<16xi1>
        %gt3A_528 = arith.constant -1.000000e+00 : f32
        %gt3A_529 = vector.broadcast %gt3A_528 : f32 to vector<16xf32>
        %gt3A_530 = arith.cmpf ogt, %add3A_517, %gt3A_529 : vector<16xf32>
        %lt3A_531 = arith.constant 1.280000e+02 : f32
        %lt3A_532 = vector.broadcast %lt3A_531 : f32 to vector<16xf32>
        %lt3A_533 = arith.cmpf olt, %add3A_517, %lt3A_532 : vector<16xf32>
        %and3A_534 = arith.andi %gt3A_530, %lt3A_533 : vector<16xi1>
        %gt3A_535 = arith.constant -1.000000e+00 : f32
        %gt3A_536 = vector.broadcast %gt3A_535 : f32 to vector<16xf32>
        %gt3A_537 = arith.cmpf ogt, %select_n3A_506, %gt3A_536 : vector<16xf32>
        %lt3A_538 = arith.constant 1.280000e+02 : f32
        %lt3A_539 = vector.broadcast %lt3A_538 : f32 to vector<16xf32>
        %lt3A_540 = arith.cmpf olt, %select_n3A_506, %lt3A_539 : vector<16xf32>
        %and3A_541 = arith.andi %gt3A_537, %lt3A_540 : vector<16xi1>
        %gt3A_542 = arith.constant -1.000000e+00 : f32
        %gt3A_543 = vector.broadcast %gt3A_542 : f32 to vector<16xf32>
        %gt3A_544 = arith.cmpf ogt, %add3A_520, %gt3A_543 : vector<16xf32>
        %lt3A_545 = arith.constant 1.280000e+02 : f32
        %lt3A_546 = vector.broadcast %lt3A_545 : f32 to vector<16xf32>
        %lt3A_547 = arith.cmpf olt, %add3A_520, %lt3A_546 : vector<16xf32>
        %and3A_548 = arith.andi %gt3A_544, %lt3A_547 : vector<16xi1>
        %and3A_549 = arith.andi %and3A_527, %and3A_541 : vector<16xi1>
        %and3A_550 = arith.andi %and3A_534, %and3A_541 : vector<16xi1>
        %and3A_551 = arith.andi %and3A_527, %and3A_548 : vector<16xi1>
        %and3A_552 = arith.andi %and3A_534, %and3A_548 : vector<16xi1>
        %broadcast_in_dim3A_553 = arith.constant 0.000000e+00 : f32
        %broadcast_in_dim3A_554 = vector.broadcast %broadcast_in_dim3A_553 : f32 to vector<16xf32>
        %mul3A_555 = arith.mulf %sub3A_514, %sub3A_511 : vector<16xf32>
        %select_n3A_556 = arith.select %and3A_549, %mul3A_555, %broadcast_in_dim3A_554 : vector<16xi1>, vector<16xf32>
        %mul3A_557 = arith.mulf %sub3A_514, %sub3A_507 : vector<16xf32>
        %select_n3A_558 = arith.select %and3A_550, %mul3A_557, %broadcast_in_dim3A_554 : vector<16xi1>, vector<16xf32>
        %mul3A_559 = arith.mulf %sub3A_508, %sub3A_511 : vector<16xf32>
        %select_n3A_560 = arith.select %and3A_551, %mul3A_559, %broadcast_in_dim3A_554 : vector<16xi1>, vector<16xf32>
        %mul3A_561 = arith.mulf %sub3A_508, %sub3A_507 : vector<16xf32>
        %select_n3A_562 = arith.select %and3A_552, %mul3A_561, %broadcast_in_dim3A_554 : vector<16xi1>, vector<16xf32>
        %mul3A_563 = arith.constant 1.280000e+02 : f32
        %mul3A_564 = vector.broadcast %mul3A_563 : f32 to vector<16xf32>
        %mul3A_565 = arith.mulf %select_n3A_506, %mul3A_564 : vector<16xf32>
        %mul3A_566 = arith.constant 1.280000e+02 : f32
        %mul3A_567 = vector.broadcast %mul3A_566 : f32 to vector<16xf32>
        %mul3A_568 = arith.mulf %add3A_520, %mul3A_567 : vector<16xf32>
        %add3A_569 = arith.addf %mul3A_565, %select_n3A_501 : vector<16xf32>
        %select_n3A_570 = arith.select %and3A_549, %add3A_569, %broadcast_in_dim3A_554 : vector<16xi1>, vector<16xf32>
        %convert_element_type3A_571 = arith.fptosi %select_n3A_570 : vector<16xf32> to vector<16xi32>
        %mul3A_572 = arith.constant 4 : i32
        %mul3A_573 = vector.broadcast %mul3A_572 : i32 to vector<16xi32>
        %mul3A_574 = arith.muli %convert_element_type3A_571, %mul3A_573 : vector<16xi32>
        %add3A_575 = arith.addf %mul3A_565, %add3A_517 : vector<16xf32>
        %select_n3A_576 = arith.select %and3A_550, %add3A_575, %broadcast_in_dim3A_554 : vector<16xi1>, vector<16xf32>
        %convert_element_type3A_577 = arith.fptosi %select_n3A_576 : vector<16xf32> to vector<16xi32>
        %mul3A_578 = arith.constant 4 : i32
        %mul3A_579 = vector.broadcast %mul3A_578 : i32 to vector<16xi32>
        %mul3A_580 = arith.muli %convert_element_type3A_577, %mul3A_579 : vector<16xi32>
        %add3A_581 = arith.addf %mul3A_568, %select_n3A_501 : vector<16xf32>
        %select_n3A_582 = arith.select %and3A_551, %add3A_581, %broadcast_in_dim3A_554 : vector<16xi1>, vector<16xf32>
        %convert_element_type3A_583 = arith.fptosi %select_n3A_582 : vector<16xf32> to vector<16xi32>
        %mul3A_584 = arith.constant 4 : i32
        %mul3A_585 = vector.broadcast %mul3A_584 : i32 to vector<16xi32>
        %mul3A_586 = arith.muli %convert_element_type3A_583, %mul3A_585 : vector<16xi32>
        %add3A_587 = arith.addf %mul3A_568, %add3A_517 : vector<16xf32>
        %select_n3A_588 = arith.select %and3A_552, %add3A_587, %broadcast_in_dim3A_554 : vector<16xi1>, vector<16xf32>
        %convert_element_type3A_589 = arith.fptosi %select_n3A_588 : vector<16xf32> to vector<16xi32>
        %mul3A_590 = arith.constant 4 : i32
        %mul3A_591 = vector.broadcast %mul3A_590 : i32 to vector<16xi32>
        %mul3A_592 = arith.muli %convert_element_type3A_589, %mul3A_591 : vector<16xi32>
        %mul3A_593 = arith.constant 16 : i32
        %mul3A_594 = arith.muli %add3A_472, %mul3A_593 : i32
        %add3A_595 = vector.broadcast %mul3A_594 : i32 to vector<16xi32>
        %add3A_596 = arith.addi %add3A_595, %iota3A : vector<16xi32>
        %mul3A_597 = arith.constant 8 : i32
        %mul3A_598 = vector.broadcast %mul3A_597 : i32 to vector<16xi32>
        %mul3A_599 = arith.muli %add3A_596, %mul3A_598 : vector<16xi32>
        %add3A_600 = arith.constant 0 : i32
        %add3A_601 = vector.broadcast %add3A_600 : i32 to vector<16xi32>
        %add3A_602 = arith.addi %mul3A_574, %add3A_601 : vector<16xi32>
        %gather3A_603 = tpu.vector_load_idx %arg6[%add3A_602] : memref<65536xi32, #tpu.memory_space<vmem>>[vector<16xi32>], vector<16xi32>,
        %bitcast3A_604 = vector.bitcast %gather3A_603 : vector<16xi32> to vector<32xbf16>
        %unpack3A_605 = tpu.unpack_subelements %bitcast3A_604, 0 {pack_format = #tpu.pack_format<interleaved>} : vector<32xbf16> -> vector<16xf32>
        %unpack3A_606 = tpu.unpack_subelements %bitcast3A_604, 1 {pack_format = #tpu.pack_format<interleaved>} : vector<32xbf16> -> vector<16xf32>
        %mul3A_607 = arith.mulf %select_n3A_556, %unpack3A_605 : vector<16xf32>
        %add3A_608 = arith.addf %broadcast_in_dim3A_554, %mul3A_607 : vector<16xf32>
        %mul3A_609 = arith.mulf %select_n3A_556, %unpack3A_606 : vector<16xf32>
        %add3A_610 = arith.addf %broadcast_in_dim3A_554, %mul3A_609 : vector<16xf32>
        %add3A_611 = arith.constant 0 : i32
        %add3A_612 = vector.broadcast %add3A_611 : i32 to vector<16xi32>
        %add3A_613 = arith.addi %mul3A_580, %add3A_612 : vector<16xi32>
        %gather3A_614 = tpu.vector_load_idx %arg6[%add3A_613] : memref<65536xi32, #tpu.memory_space<vmem>>[vector<16xi32>], vector<16xi32>,
        %bitcast3A_615 = vector.bitcast %gather3A_614 : vector<16xi32> to vector<32xbf16>
        %unpack3A_616 = tpu.unpack_subelements %bitcast3A_615, 0 {pack_format = #tpu.pack_format<interleaved>} : vector<32xbf16> -> vector<16xf32>
        %unpack3A_617 = tpu.unpack_subelements %bitcast3A_615, 1 {pack_format = #tpu.pack_format<interleaved>} : vector<32xbf16> -> vector<16xf32>
        %mul3A_618 = arith.mulf %select_n3A_558, %unpack3A_616 : vector<16xf32>
        %add3A_619 = arith.addf %add3A_608, %mul3A_618 : vector<16xf32>
        %mul3A_620 = arith.mulf %select_n3A_558, %unpack3A_617 : vector<16xf32>
        %add3A_621 = arith.addf %add3A_610, %mul3A_620 : vector<16xf32>
        %add3A_622 = arith.constant 0 : i32
        %add3A_623 = vector.broadcast %add3A_622 : i32 to vector<16xi32>
        %add3A_624 = arith.addi %mul3A_586, %add3A_623 : vector<16xi32>
        %gather3A_625 = tpu.vector_load_idx %arg6[%add3A_624] : memref<65536xi32, #tpu.memory_space<vmem>>[vector<16xi32>], vector<16xi32>,
        %bitcast3A_626 = vector.bitcast %gather3A_625 : vector<16xi32> to vector<32xbf16>
        %unpack3A_627 = tpu.unpack_subelements %bitcast3A_626, 0 {pack_format = #tpu.pack_format<interleaved>} : vector<32xbf16> -> vector<16xf32>
        %unpack3A_628 = tpu.unpack_subelements %bitcast3A_626, 1 {pack_format = #tpu.pack_format<interleaved>} : vector<32xbf16> -> vector<16xf32>
        %mul3A_629 = arith.mulf %select_n3A_560, %unpack3A_627 : vector<16xf32>
        %add3A_630 = arith.addf %add3A_619, %mul3A_629 : vector<16xf32>
        %mul3A_631 = arith.mulf %select_n3A_560, %unpack3A_628 : vector<16xf32>
        %add3A_632 = arith.addf %add3A_621, %mul3A_631 : vector<16xf32>
        %add3A_633 = arith.constant 0 : i32
        %add3A_634 = vector.broadcast %add3A_633 : i32 to vector<16xi32>
        %add3A_635 = arith.addi %mul3A_592, %add3A_634 : vector<16xi32>
        %gather3A_636 = tpu.vector_load_idx %arg6[%add3A_635] : memref<65536xi32, #tpu.memory_space<vmem>>[vector<16xi32>], vector<16xi32>,
        %bitcast3A_637 = vector.bitcast %gather3A_636 : vector<16xi32> to vector<32xbf16>
        %unpack3A_638 = tpu.unpack_subelements %bitcast3A_637, 0 {pack_format = #tpu.pack_format<interleaved>} : vector<32xbf16> -> vector<16xf32>
        %unpack3A_639 = tpu.unpack_subelements %bitcast3A_637, 1 {pack_format = #tpu.pack_format<interleaved>} : vector<32xbf16> -> vector<16xf32>
        %mul3A_640 = arith.mulf %select_n3A_562, %unpack3A_638 : vector<16xf32>
        %add3A_641 = arith.addf %add3A_630, %mul3A_640 : vector<16xf32>
        %mul3A_642 = arith.mulf %select_n3A_562, %unpack3A_639 : vector<16xf32>
        %add3A_643 = arith.addf %add3A_632, %mul3A_642 : vector<16xf32>
        %add3A_644 = arith.constant 0 : i32
        %add3A_645 = vector.broadcast %add3A_644 : i32 to vector<16xi32>
        %add3A_646 = arith.addi %mul3A_599, %add3A_645 : vector<16xi32>
        tpu.vector_store_idx %arg11[%add3A_646], %add3A_641 : memref<8192xf32, #tpu.memory_space<vmem>>[vector<16xi32>], vector<16xf32>,
        %add3A_647 = arith.constant 0 : i32
        %add3A_648 = vector.broadcast %add3A_647 : i32 to vector<16xi32>
        %add3A_649 = arith.addi %mul3A_599, %add3A_648 : vector<16xi32>
        %add3A_650 = arith.constant 1 : i32
        %add3A_651 = vector.broadcast %add3A_650 : i32 to vector<16xi32>
        %add3A_652 = arith.addi %add3A_649, %add3A_651 : vector<16xi32>
        tpu.vector_store_idx %arg11[%add3A_652], %add3A_643 : memref<8192xf32, #tpu.memory_space<vmem>>[vector<16xi32>], vector<16xf32>,
        %add3A_653 = arith.constant 1 : i32
        %add3A_654 = vector.broadcast %add3A_653 : i32 to vector<16xi32>
        %add3A_655 = arith.addi %mul3A_574, %add3A_654 : vector<16xi32>
        %gather3A_656 = tpu.vector_load_idx %arg6[%add3A_655] : memref<65536xi32, #tpu.memory_space<vmem>>[vector<16xi32>], vector<16xi32>,
        %bitcast3A_657 = vector.bitcast %gather3A_656 : vector<16xi32> to vector<32xbf16>
        %unpack3A_658 = tpu.unpack_subelements %bitcast3A_657, 0 {pack_format = #tpu.pack_format<interleaved>} : vector<32xbf16> -> vector<16xf32>
        %unpack3A_659 = tpu.unpack_subelements %bitcast3A_657, 1 {pack_format = #tpu.pack_format<interleaved>} : vector<32xbf16> -> vector<16xf32>
        %mul3A_660 = arith.mulf %select_n3A_556, %unpack3A_658 : vector<16xf32>
        %add3A_661 = arith.addf %broadcast_in_dim3A_554, %mul3A_660 : vector<16xf32>
        %mul3A_662 = arith.mulf %select_n3A_556, %unpack3A_659 : vector<16xf32>
        %add3A_663 = arith.addf %broadcast_in_dim3A_554, %mul3A_662 : vector<16xf32>
        %add3A_664 = arith.constant 1 : i32
        %add3A_665 = vector.broadcast %add3A_664 : i32 to vector<16xi32>
        %add3A_666 = arith.addi %mul3A_580, %add3A_665 : vector<16xi32>
        %gather3A_667 = tpu.vector_load_idx %arg6[%add3A_666] : memref<65536xi32, #tpu.memory_space<vmem>>[vector<16xi32>], vector<16xi32>,
        %bitcast3A_668 = vector.bitcast %gather3A_667 : vector<16xi32> to vector<32xbf16>
        %unpack3A_669 = tpu.unpack_subelements %bitcast3A_668, 0 {pack_format = #tpu.pack_format<interleaved>} : vector<32xbf16> -> vector<16xf32>
        %unpack3A_670 = tpu.unpack_subelements %bitcast3A_668, 1 {pack_format = #tpu.pack_format<interleaved>} : vector<32xbf16> -> vector<16xf32>
        %mul3A_671 = arith.mulf %select_n3A_558, %unpack3A_669 : vector<16xf32>
        %add3A_672 = arith.addf %add3A_661, %mul3A_671 : vector<16xf32>
        %mul3A_673 = arith.mulf %select_n3A_558, %unpack3A_670 : vector<16xf32>
        %add3A_674 = arith.addf %add3A_663, %mul3A_673 : vector<16xf32>
        %add3A_675 = arith.constant 1 : i32
        %add3A_676 = vector.broadcast %add3A_675 : i32 to vector<16xi32>
        %add3A_677 = arith.addi %mul3A_586, %add3A_676 : vector<16xi32>
        %gather3A_678 = tpu.vector_load_idx %arg6[%add3A_677] : memref<65536xi32, #tpu.memory_space<vmem>>[vector<16xi32>], vector<16xi32>,
        %bitcast3A_679 = vector.bitcast %gather3A_678 : vector<16xi32> to vector<32xbf16>
        %unpack3A_680 = tpu.unpack_subelements %bitcast3A_679, 0 {pack_format = #tpu.pack_format<interleaved>} : vector<32xbf16> -> vector<16xf32>
        %unpack3A_681 = tpu.unpack_subelements %bitcast3A_679, 1 {pack_format = #tpu.pack_format<interleaved>} : vector<32xbf16> -> vector<16xf32>
        %mul3A_682 = arith.mulf %select_n3A_560, %unpack3A_680 : vector<16xf32>
        %add3A_683 = arith.addf %add3A_672, %mul3A_682 : vector<16xf32>
        %mul3A_684 = arith.mulf %select_n3A_560, %unpack3A_681 : vector<16xf32>
        %add3A_685 = arith.addf %add3A_674, %mul3A_684 : vector<16xf32>
        %add3A_686 = arith.constant 1 : i32
        %add3A_687 = vector.broadcast %add3A_686 : i32 to vector<16xi32>
        %add3A_688 = arith.addi %mul3A_592, %add3A_687 : vector<16xi32>
        %gather3A_689 = tpu.vector_load_idx %arg6[%add3A_688] : memref<65536xi32, #tpu.memory_space<vmem>>[vector<16xi32>], vector<16xi32>,
        %bitcast3A_690 = vector.bitcast %gather3A_689 : vector<16xi32> to vector<32xbf16>
        %unpack3A_691 = tpu.unpack_subelements %bitcast3A_690, 0 {pack_format = #tpu.pack_format<interleaved>} : vector<32xbf16> -> vector<16xf32>
        %unpack3A_692 = tpu.unpack_subelements %bitcast3A_690, 1 {pack_format = #tpu.pack_format<interleaved>} : vector<32xbf16> -> vector<16xf32>
        %mul3A_693 = arith.mulf %select_n3A_562, %unpack3A_691 : vector<16xf32>
        %add3A_694 = arith.addf %add3A_683, %mul3A_693 : vector<16xf32>
        %mul3A_695 = arith.mulf %select_n3A_562, %unpack3A_692 : vector<16xf32>
        %add3A_696 = arith.addf %add3A_685, %mul3A_695 : vector<16xf32>
        %add3A_697 = arith.constant 2 : i32
        %add3A_698 = vector.broadcast %add3A_697 : i32 to vector<16xi32>
        %add3A_699 = arith.addi %mul3A_599, %add3A_698 : vector<16xi32>
        tpu.vector_store_idx %arg11[%add3A_699], %add3A_694 : memref<8192xf32, #tpu.memory_space<vmem>>[vector<16xi32>], vector<16xf32>,
        %add3A_700 = arith.constant 2 : i32
        %add3A_701 = vector.broadcast %add3A_700 : i32 to vector<16xi32>
        %add3A_702 = arith.addi %mul3A_599, %add3A_701 : vector<16xi32>
        %add3A_703 = arith.constant 1 : i32
        %add3A_704 = vector.broadcast %add3A_703 : i32 to vector<16xi32>
        %add3A_705 = arith.addi %add3A_702, %add3A_704 : vector<16xi32>
        tpu.vector_store_idx %arg11[%add3A_705], %add3A_696 : memref<8192xf32, #tpu.memory_space<vmem>>[vector<16xi32>], vector<16xf32>,
        %add3A_706 = arith.constant 2 : i32
        %add3A_707 = vector.broadcast %add3A_706 : i32 to vector<16xi32>
        %add3A_708 = arith.addi %mul3A_574, %add3A_707 : vector<16xi32>
        %gather3A_709 = tpu.vector_load_idx %arg6[%add3A_708] : memref<65536xi32, #tpu.memory_space<vmem>>[vector<16xi32>], vector<16xi32>,
        %bitcast3A_710 = vector.bitcast %gather3A_709 : vector<16xi32> to vector<32xbf16>
        %unpack3A_711 = tpu.unpack_subelements %bitcast3A_710, 0 {pack_format = #tpu.pack_format<interleaved>} : vector<32xbf16> -> vector<16xf32>
        %unpack3A_712 = tpu.unpack_subelements %bitcast3A_710, 1 {pack_format = #tpu.pack_format<interleaved>} : vector<32xbf16> -> vector<16xf32>
        %mul3A_713 = arith.mulf %select_n3A_556, %unpack3A_711 : vector<16xf32>
        %add3A_714 = arith.addf %broadcast_in_dim3A_554, %mul3A_713 : vector<16xf32>
        %mul3A_715 = arith.mulf %select_n3A_556, %unpack3A_712 : vector<16xf32>
        %add3A_716 = arith.addf %broadcast_in_dim3A_554, %mul3A_715 : vector<16xf32>
        %add3A_717 = arith.constant 2 : i32
        %add3A_718 = vector.broadcast %add3A_717 : i32 to vector<16xi32>
        %add3A_719 = arith.addi %mul3A_580, %add3A_718 : vector<16xi32>
        %gather3A_720 = tpu.vector_load_idx %arg6[%add3A_719] : memref<65536xi32, #tpu.memory_space<vmem>>[vector<16xi32>], vector<16xi32>,
        %bitcast3A_721 = vector.bitcast %gather3A_720 : vector<16xi32> to vector<32xbf16>
        %unpack3A_722 = tpu.unpack_subelements %bitcast3A_721, 0 {pack_format = #tpu.pack_format<interleaved>} : vector<32xbf16> -> vector<16xf32>
        %unpack3A_723 = tpu.unpack_subelements %bitcast3A_721, 1 {pack_format = #tpu.pack_format<interleaved>} : vector<32xbf16> -> vector<16xf32>
        %mul3A_724 = arith.mulf %select_n3A_558, %unpack3A_722 : vector<16xf32>
        %add3A_725 = arith.addf %add3A_714, %mul3A_724 : vector<16xf32>
        %mul3A_726 = arith.mulf %select_n3A_558, %unpack3A_723 : vector<16xf32>
        %add3A_727 = arith.addf %add3A_716, %mul3A_726 : vector<16xf32>
        %add3A_728 = arith.constant 2 : i32
        %add3A_729 = vector.broadcast %add3A_728 : i32 to vector<16xi32>
        %add3A_730 = arith.addi %mul3A_586, %add3A_729 : vector<16xi32>
        %gather3A_731 = tpu.vector_load_idx %arg6[%add3A_730] : memref<65536xi32, #tpu.memory_space<vmem>>[vector<16xi32>], vector<16xi32>,
        %bitcast3A_732 = vector.bitcast %gather3A_731 : vector<16xi32> to vector<32xbf16>
        %unpack3A_733 = tpu.unpack_subelements %bitcast3A_732, 0 {pack_format = #tpu.pack_format<interleaved>} : vector<32xbf16> -> vector<16xf32>
        %unpack3A_734 = tpu.unpack_subelements %bitcast3A_732, 1 {pack_format = #tpu.pack_format<interleaved>} : vector<32xbf16> -> vector<16xf32>
        %mul3A_735 = arith.mulf %select_n3A_560, %unpack3A_733 : vector<16xf32>
        %add3A_736 = arith.addf %add3A_725, %mul3A_735 : vector<16xf32>
        %mul3A_737 = arith.mulf %select_n3A_560, %unpack3A_734 : vector<16xf32>
        %add3A_738 = arith.addf %add3A_727, %mul3A_737 : vector<16xf32>
        %add3A_739 = arith.constant 2 : i32
        %add3A_740 = vector.broadcast %add3A_739 : i32 to vector<16xi32>
        %add3A_741 = arith.addi %mul3A_592, %add3A_740 : vector<16xi32>
        %gather3A_742 = tpu.vector_load_idx %arg6[%add3A_741] : memref<65536xi32, #tpu.memory_space<vmem>>[vector<16xi32>], vector<16xi32>,
        %bitcast3A_743 = vector.bitcast %gather3A_742 : vector<16xi32> to vector<32xbf16>
        %unpack3A_744 = tpu.unpack_subelements %bitcast3A_743, 0 {pack_format = #tpu.pack_format<interleaved>} : vector<32xbf16> -> vector<16xf32>
        %unpack3A_745 = tpu.unpack_subelements %bitcast3A_743, 1 {pack_format = #tpu.pack_format<interleaved>} : vector<32xbf16> -> vector<16xf32>
        %mul3A_746 = arith.mulf %select_n3A_562, %unpack3A_744 : vector<16xf32>
        %add3A_747 = arith.addf %add3A_736, %mul3A_746 : vector<16xf32>
        %mul3A_748 = arith.mulf %select_n3A_562, %unpack3A_745 : vector<16xf32>
        %add3A_749 = arith.addf %add3A_738, %mul3A_748 : vector<16xf32>
        %add3A_750 = arith.constant 4 : i32
        %add3A_751 = vector.broadcast %add3A_750 : i32 to vector<16xi32>
        %add3A_752 = arith.addi %mul3A_599, %add3A_751 : vector<16xi32>
        tpu.vector_store_idx %arg11[%add3A_752], %add3A_747 : memref<8192xf32, #tpu.memory_space<vmem>>[vector<16xi32>], vector<16xf32>,
        %add3A_753 = arith.constant 4 : i32
        %add3A_754 = vector.broadcast %add3A_753 : i32 to vector<16xi32>
        %add3A_755 = arith.addi %mul3A_599, %add3A_754 : vector<16xi32>
        %add3A_756 = arith.constant 1 : i32
        %add3A_757 = vector.broadcast %add3A_756 : i32 to vector<16xi32>
        %add3A_758 = arith.addi %add3A_755, %add3A_757 : vector<16xi32>
        tpu.vector_store_idx %arg11[%add3A_758], %add3A_749 : memref<8192xf32, #tpu.memory_space<vmem>>[vector<16xi32>], vector<16xf32>,
        %add3A_759 = arith.constant 3 : i32
        %add3A_760 = vector.broadcast %add3A_759 : i32 to vector<16xi32>
        %add3A_761 = arith.addi %mul3A_574, %add3A_760 : vector<16xi32>
        %gather3A_762 = tpu.vector_load_idx %arg6[%add3A_761] : memref<65536xi32, #tpu.memory_space<vmem>>[vector<16xi32>], vector<16xi32>,
        %bitcast3A_763 = vector.bitcast %gather3A_762 : vector<16xi32> to vector<32xbf16>
        %unpack3A_764 = tpu.unpack_subelements %bitcast3A_763, 0 {pack_format = #tpu.pack_format<interleaved>} : vector<32xbf16> -> vector<16xf32>
        %unpack3A_765 = tpu.unpack_subelements %bitcast3A_763, 1 {pack_format = #tpu.pack_format<interleaved>} : vector<32xbf16> -> vector<16xf32>
        %mul3A_766 = arith.mulf %select_n3A_556, %unpack3A_764 : vector<16xf32>
        %add3A_767 = arith.addf %broadcast_in_dim3A_554, %mul3A_766 : vector<16xf32>
        %mul3A_768 = arith.mulf %select_n3A_556, %unpack3A_765 : vector<16xf32>
        %add3A_769 = arith.addf %broadcast_in_dim3A_554, %mul3A_768 : vector<16xf32>
        %add3A_770 = arith.constant 3 : i32
        %add3A_771 = vector.broadcast %add3A_770 : i32 to vector<16xi32>
        %add3A_772 = arith.addi %mul3A_580, %add3A_771 : vector<16xi32>
        %gather3A_773 = tpu.vector_load_idx %arg6[%add3A_772] : memref<65536xi32, #tpu.memory_space<vmem>>[vector<16xi32>], vector<16xi32>,
        %bitcast3A_774 = vector.bitcast %gather3A_773 : vector<16xi32> to vector<32xbf16>
        %unpack3A_775 = tpu.unpack_subelements %bitcast3A_774, 0 {pack_format = #tpu.pack_format<interleaved>} : vector<32xbf16> -> vector<16xf32>
        %unpack3A_776 = tpu.unpack_subelements %bitcast3A_774, 1 {pack_format = #tpu.pack_format<interleaved>} : vector<32xbf16> -> vector<16xf32>
        %mul3A_777 = arith.mulf %select_n3A_558, %unpack3A_775 : vector<16xf32>
        %add3A_778 = arith.addf %add3A_767, %mul3A_777 : vector<16xf32>
        %mul3A_779 = arith.mulf %select_n3A_558, %unpack3A_776 : vector<16xf32>
        %add3A_780 = arith.addf %add3A_769, %mul3A_779 : vector<16xf32>
        %add3A_781 = arith.constant 3 : i32
        %add3A_782 = vector.broadcast %add3A_781 : i32 to vector<16xi32>
        %add3A_783 = arith.addi %mul3A_586, %add3A_782 : vector<16xi32>
        %gather3A_784 = tpu.vector_load_idx %arg6[%add3A_783] : memref<65536xi32, #tpu.memory_space<vmem>>[vector<16xi32>], vector<16xi32>,
        %bitcast3A_785 = vector.bitcast %gather3A_784 : vector<16xi32> to vector<32xbf16>
        %unpack3A_786 = tpu.unpack_subelements %bitcast3A_785, 0 {pack_format = #tpu.pack_format<interleaved>} : vector<32xbf16> -> vector<16xf32>
        %unpack3A_787 = tpu.unpack_subelements %bitcast3A_785, 1 {pack_format = #tpu.pack_format<interleaved>} : vector<32xbf16> -> vector<16xf32>
        %mul3A_788 = arith.mulf %select_n3A_560, %unpack3A_786 : vector<16xf32>
        %add3A_789 = arith.addf %add3A_778, %mul3A_788 : vector<16xf32>
        %mul3A_790 = arith.mulf %select_n3A_560, %unpack3A_787 : vector<16xf32>
        %add3A_791 = arith.addf %add3A_780, %mul3A_790 : vector<16xf32>
        %add3A_792 = arith.constant 3 : i32
        %add3A_793 = vector.broadcast %add3A_792 : i32 to vector<16xi32>
        %add3A_794 = arith.addi %mul3A_592, %add3A_793 : vector<16xi32>
        %gather3A_795 = tpu.vector_load_idx %arg6[%add3A_794] : memref<65536xi32, #tpu.memory_space<vmem>>[vector<16xi32>], vector<16xi32>,
        %bitcast3A_796 = vector.bitcast %gather3A_795 : vector<16xi32> to vector<32xbf16>
        %unpack3A_797 = tpu.unpack_subelements %bitcast3A_796, 0 {pack_format = #tpu.pack_format<interleaved>} : vector<32xbf16> -> vector<16xf32>
        %unpack3A_798 = tpu.unpack_subelements %bitcast3A_796, 1 {pack_format = #tpu.pack_format<interleaved>} : vector<32xbf16> -> vector<16xf32>
        %mul3A_799 = arith.mulf %select_n3A_562, %unpack3A_797 : vector<16xf32>
        %add3A_800 = arith.addf %add3A_789, %mul3A_799 : vector<16xf32>
        %mul3A_801 = arith.mulf %select_n3A_562, %unpack3A_798 : vector<16xf32>
        %add3A_802 = arith.addf %add3A_791, %mul3A_801 : vector<16xf32>
        %add3A_803 = arith.constant 6 : i32
        %add3A_804 = vector.broadcast %add3A_803 : i32 to vector<16xi32>
        %add3A_805 = arith.addi %mul3A_599, %add3A_804 : vector<16xi32>
        tpu.vector_store_idx %arg11[%add3A_805], %add3A_800 : memref<8192xf32, #tpu.memory_space<vmem>>[vector<16xi32>], vector<16xf32>,
        %add3A_806 = arith.constant 6 : i32
        %add3A_807 = vector.broadcast %add3A_806 : i32 to vector<16xi32>
        %add3A_808 = arith.addi %mul3A_599, %add3A_807 : vector<16xi32>
        %add3A_809 = arith.constant 1 : i32
        %add3A_810 = vector.broadcast %add3A_809 : i32 to vector<16xi32>
        %add3A_811 = arith.addi %add3A_808, %add3A_810 : vector<16xi32>
        tpu.vector_store_idx %arg11[%add3A_811], %add3A_802 : memref<8192xf32, #tpu.memory_space<vmem>>[vector<16xi32>], vector<16xf32>,
        %scan3A_812 = arith.constant 2 : i32
        %scan3A_813 = arith.addi %scan3A_129, %scan3A_812 : i32
        %mul3A_814 = arith.constant 1 : i32
        %mul3A_815 = arith.muli %scan3A_813, %mul3A_814 : i32
        %add3A_816 = arith.constant 0 : i32
        %add3A_817 = arith.addi %add3A_816, %mul3A_815 : i32
        %mul3A_818 = arith.constant 16 : i32
        %mul3A_819 = arith.muli %add3A_817, %mul3A_818 : i32
        %get3A_820 = arith.index_cast %mul3A_819 : i32 to index
        %get3A_821 = tpu.vector_load %arg7[%get3A_820] {strides = array<i32>} : memref<1024xf32, #tpu.memory_space<vmem>>, vector<16xf32>,
        %mul3A_822 = arith.constant 16 : i32
        %mul3A_823 = arith.muli %add3A_817, %mul3A_822 : i32
        %get3A_824 = arith.index_cast %mul3A_823 : i32 to index
        %get3A_825 = tpu.vector_load %arg9[%get3A_824] {strides = array<i32>} : memref<1024xf32, #tpu.memory_space<vmem>>, vector<16xf32>,
        %mul3A_826 = arith.constant 6.400000e+01 : f32
        %mul3A_827 = vector.broadcast %mul3A_826 : f32 to vector<16xf32>
        %mul3A_828 = arith.mulf %get3A_821, %mul3A_827 : vector<16xf32>
        %add3A_829 = arith.constant 6.350000e+01 : f32
        %add3A_830 = vector.broadcast %add3A_829 : f32 to vector<16xf32>
        %add3A_831 = arith.addf %mul3A_828, %add3A_830 : vector<16xf32>
        %mul3A_832 = arith.constant 6.400000e+01 : f32
        %mul3A_833 = vector.broadcast %mul3A_832 : f32 to vector<16xf32>
        %mul3A_834 = arith.mulf %get3A_825, %mul3A_833 : vector<16xf32>
        %add3A_835 = arith.constant 6.350000e+01 : f32
        %add3A_836 = vector.broadcast %add3A_835 : f32 to vector<16xf32>
        %add3A_837 = arith.addf %mul3A_834, %add3A_836 : vector<16xf32>
        %convert_element_type3A_838 = arith.fptosi %add3A_831 : vector<16xf32> to vector<16xi32>
        %convert_element_type3A_839 = arith.sitofp %convert_element_type3A_838 : vector<16xi32> to vector<16xf32>
        %convert_element_type3A_840 = arith.fptosi %add3A_837 : vector<16xf32> to vector<16xi32>
        %convert_element_type3A_841 = arith.sitofp %convert_element_type3A_840 : vector<16xi32> to vector<16xf32>
        %lt3A_842 = arith.cmpf olt, %add3A_831, %convert_element_type3A_839 : vector<16xf32>
        %sub3A_843 = arith.constant 1.000000e+00 : f32
        %sub3A_844 = vector.broadcast %sub3A_843 : f32 to vector<16xf32>
        %sub3A_845 = arith.subf %convert_element_type3A_839, %sub3A_844 : vector<16xf32>
        %select_n3A_846 = arith.select %lt3A_842, %sub3A_845, %convert_element_type3A_839 : vector<16xi1>, vector<16xf32>
        %lt3A_847 = arith.cmpf olt, %add3A_837, %convert_element_type3A_841 : vector<16xf32>
        %sub3A_848 = arith.constant 1.000000e+00 : f32
        %sub3A_849 = vector.broadcast %sub3A_848 : f32 to vector<16xf32>
        %sub3A_850 = arith.subf %convert_element_type3A_841, %sub3A_849 : vector<16xf32>
        %select_n3A_851 = arith.select %lt3A_847, %sub3A_850, %convert_element_type3A_841 : vector<16xi1>, vector<16xf32>
        %sub3A_852 = arith.subf %add3A_831, %select_n3A_846 : vector<16xf32>
        %sub3A_853 = arith.subf %add3A_837, %select_n3A_851 : vector<16xf32>
        %sub3A_854 = arith.constant 1.000000e+00 : f32
        %sub3A_855 = vector.broadcast %sub3A_854 : f32 to vector<16xf32>
        %sub3A_856 = arith.subf %sub3A_855, %sub3A_852 : vector<16xf32>
        %sub3A_857 = arith.constant 1.000000e+00 : f32
        %sub3A_858 = vector.broadcast %sub3A_857 : f32 to vector<16xf32>
        %sub3A_859 = arith.subf %sub3A_858, %sub3A_853 : vector<16xf32>
        %add3A_860 = arith.constant 1.000000e+00 : f32
        %add3A_861 = vector.broadcast %add3A_860 : f32 to vector<16xf32>
        %add3A_862 = arith.addf %select_n3A_846, %add3A_861 : vector<16xf32>
        %add3A_863 = arith.constant 1.000000e+00 : f32
        %add3A_864 = vector.broadcast %add3A_863 : f32 to vector<16xf32>
        %add3A_865 = arith.addf %select_n3A_851, %add3A_864 : vector<16xf32>
        %gt3A_866 = arith.constant -1.000000e+00 : f32
        %gt3A_867 = vector.broadcast %gt3A_866 : f32 to vector<16xf32>
        %gt3A_868 = arith.cmpf ogt, %select_n3A_846, %gt3A_867 : vector<16xf32>
        %lt3A_869 = arith.constant 1.280000e+02 : f32
        %lt3A_870 = vector.broadcast %lt3A_869 : f32 to vector<16xf32>
        %lt3A_871 = arith.cmpf olt, %select_n3A_846, %lt3A_870 : vector<16xf32>
        %and3A_872 = arith.andi %gt3A_868, %lt3A_871 : vector<16xi1>
        %gt3A_873 = arith.constant -1.000000e+00 : f32
        %gt3A_874 = vector.broadcast %gt3A_873 : f32 to vector<16xf32>
        %gt3A_875 = arith.cmpf ogt, %add3A_862, %gt3A_874 : vector<16xf32>
        %lt3A_876 = arith.constant 1.280000e+02 : f32
        %lt3A_877 = vector.broadcast %lt3A_876 : f32 to vector<16xf32>
        %lt3A_878 = arith.cmpf olt, %add3A_862, %lt3A_877 : vector<16xf32>
        %and3A_879 = arith.andi %gt3A_875, %lt3A_878 : vector<16xi1>
        %gt3A_880 = arith.constant -1.000000e+00 : f32
        %gt3A_881 = vector.broadcast %gt3A_880 : f32 to vector<16xf32>
        %gt3A_882 = arith.cmpf ogt, %select_n3A_851, %gt3A_881 : vector<16xf32>
        %lt3A_883 = arith.constant 1.280000e+02 : f32
        %lt3A_884 = vector.broadcast %lt3A_883 : f32 to vector<16xf32>
        %lt3A_885 = arith.cmpf olt, %select_n3A_851, %lt3A_884 : vector<16xf32>
        %and3A_886 = arith.andi %gt3A_882, %lt3A_885 : vector<16xi1>
        %gt3A_887 = arith.constant -1.000000e+00 : f32
        %gt3A_888 = vector.broadcast %gt3A_887 : f32 to vector<16xf32>
        %gt3A_889 = arith.cmpf ogt, %add3A_865, %gt3A_888 : vector<16xf32>
        %lt3A_890 = arith.constant 1.280000e+02 : f32
        %lt3A_891 = vector.broadcast %lt3A_890 : f32 to vector<16xf32>
        %lt3A_892 = arith.cmpf olt, %add3A_865, %lt3A_891 : vector<16xf32>
        %and3A_893 = arith.andi %gt3A_889, %lt3A_892 : vector<16xi1>
        %and3A_894 = arith.andi %and3A_872, %and3A_886 : vector<16xi1>
        %and3A_895 = arith.andi %and3A_879, %and3A_886 : vector<16xi1>
        %and3A_896 = arith.andi %and3A_872, %and3A_893 : vector<16xi1>
        %and3A_897 = arith.andi %and3A_879, %and3A_893 : vector<16xi1>
        %broadcast_in_dim3A_898 = arith.constant 0.000000e+00 : f32
        %broadcast_in_dim3A_899 = vector.broadcast %broadcast_in_dim3A_898 : f32 to vector<16xf32>
        %mul3A_900 = arith.mulf %sub3A_859, %sub3A_856 : vector<16xf32>
        %select_n3A_901 = arith.select %and3A_894, %mul3A_900, %broadcast_in_dim3A_899 : vector<16xi1>, vector<16xf32>
        %mul3A_902 = arith.mulf %sub3A_859, %sub3A_852 : vector<16xf32>
        %select_n3A_903 = arith.select %and3A_895, %mul3A_902, %broadcast_in_dim3A_899 : vector<16xi1>, vector<16xf32>
        %mul3A_904 = arith.mulf %sub3A_853, %sub3A_856 : vector<16xf32>
        %select_n3A_905 = arith.select %and3A_896, %mul3A_904, %broadcast_in_dim3A_899 : vector<16xi1>, vector<16xf32>
        %mul3A_906 = arith.mulf %sub3A_853, %sub3A_852 : vector<16xf32>
        %select_n3A_907 = arith.select %and3A_897, %mul3A_906, %broadcast_in_dim3A_899 : vector<16xi1>, vector<16xf32>
        %mul3A_908 = arith.constant 1.280000e+02 : f32
        %mul3A_909 = vector.broadcast %mul3A_908 : f32 to vector<16xf32>
        %mul3A_910 = arith.mulf %select_n3A_851, %mul3A_909 : vector<16xf32>
        %mul3A_911 = arith.constant 1.280000e+02 : f32
        %mul3A_912 = vector.broadcast %mul3A_911 : f32 to vector<16xf32>
        %mul3A_913 = arith.mulf %add3A_865, %mul3A_912 : vector<16xf32>
        %add3A_914 = arith.addf %mul3A_910, %select_n3A_846 : vector<16xf32>
        %select_n3A_915 = arith.select %and3A_894, %add3A_914, %broadcast_in_dim3A_899 : vector<16xi1>, vector<16xf32>
        %convert_element_type3A_916 = arith.fptosi %select_n3A_915 : vector<16xf32> to vector<16xi32>
        %mul3A_917 = arith.constant 4 : i32
        %mul3A_918 = vector.broadcast %mul3A_917 : i32 to vector<16xi32>
        %mul3A_919 = arith.muli %convert_element_type3A_916, %mul3A_918 : vector<16xi32>
        %add3A_920 = arith.addf %mul3A_910, %add3A_862 : vector<16xf32>
        %select_n3A_921 = arith.select %and3A_895, %add3A_920, %broadcast_in_dim3A_899 : vector<16xi1>, vector<16xf32>
        %convert_element_type3A_922 = arith.fptosi %select_n3A_921 : vector<16xf32> to vector<16xi32>
        %mul3A_923 = arith.constant 4 : i32
        %mul3A_924 = vector.broadcast %mul3A_923 : i32 to vector<16xi32>
        %mul3A_925 = arith.muli %convert_element_type3A_922, %mul3A_924 : vector<16xi32>
        %add3A_926 = arith.addf %mul3A_913, %select_n3A_846 : vector<16xf32>
        %select_n3A_927 = arith.select %and3A_896, %add3A_926, %broadcast_in_dim3A_899 : vector<16xi1>, vector<16xf32>
        %convert_element_type3A_928 = arith.fptosi %select_n3A_927 : vector<16xf32> to vector<16xi32>
        %mul3A_929 = arith.constant 4 : i32
        %mul3A_930 = vector.broadcast %mul3A_929 : i32 to vector<16xi32>
        %mul3A_931 = arith.muli %convert_element_type3A_928, %mul3A_930 : vector<16xi32>
        %add3A_932 = arith.addf %mul3A_913, %add3A_862 : vector<16xf32>
        %select_n3A_933 = arith.select %and3A_897, %add3A_932, %broadcast_in_dim3A_899 : vector<16xi1>, vector<16xf32>
        %convert_element_type3A_934 = arith.fptosi %select_n3A_933 : vector<16xf32> to vector<16xi32>
        %mul3A_935 = arith.constant 4 : i32
        %mul3A_936 = vector.broadcast %mul3A_935 : i32 to vector<16xi32>
        %mul3A_937 = arith.muli %convert_element_type3A_934, %mul3A_936 : vector<16xi32>
        %mul3A_938 = arith.constant 16 : i32
        %mul3A_939 = arith.muli %add3A_817, %mul3A_938 : i32
        %add3A_940 = vector.broadcast %mul3A_939 : i32 to vector<16xi32>
        %add3A_941 = arith.addi %add3A_940, %iota3A : vector<16xi32>
        %mul3A_942 = arith.constant 8 : i32
        %mul3A_943 = vector.broadcast %mul3A_942 : i32 to vector<16xi32>
        %mul3A_944 = arith.muli %add3A_941, %mul3A_943 : vector<16xi32>
        %add3A_945 = arith.constant 0 : i32
        %add3A_946 = vector.broadcast %add3A_945 : i32 to vector<16xi32>
        %add3A_947 = arith.addi %mul3A_919, %add3A_946 : vector<16xi32>
        %gather3A_948 = tpu.vector_load_idx %arg6[%add3A_947] : memref<65536xi32, #tpu.memory_space<vmem>>[vector<16xi32>], vector<16xi32>,
        %bitcast3A_949 = vector.bitcast %gather3A_948 : vector<16xi32> to vector<32xbf16>
        %unpack3A_950 = tpu.unpack_subelements %bitcast3A_949, 0 {pack_format = #tpu.pack_format<interleaved>} : vector<32xbf16> -> vector<16xf32>
        %unpack3A_951 = tpu.unpack_subelements %bitcast3A_949, 1 {pack_format = #tpu.pack_format<interleaved>} : vector<32xbf16> -> vector<16xf32>
        %mul3A_952 = arith.mulf %select_n3A_901, %unpack3A_950 : vector<16xf32>
        %add3A_953 = arith.addf %broadcast_in_dim3A_899, %mul3A_952 : vector<16xf32>
        %mul3A_954 = arith.mulf %select_n3A_901, %unpack3A_951 : vector<16xf32>
        %add3A_955 = arith.addf %broadcast_in_dim3A_899, %mul3A_954 : vector<16xf32>
        %add3A_956 = arith.constant 0 : i32
        %add3A_957 = vector.broadcast %add3A_956 : i32 to vector<16xi32>
        %add3A_958 = arith.addi %mul3A_925, %add3A_957 : vector<16xi32>
        %gather3A_959 = tpu.vector_load_idx %arg6[%add3A_958] : memref<65536xi32, #tpu.memory_space<vmem>>[vector<16xi32>], vector<16xi32>,
        %bitcast3A_960 = vector.bitcast %gather3A_959 : vector<16xi32> to vector<32xbf16>
        %unpack3A_961 = tpu.unpack_subelements %bitcast3A_960, 0 {pack_format = #tpu.pack_format<interleaved>} : vector<32xbf16> -> vector<16xf32>
        %unpack3A_962 = tpu.unpack_subelements %bitcast3A_960, 1 {pack_format = #tpu.pack_format<interleaved>} : vector<32xbf16> -> vector<16xf32>
        %mul3A_963 = arith.mulf %select_n3A_903, %unpack3A_961 : vector<16xf32>
        %add3A_964 = arith.addf %add3A_953, %mul3A_963 : vector<16xf32>
        %mul3A_965 = arith.mulf %select_n3A_903, %unpack3A_962 : vector<16xf32>
        %add3A_966 = arith.addf %add3A_955, %mul3A_965 : vector<16xf32>
        %add3A_967 = arith.constant 0 : i32
        %add3A_968 = vector.broadcast %add3A_967 : i32 to vector<16xi32>
        %add3A_969 = arith.addi %mul3A_931, %add3A_968 : vector<16xi32>
        %gather3A_970 = tpu.vector_load_idx %arg6[%add3A_969] : memref<65536xi32, #tpu.memory_space<vmem>>[vector<16xi32>], vector<16xi32>,
        %bitcast3A_971 = vector.bitcast %gather3A_970 : vector<16xi32> to vector<32xbf16>
        %unpack3A_972 = tpu.unpack_subelements %bitcast3A_971, 0 {pack_format = #tpu.pack_format<interleaved>} : vector<32xbf16> -> vector<16xf32>
        %unpack3A_973 = tpu.unpack_subelements %bitcast3A_971, 1 {pack_format = #tpu.pack_format<interleaved>} : vector<32xbf16> -> vector<16xf32>
        %mul3A_974 = arith.mulf %select_n3A_905, %unpack3A_972 : vector<16xf32>
        %add3A_975 = arith.addf %add3A_964, %mul3A_974 : vector<16xf32>
        %mul3A_976 = arith.mulf %select_n3A_905, %unpack3A_973 : vector<16xf32>
        %add3A_977 = arith.addf %add3A_966, %mul3A_976 : vector<16xf32>
        %add3A_978 = arith.constant 0 : i32
        %add3A_979 = vector.broadcast %add3A_978 : i32 to vector<16xi32>
        %add3A_980 = arith.addi %mul3A_937, %add3A_979 : vector<16xi32>
        %gather3A_981 = tpu.vector_load_idx %arg6[%add3A_980] : memref<65536xi32, #tpu.memory_space<vmem>>[vector<16xi32>], vector<16xi32>,
        %bitcast3A_982 = vector.bitcast %gather3A_981 : vector<16xi32> to vector<32xbf16>
        %unpack3A_983 = tpu.unpack_subelements %bitcast3A_982, 0 {pack_format = #tpu.pack_format<interleaved>} : vector<32xbf16> -> vector<16xf32>
        %unpack3A_984 = tpu.unpack_subelements %bitcast3A_982, 1 {pack_format = #tpu.pack_format<interleaved>} : vector<32xbf16> -> vector<16xf32>
        %mul3A_985 = arith.mulf %select_n3A_907, %unpack3A_983 : vector<16xf32>
        %add3A_986 = arith.addf %add3A_975, %mul3A_985 : vector<16xf32>
        %mul3A_987 = arith.mulf %select_n3A_907, %unpack3A_984 : vector<16xf32>
        %add3A_988 = arith.addf %add3A_977, %mul3A_987 : vector<16xf32>
        %add3A_989 = arith.constant 0 : i32
        %add3A_990 = vector.broadcast %add3A_989 : i32 to vector<16xi32>
        %add3A_991 = arith.addi %mul3A_944, %add3A_990 : vector<16xi32>
        tpu.vector_store_idx %arg11[%add3A_991], %add3A_986 : memref<8192xf32, #tpu.memory_space<vmem>>[vector<16xi32>], vector<16xf32>,
        %add3A_992 = arith.constant 0 : i32
        %add3A_993 = vector.broadcast %add3A_992 : i32 to vector<16xi32>
        %add3A_994 = arith.addi %mul3A_944, %add3A_993 : vector<16xi32>
        %add3A_995 = arith.constant 1 : i32
        %add3A_996 = vector.broadcast %add3A_995 : i32 to vector<16xi32>
        %add3A_997 = arith.addi %add3A_994, %add3A_996 : vector<16xi32>
        tpu.vector_store_idx %arg11[%add3A_997], %add3A_988 : memref<8192xf32, #tpu.memory_space<vmem>>[vector<16xi32>], vector<16xf32>,
        %add3A_998 = arith.constant 1 : i32
        %add3A_999 = vector.broadcast %add3A_998 : i32 to vector<16xi32>
        %add3A_1000 = arith.addi %mul3A_919, %add3A_999 : vector<16xi32>
        %gather3A_1001 = tpu.vector_load_idx %arg6[%add3A_1000] : memref<65536xi32, #tpu.memory_space<vmem>>[vector<16xi32>], vector<16xi32>,
        %bitcast3A_1002 = vector.bitcast %gather3A_1001 : vector<16xi32> to vector<32xbf16>
        %unpack3A_1003 = tpu.unpack_subelements %bitcast3A_1002, 0 {pack_format = #tpu.pack_format<interleaved>} : vector<32xbf16> -> vector<16xf32>
        %unpack3A_1004 = tpu.unpack_subelements %bitcast3A_1002, 1 {pack_format = #tpu.pack_format<interleaved>} : vector<32xbf16> -> vector<16xf32>
        %mul3A_1005 = arith.mulf %select_n3A_901, %unpack3A_1003 : vector<16xf32>
        %add3A_1006 = arith.addf %broadcast_in_dim3A_899, %mul3A_1005 : vector<16xf32>
        %mul3A_1007 = arith.mulf %select_n3A_901, %unpack3A_1004 : vector<16xf32>
        %add3A_1008 = arith.addf %broadcast_in_dim3A_899, %mul3A_1007 : vector<16xf32>
        %add3A_1009 = arith.constant 1 : i32
        %add3A_1010 = vector.broadcast %add3A_1009 : i32 to vector<16xi32>
        %add3A_1011 = arith.addi %mul3A_925, %add3A_1010 : vector<16xi32>
        %gather3A_1012 = tpu.vector_load_idx %arg6[%add3A_1011] : memref<65536xi32, #tpu.memory_space<vmem>>[vector<16xi32>], vector<16xi32>,
        %bitcast3A_1013 = vector.bitcast %gather3A_1012 : vector<16xi32> to vector<32xbf16>
        %unpack3A_1014 = tpu.unpack_subelements %bitcast3A_1013, 0 {pack_format = #tpu.pack_format<interleaved>} : vector<32xbf16> -> vector<16xf32>
        %unpack3A_1015 = tpu.unpack_subelements %bitcast3A_1013, 1 {pack_format = #tpu.pack_format<interleaved>} : vector<32xbf16> -> vector<16xf32>
        %mul3A_1016 = arith.mulf %select_n3A_903, %unpack3A_1014 : vector<16xf32>
        %add3A_1017 = arith.addf %add3A_1006, %mul3A_1016 : vector<16xf32>
        %mul3A_1018 = arith.mulf %select_n3A_903, %unpack3A_1015 : vector<16xf32>
        %add3A_1019 = arith.addf %add3A_1008, %mul3A_1018 : vector<16xf32>
        %add3A_1020 = arith.constant 1 : i32
        %add3A_1021 = vector.broadcast %add3A_1020 : i32 to vector<16xi32>
        %add3A_1022 = arith.addi %mul3A_931, %add3A_1021 : vector<16xi32>
        %gather3A_1023 = tpu.vector_load_idx %arg6[%add3A_1022] : memref<65536xi32, #tpu.memory_space<vmem>>[vector<16xi32>], vector<16xi32>,
        %bitcast3A_1024 = vector.bitcast %gather3A_1023 : vector<16xi32> to vector<32xbf16>
        %unpack3A_1025 = tpu.unpack_subelements %bitcast3A_1024, 0 {pack_format = #tpu.pack_format<interleaved>} : vector<32xbf16> -> vector<16xf32>
        %unpack3A_1026 = tpu.unpack_subelements %bitcast3A_1024, 1 {pack_format = #tpu.pack_format<interleaved>} : vector<32xbf16> -> vector<16xf32>
        %mul3A_1027 = arith.mulf %select_n3A_905, %unpack3A_1025 : vector<16xf32>
        %add3A_1028 = arith.addf %add3A_1017, %mul3A_1027 : vector<16xf32>
        %mul3A_1029 = arith.mulf %select_n3A_905, %unpack3A_1026 : vector<16xf32>
        %add3A_1030 = arith.addf %add3A_1019, %mul3A_1029 : vector<16xf32>
        %add3A_1031 = arith.constant 1 : i32
        %add3A_1032 = vector.broadcast %add3A_1031 : i32 to vector<16xi32>
        %add3A_1033 = arith.addi %mul3A_937, %add3A_1032 : vector<16xi32>
        %gather3A_1034 = tpu.vector_load_idx %arg6[%add3A_1033] : memref<65536xi32, #tpu.memory_space<vmem>>[vector<16xi32>], vector<16xi32>,
        %bitcast3A_1035 = vector.bitcast %gather3A_1034 : vector<16xi32> to vector<32xbf16>
        %unpack3A_1036 = tpu.unpack_subelements %bitcast3A_1035, 0 {pack_format = #tpu.pack_format<interleaved>} : vector<32xbf16> -> vector<16xf32>
        %unpack3A_1037 = tpu.unpack_subelements %bitcast3A_1035, 1 {pack_format = #tpu.pack_format<interleaved>} : vector<32xbf16> -> vector<16xf32>
        %mul3A_1038 = arith.mulf %select_n3A_907, %unpack3A_1036 : vector<16xf32>
        %add3A_1039 = arith.addf %add3A_1028, %mul3A_1038 : vector<16xf32>
        %mul3A_1040 = arith.mulf %select_n3A_907, %unpack3A_1037 : vector<16xf32>
        %add3A_1041 = arith.addf %add3A_1030, %mul3A_1040 : vector<16xf32>
        %add3A_1042 = arith.constant 2 : i32
        %add3A_1043 = vector.broadcast %add3A_1042 : i32 to vector<16xi32>
        %add3A_1044 = arith.addi %mul3A_944, %add3A_1043 : vector<16xi32>
        tpu.vector_store_idx %arg11[%add3A_1044], %add3A_1039 : memref<8192xf32, #tpu.memory_space<vmem>>[vector<16xi32>], vector<16xf32>,
        %add3A_1045 = arith.constant 2 : i32
        %add3A_1046 = vector.broadcast %add3A_1045 : i32 to vector<16xi32>
        %add3A_1047 = arith.addi %mul3A_944, %add3A_1046 : vector<16xi32>
        %add3A_1048 = arith.constant 1 : i32
        %add3A_1049 = vector.broadcast %add3A_1048 : i32 to vector<16xi32>
        %add3A_1050 = arith.addi %add3A_1047, %add3A_1049 : vector<16xi32>
        tpu.vector_store_idx %arg11[%add3A_1050], %add3A_1041 : memref<8192xf32, #tpu.memory_space<vmem>>[vector<16xi32>], vector<16xf32>,
        %add3A_1051 = arith.constant 2 : i32
        %add3A_1052 = vector.broadcast %add3A_1051 : i32 to vector<16xi32>
        %add3A_1053 = arith.addi %mul3A_919, %add3A_1052 : vector<16xi32>
        %gather3A_1054 = tpu.vector_load_idx %arg6[%add3A_1053] : memref<65536xi32, #tpu.memory_space<vmem>>[vector<16xi32>], vector<16xi32>,
        %bitcast3A_1055 = vector.bitcast %gather3A_1054 : vector<16xi32> to vector<32xbf16>
        %unpack3A_1056 = tpu.unpack_subelements %bitcast3A_1055, 0 {pack_format = #tpu.pack_format<interleaved>} : vector<32xbf16> -> vector<16xf32>
        %unpack3A_1057 = tpu.unpack_subelements %bitcast3A_1055, 1 {pack_format = #tpu.pack_format<interleaved>} : vector<32xbf16> -> vector<16xf32>
        %mul3A_1058 = arith.mulf %select_n3A_901, %unpack3A_1056 : vector<16xf32>
        %add3A_1059 = arith.addf %broadcast_in_dim3A_899, %mul3A_1058 : vector<16xf32>
        %mul3A_1060 = arith.mulf %select_n3A_901, %unpack3A_1057 : vector<16xf32>
        %add3A_1061 = arith.addf %broadcast_in_dim3A_899, %mul3A_1060 : vector<16xf32>
        %add3A_1062 = arith.constant 2 : i32
        %add3A_1063 = vector.broadcast %add3A_1062 : i32 to vector<16xi32>
        %add3A_1064 = arith.addi %mul3A_925, %add3A_1063 : vector<16xi32>
        %gather3A_1065 = tpu.vector_load_idx %arg6[%add3A_1064] : memref<65536xi32, #tpu.memory_space<vmem>>[vector<16xi32>], vector<16xi32>,
        %bitcast3A_1066 = vector.bitcast %gather3A_1065 : vector<16xi32> to vector<32xbf16>
        %unpack3A_1067 = tpu.unpack_subelements %bitcast3A_1066, 0 {pack_format = #tpu.pack_format<interleaved>} : vector<32xbf16> -> vector<16xf32>
        %unpack3A_1068 = tpu.unpack_subelements %bitcast3A_1066, 1 {pack_format = #tpu.pack_format<interleaved>} : vector<32xbf16> -> vector<16xf32>
        %mul3A_1069 = arith.mulf %select_n3A_903, %unpack3A_1067 : vector<16xf32>
        %add3A_1070 = arith.addf %add3A_1059, %mul3A_1069 : vector<16xf32>
        %mul3A_1071 = arith.mulf %select_n3A_903, %unpack3A_1068 : vector<16xf32>
        %add3A_1072 = arith.addf %add3A_1061, %mul3A_1071 : vector<16xf32>
        %add3A_1073 = arith.constant 2 : i32
        %add3A_1074 = vector.broadcast %add3A_1073 : i32 to vector<16xi32>
        %add3A_1075 = arith.addi %mul3A_931, %add3A_1074 : vector<16xi32>
        %gather3A_1076 = tpu.vector_load_idx %arg6[%add3A_1075] : memref<65536xi32, #tpu.memory_space<vmem>>[vector<16xi32>], vector<16xi32>,
        %bitcast3A_1077 = vector.bitcast %gather3A_1076 : vector<16xi32> to vector<32xbf16>
        %unpack3A_1078 = tpu.unpack_subelements %bitcast3A_1077, 0 {pack_format = #tpu.pack_format<interleaved>} : vector<32xbf16> -> vector<16xf32>
        %unpack3A_1079 = tpu.unpack_subelements %bitcast3A_1077, 1 {pack_format = #tpu.pack_format<interleaved>} : vector<32xbf16> -> vector<16xf32>
        %mul3A_1080 = arith.mulf %select_n3A_905, %unpack3A_1078 : vector<16xf32>
        %add3A_1081 = arith.addf %add3A_1070, %mul3A_1080 : vector<16xf32>
        %mul3A_1082 = arith.mulf %select_n3A_905, %unpack3A_1079 : vector<16xf32>
        %add3A_1083 = arith.addf %add3A_1072, %mul3A_1082 : vector<16xf32>
        %add3A_1084 = arith.constant 2 : i32
        %add3A_1085 = vector.broadcast %add3A_1084 : i32 to vector<16xi32>
        %add3A_1086 = arith.addi %mul3A_937, %add3A_1085 : vector<16xi32>
        %gather3A_1087 = tpu.vector_load_idx %arg6[%add3A_1086] : memref<65536xi32, #tpu.memory_space<vmem>>[vector<16xi32>], vector<16xi32>,
        %bitcast3A_1088 = vector.bitcast %gather3A_1087 : vector<16xi32> to vector<32xbf16>
        %unpack3A_1089 = tpu.unpack_subelements %bitcast3A_1088, 0 {pack_format = #tpu.pack_format<interleaved>} : vector<32xbf16> -> vector<16xf32>
        %unpack3A_1090 = tpu.unpack_subelements %bitcast3A_1088, 1 {pack_format = #tpu.pack_format<interleaved>} : vector<32xbf16> -> vector<16xf32>
        %mul3A_1091 = arith.mulf %select_n3A_907, %unpack3A_1089 : vector<16xf32>
        %add3A_1092 = arith.addf %add3A_1081, %mul3A_1091 : vector<16xf32>
        %mul3A_1093 = arith.mulf %select_n3A_907, %unpack3A_1090 : vector<16xf32>
        %add3A_1094 = arith.addf %add3A_1083, %mul3A_1093 : vector<16xf32>
        %add3A_1095 = arith.constant 4 : i32
        %add3A_1096 = vector.broadcast %add3A_1095 : i32 to vector<16xi32>
        %add3A_1097 = arith.addi %mul3A_944, %add3A_1096 : vector<16xi32>
        tpu.vector_store_idx %arg11[%add3A_1097], %add3A_1092 : memref<8192xf32, #tpu.memory_space<vmem>>[vector<16xi32>], vector<16xf32>,
        %add3A_1098 = arith.constant 4 : i32
        %add3A_1099 = vector.broadcast %add3A_1098 : i32 to vector<16xi32>
        %add3A_1100 = arith.addi %mul3A_944, %add3A_1099 : vector<16xi32>
        %add3A_1101 = arith.constant 1 : i32
        %add3A_1102 = vector.broadcast %add3A_1101 : i32 to vector<16xi32>
        %add3A_1103 = arith.addi %add3A_1100, %add3A_1102 : vector<16xi32>
        tpu.vector_store_idx %arg11[%add3A_1103], %add3A_1094 : memref<8192xf32, #tpu.memory_space<vmem>>[vector<16xi32>], vector<16xf32>,
        %add3A_1104 = arith.constant 3 : i32
        %add3A_1105 = vector.broadcast %add3A_1104 : i32 to vector<16xi32>
        %add3A_1106 = arith.addi %mul3A_919, %add3A_1105 : vector<16xi32>
        %gather3A_1107 = tpu.vector_load_idx %arg6[%add3A_1106] : memref<65536xi32, #tpu.memory_space<vmem>>[vector<16xi32>], vector<16xi32>,
        %bitcast3A_1108 = vector.bitcast %gather3A_1107 : vector<16xi32> to vector<32xbf16>
        %unpack3A_1109 = tpu.unpack_subelements %bitcast3A_1108, 0 {pack_format = #tpu.pack_format<interleaved>} : vector<32xbf16> -> vector<16xf32>
        %unpack3A_1110 = tpu.unpack_subelements %bitcast3A_1108, 1 {pack_format = #tpu.pack_format<interleaved>} : vector<32xbf16> -> vector<16xf32>
        %mul3A_1111 = arith.mulf %select_n3A_901, %unpack3A_1109 : vector<16xf32>
        %add3A_1112 = arith.addf %broadcast_in_dim3A_899, %mul3A_1111 : vector<16xf32>
        %mul3A_1113 = arith.mulf %select_n3A_901, %unpack3A_1110 : vector<16xf32>
        %add3A_1114 = arith.addf %broadcast_in_dim3A_899, %mul3A_1113 : vector<16xf32>
        %add3A_1115 = arith.constant 3 : i32
        %add3A_1116 = vector.broadcast %add3A_1115 : i32 to vector<16xi32>
        %add3A_1117 = arith.addi %mul3A_925, %add3A_1116 : vector<16xi32>
        %gather3A_1118 = tpu.vector_load_idx %arg6[%add3A_1117] : memref<65536xi32, #tpu.memory_space<vmem>>[vector<16xi32>], vector<16xi32>,
        %bitcast3A_1119 = vector.bitcast %gather3A_1118 : vector<16xi32> to vector<32xbf16>
        %unpack3A_1120 = tpu.unpack_subelements %bitcast3A_1119, 0 {pack_format = #tpu.pack_format<interleaved>} : vector<32xbf16> -> vector<16xf32>
        %unpack3A_1121 = tpu.unpack_subelements %bitcast3A_1119, 1 {pack_format = #tpu.pack_format<interleaved>} : vector<32xbf16> -> vector<16xf32>
        %mul3A_1122 = arith.mulf %select_n3A_903, %unpack3A_1120 : vector<16xf32>
        %add3A_1123 = arith.addf %add3A_1112, %mul3A_1122 : vector<16xf32>
        %mul3A_1124 = arith.mulf %select_n3A_903, %unpack3A_1121 : vector<16xf32>
        %add3A_1125 = arith.addf %add3A_1114, %mul3A_1124 : vector<16xf32>
        %add3A_1126 = arith.constant 3 : i32
        %add3A_1127 = vector.broadcast %add3A_1126 : i32 to vector<16xi32>
        %add3A_1128 = arith.addi %mul3A_931, %add3A_1127 : vector<16xi32>
        %gather3A_1129 = tpu.vector_load_idx %arg6[%add3A_1128] : memref<65536xi32, #tpu.memory_space<vmem>>[vector<16xi32>], vector<16xi32>,
        %bitcast3A_1130 = vector.bitcast %gather3A_1129 : vector<16xi32> to vector<32xbf16>
        %unpack3A_1131 = tpu.unpack_subelements %bitcast3A_1130, 0 {pack_format = #tpu.pack_format<interleaved>} : vector<32xbf16> -> vector<16xf32>
        %unpack3A_1132 = tpu.unpack_subelements %bitcast3A_1130, 1 {pack_format = #tpu.pack_format<interleaved>} : vector<32xbf16> -> vector<16xf32>
        %mul3A_1133 = arith.mulf %select_n3A_905, %unpack3A_1131 : vector<16xf32>
        %add3A_1134 = arith.addf %add3A_1123, %mul3A_1133 : vector<16xf32>
        %mul3A_1135 = arith.mulf %select_n3A_905, %unpack3A_1132 : vector<16xf32>
        %add3A_1136 = arith.addf %add3A_1125, %mul3A_1135 : vector<16xf32>
        %add3A_1137 = arith.constant 3 : i32
        %add3A_1138 = vector.broadcast %add3A_1137 : i32 to vector<16xi32>
        %add3A_1139 = arith.addi %mul3A_937, %add3A_1138 : vector<16xi32>
        %gather3A_1140 = tpu.vector_load_idx %arg6[%add3A_1139] : memref<65536xi32, #tpu.memory_space<vmem>>[vector<16xi32>], vector<16xi32>,
        %bitcast3A_1141 = vector.bitcast %gather3A_1140 : vector<16xi32> to vector<32xbf16>
        %unpack3A_1142 = tpu.unpack_subelements %bitcast3A_1141, 0 {pack_format = #tpu.pack_format<interleaved>} : vector<32xbf16> -> vector<16xf32>
        %unpack3A_1143 = tpu.unpack_subelements %bitcast3A_1141, 1 {pack_format = #tpu.pack_format<interleaved>} : vector<32xbf16> -> vector<16xf32>
        %mul3A_1144 = arith.mulf %select_n3A_907, %unpack3A_1142 : vector<16xf32>
        %add3A_1145 = arith.addf %add3A_1134, %mul3A_1144 : vector<16xf32>
        %mul3A_1146 = arith.mulf %select_n3A_907, %unpack3A_1143 : vector<16xf32>
        %add3A_1147 = arith.addf %add3A_1136, %mul3A_1146 : vector<16xf32>
        %add3A_1148 = arith.constant 6 : i32
        %add3A_1149 = vector.broadcast %add3A_1148 : i32 to vector<16xi32>
        %add3A_1150 = arith.addi %mul3A_944, %add3A_1149 : vector<16xi32>
        tpu.vector_store_idx %arg11[%add3A_1150], %add3A_1145 : memref<8192xf32, #tpu.memory_space<vmem>>[vector<16xi32>], vector<16xf32>,
        %add3A_1151 = arith.constant 6 : i32
        %add3A_1152 = vector.broadcast %add3A_1151 : i32 to vector<16xi32>
        %add3A_1153 = arith.addi %mul3A_944, %add3A_1152 : vector<16xi32>
        %add3A_1154 = arith.constant 1 : i32
        %add3A_1155 = vector.broadcast %add3A_1154 : i32 to vector<16xi32>
        %add3A_1156 = arith.addi %add3A_1153, %add3A_1155 : vector<16xi32>
        tpu.vector_store_idx %arg11[%add3A_1156], %add3A_1147 : memref<8192xf32, #tpu.memory_space<vmem>>[vector<16xi32>], vector<16xf32>,
        %scan3A_1157 = arith.constant 3 : i32
        %scan3A_1158 = arith.addi %scan3A_129, %scan3A_1157 : i32
        %mul3A_1159 = arith.constant 1 : i32
        %mul3A_1160 = arith.muli %scan3A_1158, %mul3A_1159 : i32
        %add3A_1161 = arith.constant 0 : i32
        %add3A_1162 = arith.addi %add3A_1161, %mul3A_1160 : i32
        %mul3A_1163 = arith.constant 16 : i32
        %mul3A_1164 = arith.muli %add3A_1162, %mul3A_1163 : i32
        %get3A_1165 = arith.index_cast %mul3A_1164 : i32 to index
        %get3A_1166 = tpu.vector_load %arg7[%get3A_1165] {strides = array<i32>} : memref<1024xf32, #tpu.memory_space<vmem>>, vector<16xf32>,
        %mul3A_1167 = arith.constant 16 : i32
        %mul3A_1168 = arith.muli %add3A_1162, %mul3A_1167 : i32
        %get3A_1169 = arith.index_cast %mul3A_1168 : i32 to index
        %get3A_1170 = tpu.vector_load %arg9[%get3A_1169] {strides = array<i32>} : memref<1024xf32, #tpu.memory_space<vmem>>, vector<16xf32>,
        %mul3A_1171 = arith.constant 6.400000e+01 : f32
        %mul3A_1172 = vector.broadcast %mul3A_1171 : f32 to vector<16xf32>
        %mul3A_1173 = arith.mulf %get3A_1166, %mul3A_1172 : vector<16xf32>
        %add3A_1174 = arith.constant 6.350000e+01 : f32
        %add3A_1175 = vector.broadcast %add3A_1174 : f32 to vector<16xf32>
        %add3A_1176 = arith.addf %mul3A_1173, %add3A_1175 : vector<16xf32>
        %mul3A_1177 = arith.constant 6.400000e+01 : f32
        %mul3A_1178 = vector.broadcast %mul3A_1177 : f32 to vector<16xf32>
        %mul3A_1179 = arith.mulf %get3A_1170, %mul3A_1178 : vector<16xf32>
        %add3A_1180 = arith.constant 6.350000e+01 : f32
        %add3A_1181 = vector.broadcast %add3A_1180 : f32 to vector<16xf32>
        %add3A_1182 = arith.addf %mul3A_1179, %add3A_1181 : vector<16xf32>
        %convert_element_type3A_1183 = arith.fptosi %add3A_1176 : vector<16xf32> to vector<16xi32>
        %convert_element_type3A_1184 = arith.sitofp %convert_element_type3A_1183 : vector<16xi32> to vector<16xf32>
        %convert_element_type3A_1185 = arith.fptosi %add3A_1182 : vector<16xf32> to vector<16xi32>
        %convert_element_type3A_1186 = arith.sitofp %convert_element_type3A_1185 : vector<16xi32> to vector<16xf32>
        %lt3A_1187 = arith.cmpf olt, %add3A_1176, %convert_element_type3A_1184 : vector<16xf32>
        %sub3A_1188 = arith.constant 1.000000e+00 : f32
        %sub3A_1189 = vector.broadcast %sub3A_1188 : f32 to vector<16xf32>
        %sub3A_1190 = arith.subf %convert_element_type3A_1184, %sub3A_1189 : vector<16xf32>
        %select_n3A_1191 = arith.select %lt3A_1187, %sub3A_1190, %convert_element_type3A_1184 : vector<16xi1>, vector<16xf32>
        %lt3A_1192 = arith.cmpf olt, %add3A_1182, %convert_element_type3A_1186 : vector<16xf32>
        %sub3A_1193 = arith.constant 1.000000e+00 : f32
        %sub3A_1194 = vector.broadcast %sub3A_1193 : f32 to vector<16xf32>
        %sub3A_1195 = arith.subf %convert_element_type3A_1186, %sub3A_1194 : vector<16xf32>
        %select_n3A_1196 = arith.select %lt3A_1192, %sub3A_1195, %convert_element_type3A_1186 : vector<16xi1>, vector<16xf32>
        %sub3A_1197 = arith.subf %add3A_1176, %select_n3A_1191 : vector<16xf32>
        %sub3A_1198 = arith.subf %add3A_1182, %select_n3A_1196 : vector<16xf32>
        %sub3A_1199 = arith.constant 1.000000e+00 : f32
        %sub3A_1200 = vector.broadcast %sub3A_1199 : f32 to vector<16xf32>
        %sub3A_1201 = arith.subf %sub3A_1200, %sub3A_1197 : vector<16xf32>
        %sub3A_1202 = arith.constant 1.000000e+00 : f32
        %sub3A_1203 = vector.broadcast %sub3A_1202 : f32 to vector<16xf32>
        %sub3A_1204 = arith.subf %sub3A_1203, %sub3A_1198 : vector<16xf32>
        %add3A_1205 = arith.constant 1.000000e+00 : f32
        %add3A_1206 = vector.broadcast %add3A_1205 : f32 to vector<16xf32>
        %add3A_1207 = arith.addf %select_n3A_1191, %add3A_1206 : vector<16xf32>
        %add3A_1208 = arith.constant 1.000000e+00 : f32
        %add3A_1209 = vector.broadcast %add3A_1208 : f32 to vector<16xf32>
        %add3A_1210 = arith.addf %select_n3A_1196, %add3A_1209 : vector<16xf32>
        %gt3A_1211 = arith.constant -1.000000e+00 : f32
        %gt3A_1212 = vector.broadcast %gt3A_1211 : f32 to vector<16xf32>
        %gt3A_1213 = arith.cmpf ogt, %select_n3A_1191, %gt3A_1212 : vector<16xf32>
        %lt3A_1214 = arith.constant 1.280000e+02 : f32
        %lt3A_1215 = vector.broadcast %lt3A_1214 : f32 to vector<16xf32>
        %lt3A_1216 = arith.cmpf olt, %select_n3A_1191, %lt3A_1215 : vector<16xf32>
        %and3A_1217 = arith.andi %gt3A_1213, %lt3A_1216 : vector<16xi1>
        %gt3A_1218 = arith.constant -1.000000e+00 : f32
        %gt3A_1219 = vector.broadcast %gt3A_1218 : f32 to vector<16xf32>
        %gt3A_1220 = arith.cmpf ogt, %add3A_1207, %gt3A_1219 : vector<16xf32>
        %lt3A_1221 = arith.constant 1.280000e+02 : f32
        %lt3A_1222 = vector.broadcast %lt3A_1221 : f32 to vector<16xf32>
        %lt3A_1223 = arith.cmpf olt, %add3A_1207, %lt3A_1222 : vector<16xf32>
        %and3A_1224 = arith.andi %gt3A_1220, %lt3A_1223 : vector<16xi1>
        %gt3A_1225 = arith.constant -1.000000e+00 : f32
        %gt3A_1226 = vector.broadcast %gt3A_1225 : f32 to vector<16xf32>
        %gt3A_1227 = arith.cmpf ogt, %select_n3A_1196, %gt3A_1226 : vector<16xf32>
        %lt3A_1228 = arith.constant 1.280000e+02 : f32
        %lt3A_1229 = vector.broadcast %lt3A_1228 : f32 to vector<16xf32>
        %lt3A_1230 = arith.cmpf olt, %select_n3A_1196, %lt3A_1229 : vector<16xf32>
        %and3A_1231 = arith.andi %gt3A_1227, %lt3A_1230 : vector<16xi1>
        %gt3A_1232 = arith.constant -1.000000e+00 : f32
        %gt3A_1233 = vector.broadcast %gt3A_1232 : f32 to vector<16xf32>
        %gt3A_1234 = arith.cmpf ogt, %add3A_1210, %gt3A_1233 : vector<16xf32>
        %lt3A_1235 = arith.constant 1.280000e+02 : f32
        %lt3A_1236 = vector.broadcast %lt3A_1235 : f32 to vector<16xf32>
        %lt3A_1237 = arith.cmpf olt, %add3A_1210, %lt3A_1236 : vector<16xf32>
        %and3A_1238 = arith.andi %gt3A_1234, %lt3A_1237 : vector<16xi1>
        %and3A_1239 = arith.andi %and3A_1217, %and3A_1231 : vector<16xi1>
        %and3A_1240 = arith.andi %and3A_1224, %and3A_1231 : vector<16xi1>
        %and3A_1241 = arith.andi %and3A_1217, %and3A_1238 : vector<16xi1>
        %and3A_1242 = arith.andi %and3A_1224, %and3A_1238 : vector<16xi1>
        %broadcast_in_dim3A_1243 = arith.constant 0.000000e+00 : f32
        %broadcast_in_dim3A_1244 = vector.broadcast %broadcast_in_dim3A_1243 : f32 to vector<16xf32>
        %mul3A_1245 = arith.mulf %sub3A_1204, %sub3A_1201 : vector<16xf32>
        %select_n3A_1246 = arith.select %and3A_1239, %mul3A_1245, %broadcast_in_dim3A_1244 : vector<16xi1>, vector<16xf32>
        %mul3A_1247 = arith.mulf %sub3A_1204, %sub3A_1197 : vector<16xf32>
        %select_n3A_1248 = arith.select %and3A_1240, %mul3A_1247, %broadcast_in_dim3A_1244 : vector<16xi1>, vector<16xf32>
        %mul3A_1249 = arith.mulf %sub3A_1198, %sub3A_1201 : vector<16xf32>
        %select_n3A_1250 = arith.select %and3A_1241, %mul3A_1249, %broadcast_in_dim3A_1244 : vector<16xi1>, vector<16xf32>
        %mul3A_1251 = arith.mulf %sub3A_1198, %sub3A_1197 : vector<16xf32>
        %select_n3A_1252 = arith.select %and3A_1242, %mul3A_1251, %broadcast_in_dim3A_1244 : vector<16xi1>, vector<16xf32>
        %mul3A_1253 = arith.constant 1.280000e+02 : f32
        %mul3A_1254 = vector.broadcast %mul3A_1253 : f32 to vector<16xf32>
        %mul3A_1255 = arith.mulf %select_n3A_1196, %mul3A_1254 : vector<16xf32>
        %mul3A_1256 = arith.constant 1.280000e+02 : f32
        %mul3A_1257 = vector.broadcast %mul3A_1256 : f32 to vector<16xf32>
        %mul3A_1258 = arith.mulf %add3A_1210, %mul3A_1257 : vector<16xf32>
        %add3A_1259 = arith.addf %mul3A_1255, %select_n3A_1191 : vector<16xf32>
        %select_n3A_1260 = arith.select %and3A_1239, %add3A_1259, %broadcast_in_dim3A_1244 : vector<16xi1>, vector<16xf32>
        %convert_element_type3A_1261 = arith.fptosi %select_n3A_1260 : vector<16xf32> to vector<16xi32>
        %mul3A_1262 = arith.constant 4 : i32
        %mul3A_1263 = vector.broadcast %mul3A_1262 : i32 to vector<16xi32>
        %mul3A_1264 = arith.muli %convert_element_type3A_1261, %mul3A_1263 : vector<16xi32>
        %add3A_1265 = arith.addf %mul3A_1255, %add3A_1207 : vector<16xf32>
        %select_n3A_1266 = arith.select %and3A_1240, %add3A_1265, %broadcast_in_dim3A_1244 : vector<16xi1>, vector<16xf32>
        %convert_element_type3A_1267 = arith.fptosi %select_n3A_1266 : vector<16xf32> to vector<16xi32>
        %mul3A_1268 = arith.constant 4 : i32
        %mul3A_1269 = vector.broadcast %mul3A_1268 : i32 to vector<16xi32>
        %mul3A_1270 = arith.muli %convert_element_type3A_1267, %mul3A_1269 : vector<16xi32>
        %add3A_1271 = arith.addf %mul3A_1258, %select_n3A_1191 : vector<16xf32>
        %select_n3A_1272 = arith.select %and3A_1241, %add3A_1271, %broadcast_in_dim3A_1244 : vector<16xi1>, vector<16xf32>
        %convert_element_type3A_1273 = arith.fptosi %select_n3A_1272 : vector<16xf32> to vector<16xi32>
        %mul3A_1274 = arith.constant 4 : i32
        %mul3A_1275 = vector.broadcast %mul3A_1274 : i32 to vector<16xi32>
        %mul3A_1276 = arith.muli %convert_element_type3A_1273, %mul3A_1275 : vector<16xi32>
        %add3A_1277 = arith.addf %mul3A_1258, %add3A_1207 : vector<16xf32>
        %select_n3A_1278 = arith.select %and3A_1242, %add3A_1277, %broadcast_in_dim3A_1244 : vector<16xi1>, vector<16xf32>
        %convert_element_type3A_1279 = arith.fptosi %select_n3A_1278 : vector<16xf32> to vector<16xi32>
        %mul3A_1280 = arith.constant 4 : i32
        %mul3A_1281 = vector.broadcast %mul3A_1280 : i32 to vector<16xi32>
        %mul3A_1282 = arith.muli %convert_element_type3A_1279, %mul3A_1281 : vector<16xi32>
        %mul3A_1283 = arith.constant 16 : i32
        %mul3A_1284 = arith.muli %add3A_1162, %mul3A_1283 : i32
        %add3A_1285 = vector.broadcast %mul3A_1284 : i32 to vector<16xi32>
        %add3A_1286 = arith.addi %add3A_1285, %iota3A : vector<16xi32>
        %mul3A_1287 = arith.constant 8 : i32
        %mul3A_1288 = vector.broadcast %mul3A_1287 : i32 to vector<16xi32>
        %mul3A_1289 = arith.muli %add3A_1286, %mul3A_1288 : vector<16xi32>
        %add3A_1290 = arith.constant 0 : i32
        %add3A_1291 = vector.broadcast %add3A_1290 : i32 to vector<16xi32>
        %add3A_1292 = arith.addi %mul3A_1264, %add3A_1291 : vector<16xi32>
        %gather3A_1293 = tpu.vector_load_idx %arg6[%add3A_1292] : memref<65536xi32, #tpu.memory_space<vmem>>[vector<16xi32>], vector<16xi32>,
        %bitcast3A_1294 = vector.bitcast %gather3A_1293 : vector<16xi32> to vector<32xbf16>
        %unpack3A_1295 = tpu.unpack_subelements %bitcast3A_1294, 0 {pack_format = #tpu.pack_format<interleaved>} : vector<32xbf16> -> vector<16xf32>
        %unpack3A_1296 = tpu.unpack_subelements %bitcast3A_1294, 1 {pack_format = #tpu.pack_format<interleaved>} : vector<32xbf16> -> vector<16xf32>
        %mul3A_1297 = arith.mulf %select_n3A_1246, %unpack3A_1295 : vector<16xf32>
        %add3A_1298 = arith.addf %broadcast_in_dim3A_1244, %mul3A_1297 : vector<16xf32>
        %mul3A_1299 = arith.mulf %select_n3A_1246, %unpack3A_1296 : vector<16xf32>
        %add3A_1300 = arith.addf %broadcast_in_dim3A_1244, %mul3A_1299 : vector<16xf32>
        %add3A_1301 = arith.constant 0 : i32
        %add3A_1302 = vector.broadcast %add3A_1301 : i32 to vector<16xi32>
        %add3A_1303 = arith.addi %mul3A_1270, %add3A_1302 : vector<16xi32>
        %gather3A_1304 = tpu.vector_load_idx %arg6[%add3A_1303] : memref<65536xi32, #tpu.memory_space<vmem>>[vector<16xi32>], vector<16xi32>,
        %bitcast3A_1305 = vector.bitcast %gather3A_1304 : vector<16xi32> to vector<32xbf16>
        %unpack3A_1306 = tpu.unpack_subelements %bitcast3A_1305, 0 {pack_format = #tpu.pack_format<interleaved>} : vector<32xbf16> -> vector<16xf32>
        %unpack3A_1307 = tpu.unpack_subelements %bitcast3A_1305, 1 {pack_format = #tpu.pack_format<interleaved>} : vector<32xbf16> -> vector<16xf32>
        %mul3A_1308 = arith.mulf %select_n3A_1248, %unpack3A_1306 : vector<16xf32>
        %add3A_1309 = arith.addf %add3A_1298, %mul3A_1308 : vector<16xf32>
        %mul3A_1310 = arith.mulf %select_n3A_1248, %unpack3A_1307 : vector<16xf32>
        %add3A_1311 = arith.addf %add3A_1300, %mul3A_1310 : vector<16xf32>
        %add3A_1312 = arith.constant 0 : i32
        %add3A_1313 = vector.broadcast %add3A_1312 : i32 to vector<16xi32>
        %add3A_1314 = arith.addi %mul3A_1276, %add3A_1313 : vector<16xi32>
        %gather3A_1315 = tpu.vector_load_idx %arg6[%add3A_1314] : memref<65536xi32, #tpu.memory_space<vmem>>[vector<16xi32>], vector<16xi32>,
        %bitcast3A_1316 = vector.bitcast %gather3A_1315 : vector<16xi32> to vector<32xbf16>
        %unpack3A_1317 = tpu.unpack_subelements %bitcast3A_1316, 0 {pack_format = #tpu.pack_format<interleaved>} : vector<32xbf16> -> vector<16xf32>
        %unpack3A_1318 = tpu.unpack_subelements %bitcast3A_1316, 1 {pack_format = #tpu.pack_format<interleaved>} : vector<32xbf16> -> vector<16xf32>
        %mul3A_1319 = arith.mulf %select_n3A_1250, %unpack3A_1317 : vector<16xf32>
        %add3A_1320 = arith.addf %add3A_1309, %mul3A_1319 : vector<16xf32>
        %mul3A_1321 = arith.mulf %select_n3A_1250, %unpack3A_1318 : vector<16xf32>
        %add3A_1322 = arith.addf %add3A_1311, %mul3A_1321 : vector<16xf32>
        %add3A_1323 = arith.constant 0 : i32
        %add3A_1324 = vector.broadcast %add3A_1323 : i32 to vector<16xi32>
        %add3A_1325 = arith.addi %mul3A_1282, %add3A_1324 : vector<16xi32>
        %gather3A_1326 = tpu.vector_load_idx %arg6[%add3A_1325] : memref<65536xi32, #tpu.memory_space<vmem>>[vector<16xi32>], vector<16xi32>,
        %bitcast3A_1327 = vector.bitcast %gather3A_1326 : vector<16xi32> to vector<32xbf16>
        %unpack3A_1328 = tpu.unpack_subelements %bitcast3A_1327, 0 {pack_format = #tpu.pack_format<interleaved>} : vector<32xbf16> -> vector<16xf32>
        %unpack3A_1329 = tpu.unpack_subelements %bitcast3A_1327, 1 {pack_format = #tpu.pack_format<interleaved>} : vector<32xbf16> -> vector<16xf32>
        %mul3A_1330 = arith.mulf %select_n3A_1252, %unpack3A_1328 : vector<16xf32>
        %add3A_1331 = arith.addf %add3A_1320, %mul3A_1330 : vector<16xf32>
        %mul3A_1332 = arith.mulf %select_n3A_1252, %unpack3A_1329 : vector<16xf32>
        %add3A_1333 = arith.addf %add3A_1322, %mul3A_1332 : vector<16xf32>
        %add3A_1334 = arith.constant 0 : i32
        %add3A_1335 = vector.broadcast %add3A_1334 : i32 to vector<16xi32>
        %add3A_1336 = arith.addi %mul3A_1289, %add3A_1335 : vector<16xi32>
        tpu.vector_store_idx %arg11[%add3A_1336], %add3A_1331 : memref<8192xf32, #tpu.memory_space<vmem>>[vector<16xi32>], vector<16xf32>,
        %add3A_1337 = arith.constant 0 : i32
        %add3A_1338 = vector.broadcast %add3A_1337 : i32 to vector<16xi32>
        %add3A_1339 = arith.addi %mul3A_1289, %add3A_1338 : vector<16xi32>
        %add3A_1340 = arith.constant 1 : i32
        %add3A_1341 = vector.broadcast %add3A_1340 : i32 to vector<16xi32>
        %add3A_1342 = arith.addi %add3A_1339, %add3A_1341 : vector<16xi32>
        tpu.vector_store_idx %arg11[%add3A_1342], %add3A_1333 : memref<8192xf32, #tpu.memory_space<vmem>>[vector<16xi32>], vector<16xf32>,
        %add3A_1343 = arith.constant 1 : i32
        %add3A_1344 = vector.broadcast %add3A_1343 : i32 to vector<16xi32>
        %add3A_1345 = arith.addi %mul3A_1264, %add3A_1344 : vector<16xi32>
        %gather3A_1346 = tpu.vector_load_idx %arg6[%add3A_1345] : memref<65536xi32, #tpu.memory_space<vmem>>[vector<16xi32>], vector<16xi32>,
        %bitcast3A_1347 = vector.bitcast %gather3A_1346 : vector<16xi32> to vector<32xbf16>
        %unpack3A_1348 = tpu.unpack_subelements %bitcast3A_1347, 0 {pack_format = #tpu.pack_format<interleaved>} : vector<32xbf16> -> vector<16xf32>
        %unpack3A_1349 = tpu.unpack_subelements %bitcast3A_1347, 1 {pack_format = #tpu.pack_format<interleaved>} : vector<32xbf16> -> vector<16xf32>
        %mul3A_1350 = arith.mulf %select_n3A_1246, %unpack3A_1348 : vector<16xf32>
        %add3A_1351 = arith.addf %broadcast_in_dim3A_1244, %mul3A_1350 : vector<16xf32>
        %mul3A_1352 = arith.mulf %select_n3A_1246, %unpack3A_1349 : vector<16xf32>
        %add3A_1353 = arith.addf %broadcast_in_dim3A_1244, %mul3A_1352 : vector<16xf32>
        %add3A_1354 = arith.constant 1 : i32
        %add3A_1355 = vector.broadcast %add3A_1354 : i32 to vector<16xi32>
        %add3A_1356 = arith.addi %mul3A_1270, %add3A_1355 : vector<16xi32>
        %gather3A_1357 = tpu.vector_load_idx %arg6[%add3A_1356] : memref<65536xi32, #tpu.memory_space<vmem>>[vector<16xi32>], vector<16xi32>,
        %bitcast3A_1358 = vector.bitcast %gather3A_1357 : vector<16xi32> to vector<32xbf16>
        %unpack3A_1359 = tpu.unpack_subelements %bitcast3A_1358, 0 {pack_format = #tpu.pack_format<interleaved>} : vector<32xbf16> -> vector<16xf32>
        %unpack3A_1360 = tpu.unpack_subelements %bitcast3A_1358, 1 {pack_format = #tpu.pack_format<interleaved>} : vector<32xbf16> -> vector<16xf32>
        %mul3A_1361 = arith.mulf %select_n3A_1248, %unpack3A_1359 : vector<16xf32>
        %add3A_1362 = arith.addf %add3A_1351, %mul3A_1361 : vector<16xf32>
        %mul3A_1363 = arith.mulf %select_n3A_1248, %unpack3A_1360 : vector<16xf32>
        %add3A_1364 = arith.addf %add3A_1353, %mul3A_1363 : vector<16xf32>
        %add3A_1365 = arith.constant 1 : i32
        %add3A_1366 = vector.broadcast %add3A_1365 : i32 to vector<16xi32>
        %add3A_1367 = arith.addi %mul3A_1276, %add3A_1366 : vector<16xi32>
        %gather3A_1368 = tpu.vector_load_idx %arg6[%add3A_1367] : memref<65536xi32, #tpu.memory_space<vmem>>[vector<16xi32>], vector<16xi32>,
        %bitcast3A_1369 = vector.bitcast %gather3A_1368 : vector<16xi32> to vector<32xbf16>
        %unpack3A_1370 = tpu.unpack_subelements %bitcast3A_1369, 0 {pack_format = #tpu.pack_format<interleaved>} : vector<32xbf16> -> vector<16xf32>
        %unpack3A_1371 = tpu.unpack_subelements %bitcast3A_1369, 1 {pack_format = #tpu.pack_format<interleaved>} : vector<32xbf16> -> vector<16xf32>
        %mul3A_1372 = arith.mulf %select_n3A_1250, %unpack3A_1370 : vector<16xf32>
        %add3A_1373 = arith.addf %add3A_1362, %mul3A_1372 : vector<16xf32>
        %mul3A_1374 = arith.mulf %select_n3A_1250, %unpack3A_1371 : vector<16xf32>
        %add3A_1375 = arith.addf %add3A_1364, %mul3A_1374 : vector<16xf32>
        %add3A_1376 = arith.constant 1 : i32
        %add3A_1377 = vector.broadcast %add3A_1376 : i32 to vector<16xi32>
        %add3A_1378 = arith.addi %mul3A_1282, %add3A_1377 : vector<16xi32>
        %gather3A_1379 = tpu.vector_load_idx %arg6[%add3A_1378] : memref<65536xi32, #tpu.memory_space<vmem>>[vector<16xi32>], vector<16xi32>,
        %bitcast3A_1380 = vector.bitcast %gather3A_1379 : vector<16xi32> to vector<32xbf16>
        %unpack3A_1381 = tpu.unpack_subelements %bitcast3A_1380, 0 {pack_format = #tpu.pack_format<interleaved>} : vector<32xbf16> -> vector<16xf32>
        %unpack3A_1382 = tpu.unpack_subelements %bitcast3A_1380, 1 {pack_format = #tpu.pack_format<interleaved>} : vector<32xbf16> -> vector<16xf32>
        %mul3A_1383 = arith.mulf %select_n3A_1252, %unpack3A_1381 : vector<16xf32>
        %add3A_1384 = arith.addf %add3A_1373, %mul3A_1383 : vector<16xf32>
        %mul3A_1385 = arith.mulf %select_n3A_1252, %unpack3A_1382 : vector<16xf32>
        %add3A_1386 = arith.addf %add3A_1375, %mul3A_1385 : vector<16xf32>
        %add3A_1387 = arith.constant 2 : i32
        %add3A_1388 = vector.broadcast %add3A_1387 : i32 to vector<16xi32>
        %add3A_1389 = arith.addi %mul3A_1289, %add3A_1388 : vector<16xi32>
        tpu.vector_store_idx %arg11[%add3A_1389], %add3A_1384 : memref<8192xf32, #tpu.memory_space<vmem>>[vector<16xi32>], vector<16xf32>,
        %add3A_1390 = arith.constant 2 : i32
        %add3A_1391 = vector.broadcast %add3A_1390 : i32 to vector<16xi32>
        %add3A_1392 = arith.addi %mul3A_1289, %add3A_1391 : vector<16xi32>
        %add3A_1393 = arith.constant 1 : i32
        %add3A_1394 = vector.broadcast %add3A_1393 : i32 to vector<16xi32>
        %add3A_1395 = arith.addi %add3A_1392, %add3A_1394 : vector<16xi32>
        tpu.vector_store_idx %arg11[%add3A_1395], %add3A_1386 : memref<8192xf32, #tpu.memory_space<vmem>>[vector<16xi32>], vector<16xf32>,
        %add3A_1396 = arith.constant 2 : i32
        %add3A_1397 = vector.broadcast %add3A_1396 : i32 to vector<16xi32>
        %add3A_1398 = arith.addi %mul3A_1264, %add3A_1397 : vector<16xi32>
        %gather3A_1399 = tpu.vector_load_idx %arg6[%add3A_1398] : memref<65536xi32, #tpu.memory_space<vmem>>[vector<16xi32>], vector<16xi32>,
        %bitcast3A_1400 = vector.bitcast %gather3A_1399 : vector<16xi32> to vector<32xbf16>
        %unpack3A_1401 = tpu.unpack_subelements %bitcast3A_1400, 0 {pack_format = #tpu.pack_format<interleaved>} : vector<32xbf16> -> vector<16xf32>
        %unpack3A_1402 = tpu.unpack_subelements %bitcast3A_1400, 1 {pack_format = #tpu.pack_format<interleaved>} : vector<32xbf16> -> vector<16xf32>
        %mul3A_1403 = arith.mulf %select_n3A_1246, %unpack3A_1401 : vector<16xf32>
        %add3A_1404 = arith.addf %broadcast_in_dim3A_1244, %mul3A_1403 : vector<16xf32>
        %mul3A_1405 = arith.mulf %select_n3A_1246, %unpack3A_1402 : vector<16xf32>
        %add3A_1406 = arith.addf %broadcast_in_dim3A_1244, %mul3A_1405 : vector<16xf32>
        %add3A_1407 = arith.constant 2 : i32
        %add3A_1408 = vector.broadcast %add3A_1407 : i32 to vector<16xi32>
        %add3A_1409 = arith.addi %mul3A_1270, %add3A_1408 : vector<16xi32>
        %gather3A_1410 = tpu.vector_load_idx %arg6[%add3A_1409] : memref<65536xi32, #tpu.memory_space<vmem>>[vector<16xi32>], vector<16xi32>,
        %bitcast3A_1411 = vector.bitcast %gather3A_1410 : vector<16xi32> to vector<32xbf16>
        %unpack3A_1412 = tpu.unpack_subelements %bitcast3A_1411, 0 {pack_format = #tpu.pack_format<interleaved>} : vector<32xbf16> -> vector<16xf32>
        %unpack3A_1413 = tpu.unpack_subelements %bitcast3A_1411, 1 {pack_format = #tpu.pack_format<interleaved>} : vector<32xbf16> -> vector<16xf32>
        %mul3A_1414 = arith.mulf %select_n3A_1248, %unpack3A_1412 : vector<16xf32>
        %add3A_1415 = arith.addf %add3A_1404, %mul3A_1414 : vector<16xf32>
        %mul3A_1416 = arith.mulf %select_n3A_1248, %unpack3A_1413 : vector<16xf32>
        %add3A_1417 = arith.addf %add3A_1406, %mul3A_1416 : vector<16xf32>
        %add3A_1418 = arith.constant 2 : i32
        %add3A_1419 = vector.broadcast %add3A_1418 : i32 to vector<16xi32>
        %add3A_1420 = arith.addi %mul3A_1276, %add3A_1419 : vector<16xi32>
        %gather3A_1421 = tpu.vector_load_idx %arg6[%add3A_1420] : memref<65536xi32, #tpu.memory_space<vmem>>[vector<16xi32>], vector<16xi32>,
        %bitcast3A_1422 = vector.bitcast %gather3A_1421 : vector<16xi32> to vector<32xbf16>
        %unpack3A_1423 = tpu.unpack_subelements %bitcast3A_1422, 0 {pack_format = #tpu.pack_format<interleaved>} : vector<32xbf16> -> vector<16xf32>
        %unpack3A_1424 = tpu.unpack_subelements %bitcast3A_1422, 1 {pack_format = #tpu.pack_format<interleaved>} : vector<32xbf16> -> vector<16xf32>
        %mul3A_1425 = arith.mulf %select_n3A_1250, %unpack3A_1423 : vector<16xf32>
        %add3A_1426 = arith.addf %add3A_1415, %mul3A_1425 : vector<16xf32>
        %mul3A_1427 = arith.mulf %select_n3A_1250, %unpack3A_1424 : vector<16xf32>
        %add3A_1428 = arith.addf %add3A_1417, %mul3A_1427 : vector<16xf32>
        %add3A_1429 = arith.constant 2 : i32
        %add3A_1430 = vector.broadcast %add3A_1429 : i32 to vector<16xi32>
        %add3A_1431 = arith.addi %mul3A_1282, %add3A_1430 : vector<16xi32>
        %gather3A_1432 = tpu.vector_load_idx %arg6[%add3A_1431] : memref<65536xi32, #tpu.memory_space<vmem>>[vector<16xi32>], vector<16xi32>,
        %bitcast3A_1433 = vector.bitcast %gather3A_1432 : vector<16xi32> to vector<32xbf16>
        %unpack3A_1434 = tpu.unpack_subelements %bitcast3A_1433, 0 {pack_format = #tpu.pack_format<interleaved>} : vector<32xbf16> -> vector<16xf32>
        %unpack3A_1435 = tpu.unpack_subelements %bitcast3A_1433, 1 {pack_format = #tpu.pack_format<interleaved>} : vector<32xbf16> -> vector<16xf32>
        %mul3A_1436 = arith.mulf %select_n3A_1252, %unpack3A_1434 : vector<16xf32>
        %add3A_1437 = arith.addf %add3A_1426, %mul3A_1436 : vector<16xf32>
        %mul3A_1438 = arith.mulf %select_n3A_1252, %unpack3A_1435 : vector<16xf32>
        %add3A_1439 = arith.addf %add3A_1428, %mul3A_1438 : vector<16xf32>
        %add3A_1440 = arith.constant 4 : i32
        %add3A_1441 = vector.broadcast %add3A_1440 : i32 to vector<16xi32>
        %add3A_1442 = arith.addi %mul3A_1289, %add3A_1441 : vector<16xi32>
        tpu.vector_store_idx %arg11[%add3A_1442], %add3A_1437 : memref<8192xf32, #tpu.memory_space<vmem>>[vector<16xi32>], vector<16xf32>,
        %add3A_1443 = arith.constant 4 : i32
        %add3A_1444 = vector.broadcast %add3A_1443 : i32 to vector<16xi32>
        %add3A_1445 = arith.addi %mul3A_1289, %add3A_1444 : vector<16xi32>
        %add3A_1446 = arith.constant 1 : i32
        %add3A_1447 = vector.broadcast %add3A_1446 : i32 to vector<16xi32>
        %add3A_1448 = arith.addi %add3A_1445, %add3A_1447 : vector<16xi32>
        tpu.vector_store_idx %arg11[%add3A_1448], %add3A_1439 : memref<8192xf32, #tpu.memory_space<vmem>>[vector<16xi32>], vector<16xf32>,
        %add3A_1449 = arith.constant 3 : i32
        %add3A_1450 = vector.broadcast %add3A_1449 : i32 to vector<16xi32>
        %add3A_1451 = arith.addi %mul3A_1264, %add3A_1450 : vector<16xi32>
        %gather3A_1452 = tpu.vector_load_idx %arg6[%add3A_1451] : memref<65536xi32, #tpu.memory_space<vmem>>[vector<16xi32>], vector<16xi32>,
        %bitcast3A_1453 = vector.bitcast %gather3A_1452 : vector<16xi32> to vector<32xbf16>
        %unpack3A_1454 = tpu.unpack_subelements %bitcast3A_1453, 0 {pack_format = #tpu.pack_format<interleaved>} : vector<32xbf16> -> vector<16xf32>
        %unpack3A_1455 = tpu.unpack_subelements %bitcast3A_1453, 1 {pack_format = #tpu.pack_format<interleaved>} : vector<32xbf16> -> vector<16xf32>
        %mul3A_1456 = arith.mulf %select_n3A_1246, %unpack3A_1454 : vector<16xf32>
        %add3A_1457 = arith.addf %broadcast_in_dim3A_1244, %mul3A_1456 : vector<16xf32>
        %mul3A_1458 = arith.mulf %select_n3A_1246, %unpack3A_1455 : vector<16xf32>
        %add3A_1459 = arith.addf %broadcast_in_dim3A_1244, %mul3A_1458 : vector<16xf32>
        %add3A_1460 = arith.constant 3 : i32
        %add3A_1461 = vector.broadcast %add3A_1460 : i32 to vector<16xi32>
        %add3A_1462 = arith.addi %mul3A_1270, %add3A_1461 : vector<16xi32>
        %gather3A_1463 = tpu.vector_load_idx %arg6[%add3A_1462] : memref<65536xi32, #tpu.memory_space<vmem>>[vector<16xi32>], vector<16xi32>,
        %bitcast3A_1464 = vector.bitcast %gather3A_1463 : vector<16xi32> to vector<32xbf16>
        %unpack3A_1465 = tpu.unpack_subelements %bitcast3A_1464, 0 {pack_format = #tpu.pack_format<interleaved>} : vector<32xbf16> -> vector<16xf32>
        %unpack3A_1466 = tpu.unpack_subelements %bitcast3A_1464, 1 {pack_format = #tpu.pack_format<interleaved>} : vector<32xbf16> -> vector<16xf32>
        %mul3A_1467 = arith.mulf %select_n3A_1248, %unpack3A_1465 : vector<16xf32>
        %add3A_1468 = arith.addf %add3A_1457, %mul3A_1467 : vector<16xf32>
        %mul3A_1469 = arith.mulf %select_n3A_1248, %unpack3A_1466 : vector<16xf32>
        %add3A_1470 = arith.addf %add3A_1459, %mul3A_1469 : vector<16xf32>
        %add3A_1471 = arith.constant 3 : i32
        %add3A_1472 = vector.broadcast %add3A_1471 : i32 to vector<16xi32>
        %add3A_1473 = arith.addi %mul3A_1276, %add3A_1472 : vector<16xi32>
        %gather3A_1474 = tpu.vector_load_idx %arg6[%add3A_1473] : memref<65536xi32, #tpu.memory_space<vmem>>[vector<16xi32>], vector<16xi32>,
        %bitcast3A_1475 = vector.bitcast %gather3A_1474 : vector<16xi32> to vector<32xbf16>
        %unpack3A_1476 = tpu.unpack_subelements %bitcast3A_1475, 0 {pack_format = #tpu.pack_format<interleaved>} : vector<32xbf16> -> vector<16xf32>
        %unpack3A_1477 = tpu.unpack_subelements %bitcast3A_1475, 1 {pack_format = #tpu.pack_format<interleaved>} : vector<32xbf16> -> vector<16xf32>
        %mul3A_1478 = arith.mulf %select_n3A_1250, %unpack3A_1476 : vector<16xf32>
        %add3A_1479 = arith.addf %add3A_1468, %mul3A_1478 : vector<16xf32>
        %mul3A_1480 = arith.mulf %select_n3A_1250, %unpack3A_1477 : vector<16xf32>
        %add3A_1481 = arith.addf %add3A_1470, %mul3A_1480 : vector<16xf32>
        %add3A_1482 = arith.constant 3 : i32
        %add3A_1483 = vector.broadcast %add3A_1482 : i32 to vector<16xi32>
        %add3A_1484 = arith.addi %mul3A_1282, %add3A_1483 : vector<16xi32>
        %gather3A_1485 = tpu.vector_load_idx %arg6[%add3A_1484] : memref<65536xi32, #tpu.memory_space<vmem>>[vector<16xi32>], vector<16xi32>,
        %bitcast3A_1486 = vector.bitcast %gather3A_1485 : vector<16xi32> to vector<32xbf16>
        %unpack3A_1487 = tpu.unpack_subelements %bitcast3A_1486, 0 {pack_format = #tpu.pack_format<interleaved>} : vector<32xbf16> -> vector<16xf32>
        %unpack3A_1488 = tpu.unpack_subelements %bitcast3A_1486, 1 {pack_format = #tpu.pack_format<interleaved>} : vector<32xbf16> -> vector<16xf32>
        %mul3A_1489 = arith.mulf %select_n3A_1252, %unpack3A_1487 : vector<16xf32>
        %add3A_1490 = arith.addf %add3A_1479, %mul3A_1489 : vector<16xf32>
        %mul3A_1491 = arith.mulf %select_n3A_1252, %unpack3A_1488 : vector<16xf32>
        %add3A_1492 = arith.addf %add3A_1481, %mul3A_1491 : vector<16xf32>
        %add3A_1493 = arith.constant 6 : i32
        %add3A_1494 = vector.broadcast %add3A_1493 : i32 to vector<16xi32>
        %add3A_1495 = arith.addi %mul3A_1289, %add3A_1494 : vector<16xi32>
        tpu.vector_store_idx %arg11[%add3A_1495], %add3A_1490 : memref<8192xf32, #tpu.memory_space<vmem>>[vector<16xi32>], vector<16xf32>,
        %add3A_1496 = arith.constant 6 : i32
        %add3A_1497 = vector.broadcast %add3A_1496 : i32 to vector<16xi32>
        %add3A_1498 = arith.addi %mul3A_1289, %add3A_1497 : vector<16xi32>
        %add3A_1499 = arith.constant 1 : i32
        %add3A_1500 = vector.broadcast %add3A_1499 : i32 to vector<16xi32>
        %add3A_1501 = arith.addi %add3A_1498, %add3A_1500 : vector<16xi32>
        tpu.vector_store_idx %arg11[%add3A_1501], %add3A_1492 : memref<8192xf32, #tpu.memory_space<vmem>>[vector<16xi32>], vector<16xf32>,
      }
      %scan3A_82 = arith.constant 64 : i32
      %mul3A_83 = arith.constant 720896 : i32
      %mul3A_84 = arith.muli %select_n3A, %mul3A_83 : i32
      %add3A_85 = arith.addi %mul3A_84, %add3A_60 : i32
      %mul3A_86 = arith.constant 8 : i32
      %mul3A_87 = arith.muli %add3A_85, %mul3A_86 : i32
      %dma_start3A_88 = tpu.memref_slice %arg5[%mul3A_87] : memref<23068672xf32, #tpu.memory_space<hbm>> -> memref<8192xf32, #tpu.memory_space<hbm>>
      %dma_start3A_89 = tpu.memref_slice %arg5[%mul3A_87] : memref<23068672xf32, #tpu.memory_space<hbm>> -> memref<8192xf32, #tpu.memory_space<hbm>>
      tpu.enqueue_dma source(%arg11 : memref<8192xf32, #tpu.memory_space<vmem>>) target(%dma_start3A_89 : memref<8192xf32, #tpu.memory_space<hbm>>) target_semaphore(%arg14 : memref<!tpu.dma_semaphore, #tpu.memory_space<semaphore_mem>>)
      %mul3A_90 = arith.constant 2 : i32
      %mul3A_91 = arith.muli %add3A_53, %mul3A_90 : i32
      %add3A_92 = arith.constant 1 : i32
      %add3A_93 = arith.addi %mul3A_91, %add3A_92 : i32
      %mul3A_94 = arith.constant 1024 : i32
      %mul3A_95 = arith.muli %add3A_93, %mul3A_94 : i32
      %add3A_96 = arith.addi %mul3A_32, %mul3A_95 : i32
      %dma_wait3A_97 = arith.constant 0 : i32
      %dma_wait3A_98 = tpu.memref_slice %arg3[%dma_wait3A_97] : memref<720896xf32, #tpu.memory_space<hbm>> -> memref<1024xf32, #tpu.memory_space<hbm>>
      %dma_wait3A_99 = arith.constant 0 : i32
      %dma_wait3A_100 = tpu.memref_slice %arg3[%dma_wait3A_99] : memref<720896xf32, #tpu.memory_space<hbm>> -> memref<1024xf32, #tpu.memory_space<hbm>>
      tpu.wait_dma2 semaphore(%arg13 : memref<!tpu.dma_semaphore, #tpu.memory_space<semaphore_mem>>) src(%dma_wait3A_100 : memref<1024xf32, #tpu.memory_space<hbm>>) dst(%arg8 : memref<1024xf32, #tpu.memory_space<vmem>>)
      %dma_wait3A_101 = arith.constant 0 : i32
      %dma_wait3A_102 = tpu.memref_slice %arg4[%dma_wait3A_101] : memref<720896xf32, #tpu.memory_space<hbm>> -> memref<1024xf32, #tpu.memory_space<hbm>>
      %dma_wait3A_103 = arith.constant 0 : i32
      %dma_wait3A_104 = tpu.memref_slice %arg4[%dma_wait3A_103] : memref<720896xf32, #tpu.memory_space<hbm>> -> memref<1024xf32, #tpu.memory_space<hbm>>
      tpu.wait_dma2 semaphore(%arg13 : memref<!tpu.dma_semaphore, #tpu.memory_space<semaphore_mem>>) src(%dma_wait3A_104 : memref<1024xf32, #tpu.memory_space<hbm>>) dst(%arg10 : memref<1024xf32, #tpu.memory_space<vmem>>)
      %add3A_105 = arith.constant 1 : i32
      %add3A_106 = arith.addi %add3A_93, %add3A_105 : i32
      %lt3A_107 = arith.constant 88 : i32
      %lt3A_108 = arith.cmpi slt, %add3A_106, %lt3A_107 : i32
      %convert_element_type3A_109 = arith.extui %lt3A_108 : i1 to i32
      %cond3A_110 = arith.constant 0 : i32
      %cond3A_111 = arith.cmpi ne, %convert_element_type3A_109, %cond3A_110 : i32
      scf.if %cond3A_111 {
        %add3A_129 = arith.constant 1 : i32
        %add3A_130 = arith.addi %add3A_93, %add3A_129 : i32
        %mul3A_131 = arith.constant 1024 : i32
        %mul3A_132 = arith.muli %add3A_130, %mul3A_131 : i32
        %add3A_133 = arith.addi %mul3A_32, %mul3A_132 : i32
        %dma_start3A_134 = tpu.memref_slice %arg3[%add3A_133] : memref<720896xf32, #tpu.memory_space<hbm>> -> memref<1024xf32, #tpu.memory_space<hbm>>
        %dma_start3A_135 = tpu.memref_slice %arg3[%add3A_133] : memref<720896xf32, #tpu.memory_space<hbm>> -> memref<1024xf32, #tpu.memory_space<hbm>>
        tpu.enqueue_dma source(%dma_start3A_135 : memref<1024xf32, #tpu.memory_space<hbm>>) target(%arg7 : memref<1024xf32, #tpu.memory_space<vmem>>) target_semaphore(%arg13 : memref<!tpu.dma_semaphore, #tpu.memory_space<semaphore_mem>>)
        %dma_start3A_136 = tpu.memref_slice %arg4[%add3A_133] : memref<720896xf32, #tpu.memory_space<hbm>> -> memref<1024xf32, #tpu.memory_space<hbm>>
        %dma_start3A_137 = tpu.memref_slice %arg4[%add3A_133] : memref<720896xf32, #tpu.memory_space<hbm>> -> memref<1024xf32, #tpu.memory_space<hbm>>
        tpu.enqueue_dma source(%dma_start3A_137 : memref<1024xf32, #tpu.memory_space<hbm>>) target(%arg9 : memref<1024xf32, #tpu.memory_space<vmem>>) target_semaphore(%arg13 : memref<!tpu.dma_semaphore, #tpu.memory_space<semaphore_mem>>)
      } else {
      }
      %ge3A_112 = arith.constant 2 : i32
      %ge3A_113 = arith.cmpi sge, %add3A_93, %ge3A_112 : i32
      %convert_element_type3A_114 = arith.extui %ge3A_113 : i1 to i32
      %cond3A_115 = arith.constant 0 : i32
      %cond3A_116 = arith.cmpi ne, %convert_element_type3A_114, %cond3A_115 : i32
      scf.if %cond3A_116 {
        %dma_wait3A_129 = arith.constant 0 : i32
        %dma_wait3A_130 = tpu.memref_slice %arg5[%dma_wait3A_129] : memref<23068672xf32, #tpu.memory_space<hbm>> -> memref<8192xf32, #tpu.memory_space<hbm>>
        %dma_wait3A_131 = arith.constant 0 : i32
        %dma_wait3A_132 = tpu.memref_slice %arg5[%dma_wait3A_131] : memref<23068672xf32, #tpu.memory_space<hbm>> -> memref<8192xf32, #tpu.memory_space<hbm>>
        tpu.wait_dma2 semaphore(%arg14 : memref<!tpu.dma_semaphore, #tpu.memory_space<semaphore_mem>>) src(%arg12 : memref<8192xf32, #tpu.memory_space<vmem>>) dst(%dma_wait3A_132 : memref<8192xf32, #tpu.memory_space<hbm>>)
      } else {
      }
      %scan3A_117 = arith.constant 0 : i32
      %scan3A_118 = arith.constant 64 : i32
      %scan3A_119 = arith.addi %scan3A_117, %scan3A_118 : i32
      %scan3A_120 = arith.constant 4 : i32
      scf.for %scan3A_129 = %scan3A_117 to %scan3A_119 step %scan3A_120  : i32 {
        %mul3A_130 = arith.constant 1 : i32
        %mul3A_131 = arith.muli %scan3A_129, %mul3A_130 : i32
        %add3A_132 = arith.constant 0 : i32
        %add3A_133 = arith.addi %add3A_132, %mul3A_131 : i32
        %mul3A_134 = arith.constant 16 : i32
        %mul3A_135 = arith.muli %add3A_133, %mul3A_134 : i32
        %get3A = arith.index_cast %mul3A_135 : i32 to index
        %get3A_136 = tpu.vector_load %arg8[%get3A] {strides = array<i32>} : memref<1024xf32, #tpu.memory_space<vmem>>, vector<16xf32>,
        %mul3A_137 = arith.constant 16 : i32
        %mul3A_138 = arith.muli %add3A_133, %mul3A_137 : i32
        %get3A_139 = arith.index_cast %mul3A_138 : i32 to index
        %get3A_140 = tpu.vector_load %arg10[%get3A_139] {strides = array<i32>} : memref<1024xf32, #tpu.memory_space<vmem>>, vector<16xf32>,
        %mul3A_141 = arith.constant 6.400000e+01 : f32
        %mul3A_142 = vector.broadcast %mul3A_141 : f32 to vector<16xf32>
        %mul3A_143 = arith.mulf %get3A_136, %mul3A_142 : vector<16xf32>
        %add3A_144 = arith.constant 6.350000e+01 : f32
        %add3A_145 = vector.broadcast %add3A_144 : f32 to vector<16xf32>
        %add3A_146 = arith.addf %mul3A_143, %add3A_145 : vector<16xf32>
        %mul3A_147 = arith.constant 6.400000e+01 : f32
        %mul3A_148 = vector.broadcast %mul3A_147 : f32 to vector<16xf32>
        %mul3A_149 = arith.mulf %get3A_140, %mul3A_148 : vector<16xf32>
        %add3A_150 = arith.constant 6.350000e+01 : f32
        %add3A_151 = vector.broadcast %add3A_150 : f32 to vector<16xf32>
        %add3A_152 = arith.addf %mul3A_149, %add3A_151 : vector<16xf32>
        %convert_element_type3A_153 = arith.fptosi %add3A_146 : vector<16xf32> to vector<16xi32>
        %convert_element_type3A_154 = arith.sitofp %convert_element_type3A_153 : vector<16xi32> to vector<16xf32>
        %convert_element_type3A_155 = arith.fptosi %add3A_152 : vector<16xf32> to vector<16xi32>
        %convert_element_type3A_156 = arith.sitofp %convert_element_type3A_155 : vector<16xi32> to vector<16xf32>
        %lt3A_157 = arith.cmpf olt, %add3A_146, %convert_element_type3A_154 : vector<16xf32>
        %sub3A_158 = arith.constant 1.000000e+00 : f32
        %sub3A_159 = vector.broadcast %sub3A_158 : f32 to vector<16xf32>
        %sub3A_160 = arith.subf %convert_element_type3A_154, %sub3A_159 : vector<16xf32>
        %select_n3A_161 = arith.select %lt3A_157, %sub3A_160, %convert_element_type3A_154 : vector<16xi1>, vector<16xf32>
        %lt3A_162 = arith.cmpf olt, %add3A_152, %convert_element_type3A_156 : vector<16xf32>
        %sub3A_163 = arith.constant 1.000000e+00 : f32
        %sub3A_164 = vector.broadcast %sub3A_163 : f32 to vector<16xf32>
        %sub3A_165 = arith.subf %convert_element_type3A_156, %sub3A_164 : vector<16xf32>
        %select_n3A_166 = arith.select %lt3A_162, %sub3A_165, %convert_element_type3A_156 : vector<16xi1>, vector<16xf32>
        %sub3A_167 = arith.subf %add3A_146, %select_n3A_161 : vector<16xf32>
        %sub3A_168 = arith.subf %add3A_152, %select_n3A_166 : vector<16xf32>
        %sub3A_169 = arith.constant 1.000000e+00 : f32
        %sub3A_170 = vector.broadcast %sub3A_169 : f32 to vector<16xf32>
        %sub3A_171 = arith.subf %sub3A_170, %sub3A_167 : vector<16xf32>
        %sub3A_172 = arith.constant 1.000000e+00 : f32
        %sub3A_173 = vector.broadcast %sub3A_172 : f32 to vector<16xf32>
        %sub3A_174 = arith.subf %sub3A_173, %sub3A_168 : vector<16xf32>
        %add3A_175 = arith.constant 1.000000e+00 : f32
        %add3A_176 = vector.broadcast %add3A_175 : f32 to vector<16xf32>
        %add3A_177 = arith.addf %select_n3A_161, %add3A_176 : vector<16xf32>
        %add3A_178 = arith.constant 1.000000e+00 : f32
        %add3A_179 = vector.broadcast %add3A_178 : f32 to vector<16xf32>
        %add3A_180 = arith.addf %select_n3A_166, %add3A_179 : vector<16xf32>
        %gt3A = arith.constant -1.000000e+00 : f32
        %gt3A_181 = vector.broadcast %gt3A : f32 to vector<16xf32>
        %gt3A_182 = arith.cmpf ogt, %select_n3A_161, %gt3A_181 : vector<16xf32>
        %lt3A_183 = arith.constant 1.280000e+02 : f32
        %lt3A_184 = vector.broadcast %lt3A_183 : f32 to vector<16xf32>
        %lt3A_185 = arith.cmpf olt, %select_n3A_161, %lt3A_184 : vector<16xf32>
        %and3A_186 = arith.andi %gt3A_182, %lt3A_185 : vector<16xi1>
        %gt3A_187 = arith.constant -1.000000e+00 : f32
        %gt3A_188 = vector.broadcast %gt3A_187 : f32 to vector<16xf32>
        %gt3A_189 = arith.cmpf ogt, %add3A_177, %gt3A_188 : vector<16xf32>
        %lt3A_190 = arith.constant 1.280000e+02 : f32
        %lt3A_191 = vector.broadcast %lt3A_190 : f32 to vector<16xf32>
        %lt3A_192 = arith.cmpf olt, %add3A_177, %lt3A_191 : vector<16xf32>
        %and3A_193 = arith.andi %gt3A_189, %lt3A_192 : vector<16xi1>
        %gt3A_194 = arith.constant -1.000000e+00 : f32
        %gt3A_195 = vector.broadcast %gt3A_194 : f32 to vector<16xf32>
        %gt3A_196 = arith.cmpf ogt, %select_n3A_166, %gt3A_195 : vector<16xf32>
        %lt3A_197 = arith.constant 1.280000e+02 : f32
        %lt3A_198 = vector.broadcast %lt3A_197 : f32 to vector<16xf32>
        %lt3A_199 = arith.cmpf olt, %select_n3A_166, %lt3A_198 : vector<16xf32>
        %and3A_200 = arith.andi %gt3A_196, %lt3A_199 : vector<16xi1>
        %gt3A_201 = arith.constant -1.000000e+00 : f32
        %gt3A_202 = vector.broadcast %gt3A_201 : f32 to vector<16xf32>
        %gt3A_203 = arith.cmpf ogt, %add3A_180, %gt3A_202 : vector<16xf32>
        %lt3A_204 = arith.constant 1.280000e+02 : f32
        %lt3A_205 = vector.broadcast %lt3A_204 : f32 to vector<16xf32>
        %lt3A_206 = arith.cmpf olt, %add3A_180, %lt3A_205 : vector<16xf32>
        %and3A_207 = arith.andi %gt3A_203, %lt3A_206 : vector<16xi1>
        %and3A_208 = arith.andi %and3A_186, %and3A_200 : vector<16xi1>
        %and3A_209 = arith.andi %and3A_193, %and3A_200 : vector<16xi1>
        %and3A_210 = arith.andi %and3A_186, %and3A_207 : vector<16xi1>
        %and3A_211 = arith.andi %and3A_193, %and3A_207 : vector<16xi1>
        %broadcast_in_dim3A = arith.constant 0.000000e+00 : f32
        %broadcast_in_dim3A_212 = vector.broadcast %broadcast_in_dim3A : f32 to vector<16xf32>
        %mul3A_213 = arith.mulf %sub3A_174, %sub3A_171 : vector<16xf32>
        %select_n3A_214 = arith.select %and3A_208, %mul3A_213, %broadcast_in_dim3A_212 : vector<16xi1>, vector<16xf32>
        %mul3A_215 = arith.mulf %sub3A_174, %sub3A_167 : vector<16xf32>
        %select_n3A_216 = arith.select %and3A_209, %mul3A_215, %broadcast_in_dim3A_212 : vector<16xi1>, vector<16xf32>
        %mul3A_217 = arith.mulf %sub3A_168, %sub3A_171 : vector<16xf32>
        %select_n3A_218 = arith.select %and3A_210, %mul3A_217, %broadcast_in_dim3A_212 : vector<16xi1>, vector<16xf32>
        %mul3A_219 = arith.mulf %sub3A_168, %sub3A_167 : vector<16xf32>
        %select_n3A_220 = arith.select %and3A_211, %mul3A_219, %broadcast_in_dim3A_212 : vector<16xi1>, vector<16xf32>
        %mul3A_221 = arith.constant 1.280000e+02 : f32
        %mul3A_222 = vector.broadcast %mul3A_221 : f32 to vector<16xf32>
        %mul3A_223 = arith.mulf %select_n3A_166, %mul3A_222 : vector<16xf32>
        %mul3A_224 = arith.constant 1.280000e+02 : f32
        %mul3A_225 = vector.broadcast %mul3A_224 : f32 to vector<16xf32>
        %mul3A_226 = arith.mulf %add3A_180, %mul3A_225 : vector<16xf32>
        %add3A_227 = arith.addf %mul3A_223, %select_n3A_161 : vector<16xf32>
        %select_n3A_228 = arith.select %and3A_208, %add3A_227, %broadcast_in_dim3A_212 : vector<16xi1>, vector<16xf32>
        %convert_element_type3A_229 = arith.fptosi %select_n3A_228 : vector<16xf32> to vector<16xi32>
        %mul3A_230 = arith.constant 4 : i32
        %mul3A_231 = vector.broadcast %mul3A_230 : i32 to vector<16xi32>
        %mul3A_232 = arith.muli %convert_element_type3A_229, %mul3A_231 : vector<16xi32>
        %add3A_233 = arith.addf %mul3A_223, %add3A_177 : vector<16xf32>
        %select_n3A_234 = arith.select %and3A_209, %add3A_233, %broadcast_in_dim3A_212 : vector<16xi1>, vector<16xf32>
        %convert_element_type3A_235 = arith.fptosi %select_n3A_234 : vector<16xf32> to vector<16xi32>
        %mul3A_236 = arith.constant 4 : i32
        %mul3A_237 = vector.broadcast %mul3A_236 : i32 to vector<16xi32>
        %mul3A_238 = arith.muli %convert_element_type3A_235, %mul3A_237 : vector<16xi32>
        %add3A_239 = arith.addf %mul3A_226, %select_n3A_161 : vector<16xf32>
        %select_n3A_240 = arith.select %and3A_210, %add3A_239, %broadcast_in_dim3A_212 : vector<16xi1>, vector<16xf32>
        %convert_element_type3A_241 = arith.fptosi %select_n3A_240 : vector<16xf32> to vector<16xi32>
        %mul3A_242 = arith.constant 4 : i32
        %mul3A_243 = vector.broadcast %mul3A_242 : i32 to vector<16xi32>
        %mul3A_244 = arith.muli %convert_element_type3A_241, %mul3A_243 : vector<16xi32>
        %add3A_245 = arith.addf %mul3A_226, %add3A_177 : vector<16xf32>
        %select_n3A_246 = arith.select %and3A_211, %add3A_245, %broadcast_in_dim3A_212 : vector<16xi1>, vector<16xf32>
        %convert_element_type3A_247 = arith.fptosi %select_n3A_246 : vector<16xf32> to vector<16xi32>
        %mul3A_248 = arith.constant 4 : i32
        %mul3A_249 = vector.broadcast %mul3A_248 : i32 to vector<16xi32>
        %mul3A_250 = arith.muli %convert_element_type3A_247, %mul3A_249 : vector<16xi32>
        %mul3A_251 = arith.constant 16 : i32
        %mul3A_252 = arith.muli %add3A_133, %mul3A_251 : i32
        %add3A_253 = vector.broadcast %mul3A_252 : i32 to vector<16xi32>
        %add3A_254 = arith.addi %add3A_253, %iota3A : vector<16xi32>
        %mul3A_255 = arith.constant 8 : i32
        %mul3A_256 = vector.broadcast %mul3A_255 : i32 to vector<16xi32>
        %mul3A_257 = arith.muli %add3A_254, %mul3A_256 : vector<16xi32>
        %add3A_258 = arith.constant 0 : i32
        %add3A_259 = vector.broadcast %add3A_258 : i32 to vector<16xi32>
        %add3A_260 = arith.addi %mul3A_232, %add3A_259 : vector<16xi32>
        %gather3A = tpu.vector_load_idx %arg6[%add3A_260] : memref<65536xi32, #tpu.memory_space<vmem>>[vector<16xi32>], vector<16xi32>,
        %bitcast3A = vector.bitcast %gather3A : vector<16xi32> to vector<32xbf16>
        %unpack3A = tpu.unpack_subelements %bitcast3A, 0 {pack_format = #tpu.pack_format<interleaved>} : vector<32xbf16> -> vector<16xf32>
        %unpack3A_261 = tpu.unpack_subelements %bitcast3A, 1 {pack_format = #tpu.pack_format<interleaved>} : vector<32xbf16> -> vector<16xf32>
        %mul3A_262 = arith.mulf %select_n3A_214, %unpack3A : vector<16xf32>
        %add3A_263 = arith.addf %broadcast_in_dim3A_212, %mul3A_262 : vector<16xf32>
        %mul3A_264 = arith.mulf %select_n3A_214, %unpack3A_261 : vector<16xf32>
        %add3A_265 = arith.addf %broadcast_in_dim3A_212, %mul3A_264 : vector<16xf32>
        %add3A_266 = arith.constant 0 : i32
        %add3A_267 = vector.broadcast %add3A_266 : i32 to vector<16xi32>
        %add3A_268 = arith.addi %mul3A_238, %add3A_267 : vector<16xi32>
        %gather3A_269 = tpu.vector_load_idx %arg6[%add3A_268] : memref<65536xi32, #tpu.memory_space<vmem>>[vector<16xi32>], vector<16xi32>,
        %bitcast3A_270 = vector.bitcast %gather3A_269 : vector<16xi32> to vector<32xbf16>
        %unpack3A_271 = tpu.unpack_subelements %bitcast3A_270, 0 {pack_format = #tpu.pack_format<interleaved>} : vector<32xbf16> -> vector<16xf32>
        %unpack3A_272 = tpu.unpack_subelements %bitcast3A_270, 1 {pack_format = #tpu.pack_format<interleaved>} : vector<32xbf16> -> vector<16xf32>
        %mul3A_273 = arith.mulf %select_n3A_216, %unpack3A_271 : vector<16xf32>
        %add3A_274 = arith.addf %add3A_263, %mul3A_273 : vector<16xf32>
        %mul3A_275 = arith.mulf %select_n3A_216, %unpack3A_272 : vector<16xf32>
        %add3A_276 = arith.addf %add3A_265, %mul3A_275 : vector<16xf32>
        %add3A_277 = arith.constant 0 : i32
        %add3A_278 = vector.broadcast %add3A_277 : i32 to vector<16xi32>
        %add3A_279 = arith.addi %mul3A_244, %add3A_278 : vector<16xi32>
        %gather3A_280 = tpu.vector_load_idx %arg6[%add3A_279] : memref<65536xi32, #tpu.memory_space<vmem>>[vector<16xi32>], vector<16xi32>,
        %bitcast3A_281 = vector.bitcast %gather3A_280 : vector<16xi32> to vector<32xbf16>
        %unpack3A_282 = tpu.unpack_subelements %bitcast3A_281, 0 {pack_format = #tpu.pack_format<interleaved>} : vector<32xbf16> -> vector<16xf32>
        %unpack3A_283 = tpu.unpack_subelements %bitcast3A_281, 1 {pack_format = #tpu.pack_format<interleaved>} : vector<32xbf16> -> vector<16xf32>
        %mul3A_284 = arith.mulf %select_n3A_218, %unpack3A_282 : vector<16xf32>
        %add3A_285 = arith.addf %add3A_274, %mul3A_284 : vector<16xf32>
        %mul3A_286 = arith.mulf %select_n3A_218, %unpack3A_283 : vector<16xf32>
        %add3A_287 = arith.addf %add3A_276, %mul3A_286 : vector<16xf32>
        %add3A_288 = arith.constant 0 : i32
        %add3A_289 = vector.broadcast %add3A_288 : i32 to vector<16xi32>
        %add3A_290 = arith.addi %mul3A_250, %add3A_289 : vector<16xi32>
        %gather3A_291 = tpu.vector_load_idx %arg6[%add3A_290] : memref<65536xi32, #tpu.memory_space<vmem>>[vector<16xi32>], vector<16xi32>,
        %bitcast3A_292 = vector.bitcast %gather3A_291 : vector<16xi32> to vector<32xbf16>
        %unpack3A_293 = tpu.unpack_subelements %bitcast3A_292, 0 {pack_format = #tpu.pack_format<interleaved>} : vector<32xbf16> -> vector<16xf32>
        %unpack3A_294 = tpu.unpack_subelements %bitcast3A_292, 1 {pack_format = #tpu.pack_format<interleaved>} : vector<32xbf16> -> vector<16xf32>
        %mul3A_295 = arith.mulf %select_n3A_220, %unpack3A_293 : vector<16xf32>
        %add3A_296 = arith.addf %add3A_285, %mul3A_295 : vector<16xf32>
        %mul3A_297 = arith.mulf %select_n3A_220, %unpack3A_294 : vector<16xf32>
        %add3A_298 = arith.addf %add3A_287, %mul3A_297 : vector<16xf32>
        %add3A_299 = arith.constant 0 : i32
        %add3A_300 = vector.broadcast %add3A_299 : i32 to vector<16xi32>
        %add3A_301 = arith.addi %mul3A_257, %add3A_300 : vector<16xi32>
        tpu.vector_store_idx %arg12[%add3A_301], %add3A_296 : memref<8192xf32, #tpu.memory_space<vmem>>[vector<16xi32>], vector<16xf32>,
        %add3A_302 = arith.constant 0 : i32
        %add3A_303 = vector.broadcast %add3A_302 : i32 to vector<16xi32>
        %add3A_304 = arith.addi %mul3A_257, %add3A_303 : vector<16xi32>
        %add3A_305 = arith.constant 1 : i32
        %add3A_306 = vector.broadcast %add3A_305 : i32 to vector<16xi32>
        %add3A_307 = arith.addi %add3A_304, %add3A_306 : vector<16xi32>
        tpu.vector_store_idx %arg12[%add3A_307], %add3A_298 : memref<8192xf32, #tpu.memory_space<vmem>>[vector<16xi32>], vector<16xf32>,
        %add3A_308 = arith.constant 1 : i32
        %add3A_309 = vector.broadcast %add3A_308 : i32 to vector<16xi32>
        %add3A_310 = arith.addi %mul3A_232, %add3A_309 : vector<16xi32>
        %gather3A_311 = tpu.vector_load_idx %arg6[%add3A_310] : memref<65536xi32, #tpu.memory_space<vmem>>[vector<16xi32>], vector<16xi32>,
        %bitcast3A_312 = vector.bitcast %gather3A_311 : vector<16xi32> to vector<32xbf16>
        %unpack3A_313 = tpu.unpack_subelements %bitcast3A_312, 0 {pack_format = #tpu.pack_format<interleaved>} : vector<32xbf16> -> vector<16xf32>
        %unpack3A_314 = tpu.unpack_subelements %bitcast3A_312, 1 {pack_format = #tpu.pack_format<interleaved>} : vector<32xbf16> -> vector<16xf32>
        %mul3A_315 = arith.mulf %select_n3A_214, %unpack3A_313 : vector<16xf32>
        %add3A_316 = arith.addf %broadcast_in_dim3A_212, %mul3A_315 : vector<16xf32>
        %mul3A_317 = arith.mulf %select_n3A_214, %unpack3A_314 : vector<16xf32>
        %add3A_318 = arith.addf %broadcast_in_dim3A_212, %mul3A_317 : vector<16xf32>
        %add3A_319 = arith.constant 1 : i32
        %add3A_320 = vector.broadcast %add3A_319 : i32 to vector<16xi32>
        %add3A_321 = arith.addi %mul3A_238, %add3A_320 : vector<16xi32>
        %gather3A_322 = tpu.vector_load_idx %arg6[%add3A_321] : memref<65536xi32, #tpu.memory_space<vmem>>[vector<16xi32>], vector<16xi32>,
        %bitcast3A_323 = vector.bitcast %gather3A_322 : vector<16xi32> to vector<32xbf16>
        %unpack3A_324 = tpu.unpack_subelements %bitcast3A_323, 0 {pack_format = #tpu.pack_format<interleaved>} : vector<32xbf16> -> vector<16xf32>
        %unpack3A_325 = tpu.unpack_subelements %bitcast3A_323, 1 {pack_format = #tpu.pack_format<interleaved>} : vector<32xbf16> -> vector<16xf32>
        %mul3A_326 = arith.mulf %select_n3A_216, %unpack3A_324 : vector<16xf32>
        %add3A_327 = arith.addf %add3A_316, %mul3A_326 : vector<16xf32>
        %mul3A_328 = arith.mulf %select_n3A_216, %unpack3A_325 : vector<16xf32>
        %add3A_329 = arith.addf %add3A_318, %mul3A_328 : vector<16xf32>
        %add3A_330 = arith.constant 1 : i32
        %add3A_331 = vector.broadcast %add3A_330 : i32 to vector<16xi32>
        %add3A_332 = arith.addi %mul3A_244, %add3A_331 : vector<16xi32>
        %gather3A_333 = tpu.vector_load_idx %arg6[%add3A_332] : memref<65536xi32, #tpu.memory_space<vmem>>[vector<16xi32>], vector<16xi32>,
        %bitcast3A_334 = vector.bitcast %gather3A_333 : vector<16xi32> to vector<32xbf16>
        %unpack3A_335 = tpu.unpack_subelements %bitcast3A_334, 0 {pack_format = #tpu.pack_format<interleaved>} : vector<32xbf16> -> vector<16xf32>
        %unpack3A_336 = tpu.unpack_subelements %bitcast3A_334, 1 {pack_format = #tpu.pack_format<interleaved>} : vector<32xbf16> -> vector<16xf32>
        %mul3A_337 = arith.mulf %select_n3A_218, %unpack3A_335 : vector<16xf32>
        %add3A_338 = arith.addf %add3A_327, %mul3A_337 : vector<16xf32>
        %mul3A_339 = arith.mulf %select_n3A_218, %unpack3A_336 : vector<16xf32>
        %add3A_340 = arith.addf %add3A_329, %mul3A_339 : vector<16xf32>
        %add3A_341 = arith.constant 1 : i32
        %add3A_342 = vector.broadcast %add3A_341 : i32 to vector<16xi32>
        %add3A_343 = arith.addi %mul3A_250, %add3A_342 : vector<16xi32>
        %gather3A_344 = tpu.vector_load_idx %arg6[%add3A_343] : memref<65536xi32, #tpu.memory_space<vmem>>[vector<16xi32>], vector<16xi32>,
        %bitcast3A_345 = vector.bitcast %gather3A_344 : vector<16xi32> to vector<32xbf16>
        %unpack3A_346 = tpu.unpack_subelements %bitcast3A_345, 0 {pack_format = #tpu.pack_format<interleaved>} : vector<32xbf16> -> vector<16xf32>
        %unpack3A_347 = tpu.unpack_subelements %bitcast3A_345, 1 {pack_format = #tpu.pack_format<interleaved>} : vector<32xbf16> -> vector<16xf32>
        %mul3A_348 = arith.mulf %select_n3A_220, %unpack3A_346 : vector<16xf32>
        %add3A_349 = arith.addf %add3A_338, %mul3A_348 : vector<16xf32>
        %mul3A_350 = arith.mulf %select_n3A_220, %unpack3A_347 : vector<16xf32>
        %add3A_351 = arith.addf %add3A_340, %mul3A_350 : vector<16xf32>
        %add3A_352 = arith.constant 2 : i32
        %add3A_353 = vector.broadcast %add3A_352 : i32 to vector<16xi32>
        %add3A_354 = arith.addi %mul3A_257, %add3A_353 : vector<16xi32>
        tpu.vector_store_idx %arg12[%add3A_354], %add3A_349 : memref<8192xf32, #tpu.memory_space<vmem>>[vector<16xi32>], vector<16xf32>,
        %add3A_355 = arith.constant 2 : i32
        %add3A_356 = vector.broadcast %add3A_355 : i32 to vector<16xi32>
        %add3A_357 = arith.addi %mul3A_257, %add3A_356 : vector<16xi32>
        %add3A_358 = arith.constant 1 : i32
        %add3A_359 = vector.broadcast %add3A_358 : i32 to vector<16xi32>
        %add3A_360 = arith.addi %add3A_357, %add3A_359 : vector<16xi32>
        tpu.vector_store_idx %arg12[%add3A_360], %add3A_351 : memref<8192xf32, #tpu.memory_space<vmem>>[vector<16xi32>], vector<16xf32>,
        %add3A_361 = arith.constant 2 : i32
        %add3A_362 = vector.broadcast %add3A_361 : i32 to vector<16xi32>
        %add3A_363 = arith.addi %mul3A_232, %add3A_362 : vector<16xi32>
        %gather3A_364 = tpu.vector_load_idx %arg6[%add3A_363] : memref<65536xi32, #tpu.memory_space<vmem>>[vector<16xi32>], vector<16xi32>,
        %bitcast3A_365 = vector.bitcast %gather3A_364 : vector<16xi32> to vector<32xbf16>
        %unpack3A_366 = tpu.unpack_subelements %bitcast3A_365, 0 {pack_format = #tpu.pack_format<interleaved>} : vector<32xbf16> -> vector<16xf32>
        %unpack3A_367 = tpu.unpack_subelements %bitcast3A_365, 1 {pack_format = #tpu.pack_format<interleaved>} : vector<32xbf16> -> vector<16xf32>
        %mul3A_368 = arith.mulf %select_n3A_214, %unpack3A_366 : vector<16xf32>
        %add3A_369 = arith.addf %broadcast_in_dim3A_212, %mul3A_368 : vector<16xf32>
        %mul3A_370 = arith.mulf %select_n3A_214, %unpack3A_367 : vector<16xf32>
        %add3A_371 = arith.addf %broadcast_in_dim3A_212, %mul3A_370 : vector<16xf32>
        %add3A_372 = arith.constant 2 : i32
        %add3A_373 = vector.broadcast %add3A_372 : i32 to vector<16xi32>
        %add3A_374 = arith.addi %mul3A_238, %add3A_373 : vector<16xi32>
        %gather3A_375 = tpu.vector_load_idx %arg6[%add3A_374] : memref<65536xi32, #tpu.memory_space<vmem>>[vector<16xi32>], vector<16xi32>,
        %bitcast3A_376 = vector.bitcast %gather3A_375 : vector<16xi32> to vector<32xbf16>
        %unpack3A_377 = tpu.unpack_subelements %bitcast3A_376, 0 {pack_format = #tpu.pack_format<interleaved>} : vector<32xbf16> -> vector<16xf32>
        %unpack3A_378 = tpu.unpack_subelements %bitcast3A_376, 1 {pack_format = #tpu.pack_format<interleaved>} : vector<32xbf16> -> vector<16xf32>
        %mul3A_379 = arith.mulf %select_n3A_216, %unpack3A_377 : vector<16xf32>
        %add3A_380 = arith.addf %add3A_369, %mul3A_379 : vector<16xf32>
        %mul3A_381 = arith.mulf %select_n3A_216, %unpack3A_378 : vector<16xf32>
        %add3A_382 = arith.addf %add3A_371, %mul3A_381 : vector<16xf32>
        %add3A_383 = arith.constant 2 : i32
        %add3A_384 = vector.broadcast %add3A_383 : i32 to vector<16xi32>
        %add3A_385 = arith.addi %mul3A_244, %add3A_384 : vector<16xi32>
        %gather3A_386 = tpu.vector_load_idx %arg6[%add3A_385] : memref<65536xi32, #tpu.memory_space<vmem>>[vector<16xi32>], vector<16xi32>,
        %bitcast3A_387 = vector.bitcast %gather3A_386 : vector<16xi32> to vector<32xbf16>
        %unpack3A_388 = tpu.unpack_subelements %bitcast3A_387, 0 {pack_format = #tpu.pack_format<interleaved>} : vector<32xbf16> -> vector<16xf32>
        %unpack3A_389 = tpu.unpack_subelements %bitcast3A_387, 1 {pack_format = #tpu.pack_format<interleaved>} : vector<32xbf16> -> vector<16xf32>
        %mul3A_390 = arith.mulf %select_n3A_218, %unpack3A_388 : vector<16xf32>
        %add3A_391 = arith.addf %add3A_380, %mul3A_390 : vector<16xf32>
        %mul3A_392 = arith.mulf %select_n3A_218, %unpack3A_389 : vector<16xf32>
        %add3A_393 = arith.addf %add3A_382, %mul3A_392 : vector<16xf32>
        %add3A_394 = arith.constant 2 : i32
        %add3A_395 = vector.broadcast %add3A_394 : i32 to vector<16xi32>
        %add3A_396 = arith.addi %mul3A_250, %add3A_395 : vector<16xi32>
        %gather3A_397 = tpu.vector_load_idx %arg6[%add3A_396] : memref<65536xi32, #tpu.memory_space<vmem>>[vector<16xi32>], vector<16xi32>,
        %bitcast3A_398 = vector.bitcast %gather3A_397 : vector<16xi32> to vector<32xbf16>
        %unpack3A_399 = tpu.unpack_subelements %bitcast3A_398, 0 {pack_format = #tpu.pack_format<interleaved>} : vector<32xbf16> -> vector<16xf32>
        %unpack3A_400 = tpu.unpack_subelements %bitcast3A_398, 1 {pack_format = #tpu.pack_format<interleaved>} : vector<32xbf16> -> vector<16xf32>
        %mul3A_401 = arith.mulf %select_n3A_220, %unpack3A_399 : vector<16xf32>
        %add3A_402 = arith.addf %add3A_391, %mul3A_401 : vector<16xf32>
        %mul3A_403 = arith.mulf %select_n3A_220, %unpack3A_400 : vector<16xf32>
        %add3A_404 = arith.addf %add3A_393, %mul3A_403 : vector<16xf32>
        %add3A_405 = arith.constant 4 : i32
        %add3A_406 = vector.broadcast %add3A_405 : i32 to vector<16xi32>
        %add3A_407 = arith.addi %mul3A_257, %add3A_406 : vector<16xi32>
        tpu.vector_store_idx %arg12[%add3A_407], %add3A_402 : memref<8192xf32, #tpu.memory_space<vmem>>[vector<16xi32>], vector<16xf32>,
        %add3A_408 = arith.constant 4 : i32
        %add3A_409 = vector.broadcast %add3A_408 : i32 to vector<16xi32>
        %add3A_410 = arith.addi %mul3A_257, %add3A_409 : vector<16xi32>
        %add3A_411 = arith.constant 1 : i32
        %add3A_412 = vector.broadcast %add3A_411 : i32 to vector<16xi32>
        %add3A_413 = arith.addi %add3A_410, %add3A_412 : vector<16xi32>
        tpu.vector_store_idx %arg12[%add3A_413], %add3A_404 : memref<8192xf32, #tpu.memory_space<vmem>>[vector<16xi32>], vector<16xf32>,
        %add3A_414 = arith.constant 3 : i32
        %add3A_415 = vector.broadcast %add3A_414 : i32 to vector<16xi32>
        %add3A_416 = arith.addi %mul3A_232, %add3A_415 : vector<16xi32>
        %gather3A_417 = tpu.vector_load_idx %arg6[%add3A_416] : memref<65536xi32, #tpu.memory_space<vmem>>[vector<16xi32>], vector<16xi32>,
        %bitcast3A_418 = vector.bitcast %gather3A_417 : vector<16xi32> to vector<32xbf16>
        %unpack3A_419 = tpu.unpack_subelements %bitcast3A_418, 0 {pack_format = #tpu.pack_format<interleaved>} : vector<32xbf16> -> vector<16xf32>
        %unpack3A_420 = tpu.unpack_subelements %bitcast3A_418, 1 {pack_format = #tpu.pack_format<interleaved>} : vector<32xbf16> -> vector<16xf32>
        %mul3A_421 = arith.mulf %select_n3A_214, %unpack3A_419 : vector<16xf32>
        %add3A_422 = arith.addf %broadcast_in_dim3A_212, %mul3A_421 : vector<16xf32>
        %mul3A_423 = arith.mulf %select_n3A_214, %unpack3A_420 : vector<16xf32>
        %add3A_424 = arith.addf %broadcast_in_dim3A_212, %mul3A_423 : vector<16xf32>
        %add3A_425 = arith.constant 3 : i32
        %add3A_426 = vector.broadcast %add3A_425 : i32 to vector<16xi32>
        %add3A_427 = arith.addi %mul3A_238, %add3A_426 : vector<16xi32>
        %gather3A_428 = tpu.vector_load_idx %arg6[%add3A_427] : memref<65536xi32, #tpu.memory_space<vmem>>[vector<16xi32>], vector<16xi32>,
        %bitcast3A_429 = vector.bitcast %gather3A_428 : vector<16xi32> to vector<32xbf16>
        %unpack3A_430 = tpu.unpack_subelements %bitcast3A_429, 0 {pack_format = #tpu.pack_format<interleaved>} : vector<32xbf16> -> vector<16xf32>
        %unpack3A_431 = tpu.unpack_subelements %bitcast3A_429, 1 {pack_format = #tpu.pack_format<interleaved>} : vector<32xbf16> -> vector<16xf32>
        %mul3A_432 = arith.mulf %select_n3A_216, %unpack3A_430 : vector<16xf32>
        %add3A_433 = arith.addf %add3A_422, %mul3A_432 : vector<16xf32>
        %mul3A_434 = arith.mulf %select_n3A_216, %unpack3A_431 : vector<16xf32>
        %add3A_435 = arith.addf %add3A_424, %mul3A_434 : vector<16xf32>
        %add3A_436 = arith.constant 3 : i32
        %add3A_437 = vector.broadcast %add3A_436 : i32 to vector<16xi32>
        %add3A_438 = arith.addi %mul3A_244, %add3A_437 : vector<16xi32>
        %gather3A_439 = tpu.vector_load_idx %arg6[%add3A_438] : memref<65536xi32, #tpu.memory_space<vmem>>[vector<16xi32>], vector<16xi32>,
        %bitcast3A_440 = vector.bitcast %gather3A_439 : vector<16xi32> to vector<32xbf16>
        %unpack3A_441 = tpu.unpack_subelements %bitcast3A_440, 0 {pack_format = #tpu.pack_format<interleaved>} : vector<32xbf16> -> vector<16xf32>
        %unpack3A_442 = tpu.unpack_subelements %bitcast3A_440, 1 {pack_format = #tpu.pack_format<interleaved>} : vector<32xbf16> -> vector<16xf32>
        %mul3A_443 = arith.mulf %select_n3A_218, %unpack3A_441 : vector<16xf32>
        %add3A_444 = arith.addf %add3A_433, %mul3A_443 : vector<16xf32>
        %mul3A_445 = arith.mulf %select_n3A_218, %unpack3A_442 : vector<16xf32>
        %add3A_446 = arith.addf %add3A_435, %mul3A_445 : vector<16xf32>
        %add3A_447 = arith.constant 3 : i32
        %add3A_448 = vector.broadcast %add3A_447 : i32 to vector<16xi32>
        %add3A_449 = arith.addi %mul3A_250, %add3A_448 : vector<16xi32>
        %gather3A_450 = tpu.vector_load_idx %arg6[%add3A_449] : memref<65536xi32, #tpu.memory_space<vmem>>[vector<16xi32>], vector<16xi32>,
        %bitcast3A_451 = vector.bitcast %gather3A_450 : vector<16xi32> to vector<32xbf16>
        %unpack3A_452 = tpu.unpack_subelements %bitcast3A_451, 0 {pack_format = #tpu.pack_format<interleaved>} : vector<32xbf16> -> vector<16xf32>
        %unpack3A_453 = tpu.unpack_subelements %bitcast3A_451, 1 {pack_format = #tpu.pack_format<interleaved>} : vector<32xbf16> -> vector<16xf32>
        %mul3A_454 = arith.mulf %select_n3A_220, %unpack3A_452 : vector<16xf32>
        %add3A_455 = arith.addf %add3A_444, %mul3A_454 : vector<16xf32>
        %mul3A_456 = arith.mulf %select_n3A_220, %unpack3A_453 : vector<16xf32>
        %add3A_457 = arith.addf %add3A_446, %mul3A_456 : vector<16xf32>
        %add3A_458 = arith.constant 6 : i32
        %add3A_459 = vector.broadcast %add3A_458 : i32 to vector<16xi32>
        %add3A_460 = arith.addi %mul3A_257, %add3A_459 : vector<16xi32>
        tpu.vector_store_idx %arg12[%add3A_460], %add3A_455 : memref<8192xf32, #tpu.memory_space<vmem>>[vector<16xi32>], vector<16xf32>,
        %add3A_461 = arith.constant 6 : i32
        %add3A_462 = vector.broadcast %add3A_461 : i32 to vector<16xi32>
        %add3A_463 = arith.addi %mul3A_257, %add3A_462 : vector<16xi32>
        %add3A_464 = arith.constant 1 : i32
        %add3A_465 = vector.broadcast %add3A_464 : i32 to vector<16xi32>
        %add3A_466 = arith.addi %add3A_463, %add3A_465 : vector<16xi32>
        tpu.vector_store_idx %arg12[%add3A_466], %add3A_457 : memref<8192xf32, #tpu.memory_space<vmem>>[vector<16xi32>], vector<16xf32>,
        %scan3A_467 = arith.constant 1 : i32
        %scan3A_468 = arith.addi %scan3A_129, %scan3A_467 : i32
        %mul3A_469 = arith.constant 1 : i32
        %mul3A_470 = arith.muli %scan3A_468, %mul3A_469 : i32
        %add3A_471 = arith.constant 0 : i32
        %add3A_472 = arith.addi %add3A_471, %mul3A_470 : i32
        %mul3A_473 = arith.constant 16 : i32
        %mul3A_474 = arith.muli %add3A_472, %mul3A_473 : i32
        %get3A_475 = arith.index_cast %mul3A_474 : i32 to index
        %get3A_476 = tpu.vector_load %arg8[%get3A_475] {strides = array<i32>} : memref<1024xf32, #tpu.memory_space<vmem>>, vector<16xf32>,
        %mul3A_477 = arith.constant 16 : i32
        %mul3A_478 = arith.muli %add3A_472, %mul3A_477 : i32
        %get3A_479 = arith.index_cast %mul3A_478 : i32 to index
        %get3A_480 = tpu.vector_load %arg10[%get3A_479] {strides = array<i32>} : memref<1024xf32, #tpu.memory_space<vmem>>, vector<16xf32>,
        %mul3A_481 = arith.constant 6.400000e+01 : f32
        %mul3A_482 = vector.broadcast %mul3A_481 : f32 to vector<16xf32>
        %mul3A_483 = arith.mulf %get3A_476, %mul3A_482 : vector<16xf32>
        %add3A_484 = arith.constant 6.350000e+01 : f32
        %add3A_485 = vector.broadcast %add3A_484 : f32 to vector<16xf32>
        %add3A_486 = arith.addf %mul3A_483, %add3A_485 : vector<16xf32>
        %mul3A_487 = arith.constant 6.400000e+01 : f32
        %mul3A_488 = vector.broadcast %mul3A_487 : f32 to vector<16xf32>
        %mul3A_489 = arith.mulf %get3A_480, %mul3A_488 : vector<16xf32>
        %add3A_490 = arith.constant 6.350000e+01 : f32
        %add3A_491 = vector.broadcast %add3A_490 : f32 to vector<16xf32>
        %add3A_492 = arith.addf %mul3A_489, %add3A_491 : vector<16xf32>
        %convert_element_type3A_493 = arith.fptosi %add3A_486 : vector<16xf32> to vector<16xi32>
        %convert_element_type3A_494 = arith.sitofp %convert_element_type3A_493 : vector<16xi32> to vector<16xf32>
        %convert_element_type3A_495 = arith.fptosi %add3A_492 : vector<16xf32> to vector<16xi32>
        %convert_element_type3A_496 = arith.sitofp %convert_element_type3A_495 : vector<16xi32> to vector<16xf32>
        %lt3A_497 = arith.cmpf olt, %add3A_486, %convert_element_type3A_494 : vector<16xf32>
        %sub3A_498 = arith.constant 1.000000e+00 : f32
        %sub3A_499 = vector.broadcast %sub3A_498 : f32 to vector<16xf32>
        %sub3A_500 = arith.subf %convert_element_type3A_494, %sub3A_499 : vector<16xf32>
        %select_n3A_501 = arith.select %lt3A_497, %sub3A_500, %convert_element_type3A_494 : vector<16xi1>, vector<16xf32>
        %lt3A_502 = arith.cmpf olt, %add3A_492, %convert_element_type3A_496 : vector<16xf32>
        %sub3A_503 = arith.constant 1.000000e+00 : f32
        %sub3A_504 = vector.broadcast %sub3A_503 : f32 to vector<16xf32>
        %sub3A_505 = arith.subf %convert_element_type3A_496, %sub3A_504 : vector<16xf32>
        %select_n3A_506 = arith.select %lt3A_502, %sub3A_505, %convert_element_type3A_496 : vector<16xi1>, vector<16xf32>
        %sub3A_507 = arith.subf %add3A_486, %select_n3A_501 : vector<16xf32>
        %sub3A_508 = arith.subf %add3A_492, %select_n3A_506 : vector<16xf32>
        %sub3A_509 = arith.constant 1.000000e+00 : f32
        %sub3A_510 = vector.broadcast %sub3A_509 : f32 to vector<16xf32>
        %sub3A_511 = arith.subf %sub3A_510, %sub3A_507 : vector<16xf32>
        %sub3A_512 = arith.constant 1.000000e+00 : f32
        %sub3A_513 = vector.broadcast %sub3A_512 : f32 to vector<16xf32>
        %sub3A_514 = arith.subf %sub3A_513, %sub3A_508 : vector<16xf32>
        %add3A_515 = arith.constant 1.000000e+00 : f32
        %add3A_516 = vector.broadcast %add3A_515 : f32 to vector<16xf32>
        %add3A_517 = arith.addf %select_n3A_501, %add3A_516 : vector<16xf32>
        %add3A_518 = arith.constant 1.000000e+00 : f32
        %add3A_519 = vector.broadcast %add3A_518 : f32 to vector<16xf32>
        %add3A_520 = arith.addf %select_n3A_506, %add3A_519 : vector<16xf32>
        %gt3A_521 = arith.constant -1.000000e+00 : f32
        %gt3A_522 = vector.broadcast %gt3A_521 : f32 to vector<16xf32>
        %gt3A_523 = arith.cmpf ogt, %select_n3A_501, %gt3A_522 : vector<16xf32>
        %lt3A_524 = arith.constant 1.280000e+02 : f32
        %lt3A_525 = vector.broadcast %lt3A_524 : f32 to vector<16xf32>
        %lt3A_526 = arith.cmpf olt, %select_n3A_501, %lt3A_525 : vector<16xf32>
        %and3A_527 = arith.andi %gt3A_523, %lt3A_526 : vector<16xi1>
        %gt3A_528 = arith.constant -1.000000e+00 : f32
        %gt3A_529 = vector.broadcast %gt3A_528 : f32 to vector<16xf32>
        %gt3A_530 = arith.cmpf ogt, %add3A_517, %gt3A_529 : vector<16xf32>
        %lt3A_531 = arith.constant 1.280000e+02 : f32
        %lt3A_532 = vector.broadcast %lt3A_531 : f32 to vector<16xf32>
        %lt3A_533 = arith.cmpf olt, %add3A_517, %lt3A_532 : vector<16xf32>
        %and3A_534 = arith.andi %gt3A_530, %lt3A_533 : vector<16xi1>
        %gt3A_535 = arith.constant -1.000000e+00 : f32
        %gt3A_536 = vector.broadcast %gt3A_535 : f32 to vector<16xf32>
        %gt3A_537 = arith.cmpf ogt, %select_n3A_506, %gt3A_536 : vector<16xf32>
        %lt3A_538 = arith.constant 1.280000e+02 : f32
        %lt3A_539 = vector.broadcast %lt3A_538 : f32 to vector<16xf32>
        %lt3A_540 = arith.cmpf olt, %select_n3A_506, %lt3A_539 : vector<16xf32>
        %and3A_541 = arith.andi %gt3A_537, %lt3A_540 : vector<16xi1>
        %gt3A_542 = arith.constant -1.000000e+00 : f32
        %gt3A_543 = vector.broadcast %gt3A_542 : f32 to vector<16xf32>
        %gt3A_544 = arith.cmpf ogt, %add3A_520, %gt3A_543 : vector<16xf32>
        %lt3A_545 = arith.constant 1.280000e+02 : f32
        %lt3A_546 = vector.broadcast %lt3A_545 : f32 to vector<16xf32>
        %lt3A_547 = arith.cmpf olt, %add3A_520, %lt3A_546 : vector<16xf32>
        %and3A_548 = arith.andi %gt3A_544, %lt3A_547 : vector<16xi1>
        %and3A_549 = arith.andi %and3A_527, %and3A_541 : vector<16xi1>
        %and3A_550 = arith.andi %and3A_534, %and3A_541 : vector<16xi1>
        %and3A_551 = arith.andi %and3A_527, %and3A_548 : vector<16xi1>
        %and3A_552 = arith.andi %and3A_534, %and3A_548 : vector<16xi1>
        %broadcast_in_dim3A_553 = arith.constant 0.000000e+00 : f32
        %broadcast_in_dim3A_554 = vector.broadcast %broadcast_in_dim3A_553 : f32 to vector<16xf32>
        %mul3A_555 = arith.mulf %sub3A_514, %sub3A_511 : vector<16xf32>
        %select_n3A_556 = arith.select %and3A_549, %mul3A_555, %broadcast_in_dim3A_554 : vector<16xi1>, vector<16xf32>
        %mul3A_557 = arith.mulf %sub3A_514, %sub3A_507 : vector<16xf32>
        %select_n3A_558 = arith.select %and3A_550, %mul3A_557, %broadcast_in_dim3A_554 : vector<16xi1>, vector<16xf32>
        %mul3A_559 = arith.mulf %sub3A_508, %sub3A_511 : vector<16xf32>
        %select_n3A_560 = arith.select %and3A_551, %mul3A_559, %broadcast_in_dim3A_554 : vector<16xi1>, vector<16xf32>
        %mul3A_561 = arith.mulf %sub3A_508, %sub3A_507 : vector<16xf32>
        %select_n3A_562 = arith.select %and3A_552, %mul3A_561, %broadcast_in_dim3A_554 : vector<16xi1>, vector<16xf32>
        %mul3A_563 = arith.constant 1.280000e+02 : f32
        %mul3A_564 = vector.broadcast %mul3A_563 : f32 to vector<16xf32>
        %mul3A_565 = arith.mulf %select_n3A_506, %mul3A_564 : vector<16xf32>
        %mul3A_566 = arith.constant 1.280000e+02 : f32
        %mul3A_567 = vector.broadcast %mul3A_566 : f32 to vector<16xf32>
        %mul3A_568 = arith.mulf %add3A_520, %mul3A_567 : vector<16xf32>
        %add3A_569 = arith.addf %mul3A_565, %select_n3A_501 : vector<16xf32>
        %select_n3A_570 = arith.select %and3A_549, %add3A_569, %broadcast_in_dim3A_554 : vector<16xi1>, vector<16xf32>
        %convert_element_type3A_571 = arith.fptosi %select_n3A_570 : vector<16xf32> to vector<16xi32>
        %mul3A_572 = arith.constant 4 : i32
        %mul3A_573 = vector.broadcast %mul3A_572 : i32 to vector<16xi32>
        %mul3A_574 = arith.muli %convert_element_type3A_571, %mul3A_573 : vector<16xi32>
        %add3A_575 = arith.addf %mul3A_565, %add3A_517 : vector<16xf32>
        %select_n3A_576 = arith.select %and3A_550, %add3A_575, %broadcast_in_dim3A_554 : vector<16xi1>, vector<16xf32>
        %convert_element_type3A_577 = arith.fptosi %select_n3A_576 : vector<16xf32> to vector<16xi32>
        %mul3A_578 = arith.constant 4 : i32
        %mul3A_579 = vector.broadcast %mul3A_578 : i32 to vector<16xi32>
        %mul3A_580 = arith.muli %convert_element_type3A_577, %mul3A_579 : vector<16xi32>
        %add3A_581 = arith.addf %mul3A_568, %select_n3A_501 : vector<16xf32>
        %select_n3A_582 = arith.select %and3A_551, %add3A_581, %broadcast_in_dim3A_554 : vector<16xi1>, vector<16xf32>
        %convert_element_type3A_583 = arith.fptosi %select_n3A_582 : vector<16xf32> to vector<16xi32>
        %mul3A_584 = arith.constant 4 : i32
        %mul3A_585 = vector.broadcast %mul3A_584 : i32 to vector<16xi32>
        %mul3A_586 = arith.muli %convert_element_type3A_583, %mul3A_585 : vector<16xi32>
        %add3A_587 = arith.addf %mul3A_568, %add3A_517 : vector<16xf32>
        %select_n3A_588 = arith.select %and3A_552, %add3A_587, %broadcast_in_dim3A_554 : vector<16xi1>, vector<16xf32>
        %convert_element_type3A_589 = arith.fptosi %select_n3A_588 : vector<16xf32> to vector<16xi32>
        %mul3A_590 = arith.constant 4 : i32
        %mul3A_591 = vector.broadcast %mul3A_590 : i32 to vector<16xi32>
        %mul3A_592 = arith.muli %convert_element_type3A_589, %mul3A_591 : vector<16xi32>
        %mul3A_593 = arith.constant 16 : i32
        %mul3A_594 = arith.muli %add3A_472, %mul3A_593 : i32
        %add3A_595 = vector.broadcast %mul3A_594 : i32 to vector<16xi32>
        %add3A_596 = arith.addi %add3A_595, %iota3A : vector<16xi32>
        %mul3A_597 = arith.constant 8 : i32
        %mul3A_598 = vector.broadcast %mul3A_597 : i32 to vector<16xi32>
        %mul3A_599 = arith.muli %add3A_596, %mul3A_598 : vector<16xi32>
        %add3A_600 = arith.constant 0 : i32
        %add3A_601 = vector.broadcast %add3A_600 : i32 to vector<16xi32>
        %add3A_602 = arith.addi %mul3A_574, %add3A_601 : vector<16xi32>
        %gather3A_603 = tpu.vector_load_idx %arg6[%add3A_602] : memref<65536xi32, #tpu.memory_space<vmem>>[vector<16xi32>], vector<16xi32>,
        %bitcast3A_604 = vector.bitcast %gather3A_603 : vector<16xi32> to vector<32xbf16>
        %unpack3A_605 = tpu.unpack_subelements %bitcast3A_604, 0 {pack_format = #tpu.pack_format<interleaved>} : vector<32xbf16> -> vector<16xf32>
        %unpack3A_606 = tpu.unpack_subelements %bitcast3A_604, 1 {pack_format = #tpu.pack_format<interleaved>} : vector<32xbf16> -> vector<16xf32>
        %mul3A_607 = arith.mulf %select_n3A_556, %unpack3A_605 : vector<16xf32>
        %add3A_608 = arith.addf %broadcast_in_dim3A_554, %mul3A_607 : vector<16xf32>
        %mul3A_609 = arith.mulf %select_n3A_556, %unpack3A_606 : vector<16xf32>
        %add3A_610 = arith.addf %broadcast_in_dim3A_554, %mul3A_609 : vector<16xf32>
        %add3A_611 = arith.constant 0 : i32
        %add3A_612 = vector.broadcast %add3A_611 : i32 to vector<16xi32>
        %add3A_613 = arith.addi %mul3A_580, %add3A_612 : vector<16xi32>
        %gather3A_614 = tpu.vector_load_idx %arg6[%add3A_613] : memref<65536xi32, #tpu.memory_space<vmem>>[vector<16xi32>], vector<16xi32>,
        %bitcast3A_615 = vector.bitcast %gather3A_614 : vector<16xi32> to vector<32xbf16>
        %unpack3A_616 = tpu.unpack_subelements %bitcast3A_615, 0 {pack_format = #tpu.pack_format<interleaved>} : vector<32xbf16> -> vector<16xf32>
        %unpack3A_617 = tpu.unpack_subelements %bitcast3A_615, 1 {pack_format = #tpu.pack_format<interleaved>} : vector<32xbf16> -> vector<16xf32>
        %mul3A_618 = arith.mulf %select_n3A_558, %unpack3A_616 : vector<16xf32>
        %add3A_619 = arith.addf %add3A_608, %mul3A_618 : vector<16xf32>
        %mul3A_620 = arith.mulf %select_n3A_558, %unpack3A_617 : vector<16xf32>
        %add3A_621 = arith.addf %add3A_610, %mul3A_620 : vector<16xf32>
        %add3A_622 = arith.constant 0 : i32
        %add3A_623 = vector.broadcast %add3A_622 : i32 to vector<16xi32>
        %add3A_624 = arith.addi %mul3A_586, %add3A_623 : vector<16xi32>
        %gather3A_625 = tpu.vector_load_idx %arg6[%add3A_624] : memref<65536xi32, #tpu.memory_space<vmem>>[vector<16xi32>], vector<16xi32>,
        %bitcast3A_626 = vector.bitcast %gather3A_625 : vector<16xi32> to vector<32xbf16>
        %unpack3A_627 = tpu.unpack_subelements %bitcast3A_626, 0 {pack_format = #tpu.pack_format<interleaved>} : vector<32xbf16> -> vector<16xf32>
        %unpack3A_628 = tpu.unpack_subelements %bitcast3A_626, 1 {pack_format = #tpu.pack_format<interleaved>} : vector<32xbf16> -> vector<16xf32>
        %mul3A_629 = arith.mulf %select_n3A_560, %unpack3A_627 : vector<16xf32>
        %add3A_630 = arith.addf %add3A_619, %mul3A_629 : vector<16xf32>
        %mul3A_631 = arith.mulf %select_n3A_560, %unpack3A_628 : vector<16xf32>
        %add3A_632 = arith.addf %add3A_621, %mul3A_631 : vector<16xf32>
        %add3A_633 = arith.constant 0 : i32
        %add3A_634 = vector.broadcast %add3A_633 : i32 to vector<16xi32>
        %add3A_635 = arith.addi %mul3A_592, %add3A_634 : vector<16xi32>
        %gather3A_636 = tpu.vector_load_idx %arg6[%add3A_635] : memref<65536xi32, #tpu.memory_space<vmem>>[vector<16xi32>], vector<16xi32>,
        %bitcast3A_637 = vector.bitcast %gather3A_636 : vector<16xi32> to vector<32xbf16>
        %unpack3A_638 = tpu.unpack_subelements %bitcast3A_637, 0 {pack_format = #tpu.pack_format<interleaved>} : vector<32xbf16> -> vector<16xf32>
        %unpack3A_639 = tpu.unpack_subelements %bitcast3A_637, 1 {pack_format = #tpu.pack_format<interleaved>} : vector<32xbf16> -> vector<16xf32>
        %mul3A_640 = arith.mulf %select_n3A_562, %unpack3A_638 : vector<16xf32>
        %add3A_641 = arith.addf %add3A_630, %mul3A_640 : vector<16xf32>
        %mul3A_642 = arith.mulf %select_n3A_562, %unpack3A_639 : vector<16xf32>
        %add3A_643 = arith.addf %add3A_632, %mul3A_642 : vector<16xf32>
        %add3A_644 = arith.constant 0 : i32
        %add3A_645 = vector.broadcast %add3A_644 : i32 to vector<16xi32>
        %add3A_646 = arith.addi %mul3A_599, %add3A_645 : vector<16xi32>
        tpu.vector_store_idx %arg12[%add3A_646], %add3A_641 : memref<8192xf32, #tpu.memory_space<vmem>>[vector<16xi32>], vector<16xf32>,
        %add3A_647 = arith.constant 0 : i32
        %add3A_648 = vector.broadcast %add3A_647 : i32 to vector<16xi32>
        %add3A_649 = arith.addi %mul3A_599, %add3A_648 : vector<16xi32>
        %add3A_650 = arith.constant 1 : i32
        %add3A_651 = vector.broadcast %add3A_650 : i32 to vector<16xi32>
        %add3A_652 = arith.addi %add3A_649, %add3A_651 : vector<16xi32>
        tpu.vector_store_idx %arg12[%add3A_652], %add3A_643 : memref<8192xf32, #tpu.memory_space<vmem>>[vector<16xi32>], vector<16xf32>,
        %add3A_653 = arith.constant 1 : i32
        %add3A_654 = vector.broadcast %add3A_653 : i32 to vector<16xi32>
        %add3A_655 = arith.addi %mul3A_574, %add3A_654 : vector<16xi32>
        %gather3A_656 = tpu.vector_load_idx %arg6[%add3A_655] : memref<65536xi32, #tpu.memory_space<vmem>>[vector<16xi32>], vector<16xi32>,
        %bitcast3A_657 = vector.bitcast %gather3A_656 : vector<16xi32> to vector<32xbf16>
        %unpack3A_658 = tpu.unpack_subelements %bitcast3A_657, 0 {pack_format = #tpu.pack_format<interleaved>} : vector<32xbf16> -> vector<16xf32>
        %unpack3A_659 = tpu.unpack_subelements %bitcast3A_657, 1 {pack_format = #tpu.pack_format<interleaved>} : vector<32xbf16> -> vector<16xf32>
        %mul3A_660 = arith.mulf %select_n3A_556, %unpack3A_658 : vector<16xf32>
        %add3A_661 = arith.addf %broadcast_in_dim3A_554, %mul3A_660 : vector<16xf32>
        %mul3A_662 = arith.mulf %select_n3A_556, %unpack3A_659 : vector<16xf32>
        %add3A_663 = arith.addf %broadcast_in_dim3A_554, %mul3A_662 : vector<16xf32>
        %add3A_664 = arith.constant 1 : i32
        %add3A_665 = vector.broadcast %add3A_664 : i32 to vector<16xi32>
        %add3A_666 = arith.addi %mul3A_580, %add3A_665 : vector<16xi32>
        %gather3A_667 = tpu.vector_load_idx %arg6[%add3A_666] : memref<65536xi32, #tpu.memory_space<vmem>>[vector<16xi32>], vector<16xi32>,
        %bitcast3A_668 = vector.bitcast %gather3A_667 : vector<16xi32> to vector<32xbf16>
        %unpack3A_669 = tpu.unpack_subelements %bitcast3A_668, 0 {pack_format = #tpu.pack_format<interleaved>} : vector<32xbf16> -> vector<16xf32>
        %unpack3A_670 = tpu.unpack_subelements %bitcast3A_668, 1 {pack_format = #tpu.pack_format<interleaved>} : vector<32xbf16> -> vector<16xf32>
        %mul3A_671 = arith.mulf %select_n3A_558, %unpack3A_669 : vector<16xf32>
        %add3A_672 = arith.addf %add3A_661, %mul3A_671 : vector<16xf32>
        %mul3A_673 = arith.mulf %select_n3A_558, %unpack3A_670 : vector<16xf32>
        %add3A_674 = arith.addf %add3A_663, %mul3A_673 : vector<16xf32>
        %add3A_675 = arith.constant 1 : i32
        %add3A_676 = vector.broadcast %add3A_675 : i32 to vector<16xi32>
        %add3A_677 = arith.addi %mul3A_586, %add3A_676 : vector<16xi32>
        %gather3A_678 = tpu.vector_load_idx %arg6[%add3A_677] : memref<65536xi32, #tpu.memory_space<vmem>>[vector<16xi32>], vector<16xi32>,
        %bitcast3A_679 = vector.bitcast %gather3A_678 : vector<16xi32> to vector<32xbf16>
        %unpack3A_680 = tpu.unpack_subelements %bitcast3A_679, 0 {pack_format = #tpu.pack_format<interleaved>} : vector<32xbf16> -> vector<16xf32>
        %unpack3A_681 = tpu.unpack_subelements %bitcast3A_679, 1 {pack_format = #tpu.pack_format<interleaved>} : vector<32xbf16> -> vector<16xf32>
        %mul3A_682 = arith.mulf %select_n3A_560, %unpack3A_680 : vector<16xf32>
        %add3A_683 = arith.addf %add3A_672, %mul3A_682 : vector<16xf32>
        %mul3A_684 = arith.mulf %select_n3A_560, %unpack3A_681 : vector<16xf32>
        %add3A_685 = arith.addf %add3A_674, %mul3A_684 : vector<16xf32>
        %add3A_686 = arith.constant 1 : i32
        %add3A_687 = vector.broadcast %add3A_686 : i32 to vector<16xi32>
        %add3A_688 = arith.addi %mul3A_592, %add3A_687 : vector<16xi32>
        %gather3A_689 = tpu.vector_load_idx %arg6[%add3A_688] : memref<65536xi32, #tpu.memory_space<vmem>>[vector<16xi32>], vector<16xi32>,
        %bitcast3A_690 = vector.bitcast %gather3A_689 : vector<16xi32> to vector<32xbf16>
        %unpack3A_691 = tpu.unpack_subelements %bitcast3A_690, 0 {pack_format = #tpu.pack_format<interleaved>} : vector<32xbf16> -> vector<16xf32>
        %unpack3A_692 = tpu.unpack_subelements %bitcast3A_690, 1 {pack_format = #tpu.pack_format<interleaved>} : vector<32xbf16> -> vector<16xf32>
        %mul3A_693 = arith.mulf %select_n3A_562, %unpack3A_691 : vector<16xf32>
        %add3A_694 = arith.addf %add3A_683, %mul3A_693 : vector<16xf32>
        %mul3A_695 = arith.mulf %select_n3A_562, %unpack3A_692 : vector<16xf32>
        %add3A_696 = arith.addf %add3A_685, %mul3A_695 : vector<16xf32>
        %add3A_697 = arith.constant 2 : i32
        %add3A_698 = vector.broadcast %add3A_697 : i32 to vector<16xi32>
        %add3A_699 = arith.addi %mul3A_599, %add3A_698 : vector<16xi32>
        tpu.vector_store_idx %arg12[%add3A_699], %add3A_694 : memref<8192xf32, #tpu.memory_space<vmem>>[vector<16xi32>], vector<16xf32>,
        %add3A_700 = arith.constant 2 : i32
        %add3A_701 = vector.broadcast %add3A_700 : i32 to vector<16xi32>
        %add3A_702 = arith.addi %mul3A_599, %add3A_701 : vector<16xi32>
        %add3A_703 = arith.constant 1 : i32
        %add3A_704 = vector.broadcast %add3A_703 : i32 to vector<16xi32>
        %add3A_705 = arith.addi %add3A_702, %add3A_704 : vector<16xi32>
        tpu.vector_store_idx %arg12[%add3A_705], %add3A_696 : memref<8192xf32, #tpu.memory_space<vmem>>[vector<16xi32>], vector<16xf32>,
        %add3A_706 = arith.constant 2 : i32
        %add3A_707 = vector.broadcast %add3A_706 : i32 to vector<16xi32>
        %add3A_708 = arith.addi %mul3A_574, %add3A_707 : vector<16xi32>
        %gather3A_709 = tpu.vector_load_idx %arg6[%add3A_708] : memref<65536xi32, #tpu.memory_space<vmem>>[vector<16xi32>], vector<16xi32>,
        %bitcast3A_710 = vector.bitcast %gather3A_709 : vector<16xi32> to vector<32xbf16>
        %unpack3A_711 = tpu.unpack_subelements %bitcast3A_710, 0 {pack_format = #tpu.pack_format<interleaved>} : vector<32xbf16> -> vector<16xf32>
        %unpack3A_712 = tpu.unpack_subelements %bitcast3A_710, 1 {pack_format = #tpu.pack_format<interleaved>} : vector<32xbf16> -> vector<16xf32>
        %mul3A_713 = arith.mulf %select_n3A_556, %unpack3A_711 : vector<16xf32>
        %add3A_714 = arith.addf %broadcast_in_dim3A_554, %mul3A_713 : vector<16xf32>
        %mul3A_715 = arith.mulf %select_n3A_556, %unpack3A_712 : vector<16xf32>
        %add3A_716 = arith.addf %broadcast_in_dim3A_554, %mul3A_715 : vector<16xf32>
        %add3A_717 = arith.constant 2 : i32
        %add3A_718 = vector.broadcast %add3A_717 : i32 to vector<16xi32>
        %add3A_719 = arith.addi %mul3A_580, %add3A_718 : vector<16xi32>
        %gather3A_720 = tpu.vector_load_idx %arg6[%add3A_719] : memref<65536xi32, #tpu.memory_space<vmem>>[vector<16xi32>], vector<16xi32>,
        %bitcast3A_721 = vector.bitcast %gather3A_720 : vector<16xi32> to vector<32xbf16>
        %unpack3A_722 = tpu.unpack_subelements %bitcast3A_721, 0 {pack_format = #tpu.pack_format<interleaved>} : vector<32xbf16> -> vector<16xf32>
        %unpack3A_723 = tpu.unpack_subelements %bitcast3A_721, 1 {pack_format = #tpu.pack_format<interleaved>} : vector<32xbf16> -> vector<16xf32>
        %mul3A_724 = arith.mulf %select_n3A_558, %unpack3A_722 : vector<16xf32>
        %add3A_725 = arith.addf %add3A_714, %mul3A_724 : vector<16xf32>
        %mul3A_726 = arith.mulf %select_n3A_558, %unpack3A_723 : vector<16xf32>
        %add3A_727 = arith.addf %add3A_716, %mul3A_726 : vector<16xf32>
        %add3A_728 = arith.constant 2 : i32
        %add3A_729 = vector.broadcast %add3A_728 : i32 to vector<16xi32>
        %add3A_730 = arith.addi %mul3A_586, %add3A_729 : vector<16xi32>
        %gather3A_731 = tpu.vector_load_idx %arg6[%add3A_730] : memref<65536xi32, #tpu.memory_space<vmem>>[vector<16xi32>], vector<16xi32>,
        %bitcast3A_732 = vector.bitcast %gather3A_731 : vector<16xi32> to vector<32xbf16>
        %unpack3A_733 = tpu.unpack_subelements %bitcast3A_732, 0 {pack_format = #tpu.pack_format<interleaved>} : vector<32xbf16> -> vector<16xf32>
        %unpack3A_734 = tpu.unpack_subelements %bitcast3A_732, 1 {pack_format = #tpu.pack_format<interleaved>} : vector<32xbf16> -> vector<16xf32>
        %mul3A_735 = arith.mulf %select_n3A_560, %unpack3A_733 : vector<16xf32>
        %add3A_736 = arith.addf %add3A_725, %mul3A_735 : vector<16xf32>
        %mul3A_737 = arith.mulf %select_n3A_560, %unpack3A_734 : vector<16xf32>
        %add3A_738 = arith.addf %add3A_727, %mul3A_737 : vector<16xf32>
        %add3A_739 = arith.constant 2 : i32
        %add3A_740 = vector.broadcast %add3A_739 : i32 to vector<16xi32>
        %add3A_741 = arith.addi %mul3A_592, %add3A_740 : vector<16xi32>
        %gather3A_742 = tpu.vector_load_idx %arg6[%add3A_741] : memref<65536xi32, #tpu.memory_space<vmem>>[vector<16xi32>], vector<16xi32>,
        %bitcast3A_743 = vector.bitcast %gather3A_742 : vector<16xi32> to vector<32xbf16>
        %unpack3A_744 = tpu.unpack_subelements %bitcast3A_743, 0 {pack_format = #tpu.pack_format<interleaved>} : vector<32xbf16> -> vector<16xf32>
        %unpack3A_745 = tpu.unpack_subelements %bitcast3A_743, 1 {pack_format = #tpu.pack_format<interleaved>} : vector<32xbf16> -> vector<16xf32>
        %mul3A_746 = arith.mulf %select_n3A_562, %unpack3A_744 : vector<16xf32>
        %add3A_747 = arith.addf %add3A_736, %mul3A_746 : vector<16xf32>
        %mul3A_748 = arith.mulf %select_n3A_562, %unpack3A_745 : vector<16xf32>
        %add3A_749 = arith.addf %add3A_738, %mul3A_748 : vector<16xf32>
        %add3A_750 = arith.constant 4 : i32
        %add3A_751 = vector.broadcast %add3A_750 : i32 to vector<16xi32>
        %add3A_752 = arith.addi %mul3A_599, %add3A_751 : vector<16xi32>
        tpu.vector_store_idx %arg12[%add3A_752], %add3A_747 : memref<8192xf32, #tpu.memory_space<vmem>>[vector<16xi32>], vector<16xf32>,
        %add3A_753 = arith.constant 4 : i32
        %add3A_754 = vector.broadcast %add3A_753 : i32 to vector<16xi32>
        %add3A_755 = arith.addi %mul3A_599, %add3A_754 : vector<16xi32>
        %add3A_756 = arith.constant 1 : i32
        %add3A_757 = vector.broadcast %add3A_756 : i32 to vector<16xi32>
        %add3A_758 = arith.addi %add3A_755, %add3A_757 : vector<16xi32>
        tpu.vector_store_idx %arg12[%add3A_758], %add3A_749 : memref<8192xf32, #tpu.memory_space<vmem>>[vector<16xi32>], vector<16xf32>,
        %add3A_759 = arith.constant 3 : i32
        %add3A_760 = vector.broadcast %add3A_759 : i32 to vector<16xi32>
        %add3A_761 = arith.addi %mul3A_574, %add3A_760 : vector<16xi32>
        %gather3A_762 = tpu.vector_load_idx %arg6[%add3A_761] : memref<65536xi32, #tpu.memory_space<vmem>>[vector<16xi32>], vector<16xi32>,
        %bitcast3A_763 = vector.bitcast %gather3A_762 : vector<16xi32> to vector<32xbf16>
        %unpack3A_764 = tpu.unpack_subelements %bitcast3A_763, 0 {pack_format = #tpu.pack_format<interleaved>} : vector<32xbf16> -> vector<16xf32>
        %unpack3A_765 = tpu.unpack_subelements %bitcast3A_763, 1 {pack_format = #tpu.pack_format<interleaved>} : vector<32xbf16> -> vector<16xf32>
        %mul3A_766 = arith.mulf %select_n3A_556, %unpack3A_764 : vector<16xf32>
        %add3A_767 = arith.addf %broadcast_in_dim3A_554, %mul3A_766 : vector<16xf32>
        %mul3A_768 = arith.mulf %select_n3A_556, %unpack3A_765 : vector<16xf32>
        %add3A_769 = arith.addf %broadcast_in_dim3A_554, %mul3A_768 : vector<16xf32>
        %add3A_770 = arith.constant 3 : i32
        %add3A_771 = vector.broadcast %add3A_770 : i32 to vector<16xi32>
        %add3A_772 = arith.addi %mul3A_580, %add3A_771 : vector<16xi32>
        %gather3A_773 = tpu.vector_load_idx %arg6[%add3A_772] : memref<65536xi32, #tpu.memory_space<vmem>>[vector<16xi32>], vector<16xi32>,
        %bitcast3A_774 = vector.bitcast %gather3A_773 : vector<16xi32> to vector<32xbf16>
        %unpack3A_775 = tpu.unpack_subelements %bitcast3A_774, 0 {pack_format = #tpu.pack_format<interleaved>} : vector<32xbf16> -> vector<16xf32>
        %unpack3A_776 = tpu.unpack_subelements %bitcast3A_774, 1 {pack_format = #tpu.pack_format<interleaved>} : vector<32xbf16> -> vector<16xf32>
        %mul3A_777 = arith.mulf %select_n3A_558, %unpack3A_775 : vector<16xf32>
        %add3A_778 = arith.addf %add3A_767, %mul3A_777 : vector<16xf32>
        %mul3A_779 = arith.mulf %select_n3A_558, %unpack3A_776 : vector<16xf32>
        %add3A_780 = arith.addf %add3A_769, %mul3A_779 : vector<16xf32>
        %add3A_781 = arith.constant 3 : i32
        %add3A_782 = vector.broadcast %add3A_781 : i32 to vector<16xi32>
        %add3A_783 = arith.addi %mul3A_586, %add3A_782 : vector<16xi32>
        %gather3A_784 = tpu.vector_load_idx %arg6[%add3A_783] : memref<65536xi32, #tpu.memory_space<vmem>>[vector<16xi32>], vector<16xi32>,
        %bitcast3A_785 = vector.bitcast %gather3A_784 : vector<16xi32> to vector<32xbf16>
        %unpack3A_786 = tpu.unpack_subelements %bitcast3A_785, 0 {pack_format = #tpu.pack_format<interleaved>} : vector<32xbf16> -> vector<16xf32>
        %unpack3A_787 = tpu.unpack_subelements %bitcast3A_785, 1 {pack_format = #tpu.pack_format<interleaved>} : vector<32xbf16> -> vector<16xf32>
        %mul3A_788 = arith.mulf %select_n3A_560, %unpack3A_786 : vector<16xf32>
        %add3A_789 = arith.addf %add3A_778, %mul3A_788 : vector<16xf32>
        %mul3A_790 = arith.mulf %select_n3A_560, %unpack3A_787 : vector<16xf32>
        %add3A_791 = arith.addf %add3A_780, %mul3A_790 : vector<16xf32>
        %add3A_792 = arith.constant 3 : i32
        %add3A_793 = vector.broadcast %add3A_792 : i32 to vector<16xi32>
        %add3A_794 = arith.addi %mul3A_592, %add3A_793 : vector<16xi32>
        %gather3A_795 = tpu.vector_load_idx %arg6[%add3A_794] : memref<65536xi32, #tpu.memory_space<vmem>>[vector<16xi32>], vector<16xi32>,
        %bitcast3A_796 = vector.bitcast %gather3A_795 : vector<16xi32> to vector<32xbf16>
        %unpack3A_797 = tpu.unpack_subelements %bitcast3A_796, 0 {pack_format = #tpu.pack_format<interleaved>} : vector<32xbf16> -> vector<16xf32>
        %unpack3A_798 = tpu.unpack_subelements %bitcast3A_796, 1 {pack_format = #tpu.pack_format<interleaved>} : vector<32xbf16> -> vector<16xf32>
        %mul3A_799 = arith.mulf %select_n3A_562, %unpack3A_797 : vector<16xf32>
        %add3A_800 = arith.addf %add3A_789, %mul3A_799 : vector<16xf32>
        %mul3A_801 = arith.mulf %select_n3A_562, %unpack3A_798 : vector<16xf32>
        %add3A_802 = arith.addf %add3A_791, %mul3A_801 : vector<16xf32>
        %add3A_803 = arith.constant 6 : i32
        %add3A_804 = vector.broadcast %add3A_803 : i32 to vector<16xi32>
        %add3A_805 = arith.addi %mul3A_599, %add3A_804 : vector<16xi32>
        tpu.vector_store_idx %arg12[%add3A_805], %add3A_800 : memref<8192xf32, #tpu.memory_space<vmem>>[vector<16xi32>], vector<16xf32>,
        %add3A_806 = arith.constant 6 : i32
        %add3A_807 = vector.broadcast %add3A_806 : i32 to vector<16xi32>
        %add3A_808 = arith.addi %mul3A_599, %add3A_807 : vector<16xi32>
        %add3A_809 = arith.constant 1 : i32
        %add3A_810 = vector.broadcast %add3A_809 : i32 to vector<16xi32>
        %add3A_811 = arith.addi %add3A_808, %add3A_810 : vector<16xi32>
        tpu.vector_store_idx %arg12[%add3A_811], %add3A_802 : memref<8192xf32, #tpu.memory_space<vmem>>[vector<16xi32>], vector<16xf32>,
        %scan3A_812 = arith.constant 2 : i32
        %scan3A_813 = arith.addi %scan3A_129, %scan3A_812 : i32
        %mul3A_814 = arith.constant 1 : i32
        %mul3A_815 = arith.muli %scan3A_813, %mul3A_814 : i32
        %add3A_816 = arith.constant 0 : i32
        %add3A_817 = arith.addi %add3A_816, %mul3A_815 : i32
        %mul3A_818 = arith.constant 16 : i32
        %mul3A_819 = arith.muli %add3A_817, %mul3A_818 : i32
        %get3A_820 = arith.index_cast %mul3A_819 : i32 to index
        %get3A_821 = tpu.vector_load %arg8[%get3A_820] {strides = array<i32>} : memref<1024xf32, #tpu.memory_space<vmem>>, vector<16xf32>,
        %mul3A_822 = arith.constant 16 : i32
        %mul3A_823 = arith.muli %add3A_817, %mul3A_822 : i32
        %get3A_824 = arith.index_cast %mul3A_823 : i32 to index
        %get3A_825 = tpu.vector_load %arg10[%get3A_824] {strides = array<i32>} : memref<1024xf32, #tpu.memory_space<vmem>>, vector<16xf32>,
        %mul3A_826 = arith.constant 6.400000e+01 : f32
        %mul3A_827 = vector.broadcast %mul3A_826 : f32 to vector<16xf32>
        %mul3A_828 = arith.mulf %get3A_821, %mul3A_827 : vector<16xf32>
        %add3A_829 = arith.constant 6.350000e+01 : f32
        %add3A_830 = vector.broadcast %add3A_829 : f32 to vector<16xf32>
        %add3A_831 = arith.addf %mul3A_828, %add3A_830 : vector<16xf32>
        %mul3A_832 = arith.constant 6.400000e+01 : f32
        %mul3A_833 = vector.broadcast %mul3A_832 : f32 to vector<16xf32>
        %mul3A_834 = arith.mulf %get3A_825, %mul3A_833 : vector<16xf32>
        %add3A_835 = arith.constant 6.350000e+01 : f32
        %add3A_836 = vector.broadcast %add3A_835 : f32 to vector<16xf32>
        %add3A_837 = arith.addf %mul3A_834, %add3A_836 : vector<16xf32>
        %convert_element_type3A_838 = arith.fptosi %add3A_831 : vector<16xf32> to vector<16xi32>
        %convert_element_type3A_839 = arith.sitofp %convert_element_type3A_838 : vector<16xi32> to vector<16xf32>
        %convert_element_type3A_840 = arith.fptosi %add3A_837 : vector<16xf32> to vector<16xi32>
        %convert_element_type3A_841 = arith.sitofp %convert_element_type3A_840 : vector<16xi32> to vector<16xf32>
        %lt3A_842 = arith.cmpf olt, %add3A_831, %convert_element_type3A_839 : vector<16xf32>
        %sub3A_843 = arith.constant 1.000000e+00 : f32
        %sub3A_844 = vector.broadcast %sub3A_843 : f32 to vector<16xf32>
        %sub3A_845 = arith.subf %convert_element_type3A_839, %sub3A_844 : vector<16xf32>
        %select_n3A_846 = arith.select %lt3A_842, %sub3A_845, %convert_element_type3A_839 : vector<16xi1>, vector<16xf32>
        %lt3A_847 = arith.cmpf olt, %add3A_837, %convert_element_type3A_841 : vector<16xf32>
        %sub3A_848 = arith.constant 1.000000e+00 : f32
        %sub3A_849 = vector.broadcast %sub3A_848 : f32 to vector<16xf32>
        %sub3A_850 = arith.subf %convert_element_type3A_841, %sub3A_849 : vector<16xf32>
        %select_n3A_851 = arith.select %lt3A_847, %sub3A_850, %convert_element_type3A_841 : vector<16xi1>, vector<16xf32>
        %sub3A_852 = arith.subf %add3A_831, %select_n3A_846 : vector<16xf32>
        %sub3A_853 = arith.subf %add3A_837, %select_n3A_851 : vector<16xf32>
        %sub3A_854 = arith.constant 1.000000e+00 : f32
        %sub3A_855 = vector.broadcast %sub3A_854 : f32 to vector<16xf32>
        %sub3A_856 = arith.subf %sub3A_855, %sub3A_852 : vector<16xf32>
        %sub3A_857 = arith.constant 1.000000e+00 : f32
        %sub3A_858 = vector.broadcast %sub3A_857 : f32 to vector<16xf32>
        %sub3A_859 = arith.subf %sub3A_858, %sub3A_853 : vector<16xf32>
        %add3A_860 = arith.constant 1.000000e+00 : f32
        %add3A_861 = vector.broadcast %add3A_860 : f32 to vector<16xf32>
        %add3A_862 = arith.addf %select_n3A_846, %add3A_861 : vector<16xf32>
        %add3A_863 = arith.constant 1.000000e+00 : f32
        %add3A_864 = vector.broadcast %add3A_863 : f32 to vector<16xf32>
        %add3A_865 = arith.addf %select_n3A_851, %add3A_864 : vector<16xf32>
        %gt3A_866 = arith.constant -1.000000e+00 : f32
        %gt3A_867 = vector.broadcast %gt3A_866 : f32 to vector<16xf32>
        %gt3A_868 = arith.cmpf ogt, %select_n3A_846, %gt3A_867 : vector<16xf32>
        %lt3A_869 = arith.constant 1.280000e+02 : f32
        %lt3A_870 = vector.broadcast %lt3A_869 : f32 to vector<16xf32>
        %lt3A_871 = arith.cmpf olt, %select_n3A_846, %lt3A_870 : vector<16xf32>
        %and3A_872 = arith.andi %gt3A_868, %lt3A_871 : vector<16xi1>
        %gt3A_873 = arith.constant -1.000000e+00 : f32
        %gt3A_874 = vector.broadcast %gt3A_873 : f32 to vector<16xf32>
        %gt3A_875 = arith.cmpf ogt, %add3A_862, %gt3A_874 : vector<16xf32>
        %lt3A_876 = arith.constant 1.280000e+02 : f32
        %lt3A_877 = vector.broadcast %lt3A_876 : f32 to vector<16xf32>
        %lt3A_878 = arith.cmpf olt, %add3A_862, %lt3A_877 : vector<16xf32>
        %and3A_879 = arith.andi %gt3A_875, %lt3A_878 : vector<16xi1>
        %gt3A_880 = arith.constant -1.000000e+00 : f32
        %gt3A_881 = vector.broadcast %gt3A_880 : f32 to vector<16xf32>
        %gt3A_882 = arith.cmpf ogt, %select_n3A_851, %gt3A_881 : vector<16xf32>
        %lt3A_883 = arith.constant 1.280000e+02 : f32
        %lt3A_884 = vector.broadcast %lt3A_883 : f32 to vector<16xf32>
        %lt3A_885 = arith.cmpf olt, %select_n3A_851, %lt3A_884 : vector<16xf32>
        %and3A_886 = arith.andi %gt3A_882, %lt3A_885 : vector<16xi1>
        %gt3A_887 = arith.constant -1.000000e+00 : f32
        %gt3A_888 = vector.broadcast %gt3A_887 : f32 to vector<16xf32>
        %gt3A_889 = arith.cmpf ogt, %add3A_865, %gt3A_888 : vector<16xf32>
        %lt3A_890 = arith.constant 1.280000e+02 : f32
        %lt3A_891 = vector.broadcast %lt3A_890 : f32 to vector<16xf32>
        %lt3A_892 = arith.cmpf olt, %add3A_865, %lt3A_891 : vector<16xf32>
        %and3A_893 = arith.andi %gt3A_889, %lt3A_892 : vector<16xi1>
        %and3A_894 = arith.andi %and3A_872, %and3A_886 : vector<16xi1>
        %and3A_895 = arith.andi %and3A_879, %and3A_886 : vector<16xi1>
        %and3A_896 = arith.andi %and3A_872, %and3A_893 : vector<16xi1>
        %and3A_897 = arith.andi %and3A_879, %and3A_893 : vector<16xi1>
        %broadcast_in_dim3A_898 = arith.constant 0.000000e+00 : f32
        %broadcast_in_dim3A_899 = vector.broadcast %broadcast_in_dim3A_898 : f32 to vector<16xf32>
        %mul3A_900 = arith.mulf %sub3A_859, %sub3A_856 : vector<16xf32>
        %select_n3A_901 = arith.select %and3A_894, %mul3A_900, %broadcast_in_dim3A_899 : vector<16xi1>, vector<16xf32>
        %mul3A_902 = arith.mulf %sub3A_859, %sub3A_852 : vector<16xf32>
        %select_n3A_903 = arith.select %and3A_895, %mul3A_902, %broadcast_in_dim3A_899 : vector<16xi1>, vector<16xf32>
        %mul3A_904 = arith.mulf %sub3A_853, %sub3A_856 : vector<16xf32>
        %select_n3A_905 = arith.select %and3A_896, %mul3A_904, %broadcast_in_dim3A_899 : vector<16xi1>, vector<16xf32>
        %mul3A_906 = arith.mulf %sub3A_853, %sub3A_852 : vector<16xf32>
        %select_n3A_907 = arith.select %and3A_897, %mul3A_906, %broadcast_in_dim3A_899 : vector<16xi1>, vector<16xf32>
        %mul3A_908 = arith.constant 1.280000e+02 : f32
        %mul3A_909 = vector.broadcast %mul3A_908 : f32 to vector<16xf32>
        %mul3A_910 = arith.mulf %select_n3A_851, %mul3A_909 : vector<16xf32>
        %mul3A_911 = arith.constant 1.280000e+02 : f32
        %mul3A_912 = vector.broadcast %mul3A_911 : f32 to vector<16xf32>
        %mul3A_913 = arith.mulf %add3A_865, %mul3A_912 : vector<16xf32>
        %add3A_914 = arith.addf %mul3A_910, %select_n3A_846 : vector<16xf32>
        %select_n3A_915 = arith.select %and3A_894, %add3A_914, %broadcast_in_dim3A_899 : vector<16xi1>, vector<16xf32>
        %convert_element_type3A_916 = arith.fptosi %select_n3A_915 : vector<16xf32> to vector<16xi32>
        %mul3A_917 = arith.constant 4 : i32
        %mul3A_918 = vector.broadcast %mul3A_917 : i32 to vector<16xi32>
        %mul3A_919 = arith.muli %convert_element_type3A_916, %mul3A_918 : vector<16xi32>
        %add3A_920 = arith.addf %mul3A_910, %add3A_862 : vector<16xf32>
        %select_n3A_921 = arith.select %and3A_895, %add3A_920, %broadcast_in_dim3A_899 : vector<16xi1>, vector<16xf32>
        %convert_element_type3A_922 = arith.fptosi %select_n3A_921 : vector<16xf32> to vector<16xi32>
        %mul3A_923 = arith.constant 4 : i32
        %mul3A_924 = vector.broadcast %mul3A_923 : i32 to vector<16xi32>
        %mul3A_925 = arith.muli %convert_element_type3A_922, %mul3A_924 : vector<16xi32>
        %add3A_926 = arith.addf %mul3A_913, %select_n3A_846 : vector<16xf32>
        %select_n3A_927 = arith.select %and3A_896, %add3A_926, %broadcast_in_dim3A_899 : vector<16xi1>, vector<16xf32>
        %convert_element_type3A_928 = arith.fptosi %select_n3A_927 : vector<16xf32> to vector<16xi32>
        %mul3A_929 = arith.constant 4 : i32
        %mul3A_930 = vector.broadcast %mul3A_929 : i32 to vector<16xi32>
        %mul3A_931 = arith.muli %convert_element_type3A_928, %mul3A_930 : vector<16xi32>
        %add3A_932 = arith.addf %mul3A_913, %add3A_862 : vector<16xf32>
        %select_n3A_933 = arith.select %and3A_897, %add3A_932, %broadcast_in_dim3A_899 : vector<16xi1>, vector<16xf32>
        %convert_element_type3A_934 = arith.fptosi %select_n3A_933 : vector<16xf32> to vector<16xi32>
        %mul3A_935 = arith.constant 4 : i32
        %mul3A_936 = vector.broadcast %mul3A_935 : i32 to vector<16xi32>
        %mul3A_937 = arith.muli %convert_element_type3A_934, %mul3A_936 : vector<16xi32>
        %mul3A_938 = arith.constant 16 : i32
        %mul3A_939 = arith.muli %add3A_817, %mul3A_938 : i32
        %add3A_940 = vector.broadcast %mul3A_939 : i32 to vector<16xi32>
        %add3A_941 = arith.addi %add3A_940, %iota3A : vector<16xi32>
        %mul3A_942 = arith.constant 8 : i32
        %mul3A_943 = vector.broadcast %mul3A_942 : i32 to vector<16xi32>
        %mul3A_944 = arith.muli %add3A_941, %mul3A_943 : vector<16xi32>
        %add3A_945 = arith.constant 0 : i32
        %add3A_946 = vector.broadcast %add3A_945 : i32 to vector<16xi32>
        %add3A_947 = arith.addi %mul3A_919, %add3A_946 : vector<16xi32>
        %gather3A_948 = tpu.vector_load_idx %arg6[%add3A_947] : memref<65536xi32, #tpu.memory_space<vmem>>[vector<16xi32>], vector<16xi32>,
        %bitcast3A_949 = vector.bitcast %gather3A_948 : vector<16xi32> to vector<32xbf16>
        %unpack3A_950 = tpu.unpack_subelements %bitcast3A_949, 0 {pack_format = #tpu.pack_format<interleaved>} : vector<32xbf16> -> vector<16xf32>
        %unpack3A_951 = tpu.unpack_subelements %bitcast3A_949, 1 {pack_format = #tpu.pack_format<interleaved>} : vector<32xbf16> -> vector<16xf32>
        %mul3A_952 = arith.mulf %select_n3A_901, %unpack3A_950 : vector<16xf32>
        %add3A_953 = arith.addf %broadcast_in_dim3A_899, %mul3A_952 : vector<16xf32>
        %mul3A_954 = arith.mulf %select_n3A_901, %unpack3A_951 : vector<16xf32>
        %add3A_955 = arith.addf %broadcast_in_dim3A_899, %mul3A_954 : vector<16xf32>
        %add3A_956 = arith.constant 0 : i32
        %add3A_957 = vector.broadcast %add3A_956 : i32 to vector<16xi32>
        %add3A_958 = arith.addi %mul3A_925, %add3A_957 : vector<16xi32>
        %gather3A_959 = tpu.vector_load_idx %arg6[%add3A_958] : memref<65536xi32, #tpu.memory_space<vmem>>[vector<16xi32>], vector<16xi32>,
        %bitcast3A_960 = vector.bitcast %gather3A_959 : vector<16xi32> to vector<32xbf16>
        %unpack3A_961 = tpu.unpack_subelements %bitcast3A_960, 0 {pack_format = #tpu.pack_format<interleaved>} : vector<32xbf16> -> vector<16xf32>
        %unpack3A_962 = tpu.unpack_subelements %bitcast3A_960, 1 {pack_format = #tpu.pack_format<interleaved>} : vector<32xbf16> -> vector<16xf32>
        %mul3A_963 = arith.mulf %select_n3A_903, %unpack3A_961 : vector<16xf32>
        %add3A_964 = arith.addf %add3A_953, %mul3A_963 : vector<16xf32>
        %mul3A_965 = arith.mulf %select_n3A_903, %unpack3A_962 : vector<16xf32>
        %add3A_966 = arith.addf %add3A_955, %mul3A_965 : vector<16xf32>
        %add3A_967 = arith.constant 0 : i32
        %add3A_968 = vector.broadcast %add3A_967 : i32 to vector<16xi32>
        %add3A_969 = arith.addi %mul3A_931, %add3A_968 : vector<16xi32>
        %gather3A_970 = tpu.vector_load_idx %arg6[%add3A_969] : memref<65536xi32, #tpu.memory_space<vmem>>[vector<16xi32>], vector<16xi32>,
        %bitcast3A_971 = vector.bitcast %gather3A_970 : vector<16xi32> to vector<32xbf16>
        %unpack3A_972 = tpu.unpack_subelements %bitcast3A_971, 0 {pack_format = #tpu.pack_format<interleaved>} : vector<32xbf16> -> vector<16xf32>
        %unpack3A_973 = tpu.unpack_subelements %bitcast3A_971, 1 {pack_format = #tpu.pack_format<interleaved>} : vector<32xbf16> -> vector<16xf32>
        %mul3A_974 = arith.mulf %select_n3A_905, %unpack3A_972 : vector<16xf32>
        %add3A_975 = arith.addf %add3A_964, %mul3A_974 : vector<16xf32>
        %mul3A_976 = arith.mulf %select_n3A_905, %unpack3A_973 : vector<16xf32>
        %add3A_977 = arith.addf %add3A_966, %mul3A_976 : vector<16xf32>
        %add3A_978 = arith.constant 0 : i32
        %add3A_979 = vector.broadcast %add3A_978 : i32 to vector<16xi32>
        %add3A_980 = arith.addi %mul3A_937, %add3A_979 : vector<16xi32>
        %gather3A_981 = tpu.vector_load_idx %arg6[%add3A_980] : memref<65536xi32, #tpu.memory_space<vmem>>[vector<16xi32>], vector<16xi32>,
        %bitcast3A_982 = vector.bitcast %gather3A_981 : vector<16xi32> to vector<32xbf16>
        %unpack3A_983 = tpu.unpack_subelements %bitcast3A_982, 0 {pack_format = #tpu.pack_format<interleaved>} : vector<32xbf16> -> vector<16xf32>
        %unpack3A_984 = tpu.unpack_subelements %bitcast3A_982, 1 {pack_format = #tpu.pack_format<interleaved>} : vector<32xbf16> -> vector<16xf32>
        %mul3A_985 = arith.mulf %select_n3A_907, %unpack3A_983 : vector<16xf32>
        %add3A_986 = arith.addf %add3A_975, %mul3A_985 : vector<16xf32>
        %mul3A_987 = arith.mulf %select_n3A_907, %unpack3A_984 : vector<16xf32>
        %add3A_988 = arith.addf %add3A_977, %mul3A_987 : vector<16xf32>
        %add3A_989 = arith.constant 0 : i32
        %add3A_990 = vector.broadcast %add3A_989 : i32 to vector<16xi32>
        %add3A_991 = arith.addi %mul3A_944, %add3A_990 : vector<16xi32>
        tpu.vector_store_idx %arg12[%add3A_991], %add3A_986 : memref<8192xf32, #tpu.memory_space<vmem>>[vector<16xi32>], vector<16xf32>,
        %add3A_992 = arith.constant 0 : i32
        %add3A_993 = vector.broadcast %add3A_992 : i32 to vector<16xi32>
        %add3A_994 = arith.addi %mul3A_944, %add3A_993 : vector<16xi32>
        %add3A_995 = arith.constant 1 : i32
        %add3A_996 = vector.broadcast %add3A_995 : i32 to vector<16xi32>
        %add3A_997 = arith.addi %add3A_994, %add3A_996 : vector<16xi32>
        tpu.vector_store_idx %arg12[%add3A_997], %add3A_988 : memref<8192xf32, #tpu.memory_space<vmem>>[vector<16xi32>], vector<16xf32>,
        %add3A_998 = arith.constant 1 : i32
        %add3A_999 = vector.broadcast %add3A_998 : i32 to vector<16xi32>
        %add3A_1000 = arith.addi %mul3A_919, %add3A_999 : vector<16xi32>
        %gather3A_1001 = tpu.vector_load_idx %arg6[%add3A_1000] : memref<65536xi32, #tpu.memory_space<vmem>>[vector<16xi32>], vector<16xi32>,
        %bitcast3A_1002 = vector.bitcast %gather3A_1001 : vector<16xi32> to vector<32xbf16>
        %unpack3A_1003 = tpu.unpack_subelements %bitcast3A_1002, 0 {pack_format = #tpu.pack_format<interleaved>} : vector<32xbf16> -> vector<16xf32>
        %unpack3A_1004 = tpu.unpack_subelements %bitcast3A_1002, 1 {pack_format = #tpu.pack_format<interleaved>} : vector<32xbf16> -> vector<16xf32>
        %mul3A_1005 = arith.mulf %select_n3A_901, %unpack3A_1003 : vector<16xf32>
        %add3A_1006 = arith.addf %broadcast_in_dim3A_899, %mul3A_1005 : vector<16xf32>
        %mul3A_1007 = arith.mulf %select_n3A_901, %unpack3A_1004 : vector<16xf32>
        %add3A_1008 = arith.addf %broadcast_in_dim3A_899, %mul3A_1007 : vector<16xf32>
        %add3A_1009 = arith.constant 1 : i32
        %add3A_1010 = vector.broadcast %add3A_1009 : i32 to vector<16xi32>
        %add3A_1011 = arith.addi %mul3A_925, %add3A_1010 : vector<16xi32>
        %gather3A_1012 = tpu.vector_load_idx %arg6[%add3A_1011] : memref<65536xi32, #tpu.memory_space<vmem>>[vector<16xi32>], vector<16xi32>,
        %bitcast3A_1013 = vector.bitcast %gather3A_1012 : vector<16xi32> to vector<32xbf16>
        %unpack3A_1014 = tpu.unpack_subelements %bitcast3A_1013, 0 {pack_format = #tpu.pack_format<interleaved>} : vector<32xbf16> -> vector<16xf32>
        %unpack3A_1015 = tpu.unpack_subelements %bitcast3A_1013, 1 {pack_format = #tpu.pack_format<interleaved>} : vector<32xbf16> -> vector<16xf32>
        %mul3A_1016 = arith.mulf %select_n3A_903, %unpack3A_1014 : vector<16xf32>
        %add3A_1017 = arith.addf %add3A_1006, %mul3A_1016 : vector<16xf32>
        %mul3A_1018 = arith.mulf %select_n3A_903, %unpack3A_1015 : vector<16xf32>
        %add3A_1019 = arith.addf %add3A_1008, %mul3A_1018 : vector<16xf32>
        %add3A_1020 = arith.constant 1 : i32
        %add3A_1021 = vector.broadcast %add3A_1020 : i32 to vector<16xi32>
        %add3A_1022 = arith.addi %mul3A_931, %add3A_1021 : vector<16xi32>
        %gather3A_1023 = tpu.vector_load_idx %arg6[%add3A_1022] : memref<65536xi32, #tpu.memory_space<vmem>>[vector<16xi32>], vector<16xi32>,
        %bitcast3A_1024 = vector.bitcast %gather3A_1023 : vector<16xi32> to vector<32xbf16>
        %unpack3A_1025 = tpu.unpack_subelements %bitcast3A_1024, 0 {pack_format = #tpu.pack_format<interleaved>} : vector<32xbf16> -> vector<16xf32>
        %unpack3A_1026 = tpu.unpack_subelements %bitcast3A_1024, 1 {pack_format = #tpu.pack_format<interleaved>} : vector<32xbf16> -> vector<16xf32>
        %mul3A_1027 = arith.mulf %select_n3A_905, %unpack3A_1025 : vector<16xf32>
        %add3A_1028 = arith.addf %add3A_1017, %mul3A_1027 : vector<16xf32>
        %mul3A_1029 = arith.mulf %select_n3A_905, %unpack3A_1026 : vector<16xf32>
        %add3A_1030 = arith.addf %add3A_1019, %mul3A_1029 : vector<16xf32>
        %add3A_1031 = arith.constant 1 : i32
        %add3A_1032 = vector.broadcast %add3A_1031 : i32 to vector<16xi32>
        %add3A_1033 = arith.addi %mul3A_937, %add3A_1032 : vector<16xi32>
        %gather3A_1034 = tpu.vector_load_idx %arg6[%add3A_1033] : memref<65536xi32, #tpu.memory_space<vmem>>[vector<16xi32>], vector<16xi32>,
        %bitcast3A_1035 = vector.bitcast %gather3A_1034 : vector<16xi32> to vector<32xbf16>
        %unpack3A_1036 = tpu.unpack_subelements %bitcast3A_1035, 0 {pack_format = #tpu.pack_format<interleaved>} : vector<32xbf16> -> vector<16xf32>
        %unpack3A_1037 = tpu.unpack_subelements %bitcast3A_1035, 1 {pack_format = #tpu.pack_format<interleaved>} : vector<32xbf16> -> vector<16xf32>
        %mul3A_1038 = arith.mulf %select_n3A_907, %unpack3A_1036 : vector<16xf32>
        %add3A_1039 = arith.addf %add3A_1028, %mul3A_1038 : vector<16xf32>
        %mul3A_1040 = arith.mulf %select_n3A_907, %unpack3A_1037 : vector<16xf32>
        %add3A_1041 = arith.addf %add3A_1030, %mul3A_1040 : vector<16xf32>
        %add3A_1042 = arith.constant 2 : i32
        %add3A_1043 = vector.broadcast %add3A_1042 : i32 to vector<16xi32>
        %add3A_1044 = arith.addi %mul3A_944, %add3A_1043 : vector<16xi32>
        tpu.vector_store_idx %arg12[%add3A_1044], %add3A_1039 : memref<8192xf32, #tpu.memory_space<vmem>>[vector<16xi32>], vector<16xf32>,
        %add3A_1045 = arith.constant 2 : i32
        %add3A_1046 = vector.broadcast %add3A_1045 : i32 to vector<16xi32>
        %add3A_1047 = arith.addi %mul3A_944, %add3A_1046 : vector<16xi32>
        %add3A_1048 = arith.constant 1 : i32
        %add3A_1049 = vector.broadcast %add3A_1048 : i32 to vector<16xi32>
        %add3A_1050 = arith.addi %add3A_1047, %add3A_1049 : vector<16xi32>
        tpu.vector_store_idx %arg12[%add3A_1050], %add3A_1041 : memref<8192xf32, #tpu.memory_space<vmem>>[vector<16xi32>], vector<16xf32>,
        %add3A_1051 = arith.constant 2 : i32
        %add3A_1052 = vector.broadcast %add3A_1051 : i32 to vector<16xi32>
        %add3A_1053 = arith.addi %mul3A_919, %add3A_1052 : vector<16xi32>
        %gather3A_1054 = tpu.vector_load_idx %arg6[%add3A_1053] : memref<65536xi32, #tpu.memory_space<vmem>>[vector<16xi32>], vector<16xi32>,
        %bitcast3A_1055 = vector.bitcast %gather3A_1054 : vector<16xi32> to vector<32xbf16>
        %unpack3A_1056 = tpu.unpack_subelements %bitcast3A_1055, 0 {pack_format = #tpu.pack_format<interleaved>} : vector<32xbf16> -> vector<16xf32>
        %unpack3A_1057 = tpu.unpack_subelements %bitcast3A_1055, 1 {pack_format = #tpu.pack_format<interleaved>} : vector<32xbf16> -> vector<16xf32>
        %mul3A_1058 = arith.mulf %select_n3A_901, %unpack3A_1056 : vector<16xf32>
        %add3A_1059 = arith.addf %broadcast_in_dim3A_899, %mul3A_1058 : vector<16xf32>
        %mul3A_1060 = arith.mulf %select_n3A_901, %unpack3A_1057 : vector<16xf32>
        %add3A_1061 = arith.addf %broadcast_in_dim3A_899, %mul3A_1060 : vector<16xf32>
        %add3A_1062 = arith.constant 2 : i32
        %add3A_1063 = vector.broadcast %add3A_1062 : i32 to vector<16xi32>
        %add3A_1064 = arith.addi %mul3A_925, %add3A_1063 : vector<16xi32>
        %gather3A_1065 = tpu.vector_load_idx %arg6[%add3A_1064] : memref<65536xi32, #tpu.memory_space<vmem>>[vector<16xi32>], vector<16xi32>,
        %bitcast3A_1066 = vector.bitcast %gather3A_1065 : vector<16xi32> to vector<32xbf16>
        %unpack3A_1067 = tpu.unpack_subelements %bitcast3A_1066, 0 {pack_format = #tpu.pack_format<interleaved>} : vector<32xbf16> -> vector<16xf32>
        %unpack3A_1068 = tpu.unpack_subelements %bitcast3A_1066, 1 {pack_format = #tpu.pack_format<interleaved>} : vector<32xbf16> -> vector<16xf32>
        %mul3A_1069 = arith.mulf %select_n3A_903, %unpack3A_1067 : vector<16xf32>
        %add3A_1070 = arith.addf %add3A_1059, %mul3A_1069 : vector<16xf32>
        %mul3A_1071 = arith.mulf %select_n3A_903, %unpack3A_1068 : vector<16xf32>
        %add3A_1072 = arith.addf %add3A_1061, %mul3A_1071 : vector<16xf32>
        %add3A_1073 = arith.constant 2 : i32
        %add3A_1074 = vector.broadcast %add3A_1073 : i32 to vector<16xi32>
        %add3A_1075 = arith.addi %mul3A_931, %add3A_1074 : vector<16xi32>
        %gather3A_1076 = tpu.vector_load_idx %arg6[%add3A_1075] : memref<65536xi32, #tpu.memory_space<vmem>>[vector<16xi32>], vector<16xi32>,
        %bitcast3A_1077 = vector.bitcast %gather3A_1076 : vector<16xi32> to vector<32xbf16>
        %unpack3A_1078 = tpu.unpack_subelements %bitcast3A_1077, 0 {pack_format = #tpu.pack_format<interleaved>} : vector<32xbf16> -> vector<16xf32>
        %unpack3A_1079 = tpu.unpack_subelements %bitcast3A_1077, 1 {pack_format = #tpu.pack_format<interleaved>} : vector<32xbf16> -> vector<16xf32>
        %mul3A_1080 = arith.mulf %select_n3A_905, %unpack3A_1078 : vector<16xf32>
        %add3A_1081 = arith.addf %add3A_1070, %mul3A_1080 : vector<16xf32>
        %mul3A_1082 = arith.mulf %select_n3A_905, %unpack3A_1079 : vector<16xf32>
        %add3A_1083 = arith.addf %add3A_1072, %mul3A_1082 : vector<16xf32>
        %add3A_1084 = arith.constant 2 : i32
        %add3A_1085 = vector.broadcast %add3A_1084 : i32 to vector<16xi32>
        %add3A_1086 = arith.addi %mul3A_937, %add3A_1085 : vector<16xi32>
        %gather3A_1087 = tpu.vector_load_idx %arg6[%add3A_1086] : memref<65536xi32, #tpu.memory_space<vmem>>[vector<16xi32>], vector<16xi32>,
        %bitcast3A_1088 = vector.bitcast %gather3A_1087 : vector<16xi32> to vector<32xbf16>
        %unpack3A_1089 = tpu.unpack_subelements %bitcast3A_1088, 0 {pack_format = #tpu.pack_format<interleaved>} : vector<32xbf16> -> vector<16xf32>
        %unpack3A_1090 = tpu.unpack_subelements %bitcast3A_1088, 1 {pack_format = #tpu.pack_format<interleaved>} : vector<32xbf16> -> vector<16xf32>
        %mul3A_1091 = arith.mulf %select_n3A_907, %unpack3A_1089 : vector<16xf32>
        %add3A_1092 = arith.addf %add3A_1081, %mul3A_1091 : vector<16xf32>
        %mul3A_1093 = arith.mulf %select_n3A_907, %unpack3A_1090 : vector<16xf32>
        %add3A_1094 = arith.addf %add3A_1083, %mul3A_1093 : vector<16xf32>
        %add3A_1095 = arith.constant 4 : i32
        %add3A_1096 = vector.broadcast %add3A_1095 : i32 to vector<16xi32>
        %add3A_1097 = arith.addi %mul3A_944, %add3A_1096 : vector<16xi32>
        tpu.vector_store_idx %arg12[%add3A_1097], %add3A_1092 : memref<8192xf32, #tpu.memory_space<vmem>>[vector<16xi32>], vector<16xf32>,
        %add3A_1098 = arith.constant 4 : i32
        %add3A_1099 = vector.broadcast %add3A_1098 : i32 to vector<16xi32>
        %add3A_1100 = arith.addi %mul3A_944, %add3A_1099 : vector<16xi32>
        %add3A_1101 = arith.constant 1 : i32
        %add3A_1102 = vector.broadcast %add3A_1101 : i32 to vector<16xi32>
        %add3A_1103 = arith.addi %add3A_1100, %add3A_1102 : vector<16xi32>
        tpu.vector_store_idx %arg12[%add3A_1103], %add3A_1094 : memref<8192xf32, #tpu.memory_space<vmem>>[vector<16xi32>], vector<16xf32>,
        %add3A_1104 = arith.constant 3 : i32
        %add3A_1105 = vector.broadcast %add3A_1104 : i32 to vector<16xi32>
        %add3A_1106 = arith.addi %mul3A_919, %add3A_1105 : vector<16xi32>
        %gather3A_1107 = tpu.vector_load_idx %arg6[%add3A_1106] : memref<65536xi32, #tpu.memory_space<vmem>>[vector<16xi32>], vector<16xi32>,
        %bitcast3A_1108 = vector.bitcast %gather3A_1107 : vector<16xi32> to vector<32xbf16>
        %unpack3A_1109 = tpu.unpack_subelements %bitcast3A_1108, 0 {pack_format = #tpu.pack_format<interleaved>} : vector<32xbf16> -> vector<16xf32>
        %unpack3A_1110 = tpu.unpack_subelements %bitcast3A_1108, 1 {pack_format = #tpu.pack_format<interleaved>} : vector<32xbf16> -> vector<16xf32>
        %mul3A_1111 = arith.mulf %select_n3A_901, %unpack3A_1109 : vector<16xf32>
        %add3A_1112 = arith.addf %broadcast_in_dim3A_899, %mul3A_1111 : vector<16xf32>
        %mul3A_1113 = arith.mulf %select_n3A_901, %unpack3A_1110 : vector<16xf32>
        %add3A_1114 = arith.addf %broadcast_in_dim3A_899, %mul3A_1113 : vector<16xf32>
        %add3A_1115 = arith.constant 3 : i32
        %add3A_1116 = vector.broadcast %add3A_1115 : i32 to vector<16xi32>
        %add3A_1117 = arith.addi %mul3A_925, %add3A_1116 : vector<16xi32>
        %gather3A_1118 = tpu.vector_load_idx %arg6[%add3A_1117] : memref<65536xi32, #tpu.memory_space<vmem>>[vector<16xi32>], vector<16xi32>,
        %bitcast3A_1119 = vector.bitcast %gather3A_1118 : vector<16xi32> to vector<32xbf16>
        %unpack3A_1120 = tpu.unpack_subelements %bitcast3A_1119, 0 {pack_format = #tpu.pack_format<interleaved>} : vector<32xbf16> -> vector<16xf32>
        %unpack3A_1121 = tpu.unpack_subelements %bitcast3A_1119, 1 {pack_format = #tpu.pack_format<interleaved>} : vector<32xbf16> -> vector<16xf32>
        %mul3A_1122 = arith.mulf %select_n3A_903, %unpack3A_1120 : vector<16xf32>
        %add3A_1123 = arith.addf %add3A_1112, %mul3A_1122 : vector<16xf32>
        %mul3A_1124 = arith.mulf %select_n3A_903, %unpack3A_1121 : vector<16xf32>
        %add3A_1125 = arith.addf %add3A_1114, %mul3A_1124 : vector<16xf32>
        %add3A_1126 = arith.constant 3 : i32
        %add3A_1127 = vector.broadcast %add3A_1126 : i32 to vector<16xi32>
        %add3A_1128 = arith.addi %mul3A_931, %add3A_1127 : vector<16xi32>
        %gather3A_1129 = tpu.vector_load_idx %arg6[%add3A_1128] : memref<65536xi32, #tpu.memory_space<vmem>>[vector<16xi32>], vector<16xi32>,
        %bitcast3A_1130 = vector.bitcast %gather3A_1129 : vector<16xi32> to vector<32xbf16>
        %unpack3A_1131 = tpu.unpack_subelements %bitcast3A_1130, 0 {pack_format = #tpu.pack_format<interleaved>} : vector<32xbf16> -> vector<16xf32>
        %unpack3A_1132 = tpu.unpack_subelements %bitcast3A_1130, 1 {pack_format = #tpu.pack_format<interleaved>} : vector<32xbf16> -> vector<16xf32>
        %mul3A_1133 = arith.mulf %select_n3A_905, %unpack3A_1131 : vector<16xf32>
        %add3A_1134 = arith.addf %add3A_1123, %mul3A_1133 : vector<16xf32>
        %mul3A_1135 = arith.mulf %select_n3A_905, %unpack3A_1132 : vector<16xf32>
        %add3A_1136 = arith.addf %add3A_1125, %mul3A_1135 : vector<16xf32>
        %add3A_1137 = arith.constant 3 : i32
        %add3A_1138 = vector.broadcast %add3A_1137 : i32 to vector<16xi32>
        %add3A_1139 = arith.addi %mul3A_937, %add3A_1138 : vector<16xi32>
        %gather3A_1140 = tpu.vector_load_idx %arg6[%add3A_1139] : memref<65536xi32, #tpu.memory_space<vmem>>[vector<16xi32>], vector<16xi32>,
        %bitcast3A_1141 = vector.bitcast %gather3A_1140 : vector<16xi32> to vector<32xbf16>
        %unpack3A_1142 = tpu.unpack_subelements %bitcast3A_1141, 0 {pack_format = #tpu.pack_format<interleaved>} : vector<32xbf16> -> vector<16xf32>
        %unpack3A_1143 = tpu.unpack_subelements %bitcast3A_1141, 1 {pack_format = #tpu.pack_format<interleaved>} : vector<32xbf16> -> vector<16xf32>
        %mul3A_1144 = arith.mulf %select_n3A_907, %unpack3A_1142 : vector<16xf32>
        %add3A_1145 = arith.addf %add3A_1134, %mul3A_1144 : vector<16xf32>
        %mul3A_1146 = arith.mulf %select_n3A_907, %unpack3A_1143 : vector<16xf32>
        %add3A_1147 = arith.addf %add3A_1136, %mul3A_1146 : vector<16xf32>
        %add3A_1148 = arith.constant 6 : i32
        %add3A_1149 = vector.broadcast %add3A_1148 : i32 to vector<16xi32>
        %add3A_1150 = arith.addi %mul3A_944, %add3A_1149 : vector<16xi32>
        tpu.vector_store_idx %arg12[%add3A_1150], %add3A_1145 : memref<8192xf32, #tpu.memory_space<vmem>>[vector<16xi32>], vector<16xf32>,
        %add3A_1151 = arith.constant 6 : i32
        %add3A_1152 = vector.broadcast %add3A_1151 : i32 to vector<16xi32>
        %add3A_1153 = arith.addi %mul3A_944, %add3A_1152 : vector<16xi32>
        %add3A_1154 = arith.constant 1 : i32
        %add3A_1155 = vector.broadcast %add3A_1154 : i32 to vector<16xi32>
        %add3A_1156 = arith.addi %add3A_1153, %add3A_1155 : vector<16xi32>
        tpu.vector_store_idx %arg12[%add3A_1156], %add3A_1147 : memref<8192xf32, #tpu.memory_space<vmem>>[vector<16xi32>], vector<16xf32>,
        %scan3A_1157 = arith.constant 3 : i32
        %scan3A_1158 = arith.addi %scan3A_129, %scan3A_1157 : i32
        %mul3A_1159 = arith.constant 1 : i32
        %mul3A_1160 = arith.muli %scan3A_1158, %mul3A_1159 : i32
        %add3A_1161 = arith.constant 0 : i32
        %add3A_1162 = arith.addi %add3A_1161, %mul3A_1160 : i32
        %mul3A_1163 = arith.constant 16 : i32
        %mul3A_1164 = arith.muli %add3A_1162, %mul3A_1163 : i32
        %get3A_1165 = arith.index_cast %mul3A_1164 : i32 to index
        %get3A_1166 = tpu.vector_load %arg8[%get3A_1165] {strides = array<i32>} : memref<1024xf32, #tpu.memory_space<vmem>>, vector<16xf32>,
        %mul3A_1167 = arith.constant 16 : i32
        %mul3A_1168 = arith.muli %add3A_1162, %mul3A_1167 : i32
        %get3A_1169 = arith.index_cast %mul3A_1168 : i32 to index
        %get3A_1170 = tpu.vector_load %arg10[%get3A_1169] {strides = array<i32>} : memref<1024xf32, #tpu.memory_space<vmem>>, vector<16xf32>,
        %mul3A_1171 = arith.constant 6.400000e+01 : f32
        %mul3A_1172 = vector.broadcast %mul3A_1171 : f32 to vector<16xf32>
        %mul3A_1173 = arith.mulf %get3A_1166, %mul3A_1172 : vector<16xf32>
        %add3A_1174 = arith.constant 6.350000e+01 : f32
        %add3A_1175 = vector.broadcast %add3A_1174 : f32 to vector<16xf32>
        %add3A_1176 = arith.addf %mul3A_1173, %add3A_1175 : vector<16xf32>
        %mul3A_1177 = arith.constant 6.400000e+01 : f32
        %mul3A_1178 = vector.broadcast %mul3A_1177 : f32 to vector<16xf32>
        %mul3A_1179 = arith.mulf %get3A_1170, %mul3A_1178 : vector<16xf32>
        %add3A_1180 = arith.constant 6.350000e+01 : f32
        %add3A_1181 = vector.broadcast %add3A_1180 : f32 to vector<16xf32>
        %add3A_1182 = arith.addf %mul3A_1179, %add3A_1181 : vector<16xf32>
        %convert_element_type3A_1183 = arith.fptosi %add3A_1176 : vector<16xf32> to vector<16xi32>
        %convert_element_type3A_1184 = arith.sitofp %convert_element_type3A_1183 : vector<16xi32> to vector<16xf32>
        %convert_element_type3A_1185 = arith.fptosi %add3A_1182 : vector<16xf32> to vector<16xi32>
        %convert_element_type3A_1186 = arith.sitofp %convert_element_type3A_1185 : vector<16xi32> to vector<16xf32>
        %lt3A_1187 = arith.cmpf olt, %add3A_1176, %convert_element_type3A_1184 : vector<16xf32>
        %sub3A_1188 = arith.constant 1.000000e+00 : f32
        %sub3A_1189 = vector.broadcast %sub3A_1188 : f32 to vector<16xf32>
        %sub3A_1190 = arith.subf %convert_element_type3A_1184, %sub3A_1189 : vector<16xf32>
        %select_n3A_1191 = arith.select %lt3A_1187, %sub3A_1190, %convert_element_type3A_1184 : vector<16xi1>, vector<16xf32>
        %lt3A_1192 = arith.cmpf olt, %add3A_1182, %convert_element_type3A_1186 : vector<16xf32>
        %sub3A_1193 = arith.constant 1.000000e+00 : f32
        %sub3A_1194 = vector.broadcast %sub3A_1193 : f32 to vector<16xf32>
        %sub3A_1195 = arith.subf %convert_element_type3A_1186, %sub3A_1194 : vector<16xf32>
        %select_n3A_1196 = arith.select %lt3A_1192, %sub3A_1195, %convert_element_type3A_1186 : vector<16xi1>, vector<16xf32>
        %sub3A_1197 = arith.subf %add3A_1176, %select_n3A_1191 : vector<16xf32>
        %sub3A_1198 = arith.subf %add3A_1182, %select_n3A_1196 : vector<16xf32>
        %sub3A_1199 = arith.constant 1.000000e+00 : f32
        %sub3A_1200 = vector.broadcast %sub3A_1199 : f32 to vector<16xf32>
        %sub3A_1201 = arith.subf %sub3A_1200, %sub3A_1197 : vector<16xf32>
        %sub3A_1202 = arith.constant 1.000000e+00 : f32
        %sub3A_1203 = vector.broadcast %sub3A_1202 : f32 to vector<16xf32>
        %sub3A_1204 = arith.subf %sub3A_1203, %sub3A_1198 : vector<16xf32>
        %add3A_1205 = arith.constant 1.000000e+00 : f32
        %add3A_1206 = vector.broadcast %add3A_1205 : f32 to vector<16xf32>
        %add3A_1207 = arith.addf %select_n3A_1191, %add3A_1206 : vector<16xf32>
        %add3A_1208 = arith.constant 1.000000e+00 : f32
        %add3A_1209 = vector.broadcast %add3A_1208 : f32 to vector<16xf32>
        %add3A_1210 = arith.addf %select_n3A_1196, %add3A_1209 : vector<16xf32>
        %gt3A_1211 = arith.constant -1.000000e+00 : f32
        %gt3A_1212 = vector.broadcast %gt3A_1211 : f32 to vector<16xf32>
        %gt3A_1213 = arith.cmpf ogt, %select_n3A_1191, %gt3A_1212 : vector<16xf32>
        %lt3A_1214 = arith.constant 1.280000e+02 : f32
        %lt3A_1215 = vector.broadcast %lt3A_1214 : f32 to vector<16xf32>
        %lt3A_1216 = arith.cmpf olt, %select_n3A_1191, %lt3A_1215 : vector<16xf32>
        %and3A_1217 = arith.andi %gt3A_1213, %lt3A_1216 : vector<16xi1>
        %gt3A_1218 = arith.constant -1.000000e+00 : f32
        %gt3A_1219 = vector.broadcast %gt3A_1218 : f32 to vector<16xf32>
        %gt3A_1220 = arith.cmpf ogt, %add3A_1207, %gt3A_1219 : vector<16xf32>
        %lt3A_1221 = arith.constant 1.280000e+02 : f32
        %lt3A_1222 = vector.broadcast %lt3A_1221 : f32 to vector<16xf32>
        %lt3A_1223 = arith.cmpf olt, %add3A_1207, %lt3A_1222 : vector<16xf32>
        %and3A_1224 = arith.andi %gt3A_1220, %lt3A_1223 : vector<16xi1>
        %gt3A_1225 = arith.constant -1.000000e+00 : f32
        %gt3A_1226 = vector.broadcast %gt3A_1225 : f32 to vector<16xf32>
        %gt3A_1227 = arith.cmpf ogt, %select_n3A_1196, %gt3A_1226 : vector<16xf32>
        %lt3A_1228 = arith.constant 1.280000e+02 : f32
        %lt3A_1229 = vector.broadcast %lt3A_1228 : f32 to vector<16xf32>
        %lt3A_1230 = arith.cmpf olt, %select_n3A_1196, %lt3A_1229 : vector<16xf32>
        %and3A_1231 = arith.andi %gt3A_1227, %lt3A_1230 : vector<16xi1>
        %gt3A_1232 = arith.constant -1.000000e+00 : f32
        %gt3A_1233 = vector.broadcast %gt3A_1232 : f32 to vector<16xf32>
        %gt3A_1234 = arith.cmpf ogt, %add3A_1210, %gt3A_1233 : vector<16xf32>
        %lt3A_1235 = arith.constant 1.280000e+02 : f32
        %lt3A_1236 = vector.broadcast %lt3A_1235 : f32 to vector<16xf32>
        %lt3A_1237 = arith.cmpf olt, %add3A_1210, %lt3A_1236 : vector<16xf32>
        %and3A_1238 = arith.andi %gt3A_1234, %lt3A_1237 : vector<16xi1>
        %and3A_1239 = arith.andi %and3A_1217, %and3A_1231 : vector<16xi1>
        %and3A_1240 = arith.andi %and3A_1224, %and3A_1231 : vector<16xi1>
        %and3A_1241 = arith.andi %and3A_1217, %and3A_1238 : vector<16xi1>
        %and3A_1242 = arith.andi %and3A_1224, %and3A_1238 : vector<16xi1>
        %broadcast_in_dim3A_1243 = arith.constant 0.000000e+00 : f32
        %broadcast_in_dim3A_1244 = vector.broadcast %broadcast_in_dim3A_1243 : f32 to vector<16xf32>
        %mul3A_1245 = arith.mulf %sub3A_1204, %sub3A_1201 : vector<16xf32>
        %select_n3A_1246 = arith.select %and3A_1239, %mul3A_1245, %broadcast_in_dim3A_1244 : vector<16xi1>, vector<16xf32>
        %mul3A_1247 = arith.mulf %sub3A_1204, %sub3A_1197 : vector<16xf32>
        %select_n3A_1248 = arith.select %and3A_1240, %mul3A_1247, %broadcast_in_dim3A_1244 : vector<16xi1>, vector<16xf32>
        %mul3A_1249 = arith.mulf %sub3A_1198, %sub3A_1201 : vector<16xf32>
        %select_n3A_1250 = arith.select %and3A_1241, %mul3A_1249, %broadcast_in_dim3A_1244 : vector<16xi1>, vector<16xf32>
        %mul3A_1251 = arith.mulf %sub3A_1198, %sub3A_1197 : vector<16xf32>
        %select_n3A_1252 = arith.select %and3A_1242, %mul3A_1251, %broadcast_in_dim3A_1244 : vector<16xi1>, vector<16xf32>
        %mul3A_1253 = arith.constant 1.280000e+02 : f32
        %mul3A_1254 = vector.broadcast %mul3A_1253 : f32 to vector<16xf32>
        %mul3A_1255 = arith.mulf %select_n3A_1196, %mul3A_1254 : vector<16xf32>
        %mul3A_1256 = arith.constant 1.280000e+02 : f32
        %mul3A_1257 = vector.broadcast %mul3A_1256 : f32 to vector<16xf32>
        %mul3A_1258 = arith.mulf %add3A_1210, %mul3A_1257 : vector<16xf32>
        %add3A_1259 = arith.addf %mul3A_1255, %select_n3A_1191 : vector<16xf32>
        %select_n3A_1260 = arith.select %and3A_1239, %add3A_1259, %broadcast_in_dim3A_1244 : vector<16xi1>, vector<16xf32>
        %convert_element_type3A_1261 = arith.fptosi %select_n3A_1260 : vector<16xf32> to vector<16xi32>
        %mul3A_1262 = arith.constant 4 : i32
        %mul3A_1263 = vector.broadcast %mul3A_1262 : i32 to vector<16xi32>
        %mul3A_1264 = arith.muli %convert_element_type3A_1261, %mul3A_1263 : vector<16xi32>
        %add3A_1265 = arith.addf %mul3A_1255, %add3A_1207 : vector<16xf32>
        %select_n3A_1266 = arith.select %and3A_1240, %add3A_1265, %broadcast_in_dim3A_1244 : vector<16xi1>, vector<16xf32>
        %convert_element_type3A_1267 = arith.fptosi %select_n3A_1266 : vector<16xf32> to vector<16xi32>
        %mul3A_1268 = arith.constant 4 : i32
        %mul3A_1269 = vector.broadcast %mul3A_1268 : i32 to vector<16xi32>
        %mul3A_1270 = arith.muli %convert_element_type3A_1267, %mul3A_1269 : vector<16xi32>
        %add3A_1271 = arith.addf %mul3A_1258, %select_n3A_1191 : vector<16xf32>
        %select_n3A_1272 = arith.select %and3A_1241, %add3A_1271, %broadcast_in_dim3A_1244 : vector<16xi1>, vector<16xf32>
        %convert_element_type3A_1273 = arith.fptosi %select_n3A_1272 : vector<16xf32> to vector<16xi32>
        %mul3A_1274 = arith.constant 4 : i32
        %mul3A_1275 = vector.broadcast %mul3A_1274 : i32 to vector<16xi32>
        %mul3A_1276 = arith.muli %convert_element_type3A_1273, %mul3A_1275 : vector<16xi32>
        %add3A_1277 = arith.addf %mul3A_1258, %add3A_1207 : vector<16xf32>
        %select_n3A_1278 = arith.select %and3A_1242, %add3A_1277, %broadcast_in_dim3A_1244 : vector<16xi1>, vector<16xf32>
        %convert_element_type3A_1279 = arith.fptosi %select_n3A_1278 : vector<16xf32> to vector<16xi32>
        %mul3A_1280 = arith.constant 4 : i32
        %mul3A_1281 = vector.broadcast %mul3A_1280 : i32 to vector<16xi32>
        %mul3A_1282 = arith.muli %convert_element_type3A_1279, %mul3A_1281 : vector<16xi32>
        %mul3A_1283 = arith.constant 16 : i32
        %mul3A_1284 = arith.muli %add3A_1162, %mul3A_1283 : i32
        %add3A_1285 = vector.broadcast %mul3A_1284 : i32 to vector<16xi32>
        %add3A_1286 = arith.addi %add3A_1285, %iota3A : vector<16xi32>
        %mul3A_1287 = arith.constant 8 : i32
        %mul3A_1288 = vector.broadcast %mul3A_1287 : i32 to vector<16xi32>
        %mul3A_1289 = arith.muli %add3A_1286, %mul3A_1288 : vector<16xi32>
        %add3A_1290 = arith.constant 0 : i32
        %add3A_1291 = vector.broadcast %add3A_1290 : i32 to vector<16xi32>
        %add3A_1292 = arith.addi %mul3A_1264, %add3A_1291 : vector<16xi32>
        %gather3A_1293 = tpu.vector_load_idx %arg6[%add3A_1292] : memref<65536xi32, #tpu.memory_space<vmem>>[vector<16xi32>], vector<16xi32>,
        %bitcast3A_1294 = vector.bitcast %gather3A_1293 : vector<16xi32> to vector<32xbf16>
        %unpack3A_1295 = tpu.unpack_subelements %bitcast3A_1294, 0 {pack_format = #tpu.pack_format<interleaved>} : vector<32xbf16> -> vector<16xf32>
        %unpack3A_1296 = tpu.unpack_subelements %bitcast3A_1294, 1 {pack_format = #tpu.pack_format<interleaved>} : vector<32xbf16> -> vector<16xf32>
        %mul3A_1297 = arith.mulf %select_n3A_1246, %unpack3A_1295 : vector<16xf32>
        %add3A_1298 = arith.addf %broadcast_in_dim3A_1244, %mul3A_1297 : vector<16xf32>
        %mul3A_1299 = arith.mulf %select_n3A_1246, %unpack3A_1296 : vector<16xf32>
        %add3A_1300 = arith.addf %broadcast_in_dim3A_1244, %mul3A_1299 : vector<16xf32>
        %add3A_1301 = arith.constant 0 : i32
        %add3A_1302 = vector.broadcast %add3A_1301 : i32 to vector<16xi32>
        %add3A_1303 = arith.addi %mul3A_1270, %add3A_1302 : vector<16xi32>
        %gather3A_1304 = tpu.vector_load_idx %arg6[%add3A_1303] : memref<65536xi32, #tpu.memory_space<vmem>>[vector<16xi32>], vector<16xi32>,
        %bitcast3A_1305 = vector.bitcast %gather3A_1304 : vector<16xi32> to vector<32xbf16>
        %unpack3A_1306 = tpu.unpack_subelements %bitcast3A_1305, 0 {pack_format = #tpu.pack_format<interleaved>} : vector<32xbf16> -> vector<16xf32>
        %unpack3A_1307 = tpu.unpack_subelements %bitcast3A_1305, 1 {pack_format = #tpu.pack_format<interleaved>} : vector<32xbf16> -> vector<16xf32>
        %mul3A_1308 = arith.mulf %select_n3A_1248, %unpack3A_1306 : vector<16xf32>
        %add3A_1309 = arith.addf %add3A_1298, %mul3A_1308 : vector<16xf32>
        %mul3A_1310 = arith.mulf %select_n3A_1248, %unpack3A_1307 : vector<16xf32>
        %add3A_1311 = arith.addf %add3A_1300, %mul3A_1310 : vector<16xf32>
        %add3A_1312 = arith.constant 0 : i32
        %add3A_1313 = vector.broadcast %add3A_1312 : i32 to vector<16xi32>
        %add3A_1314 = arith.addi %mul3A_1276, %add3A_1313 : vector<16xi32>
        %gather3A_1315 = tpu.vector_load_idx %arg6[%add3A_1314] : memref<65536xi32, #tpu.memory_space<vmem>>[vector<16xi32>], vector<16xi32>,
        %bitcast3A_1316 = vector.bitcast %gather3A_1315 : vector<16xi32> to vector<32xbf16>
        %unpack3A_1317 = tpu.unpack_subelements %bitcast3A_1316, 0 {pack_format = #tpu.pack_format<interleaved>} : vector<32xbf16> -> vector<16xf32>
        %unpack3A_1318 = tpu.unpack_subelements %bitcast3A_1316, 1 {pack_format = #tpu.pack_format<interleaved>} : vector<32xbf16> -> vector<16xf32>
        %mul3A_1319 = arith.mulf %select_n3A_1250, %unpack3A_1317 : vector<16xf32>
        %add3A_1320 = arith.addf %add3A_1309, %mul3A_1319 : vector<16xf32>
        %mul3A_1321 = arith.mulf %select_n3A_1250, %unpack3A_1318 : vector<16xf32>
        %add3A_1322 = arith.addf %add3A_1311, %mul3A_1321 : vector<16xf32>
        %add3A_1323 = arith.constant 0 : i32
        %add3A_1324 = vector.broadcast %add3A_1323 : i32 to vector<16xi32>
        %add3A_1325 = arith.addi %mul3A_1282, %add3A_1324 : vector<16xi32>
        %gather3A_1326 = tpu.vector_load_idx %arg6[%add3A_1325] : memref<65536xi32, #tpu.memory_space<vmem>>[vector<16xi32>], vector<16xi32>,
        %bitcast3A_1327 = vector.bitcast %gather3A_1326 : vector<16xi32> to vector<32xbf16>
        %unpack3A_1328 = tpu.unpack_subelements %bitcast3A_1327, 0 {pack_format = #tpu.pack_format<interleaved>} : vector<32xbf16> -> vector<16xf32>
        %unpack3A_1329 = tpu.unpack_subelements %bitcast3A_1327, 1 {pack_format = #tpu.pack_format<interleaved>} : vector<32xbf16> -> vector<16xf32>
        %mul3A_1330 = arith.mulf %select_n3A_1252, %unpack3A_1328 : vector<16xf32>
        %add3A_1331 = arith.addf %add3A_1320, %mul3A_1330 : vector<16xf32>
        %mul3A_1332 = arith.mulf %select_n3A_1252, %unpack3A_1329 : vector<16xf32>
        %add3A_1333 = arith.addf %add3A_1322, %mul3A_1332 : vector<16xf32>
        %add3A_1334 = arith.constant 0 : i32
        %add3A_1335 = vector.broadcast %add3A_1334 : i32 to vector<16xi32>
        %add3A_1336 = arith.addi %mul3A_1289, %add3A_1335 : vector<16xi32>
        tpu.vector_store_idx %arg12[%add3A_1336], %add3A_1331 : memref<8192xf32, #tpu.memory_space<vmem>>[vector<16xi32>], vector<16xf32>,
        %add3A_1337 = arith.constant 0 : i32
        %add3A_1338 = vector.broadcast %add3A_1337 : i32 to vector<16xi32>
        %add3A_1339 = arith.addi %mul3A_1289, %add3A_1338 : vector<16xi32>
        %add3A_1340 = arith.constant 1 : i32
        %add3A_1341 = vector.broadcast %add3A_1340 : i32 to vector<16xi32>
        %add3A_1342 = arith.addi %add3A_1339, %add3A_1341 : vector<16xi32>
        tpu.vector_store_idx %arg12[%add3A_1342], %add3A_1333 : memref<8192xf32, #tpu.memory_space<vmem>>[vector<16xi32>], vector<16xf32>,
        %add3A_1343 = arith.constant 1 : i32
        %add3A_1344 = vector.broadcast %add3A_1343 : i32 to vector<16xi32>
        %add3A_1345 = arith.addi %mul3A_1264, %add3A_1344 : vector<16xi32>
        %gather3A_1346 = tpu.vector_load_idx %arg6[%add3A_1345] : memref<65536xi32, #tpu.memory_space<vmem>>[vector<16xi32>], vector<16xi32>,
        %bitcast3A_1347 = vector.bitcast %gather3A_1346 : vector<16xi32> to vector<32xbf16>
        %unpack3A_1348 = tpu.unpack_subelements %bitcast3A_1347, 0 {pack_format = #tpu.pack_format<interleaved>} : vector<32xbf16> -> vector<16xf32>
        %unpack3A_1349 = tpu.unpack_subelements %bitcast3A_1347, 1 {pack_format = #tpu.pack_format<interleaved>} : vector<32xbf16> -> vector<16xf32>
        %mul3A_1350 = arith.mulf %select_n3A_1246, %unpack3A_1348 : vector<16xf32>
        %add3A_1351 = arith.addf %broadcast_in_dim3A_1244, %mul3A_1350 : vector<16xf32>
        %mul3A_1352 = arith.mulf %select_n3A_1246, %unpack3A_1349 : vector<16xf32>
        %add3A_1353 = arith.addf %broadcast_in_dim3A_1244, %mul3A_1352 : vector<16xf32>
        %add3A_1354 = arith.constant 1 : i32
        %add3A_1355 = vector.broadcast %add3A_1354 : i32 to vector<16xi32>
        %add3A_1356 = arith.addi %mul3A_1270, %add3A_1355 : vector<16xi32>
        %gather3A_1357 = tpu.vector_load_idx %arg6[%add3A_1356] : memref<65536xi32, #tpu.memory_space<vmem>>[vector<16xi32>], vector<16xi32>,
        %bitcast3A_1358 = vector.bitcast %gather3A_1357 : vector<16xi32> to vector<32xbf16>
        %unpack3A_1359 = tpu.unpack_subelements %bitcast3A_1358, 0 {pack_format = #tpu.pack_format<interleaved>} : vector<32xbf16> -> vector<16xf32>
        %unpack3A_1360 = tpu.unpack_subelements %bitcast3A_1358, 1 {pack_format = #tpu.pack_format<interleaved>} : vector<32xbf16> -> vector<16xf32>
        %mul3A_1361 = arith.mulf %select_n3A_1248, %unpack3A_1359 : vector<16xf32>
        %add3A_1362 = arith.addf %add3A_1351, %mul3A_1361 : vector<16xf32>
        %mul3A_1363 = arith.mulf %select_n3A_1248, %unpack3A_1360 : vector<16xf32>
        %add3A_1364 = arith.addf %add3A_1353, %mul3A_1363 : vector<16xf32>
        %add3A_1365 = arith.constant 1 : i32
        %add3A_1366 = vector.broadcast %add3A_1365 : i32 to vector<16xi32>
        %add3A_1367 = arith.addi %mul3A_1276, %add3A_1366 : vector<16xi32>
        %gather3A_1368 = tpu.vector_load_idx %arg6[%add3A_1367] : memref<65536xi32, #tpu.memory_space<vmem>>[vector<16xi32>], vector<16xi32>,
        %bitcast3A_1369 = vector.bitcast %gather3A_1368 : vector<16xi32> to vector<32xbf16>
        %unpack3A_1370 = tpu.unpack_subelements %bitcast3A_1369, 0 {pack_format = #tpu.pack_format<interleaved>} : vector<32xbf16> -> vector<16xf32>
        %unpack3A_1371 = tpu.unpack_subelements %bitcast3A_1369, 1 {pack_format = #tpu.pack_format<interleaved>} : vector<32xbf16> -> vector<16xf32>
        %mul3A_1372 = arith.mulf %select_n3A_1250, %unpack3A_1370 : vector<16xf32>
        %add3A_1373 = arith.addf %add3A_1362, %mul3A_1372 : vector<16xf32>
        %mul3A_1374 = arith.mulf %select_n3A_1250, %unpack3A_1371 : vector<16xf32>
        %add3A_1375 = arith.addf %add3A_1364, %mul3A_1374 : vector<16xf32>
        %add3A_1376 = arith.constant 1 : i32
        %add3A_1377 = vector.broadcast %add3A_1376 : i32 to vector<16xi32>
        %add3A_1378 = arith.addi %mul3A_1282, %add3A_1377 : vector<16xi32>
        %gather3A_1379 = tpu.vector_load_idx %arg6[%add3A_1378] : memref<65536xi32, #tpu.memory_space<vmem>>[vector<16xi32>], vector<16xi32>,
        %bitcast3A_1380 = vector.bitcast %gather3A_1379 : vector<16xi32> to vector<32xbf16>
        %unpack3A_1381 = tpu.unpack_subelements %bitcast3A_1380, 0 {pack_format = #tpu.pack_format<interleaved>} : vector<32xbf16> -> vector<16xf32>
        %unpack3A_1382 = tpu.unpack_subelements %bitcast3A_1380, 1 {pack_format = #tpu.pack_format<interleaved>} : vector<32xbf16> -> vector<16xf32>
        %mul3A_1383 = arith.mulf %select_n3A_1252, %unpack3A_1381 : vector<16xf32>
        %add3A_1384 = arith.addf %add3A_1373, %mul3A_1383 : vector<16xf32>
        %mul3A_1385 = arith.mulf %select_n3A_1252, %unpack3A_1382 : vector<16xf32>
        %add3A_1386 = arith.addf %add3A_1375, %mul3A_1385 : vector<16xf32>
        %add3A_1387 = arith.constant 2 : i32
        %add3A_1388 = vector.broadcast %add3A_1387 : i32 to vector<16xi32>
        %add3A_1389 = arith.addi %mul3A_1289, %add3A_1388 : vector<16xi32>
        tpu.vector_store_idx %arg12[%add3A_1389], %add3A_1384 : memref<8192xf32, #tpu.memory_space<vmem>>[vector<16xi32>], vector<16xf32>,
        %add3A_1390 = arith.constant 2 : i32
        %add3A_1391 = vector.broadcast %add3A_1390 : i32 to vector<16xi32>
        %add3A_1392 = arith.addi %mul3A_1289, %add3A_1391 : vector<16xi32>
        %add3A_1393 = arith.constant 1 : i32
        %add3A_1394 = vector.broadcast %add3A_1393 : i32 to vector<16xi32>
        %add3A_1395 = arith.addi %add3A_1392, %add3A_1394 : vector<16xi32>
        tpu.vector_store_idx %arg12[%add3A_1395], %add3A_1386 : memref<8192xf32, #tpu.memory_space<vmem>>[vector<16xi32>], vector<16xf32>,
        %add3A_1396 = arith.constant 2 : i32
        %add3A_1397 = vector.broadcast %add3A_1396 : i32 to vector<16xi32>
        %add3A_1398 = arith.addi %mul3A_1264, %add3A_1397 : vector<16xi32>
        %gather3A_1399 = tpu.vector_load_idx %arg6[%add3A_1398] : memref<65536xi32, #tpu.memory_space<vmem>>[vector<16xi32>], vector<16xi32>,
        %bitcast3A_1400 = vector.bitcast %gather3A_1399 : vector<16xi32> to vector<32xbf16>
        %unpack3A_1401 = tpu.unpack_subelements %bitcast3A_1400, 0 {pack_format = #tpu.pack_format<interleaved>} : vector<32xbf16> -> vector<16xf32>
        %unpack3A_1402 = tpu.unpack_subelements %bitcast3A_1400, 1 {pack_format = #tpu.pack_format<interleaved>} : vector<32xbf16> -> vector<16xf32>
        %mul3A_1403 = arith.mulf %select_n3A_1246, %unpack3A_1401 : vector<16xf32>
        %add3A_1404 = arith.addf %broadcast_in_dim3A_1244, %mul3A_1403 : vector<16xf32>
        %mul3A_1405 = arith.mulf %select_n3A_1246, %unpack3A_1402 : vector<16xf32>
        %add3A_1406 = arith.addf %broadcast_in_dim3A_1244, %mul3A_1405 : vector<16xf32>
        %add3A_1407 = arith.constant 2 : i32
        %add3A_1408 = vector.broadcast %add3A_1407 : i32 to vector<16xi32>
        %add3A_1409 = arith.addi %mul3A_1270, %add3A_1408 : vector<16xi32>
        %gather3A_1410 = tpu.vector_load_idx %arg6[%add3A_1409] : memref<65536xi32, #tpu.memory_space<vmem>>[vector<16xi32>], vector<16xi32>,
        %bitcast3A_1411 = vector.bitcast %gather3A_1410 : vector<16xi32> to vector<32xbf16>
        %unpack3A_1412 = tpu.unpack_subelements %bitcast3A_1411, 0 {pack_format = #tpu.pack_format<interleaved>} : vector<32xbf16> -> vector<16xf32>
        %unpack3A_1413 = tpu.unpack_subelements %bitcast3A_1411, 1 {pack_format = #tpu.pack_format<interleaved>} : vector<32xbf16> -> vector<16xf32>
        %mul3A_1414 = arith.mulf %select_n3A_1248, %unpack3A_1412 : vector<16xf32>
        %add3A_1415 = arith.addf %add3A_1404, %mul3A_1414 : vector<16xf32>
        %mul3A_1416 = arith.mulf %select_n3A_1248, %unpack3A_1413 : vector<16xf32>
        %add3A_1417 = arith.addf %add3A_1406, %mul3A_1416 : vector<16xf32>
        %add3A_1418 = arith.constant 2 : i32
        %add3A_1419 = vector.broadcast %add3A_1418 : i32 to vector<16xi32>
        %add3A_1420 = arith.addi %mul3A_1276, %add3A_1419 : vector<16xi32>
        %gather3A_1421 = tpu.vector_load_idx %arg6[%add3A_1420] : memref<65536xi32, #tpu.memory_space<vmem>>[vector<16xi32>], vector<16xi32>,
        %bitcast3A_1422 = vector.bitcast %gather3A_1421 : vector<16xi32> to vector<32xbf16>
        %unpack3A_1423 = tpu.unpack_subelements %bitcast3A_1422, 0 {pack_format = #tpu.pack_format<interleaved>} : vector<32xbf16> -> vector<16xf32>
        %unpack3A_1424 = tpu.unpack_subelements %bitcast3A_1422, 1 {pack_format = #tpu.pack_format<interleaved>} : vector<32xbf16> -> vector<16xf32>
        %mul3A_1425 = arith.mulf %select_n3A_1250, %unpack3A_1423 : vector<16xf32>
        %add3A_1426 = arith.addf %add3A_1415, %mul3A_1425 : vector<16xf32>
        %mul3A_1427 = arith.mulf %select_n3A_1250, %unpack3A_1424 : vector<16xf32>
        %add3A_1428 = arith.addf %add3A_1417, %mul3A_1427 : vector<16xf32>
        %add3A_1429 = arith.constant 2 : i32
        %add3A_1430 = vector.broadcast %add3A_1429 : i32 to vector<16xi32>
        %add3A_1431 = arith.addi %mul3A_1282, %add3A_1430 : vector<16xi32>
        %gather3A_1432 = tpu.vector_load_idx %arg6[%add3A_1431] : memref<65536xi32, #tpu.memory_space<vmem>>[vector<16xi32>], vector<16xi32>,
        %bitcast3A_1433 = vector.bitcast %gather3A_1432 : vector<16xi32> to vector<32xbf16>
        %unpack3A_1434 = tpu.unpack_subelements %bitcast3A_1433, 0 {pack_format = #tpu.pack_format<interleaved>} : vector<32xbf16> -> vector<16xf32>
        %unpack3A_1435 = tpu.unpack_subelements %bitcast3A_1433, 1 {pack_format = #tpu.pack_format<interleaved>} : vector<32xbf16> -> vector<16xf32>
        %mul3A_1436 = arith.mulf %select_n3A_1252, %unpack3A_1434 : vector<16xf32>
        %add3A_1437 = arith.addf %add3A_1426, %mul3A_1436 : vector<16xf32>
        %mul3A_1438 = arith.mulf %select_n3A_1252, %unpack3A_1435 : vector<16xf32>
        %add3A_1439 = arith.addf %add3A_1428, %mul3A_1438 : vector<16xf32>
        %add3A_1440 = arith.constant 4 : i32
        %add3A_1441 = vector.broadcast %add3A_1440 : i32 to vector<16xi32>
        %add3A_1442 = arith.addi %mul3A_1289, %add3A_1441 : vector<16xi32>
        tpu.vector_store_idx %arg12[%add3A_1442], %add3A_1437 : memref<8192xf32, #tpu.memory_space<vmem>>[vector<16xi32>], vector<16xf32>,
        %add3A_1443 = arith.constant 4 : i32
        %add3A_1444 = vector.broadcast %add3A_1443 : i32 to vector<16xi32>
        %add3A_1445 = arith.addi %mul3A_1289, %add3A_1444 : vector<16xi32>
        %add3A_1446 = arith.constant 1 : i32
        %add3A_1447 = vector.broadcast %add3A_1446 : i32 to vector<16xi32>
        %add3A_1448 = arith.addi %add3A_1445, %add3A_1447 : vector<16xi32>
        tpu.vector_store_idx %arg12[%add3A_1448], %add3A_1439 : memref<8192xf32, #tpu.memory_space<vmem>>[vector<16xi32>], vector<16xf32>,
        %add3A_1449 = arith.constant 3 : i32
        %add3A_1450 = vector.broadcast %add3A_1449 : i32 to vector<16xi32>
        %add3A_1451 = arith.addi %mul3A_1264, %add3A_1450 : vector<16xi32>
        %gather3A_1452 = tpu.vector_load_idx %arg6[%add3A_1451] : memref<65536xi32, #tpu.memory_space<vmem>>[vector<16xi32>], vector<16xi32>,
        %bitcast3A_1453 = vector.bitcast %gather3A_1452 : vector<16xi32> to vector<32xbf16>
        %unpack3A_1454 = tpu.unpack_subelements %bitcast3A_1453, 0 {pack_format = #tpu.pack_format<interleaved>} : vector<32xbf16> -> vector<16xf32>
        %unpack3A_1455 = tpu.unpack_subelements %bitcast3A_1453, 1 {pack_format = #tpu.pack_format<interleaved>} : vector<32xbf16> -> vector<16xf32>
        %mul3A_1456 = arith.mulf %select_n3A_1246, %unpack3A_1454 : vector<16xf32>
        %add3A_1457 = arith.addf %broadcast_in_dim3A_1244, %mul3A_1456 : vector<16xf32>
        %mul3A_1458 = arith.mulf %select_n3A_1246, %unpack3A_1455 : vector<16xf32>
        %add3A_1459 = arith.addf %broadcast_in_dim3A_1244, %mul3A_1458 : vector<16xf32>
        %add3A_1460 = arith.constant 3 : i32
        %add3A_1461 = vector.broadcast %add3A_1460 : i32 to vector<16xi32>
        %add3A_1462 = arith.addi %mul3A_1270, %add3A_1461 : vector<16xi32>
        %gather3A_1463 = tpu.vector_load_idx %arg6[%add3A_1462] : memref<65536xi32, #tpu.memory_space<vmem>>[vector<16xi32>], vector<16xi32>,
        %bitcast3A_1464 = vector.bitcast %gather3A_1463 : vector<16xi32> to vector<32xbf16>
        %unpack3A_1465 = tpu.unpack_subelements %bitcast3A_1464, 0 {pack_format = #tpu.pack_format<interleaved>} : vector<32xbf16> -> vector<16xf32>
        %unpack3A_1466 = tpu.unpack_subelements %bitcast3A_1464, 1 {pack_format = #tpu.pack_format<interleaved>} : vector<32xbf16> -> vector<16xf32>
        %mul3A_1467 = arith.mulf %select_n3A_1248, %unpack3A_1465 : vector<16xf32>
        %add3A_1468 = arith.addf %add3A_1457, %mul3A_1467 : vector<16xf32>
        %mul3A_1469 = arith.mulf %select_n3A_1248, %unpack3A_1466 : vector<16xf32>
        %add3A_1470 = arith.addf %add3A_1459, %mul3A_1469 : vector<16xf32>
        %add3A_1471 = arith.constant 3 : i32
        %add3A_1472 = vector.broadcast %add3A_1471 : i32 to vector<16xi32>
        %add3A_1473 = arith.addi %mul3A_1276, %add3A_1472 : vector<16xi32>
        %gather3A_1474 = tpu.vector_load_idx %arg6[%add3A_1473] : memref<65536xi32, #tpu.memory_space<vmem>>[vector<16xi32>], vector<16xi32>,
        %bitcast3A_1475 = vector.bitcast %gather3A_1474 : vector<16xi32> to vector<32xbf16>
        %unpack3A_1476 = tpu.unpack_subelements %bitcast3A_1475, 0 {pack_format = #tpu.pack_format<interleaved>} : vector<32xbf16> -> vector<16xf32>
        %unpack3A_1477 = tpu.unpack_subelements %bitcast3A_1475, 1 {pack_format = #tpu.pack_format<interleaved>} : vector<32xbf16> -> vector<16xf32>
        %mul3A_1478 = arith.mulf %select_n3A_1250, %unpack3A_1476 : vector<16xf32>
        %add3A_1479 = arith.addf %add3A_1468, %mul3A_1478 : vector<16xf32>
        %mul3A_1480 = arith.mulf %select_n3A_1250, %unpack3A_1477 : vector<16xf32>
        %add3A_1481 = arith.addf %add3A_1470, %mul3A_1480 : vector<16xf32>
        %add3A_1482 = arith.constant 3 : i32
        %add3A_1483 = vector.broadcast %add3A_1482 : i32 to vector<16xi32>
        %add3A_1484 = arith.addi %mul3A_1282, %add3A_1483 : vector<16xi32>
        %gather3A_1485 = tpu.vector_load_idx %arg6[%add3A_1484] : memref<65536xi32, #tpu.memory_space<vmem>>[vector<16xi32>], vector<16xi32>,
        %bitcast3A_1486 = vector.bitcast %gather3A_1485 : vector<16xi32> to vector<32xbf16>
        %unpack3A_1487 = tpu.unpack_subelements %bitcast3A_1486, 0 {pack_format = #tpu.pack_format<interleaved>} : vector<32xbf16> -> vector<16xf32>
        %unpack3A_1488 = tpu.unpack_subelements %bitcast3A_1486, 1 {pack_format = #tpu.pack_format<interleaved>} : vector<32xbf16> -> vector<16xf32>
        %mul3A_1489 = arith.mulf %select_n3A_1252, %unpack3A_1487 : vector<16xf32>
        %add3A_1490 = arith.addf %add3A_1479, %mul3A_1489 : vector<16xf32>
        %mul3A_1491 = arith.mulf %select_n3A_1252, %unpack3A_1488 : vector<16xf32>
        %add3A_1492 = arith.addf %add3A_1481, %mul3A_1491 : vector<16xf32>
        %add3A_1493 = arith.constant 6 : i32
        %add3A_1494 = vector.broadcast %add3A_1493 : i32 to vector<16xi32>
        %add3A_1495 = arith.addi %mul3A_1289, %add3A_1494 : vector<16xi32>
        tpu.vector_store_idx %arg12[%add3A_1495], %add3A_1490 : memref<8192xf32, #tpu.memory_space<vmem>>[vector<16xi32>], vector<16xf32>,
        %add3A_1496 = arith.constant 6 : i32
        %add3A_1497 = vector.broadcast %add3A_1496 : i32 to vector<16xi32>
        %add3A_1498 = arith.addi %mul3A_1289, %add3A_1497 : vector<16xi32>
        %add3A_1499 = arith.constant 1 : i32
        %add3A_1500 = vector.broadcast %add3A_1499 : i32 to vector<16xi32>
        %add3A_1501 = arith.addi %add3A_1498, %add3A_1500 : vector<16xi32>
        tpu.vector_store_idx %arg12[%add3A_1501], %add3A_1492 : memref<8192xf32, #tpu.memory_space<vmem>>[vector<16xi32>], vector<16xf32>,
      }
      %scan3A_121 = arith.constant 64 : i32
      %mul3A_122 = arith.constant 720896 : i32
      %mul3A_123 = arith.muli %select_n3A, %mul3A_122 : i32
      %add3A_124 = arith.addi %mul3A_123, %add3A_96 : i32
      %mul3A_125 = arith.constant 8 : i32
      %mul3A_126 = arith.muli %add3A_124, %mul3A_125 : i32
      %dma_start3A_127 = tpu.memref_slice %arg5[%mul3A_126] : memref<23068672xf32, #tpu.memory_space<hbm>> -> memref<8192xf32, #tpu.memory_space<hbm>>
      %dma_start3A_128 = tpu.memref_slice %arg5[%mul3A_126] : memref<23068672xf32, #tpu.memory_space<hbm>> -> memref<8192xf32, #tpu.memory_space<hbm>>
      tpu.enqueue_dma source(%arg12 : memref<8192xf32, #tpu.memory_space<vmem>>) target(%dma_start3A_128 : memref<8192xf32, #tpu.memory_space<hbm>>) target_semaphore(%arg14 : memref<!tpu.dma_semaphore, #tpu.memory_space<semaphore_mem>>)
    }
    %scan3A_41 = arith.constant 44 : i32
    %dma_wait3A = arith.constant 0 : i32
    %dma_wait3A_42 = tpu.memref_slice %arg5[%dma_wait3A] : memref<23068672xf32, #tpu.memory_space<hbm>> -> memref<8192xf32, #tpu.memory_space<hbm>>
    %dma_wait3A_43 = arith.constant 0 : i32
    %dma_wait3A_44 = tpu.memref_slice %arg5[%dma_wait3A_43] : memref<23068672xf32, #tpu.memory_space<hbm>> -> memref<8192xf32, #tpu.memory_space<hbm>>
    tpu.wait_dma2 semaphore(%arg14 : memref<!tpu.dma_semaphore, #tpu.memory_space<semaphore_mem>>) src(%arg11 : memref<8192xf32, #tpu.memory_space<vmem>>) dst(%dma_wait3A_44 : memref<8192xf32, #tpu.memory_space<hbm>>)
    %dma_wait3A_45 = arith.constant 0 : i32
    %dma_wait3A_46 = tpu.memref_slice %arg5[%dma_wait3A_45] : memref<23068672xf32, #tpu.memory_space<hbm>> -> memref<8192xf32, #tpu.memory_space<hbm>>
    %dma_wait3A_47 = arith.constant 0 : i32
    %dma_wait3A_48 = tpu.memref_slice %arg5[%dma_wait3A_47] : memref<23068672xf32, #tpu.memory_space<hbm>> -> memref<8192xf32, #tpu.memory_space<hbm>>
    tpu.wait_dma2 semaphore(%arg14 : memref<!tpu.dma_semaphore, #tpu.memory_space<semaphore_mem>>) src(%arg12 : memref<8192xf32, #tpu.memory_space<vmem>>) dst(%dma_wait3A_48 : memref<8192xf32, #tpu.memory_space<hbm>>)
    return
  }
}

</mosaic_0001>

<sc_bundles>
// kernel: kernel.4.cloned.1.call-start
scs
__scs_entry_jumppad:
0x0: {  	(pc) =	sbr.rel $0x88, $3  }
0x1: {  	(tag) =	ssettag $0x0;
	lr =	simm.s32 $0x1  }
0x2: {  	[smem:$0x3F9F] =	sst lr;
	_ =	strace $0xD0000000  }
0x3: {  	_ = 	snop  }
0x4: {  	_ = 	snop  }
0x5: {  	_ = 	snop  }
0x6: {  	_ = 	snop  }
0x7: {  	_ = 	snop  }
__scs_overlays_trampoline_lowered:
0x8: {  	[smem:$0x3FAE] =	sst s0  }
0x9: {  	[smem:$0x3FAF] =	sst s1  }
0xa: {  	[smem:$0x3FB0] =	sst s2  }
0xb: {  	[smem:$0x3FB1] =	sst s3  }
0xc: {  	[smem:$0x3FB2] =	sst s4  }
0xd: {  	[smem:$0x3FB3] =	sst s5  }
0xe: {  	[smem:$0x3FB4] =	sst s6  }
0xf: {  	[smem:$0x3FB5] =	sst s7  }
0x10: {  	[smem:$0x3FB6] =	sst s8  }
0x11: {  	[smem:$0x3FB7] =	sst s9;
	s0 =	simm.s32 @!p0 $0x0  }
0x12: {  	s1 =	sld [smem:$0x3F9D];
	s0 =	simm.s32 @p0 $0x1  }
0x13: {  	[smem:$0x3FB8] =	sst s0;
	s0 =	simm.s32 @!p1 $0x0  }
0x14: {  	s2 =	sld [smem:$0x3F9C];
	s0 =	simm.s32 @p1 $0x1  }
0x15: {  	[smem:$0x3FB9] =	sst s0;
	s0 =	simm.s32 @!p2 $0x0  }
0x16: {  	s3 =	sld [smem:$0x3FDB];
	s0 =	simm.s32 @p2 $0x1  }
0x17: {  	s4 =	simm.s32 $0x1BF5;
	[smem:$0x3FBB] =	sst s0  }
0x18: {  	s0 =	sld [smem:$0x3F9E];
	_ =	swait.ge [sflag:s4], $0x0  }
0x19: {  	s7 =	sld [smem:$0x3F9F]  }
0x1a: {  	s8 =	sadd.s32 $0xFFFFE003, lr  }
0x1b: {  	s9 =	sadd.s32 $0xFFFFFEF7, lr;
	s5 =	simm.s32 $0xFFFFFFFF;
	p2 =	slt.u32 s8, $0xFFFFF086  }
0x1c: {  	p1 =	slt.u32 s9, $0xF7A;
	s5 =	simm.s32 @!p2 $0x0  }
0x1d: {  	s5 =	simm.s32 @p1 $0x1;
	p0 =	seq.s32 s7, s2  }
0x1e: {  	s7 =	smul.u32 @!p0 $0xF7A, s2;
	p2 =	seq.s32 @!p0 s5, $0x0  }
0x1f: {  	s9 =	smul.u32 $0xF7A, s1;
	s8 =	simm.s32 @!p0 $0x1BF5;
	p2 =	por !p2, p0  }
0x20: {  	[sflag:s8] =	ssyncset.s32 @!p0 $0xFFFFF086;
	s6 =	sadd.s32 @!p0 s3, s7;
	s7 =	simm.s32 @!p0 $0x108  }
0x21: {  	s3 =	sadd.s32 s3, s9;
	s6 =	sadd.s32 @!p0 $0x88, s6;
	s7 =	simm.s32 @p2 $0x1082  }
0x22: {  	[simem:s7], [sflag:s8] =	dma.local @!p0 [hbm:s6], $0xF7A  }
0x23: {  	s9 =	sor.u32 $0xD0000000, s2;
	s6 =	simm.s32 $0x108;
	_ =	swait.ge @!p0 [sflag:s8], $0x0  }
0x24: {  	s3 =	sadd.s32 $0x88, s3;
	s6 =	simm.s32 @!p1 $0x1082;
	[sflag:s4] =	ssyncset.s32 $0xFFFFF086  }
0x25: {  	[simem:s6], [sflag:s4] =	dma.local [hbm:s3], $0xF7A  }
0x26: {  	[smem:$0x3F9F] =	sst s1;
	(tag) =	ssettag s2;
	_ =	strace s9  }
0x27: {  	s1 =	sld [smem:$0x3FAF]  }
0x28: {  	s2 =	sld [smem:$0x3FB0]  }
0x29: {  	s4 =	sld [smem:$0x3FB2]  }
0x2a: {  	p0 =	seq.s32 s5, $0x0;
	s5 =	sld [smem:$0x3FB3]  }
0x2b: {  	s6 =	sld [smem:$0x3FB4]  }
0x2c: {  	s7 =	sld [smem:$0x3FB5]  }
0x2d: {  	s3 =	simm.s32 $0x108;
	s8 =	sld [smem:$0x3FB6]  }
0x2e: {  	s3 =	simm.s32 @!p0 $0x1082;
	s9 =	sld [smem:$0x3FB7]  }
0x2f: {  	lr =	sadd.s32 s0, s3;
	s0 =	sld [smem:$0x3FAE]  }
0x30: {  	s3 =	sld [smem:$0x3FB1]  }
0x31: {  	[smem:$0x3FBA] =	sst s10  }
0x32: {  	s10 =	sld [smem:$0x3FB8];
	_ =	sdelay $0x3  }
0x33: {  	p0 =	seq.s32 s10, $0x1;
	s10 =	sld [smem:$0x3FBA];
	_ =	sdelay $0x3  }
0x34: {  	[smem:$0x3FBA] =	sst s10  }
0x35: {  	s10 =	sld [smem:$0x3FB9];
	_ =	sdelay $0x3  }
0x36: {  	p1 =	seq.s32 s10, $0x1;
	s10 =	sld [smem:$0x3FBA];
	_ =	sdelay $0x3  }
0x37: {  	[smem:$0x3FBA] =	sst s10  }
0x38: {  	s10 =	sld [smem:$0x3FBB]  }
0x39: {  	_ = 	snop;
	(pc) =	sbr.ind lr, $3  }
0x3a: {  	_ = 	snop  }
0x3b: {  	_ = 	snop  }
0x3c: {  	p2 =	seq.s32 s10, $0x1;
	s10 =	sld [smem:$0x3FBA]  }
0x3d: {  	_ =	shalt  }
0x3e: {  	_ =	shalt  }
0x3f: {  	_ =	shalt  }
0x40: {  	_ =	shalt  }
0x41: {  	_ =	shalt  }
0x42: {  	_ =	shalt  }
0x43: {  	_ =	shalt  }
0x44: {  	_ =	shalt  }
0x45: {  	_ =	shalt  }
0x46: {  	_ =	shalt  }
0x47: {  	_ =	shalt  }
0x48: {  	_ =	shalt  }
0x49: {  	_ =	shalt  }
0x4a: {  	_ =	shalt  }
0x4b: {  	_ =	shalt  }
0x4c: {  	_ =	shalt  }
0x4d: {  	_ =	shalt  }
0x4e: {  	_ =	shalt  }
0x4f: {  	_ =	shalt  }
0x50: {  	_ =	shalt  }
0x51: {  	_ =	shalt  }
0x52: {  	_ =	shalt  }
0x53: {  	_ =	shalt  }
0x54: {  	_ =	shalt  }
0x55: {  	_ =	shalt  }
0x56: {  	_ =	shalt  }
0x57: {  	_ =	shalt  }
0x58: {  	_ =	shalt  }
0x59: {  	_ =	shalt  }
0x5a: {  	_ =	shalt  }
0x5b: {  	_ =	shalt  }
0x5c: {  	_ =	shalt  }
0x5d: {  	_ =	shalt  }
0x5e: {  	_ =	shalt  }
0x5f: {  	_ =	shalt  }
0x60: {  	_ =	shalt  }
0x61: {  	_ =	shalt  }
0x62: {  	_ =	shalt  }
0x63: {  	_ =	shalt  }
0x64: {  	_ =	shalt  }
0x65: {  	_ =	shalt  }
0x66: {  	_ =	shalt  }
0x67: {  	_ =	shalt  }
0x68: {  	_ =	shalt  }
0x69: {  	_ =	shalt  }
0x6a: {  	_ =	shalt  }
0x6b: {  	_ =	shalt  }
0x6c: {  	_ =	shalt  }
0x6d: {  	_ =	shalt  }
0x6e: {  	_ =	shalt  }
0x6f: {  	_ =	shalt  }
0x70: {  	_ =	shalt  }
0x71: {  	_ =	shalt  }
0x72: {  	_ =	shalt  }
0x73: {  	_ =	shalt  }
0x74: {  	_ =	shalt  }
0x75: {  	_ =	shalt  }
0x76: {  	_ =	shalt  }
0x77: {  	_ =	shalt  }
0x78: {  	_ =	shalt  }
0x79: {  	_ =	shalt  }
0x7a: {  	_ =	shalt  }
0x7b: {  	_ =	shalt  }
0x7c: {  	_ =	shalt  }
0x7d: {  	_ =	shalt  }
0x7e: {  	_ =	shalt  }
0x7f: {  	_ =	shalt  }
0x80: {  	_ =	shalt  }
0x81: {  	_ =	shalt  }
0x82: {  	_ =	shalt  }
0x83: {  	_ =	shalt  }
0x84: {  	_ =	shalt  }
0x85: {  	_ =	shalt  }
0x86: {  	_ =	shalt  }
0x87: {  	_ =	shalt  }
.Lfunc_end0:
.L_simem_size_0:
called_computation.1_lowered:
.L_overlay_start_0:
0x88: {  	s2 =	sld [smem:$0x3FD9]  }
0x89: {  	s3 =	sld [smem:$0x3FFE];
	_ =	sdelay $0x1  }
0x8a: {  	s1 =	srdreg.scid  }
0x8b: {  	s0 =	sand.u32 $0x1, s1  }
0x8c: {  	s16 =	sshll.u32 s0, $0xA;
	s2 =	sadd.s32 s3, s2  }
0x8d: {  	s2 =	sadd.s32 s2, s16  }
0x8e: {  	[smem:$0x3FC6] =	sst s2  }
0x8f: {  	_ = 	snop  }
0x90: {  	(tm) =	ssettm $0x1  }
0x91: {  	s17 =	sld [smem:$0x3FFB];
	_ =	sdelay $0x3  }
0x92: {  	_ =	strace s17  }
0x93: {  	s2 =	sld [smem:$0x3FFC];
	_ =	sdelay $0x3  }
0x94: {  	_ =	strace s2  }
0x95: {  	s2 =	sld [smem:$0x3FFD];
	_ =	sdelay $0x3  }
0x96: {  	_ =	strace s2  }
0x97: {  	_ =	strace $0x8FFFFFFF  }
0x98: {  	s18 =	sld [smem:$0x3FDB];
	_ =	sdelay $0x1  }
0x99: {  	s19 =	simm.s32 $_scs_section_size  }
0x9a: {  	s4 =	simm.s32 $_size__tile_overlayer_lowered;
	s5 =	simm.s32 $_tile_overlayer_lowered  }
0x9b: {  	s22 =	simm.s32 $0x1BFF;
	s21 =	sshll.u32 s5, $0x1;
	s2 =	sadd.s32 s19, s18  }
0x9c: {  	s6 =	simm.s32 $0x0;
	s20 =	sshll.u32 s4, $0x1;
	s4 =	sadd.s32 s21, s2  }
0x9d: {  	[timem:s6], [sflag:s22] =	dma.local [hbm:s4], s20  }
0x9e: {  	_ =	swait.ge [sflag:s22], s20  }
0x9f: {  	s3 =	ssub.s32 $0x0, s20;
	[sflag:s22] =	ssyncset.done $0x0  }
0xa0: {  	[sflag:s22] =	ssyncadd.s32 s3;
	_ =	sdelay $0x1  }
0xa1: {  	s23 =	simm.s32 $0x1B8B  }
0xa2: {  	_ =	swait.ge [sflag:s23], $0x1  }
0xa3: {  	[sflag:s23] =	ssyncset.done $0x0  }
0xa4: {  	s25 =	simm.s32 $0x1B8E;
	s24 =	sld [smem:$0x3FFE];
	[sflag:s23] =	ssyncadd.s32 $0xFFFFFFFF  }
0xa5: {  	s26 =	simm.s32 $execute0_lowered;
	[smem:$0x3FD2] =	sst s25  }
0xa6: {  	s4 =	sshll.u32 s26, $0x1;
	_ =	strace $0x80000046;
	[dreg:$0x1] =	wrdreg $0xFFFFFFFF  }
0xa7: {  	s28 =	simm.s32 $_size_execute0_lowered;
	s2 =	sadd.s32 s2, s4;
	[dreg:$0x0] =	wrdreg $0x0  }
0xa8: {  	s4 =	sshll.u32 s28, $0x1;
	[dreg:$0x2] =	wrdreg s2  }
0xa9: {  	[dreg:$0x3] =	wrdreg s4  }
0xaa: {  	[dreg:$0x4] =	wrdreg $0xC0  }
0xab: {  	_ =	task [dreg:s6], $0x5FFFF  }
0xac: {  	[dreg:$0x1] =	wrdreg $0xFFFFFFFF  }
0xad: {  	[dreg:$0x0] =	wrdreg $0x60  }
0xae: {  	[dreg:$0x2] =	wrdreg s24  }
0xaf: {  	[dreg:$0x3] =	wrdreg $0x9  }
0xb0: {  	_ =	task.clear_ibuf [dreg:s6], $0x4FFFF;
	_ =	strace $0x90000046  }
0xb1: {  	s29 =	simm.s32 $0x9;
	_ =	strace $0x80000048  }
0xb2: {  	_ =	swait.ge [sflag:s29], $0x1  }
0xb3: {  	[sflag:s29] =	ssyncadd.s32 $0xFFFFFFFF  }
0xb4: {  	_ =	strace $0x90000048  }
0xb5: {  	_ =	sfence  }
0xb6: {  	s30 =	sld [smem:$0x0];
	_ =	sdelay $0x2  }
0xb7: {  	s31 =	sshll.u32 s1, $0xD;
	s1 =	sshrl.u32 s1, $0x2  }
0xb8: {  	s3 =	sand.u32 $0x4000, s31;
	s1 =	sadd.s32 s1, s30  }
0xb9: {  	s0 =	sor.u32 s3, s0;
	s1 =	sshll.u32 s1, $0x11  }
0xba: {  	s0 =	sor.u32 s1, s0  }
0xbb: {  	s0 =	sadd.s32 $0x8F2B, s0  }
0xbc: {  	[sflag:s0] =	ssyncadd.remote.s32 $0x1  }
0xbd: {  	_ =	sfence.sel $0xFFFF  }
0xbe: {  	[dreg:$0x0] =	wrdreg $0xFFFFFFFF;
	(pc) =	sbr.abs _section_cstart, $3  }
0xbf: {  	[dreg:$0x1] =	wrdreg $0xFFFFFFFF  }
0xc0: {  	_ =	task.clear_ibuf [dreg:s6], $0x2FFFF;
	_ =	strace $0x9FFFFFFF  }
0xc1: {  	(tm) =	ssettm $0x7FFFFFFF  }
tec
execute0_lowered:
.L_overlay_start_1:
0x0: {  	(tag) =	ssettag $0x1  }
0x1: {  	s5 =	rddreg [dreg:$0x0]  }
0x2: {  	s0 =	rddreg [dreg:$0x1];
	s2 =	simm.s32 $0x0  }
0x3: {  	s1 =	stileid.u32;
	s3 =	srdreg.scid;
	s14 =	simm.s32 $0x10000  }
0x4: {  	s15 =	simm.s32 $0x10800;
	s16 =	simm.s32 $0x1;
	s17 =	simm.s32 $0x10400  }
0x5: {  	s18 =	simm.s32 $0x10C00;
	s19 =	simm.s32 $0x11000;
	s20 =	simm.s32 $0x13000  }
0x6: {  	s21 =	simm.s32 $0x2;
	s22 =	simm.s32 $0x0;
	[smem:$0x7FF] =	sst s2  }
0x7: {  	s6 =	sshrl.u32 s1, $0x2;
	s4 =	sshll.u32 s1, $0x1;
	s8 =	sand.u32 $0x1, s3  }
0x8: {  	s3 =	sadd.s32 $0x17600, s5;
	s11 =	sadd.s32 $0x35600, s5;
	s4 =	sand.u32 $0x6, s4  }
0x9: {  	_ =	strace $0x80000047;
	s13 =	smul.u32 $0xB0000, s6;
	s9 =	sor.u32 s8, s4  }
0xa: {  	s7 =	sshll.u32 s6, $0xD;
	s8 =	ssub.s32 $0x2, s8;
	s10 =	smul.u32 $0x16000, s9  }
0xb: {  	s7 =	sadd.s32 s7, s5;
	s30 =	sshrl.u32 s8, $0x1;
	s9 =	smul.u32 $0x2C00, s9  }
0xc: {  	s4 =	sadd.s32 $0x1600, s5;
	s5 =	sadd.s32 $0x2D600, s7;
	s12 =	ssub.s32 s8, s30  }
0xd: {  	s6 =	sadd.s32 s3, s9;
	s7 =	sadd.s32 s4, s9;
	s31 =	sadd.s32 s10, s11  }
0xe: {  	v0 =	vlaneseq.u32;
	s8 =	sor.u32 $0x400, s10;
	s10 =	sor.u32 $0x800, s10;
	s11 =	sadd.s32 s11, s13  }
0xf: {  	v0 =	vmul.u32 $0x8, v0;
	s12 =	smax.u32 s12, $0x1;
	s9 =	sadd.s32 s31, s13;
	s13 =	simm.s32 $0x3  }
.LBB2_1:
0x10: {  	[tilespmem:s2], [sflag:$0x3] =	stream.linear.gather [hbm4b:s5+s2], $0x10000, $0x38;
	[tilespmem:$0x15000] =	vst v63  }
0x11: {  	_ =	swait.ge [sflag:s13], $0x10000  }
0x12: {  	[sflag:s13] =	ssyncset.done $0x0  }
0x13: {  	[sflag:s13] =	ssyncadd.s32 $0xFFFF0000  }
0x14: {  	[tilespmem:s14], [sflag:$0x1] =	stream.linear.gather [hbm4b:s6+s2], $0x400, $0x38;
	[tilespmem:$0x15000] =	vst v63  }
0x15: {  	s23 =	simm.s32 $0x0  }
0x16: {  	[tilespmem:s15], [sflag:$0x1] =	stream.linear.gather [hbm4b:s7+s2], $0x400, $0x38;
	[tilespmem:$0x15000] =	vst v63  }
.LBB2_2:
0x17: {  	_ =	swait.ge [sflag:s16], $0x400  }
0x18: {  	[sflag:s16] =	ssyncset.done $0x0  }
0x19: {  	s25 =	sshll.u32 s23, $0xB;
	[sflag:s16] =	ssyncadd.s32 $0xFFFFFC00  }
0x1a: {  	s24 =	sadd.s32 s25, s8;
	_ =	swait.ge [sflag:s16], $0x400  }
0x1b: {  	s26 =	sshrl.u32 s24, $0x3;
	[sflag:s16] =	ssyncset.done $0x0  }
0x1c: {  	s28 =	sadd.s32 s3, s26;
	[sflag:s16] =	ssyncadd.s32 $0xFFFFFC00  }
0x1d: {  	[tilespmem:s17], [sflag:$0x1] =	stream.linear.gather [hbm4b:s28+s2], $0x400, $0x38;
	[tilespmem:$0x15000] =	vst v63  }
0x1e: {  	p0 =	seq.s32 s23, $0x0;
	s26 =	sadd.s32 s4, s26  }
0x1f: {  	[tilespmem:s18], [sflag:$0x1] =	stream.linear.gather [hbm4b:s26+s2], $0x400, $0x38;
	[tilespmem:$0x15000] =	vst v63  }
0x20: {  	s26 =	simm.s32 @!p0 $0x2  }
0x21: {  	_ =	swait.ge @!p0 [sflag:s26], $0x2000  }
0x22: {  	s29 =	simm.s32 $0x10020;
	s30 =	simm.s32 $0x10820;
	[sflag:s26] =	ssyncset.done @!p0 $0x0  }
0x23: {  	s28 =	simm.s32 $0x0;
	[sflag:s26] =	ssyncadd.s32 @!p0 $0xFFFFE000;
	s26 =	simm.s32 $0xFFFFFFFC  }
.LBB2_3:
0x24: {  	v1 =	vld [tilespmem:s29+$0xFFFFFFE0]  }
0x25: {  	v2 =	vld [tilespmem:s30+$0xFFFFFFE0];
	_ =	sdelay $0x4  }
0x26: {  	v1 =	vmul.f32 $6.400000000e+01, v1;
	v2 =	vmul.f32 $6.400000000e+01, v2;
	_ =	sdelay $0x1  }
0x27: {  	v1 =	vadd.f32 $6.350000000e+01, v1;
	v2 =	vadd.f32 $6.350000000e+01, v2;
	_ =	sdelay $0x1  }
0x28: {  	v3 =	vtrunc.f32 v1;
	v4 =	vtrunc.f32 v2  }
0x29: {  	v3 =	vcvt.f32.s32 v3;
	v4 =	vcvt.f32.s32 v4;
	_ =	sdelay $0x1  }
0x2a: {  	v3 =	vcvt.s32.f32 v3;
	v4 =	vcvt.s32.f32 v4;
	_ =	sdelay $0x1  }
0x2b: {  	v5 =	vadd.f32 $-1.000000000e+00, v3;
	v6 =	vadd.f32 $-1.000000000e+00, v4  }
0x2c: {  	vm0 =	vlt.f32 v1, v3;
	vm1 =	vlt.f32 v2, v4  }
0x2d: {  	v3 =	vsel vm0, v5, v3;
	v4 =	vsel vm1, v6, v4  }
0x2e: {  	v5 =	vsub.f32 v1, v3;
	v1 =	vmul.f32 $1.280000000e+02, v4  }
0x2f: {  	v22 =	vadd.f32 $1.000000000e+00, v3;
	v7 =	vadd.f32 $1.000000000e+00, v4;
	vm0 =	vgt.f32 v3, $-1.000000000e+00  }
0x30: {  	vm12 =	vlt.f32 v3, $1.280000000e+02;
	vm2 =	vgt.f32 v4, $-1.000000000e+00;
	vm3 =	vlt.f32 v4, $1.280000000e+02  }
0x31: {  	v2 =	vsub.f32 v2, v4;
	vm0 =	vmand vm0, vm12;
	v8 =	vadd.f32 v1, v3  }
0x32: {  	vm2 =	vmand vm2, vm3;
	vm13 =	vgt.f32 v22, $-1.000000000e+00;
	v1 =	vadd.f32 v1, v22  }
0x33: {  	v9 =	vmul.f32 $1.280000000e+02, v7;
	vm14 =	vlt.f32 v22, $1.280000000e+02;
	v8 =	vtrunc.f32 v8  }
0x34: {  	vm4 =	vmand vm0, vm2;
	vm15 =	vgt.f32 v7, $-1.000000000e+00;
	v8 =	vcvt.f32.s32 v8  }
0x35: {  	vm5 =	vlt.f32 v7, $1.280000000e+02;
	v1 =	vtrunc.f32 v1;
	v3 =	vadd.f32 v9, v3  }
0x36: {  	vm1 =	vmand vm13, vm14;
	v10 =	vcvt.f32.s32 v1;
	v8 =	vshll.u32 v8, $0x2  }
0x37: {  	v25 =	vadd.f32 v9, v22;
	v3 =	vtrunc.f32 v3;
	v1 =	vnsel vm4, $0x0, v8  }
0x38: {  	vm2 =	vmand vm1, vm2;
	v23 =	vshll.u32 v10, $0x2;
	v3 =	vcvt.f32.s32 v3  }
0x39: {  	vm3 =	vmand vm15, vm5;
	v4 =	vtrunc.f32 v25;
	v24 =	vnsel vm2, $0x0, v23  }
0x3a: {  	vm0 =	vmand vm0, vm3;
	v4 =	vcvt.f32.s32 v4;
	v3 =	vshll.u32 v3, $0x2  }
0x3b: {  	v26 =	vsub.f32 $1.000000000e+00, v5;
	v3 =	vnsel vm0, $0x0, v3  }
0x3c: {  	vm1 =	vmand vm1, vm3;
	v4 =	vshll.u32 v4, $0x2;
	v28 =	vld.idx.msk [tilespmem:v1+s2+$0x0], $0xffff  }
0x3d: {  	v27 =	vsub.f32 $1.000000000e+00, v2;
	v6 =	vmul.f32 v26, v2;
	v4 =	vnsel vm1, $0x0, v4  }
0x3e: {  	v2 =	vmul.f32 v2, v5;
	v11 =	vld.idx.msk [tilespmem:v24+s2+$0x0], $0xffff  }
0x3f: {  	v30 =	vmov s28;
	v29 =	vmul.f32 v27, v26;
	v6 =	vnsel vm0, $0x0, v6  }
0x40: {  	v2 =	vnsel vm1, $0x0, v2;
	v8 =	vmul.f32 v27, v5;
	v5 =	vshll.u32 v30, $0x3;
	v13 =	vld.idx.msk [tilespmem:v3+s2+$0x0], $0xffff  }
0x41: {  	v10 =	vnsel vm4, $0x0, v29;
	v5 =	vor.u32 v0, v5;
	v12 =	vunpack.i.l.bf16.f32 v28  }
0x42: {  	v8 =	vnsel vm2, $0x0, v8;
	v15 =	vld.idx.msk [tilespmem:v4+s2+$0x0], $0xffff;
	v9 =	vunpack.i.u.bf16.f32 v28;
	v12 =	vmul.f32 v10, v12  }
0x43: {  	v35 =	vor.u32 $0x1, v5;
	v14 =	vunpack.i.l.bf16.f32 v11;
	v9 =	vmul.f32 v10, v9  }
0x44: {  	v11 =	vunpack.i.u.bf16.f32 v11;
	v14 =	vmul.f32 v8, v14;
	v12 =	vadd.f32 $0.0e+00, v12  }
0x45: {  	v11 =	vmul.f32 v8, v11;
	v31 =	vunpack.i.l.bf16.f32 v13;
	v9 =	vadd.f32 $0.0e+00, v9  }
0x46: {  	v32 =	vunpack.i.u.bf16.f32 v13;
	v12 =	vadd.f32 v12, v14;
	v14 =	vmul.f32 v6, v31  }
0x47: {  	v33 =	vunpack.i.l.bf16.f32 v15;
	v9 =	vadd.f32 v9, v11;
	v11 =	vmul.f32 v6, v32  }
0x48: {  	v34 =	vunpack.i.u.bf16.f32 v15;
	v13 =	vmul.f32 v33, v2;
	v12 =	vadd.f32 v12, v14  }
0x49: {  	v37 =	vor.u32 $0x1, v1;
	v36 =	vmul.f32 v34, v2;
	v9 =	vadd.f32 v9, v11  }
0x4a: {  	v12 =	vadd.f32 v12, v13  }
0x4b: {  	v38 =	vor.u32 $0x1, v24;
	v9 =	vadd.f32 v9, v36  }
0x4c: {  	[tilespmem:v5+s19+$0x0] =	vst.idx.msk $0xffff, v12  }
0x4d: {  	v39 =	vor.u32 $0x1, v3;
	[tilespmem:v35+s19+$0x0] =	vst.idx.msk $0xffff, v9  }
0x4e: {  	v12 =	vld.idx.msk [tilespmem:v37+s2+$0x0], $0xffff  }
0x4f: {  	v40 =	vor.u32 $0x1, v4  }
0x50: {  	v11 =	vld.idx.msk [tilespmem:v38+s2+$0x0], $0xffff;
	_ =	sdelay $0x1  }
0x51: {  	v9 =	vld.idx.msk [tilespmem:v39+s2+$0x0], $0xffff  }
0x52: {  	v14 =	vunpack.i.l.bf16.f32 v12  }
0x53: {  	v45 =	vor.u32 $0x2, v5;
	v13 =	vld.idx.msk [tilespmem:v40+s2+$0x0], $0xffff;
	v12 =	vunpack.i.u.bf16.f32 v12;
	v14 =	vmul.f32 v14, v10  }
0x54: {  	v46 =	vor.u32 $0x3, v5;
	v41 =	vunpack.i.l.bf16.f32 v11;
	v12 =	vmul.f32 v12, v10  }
0x55: {  	v11 =	vunpack.i.u.bf16.f32 v11;
	v15 =	vmul.f32 v41, v8;
	v14 =	vadd.f32 $0.0e+00, v14  }
0x56: {  	v16 =	vunpack.i.l.bf16.f32 v9;
	v11 =	vmul.f32 v11, v8;
	v12 =	vadd.f32 $0.0e+00, v12  }
0x57: {  	v9 =	vunpack.i.u.bf16.f32 v9;
	v42 =	vmul.f32 v16, v6;
	v14 =	vadd.f32 v15, v14  }
0x58: {  	v44 =	vunpack.i.l.bf16.f32 v13;
	v9 =	vmul.f32 v9, v6;
	v11 =	vadd.f32 v11, v12  }
0x59: {  	v13 =	vunpack.i.u.bf16.f32 v13;
	v43 =	vadd.f32 v42, v14;
	v14 =	vmul.f32 v44, v2  }
0x5a: {  	v48 =	vor.u32 $0x2, v1;
	v47 =	vmul.f32 v13, v2;
	v9 =	vadd.f32 v9, v11  }
0x5b: {  	v12 =	vadd.f32 v14, v43  }
0x5c: {  	v49 =	vor.u32 $0x2, v24;
	v9 =	vadd.f32 v47, v9  }
0x5d: {  	[tilespmem:v45+s19+$0x0] =	vst.idx.msk $0xffff, v12  }
0x5e: {  	v50 =	vor.u32 $0x2, v3;
	[tilespmem:v46+s19+$0x0] =	vst.idx.msk $0xffff, v9  }
0x5f: {  	v12 =	vld.idx.msk [tilespmem:v48+s2+$0x0], $0xffff  }
0x60: {  	v51 =	vor.u32 $0x2, v4  }
0x61: {  	v11 =	vld.idx.msk [tilespmem:v49+s2+$0x0], $0xffff;
	_ =	sdelay $0x1  }
0x62: {  	v9 =	vld.idx.msk [tilespmem:v50+s2+$0x0], $0xffff  }
0x63: {  	v52 =	vunpack.i.l.bf16.f32 v12  }
0x64: {  	v58 =	vor.u32 $0x4, v5;
	v13 =	vld.idx.msk [tilespmem:v51+s2+$0x0], $0xffff;
	v12 =	vunpack.i.u.bf16.f32 v12;
	v14 =	vmul.f32 v52, v10  }
0x65: {  	v59 =	vor.u32 $0x5, v5;
	v53 =	vunpack.i.l.bf16.f32 v11;
	v12 =	vmul.f32 v12, v10  }
0x66: {  	v11 =	vunpack.i.u.bf16.f32 v11;
	v15 =	vmul.f32 v53, v8;
	v14 =	vadd.f32 $0.0e+00, v14  }
0x67: {  	v54 =	vunpack.i.l.bf16.f32 v9;
	v11 =	vmul.f32 v11, v8;
	v12 =	vadd.f32 $0.0e+00, v12  }
0x68: {  	v9 =	vunpack.i.u.bf16.f32 v9;
	v55 =	vmul.f32 v54, v6;
	v14 =	vadd.f32 v15, v14  }
0x69: {  	v57 =	vunpack.i.l.bf16.f32 v13;
	v9 =	vmul.f32 v9, v6;
	v11 =	vadd.f32 v11, v12  }
0x6a: {  	v13 =	vunpack.i.u.bf16.f32 v13;
	v56 =	vadd.f32 v55, v14;
	v14 =	vmul.f32 v57, v2  }
0x6b: {  	v1 =	vor.u32 $0x3, v1;
	v60 =	vmul.f32 v13, v2;
	v9 =	vadd.f32 v9, v11  }
0x6c: {  	v12 =	vadd.f32 v14, v56  }
0x6d: {  	v7 =	vor.u32 $0x3, v24;
	v9 =	vadd.f32 v60, v9  }
0x6e: {  	[tilespmem:v58+s19+$0x0] =	vst.idx.msk $0xffff, v12  }
0x6f: {  	v3 =	vor.u32 $0x3, v3;
	[tilespmem:v59+s19+$0x0] =	vst.idx.msk $0xffff, v9  }
0x70: {  	v1 =	vld.idx.msk [tilespmem:v1+s2+$0x0], $0xffff  }
0x71: {  	v4 =	vor.u32 $0x3, v4  }
0x72: {  	v7 =	vld.idx.msk [tilespmem:v7+s2+$0x0], $0xffff;
	_ =	sdelay $0x1  }
0x73: {  	v3 =	vld.idx.msk [tilespmem:v3+s2+$0x0], $0xffff  }
0x74: {  	v61 =	vunpack.i.l.bf16.f32 v1  }
0x75: {  	v15 =	vor.u32 $0x6, v5;
	v4 =	vld.idx.msk [tilespmem:v4+s2+$0x0], $0xffff;
	v1 =	vunpack.i.u.bf16.f32 v1;
	v9 =	vmul.f32 v61, v10  }
0x76: {  	v5 =	vor.u32 $0x7, v5;
	v62 =	vunpack.i.l.bf16.f32 v7;
	v1 =	vmul.f32 v1, v10  }
0x77: {  	v7 =	vunpack.i.u.bf16.f32 v7;
	v10 =	vmul.f32 v62, v8;
	v9 =	vadd.f32 $0.0e+00, v9  }
0x78: {  	v63 =	vunpack.i.l.bf16.f32 v3;
	v7 =	vmul.f32 v7, v8;
	v1 =	vadd.f32 $0.0e+00, v1  }
0x79: {  	v3 =	vunpack.i.u.bf16.f32 v3;
	v12 =	vmul.f32 v63, v6;
	v9 =	vadd.f32 v10, v9  }
0x7a: {  	v14 =	vunpack.i.l.bf16.f32 v4;
	v3 =	vmul.f32 v3, v6;
	v1 =	vadd.f32 v7, v1  }
0x7b: {  	v4 =	vunpack.i.u.bf16.f32 v4;
	v6 =	vmul.f32 v14, v2;
	v13 =	vadd.f32 v12, v9  }
0x7c: {  	v2 =	vmul.f32 v4, v2;
	v1 =	vadd.f32 v3, v1  }
0x7d: {  	v3 =	vadd.f32 v6, v13  }
0x7e: {  	v1 =	vadd.f32 v2, v1  }
0x7f: {  	[tilespmem:v15+s19+$0x0] =	vst.idx.msk $0xffff, v3  }
0x80: {  	[tilespmem:v5+s19+$0x0] =	vst.idx.msk $0xffff, v1  }
0x81: {  	v1 =	vld [tilespmem:s29+$0xFFFFFFF0]  }
0x82: {  	v2 =	vld [tilespmem:s30+$0xFFFFFFF0];
	_ =	sdelay $0x4  }
0x83: {  	v1 =	vmul.f32 $6.400000000e+01, v1;
	v2 =	vmul.f32 $6.400000000e+01, v2;
	_ =	sdelay $0x1  }
0x84: {  	v16 =	vadd.f32 $6.350000000e+01, v1;
	v2 =	vadd.f32 $6.350000000e+01, v2;
	_ =	sdelay $0x1  }
0x85: {  	v1 =	vtrunc.f32 v16;
	v3 =	vtrunc.f32 v2  }
0x86: {  	v1 =	vcvt.f32.s32 v1;
	v3 =	vcvt.f32.s32 v3;
	_ =	sdelay $0x1  }
0x87: {  	v1 =	vcvt.s32.f32 v1;
	v3 =	vcvt.s32.f32 v3;
	_ =	sdelay $0x1  }
0x88: {  	v17 =	vadd.f32 $-1.000000000e+00, v1;
	v18 =	vadd.f32 $-1.000000000e+00, v3  }
0x89: {  	vm6 =	vlt.f32 v16, v1;
	vm7 =	vlt.f32 v2, v3  }
0x8a: {  	v5 =	vsel vm6, v17, v1;
	v6 =	vsel vm7, v18, v3  }
0x8b: {  	v19 =	vadd.f32 $1.000000000e+00, v5;
	v1 =	vmul.f32 $1.280000000e+02, v6  }
0x8c: {  	v3 =	vadd.f32 $1.000000000e+00, v6;
	vm0 =	vgt.f32 v5, $-1.000000000e+00;
	vm8 =	vlt.f32 v5, $1.280000000e+02  }
0x8d: {  	vm11 =	vgt.f32 v6, $-1.000000000e+00;
	vm12 =	vlt.f32 v6, $1.280000000e+02;
	v4 =	vsub.f32 v16, v5  }
0x8e: {  	v6 =	vsub.f32 v2, v6;
	vm0 =	vmand vm0, vm8;
	vm13 =	vmand vm11, vm12  }
0x8f: {  	vm9 =	vgt.f32 v19, $-1.000000000e+00;
	v20 =	vadd.f32 v1, v5;
	vm10 =	vlt.f32 v19, $1.280000000e+02  }
0x90: {  	v21 =	vmul.f32 $1.280000000e+02, v3;
	v1 =	vadd.f32 v1, v19;
	vm14 =	vgt.f32 v3, $-1.000000000e+00  }
0x91: {  	vm4 =	vmand vm0, vm13;
	vm15 =	vlt.f32 v3, $1.280000000e+02;
	v8 =	vtrunc.f32 v20  }
0x92: {  	vm1 =	vmand vm9, vm10;
	v22 =	vadd.f32 v21, v5;
	v8 =	vcvt.f32.s32 v8  }
0x93: {  	vm3 =	vmand vm14, vm15;
	v1 =	vtrunc.f32 v1;
	v7 =	vadd.f32 v21, v19  }
0x94: {  	v23 =	vcvt.f32.s32 v1;
	v3 =	vtrunc.f32 v22;
	v8 =	vshll.u32 v8, $0x2  }
0x95: {  	v2 =	vtrunc.f32 v7;
	v10 =	vcvt.f32.s32 v3;
	v1 =	vnsel vm4, $0x0, v8  }
0x96: {  	vm2 =	vmand vm1, vm13;
	v24 =	vshll.u32 v23, $0x2;
	v2 =	vcvt.f32.s32 v2  }
0x97: {  	vm0 =	vmand vm0, vm3;
	v3 =	vnsel vm2, $0x0, v24;
	v25 =	vshll.u32 v10, $0x2  }
0x98: {  	vm1 =	vmand vm1, vm3;
	v2 =	vshll.u32 v2, $0x2;
	v5 =	vnsel vm0, $0x0, v25  }
0x99: {  	v31 =	vnsel vm1, $0x0, v2  }
0x9a: {  	v27 =	vsub.f32 $1.000000000e+00, v4;
	v28 =	vsub.f32 $1.000000000e+00, v6;
	v26 =	vld.idx.msk [tilespmem:v1+s2+$0x0], $0xffff;
	_ =	sdelay $0x1  }
0x9b: {  	v30 =	vmul.f32 v28, v27;
	v29 =	vld.idx.msk [tilespmem:v3+s2+$0x0], $0xffff  }
0x9c: {  	s31 =	sadd.s32 $0x10, s28;
	v9 =	vmul.f32 v28, v4;
	v4 =	vmul.f32 v6, v4;
	v32 =	vld.idx.msk [tilespmem:v5+s2+$0x0], $0xffff  }
0x9d: {  	v38 =	vmov s31;
	v11 =	vnsel vm4, $0x0, v30;
	v2 =	vmul.f32 v27, v6;
	v36 =	vld.idx.msk [tilespmem:v31+s2+$0x0], $0xffff  }
0x9e: {  	v9 =	vnsel vm2, $0x0, v9;
	v4 =	vnsel vm1, $0x0, v4;
	v33 =	vunpack.i.l.bf16.f32 v26  }
0x9f: {  	v2 =	vnsel vm0, $0x0, v2;
	v7 =	vunpack.i.u.bf16.f32 v26;
	v13 =	vmul.f32 v11, v33  }
0xa0: {  	v35 =	vunpack.i.l.bf16.f32 v29;
	v10 =	vunpack.i.u.bf16.f32 v29;
	v34 =	vmul.f32 v11, v7  }
0xa1: {  	v7 =	vmul.f32 v9, v35;
	v10 =	vmul.f32 v9, v10;
	v13 =	vadd.f32 $0.0e+00, v13  }
0xa2: {  	v37 =	vunpack.i.l.bf16.f32 v32;
	v8 =	vunpack.i.u.bf16.f32 v32;
	v40 =	vunpack.i.l.bf16.f32 v36  }
0xa3: {  	v6 =	vadd.f32 $0.0e+00, v34;
	v7 =	vadd.f32 v13, v7;
	v13 =	vshll.u32 v38, $0x3  }
0xa4: {  	v14 =	vunpack.i.u.bf16.f32 v36;
	v15 =	vmul.f32 v2, v37;
	v39 =	vor.u32 v0, v13  }
0xa5: {  	v8 =	vmul.f32 v2, v8;
	v6 =	vadd.f32 v6, v10;
	v10 =	vand.u32 $0x7FFFFEF8, v39  }
0xa6: {  	v13 =	vmul.f32 v40, v4;
	v7 =	vadd.f32 v7, v15;
	v41 =	vor.u32 $0x1, v10  }
0xa7: {  	v43 =	vor.u32 $0x1, v1;
	v42 =	vmul.f32 v14, v4;
	v6 =	vadd.f32 v6, v8  }
0xa8: {  	v7 =	vadd.f32 v7, v13  }
0xa9: {  	v44 =	vor.u32 $0x1, v3;
	v6 =	vadd.f32 v6, v42  }
0xaa: {  	[tilespmem:v10+s19+$0x0] =	vst.idx.msk $0xffff, v7  }
0xab: {  	v45 =	vor.u32 $0x1, v5;
	[tilespmem:v41+s19+$0x0] =	vst.idx.msk $0xffff, v6  }
0xac: {  	v7 =	vld.idx.msk [tilespmem:v43+s2+$0x0], $0xffff  }
0xad: {  	v46 =	vor.u32 $0x1, v31  }
0xae: {  	v8 =	vld.idx.msk [tilespmem:v44+s2+$0x0], $0xffff;
	_ =	sdelay $0x1  }
0xaf: {  	v6 =	vld.idx.msk [tilespmem:v45+s2+$0x0], $0xffff  }
0xb0: {  	v14 =	vunpack.i.l.bf16.f32 v7  }
0xb1: {  	v52 =	vor.u32 $0x2, v10;
	v13 =	vld.idx.msk [tilespmem:v46+s2+$0x0], $0xffff;
	v7 =	vunpack.i.u.bf16.f32 v7;
	v14 =	vmul.f32 v14, v11  }
0xb2: {  	v53 =	vor.u32 $0x3, v10;
	v47 =	vunpack.i.l.bf16.f32 v8;
	v7 =	vmul.f32 v7, v11  }
0xb3: {  	v8 =	vunpack.i.u.bf16.f32 v8;
	v15 =	vmul.f32 v47, v9;
	v14 =	vadd.f32 $0.0e+00, v14  }
0xb4: {  	v48 =	vunpack.i.l.bf16.f32 v6;
	v8 =	vmul.f32 v8, v9;
	v7 =	vadd.f32 $0.0e+00, v7  }
0xb5: {  	v6 =	vunpack.i.u.bf16.f32 v6;
	v49 =	vmul.f32 v48, v2;
	v14 =	vadd.f32 v15, v14  }
0xb6: {  	v51 =	vunpack.i.l.bf16.f32 v13;
	v6 =	vmul.f32 v6, v2;
	v7 =	vadd.f32 v8, v7  }
0xb7: {  	v13 =	vunpack.i.u.bf16.f32 v13;
	v50 =	vadd.f32 v49, v14;
	v14 =	vmul.f32 v51, v4  }
0xb8: {  	v55 =	vor.u32 $0x2, v1;
	v54 =	vmul.f32 v13, v4;
	v6 =	vadd.f32 v6, v7  }
0xb9: {  	v8 =	vadd.f32 v14, v50  }
0xba: {  	v56 =	vor.u32 $0x2, v3;
	v6 =	vadd.f32 v54, v6  }
0xbb: {  	[tilespmem:v52+s19+$0x0] =	vst.idx.msk $0xffff, v8  }
0xbc: {  	v57 =	vor.u32 $0x2, v5;
	[tilespmem:v53+s19+$0x0] =	vst.idx.msk $0xffff, v6  }
0xbd: {  	v8 =	vld.idx.msk [tilespmem:v55+s2+$0x0], $0xffff  }
0xbe: {  	v58 =	vor.u32 $0x2, v31  }
0xbf: {  	v7 =	vld.idx.msk [tilespmem:v56+s2+$0x0], $0xffff;
	_ =	sdelay $0x1  }
0xc0: {  	v6 =	vld.idx.msk [tilespmem:v57+s2+$0x0], $0xffff  }
0xc1: {  	v59 =	vunpack.i.l.bf16.f32 v8  }
0xc2: {  	v20 =	vor.u32 $0x4, v10;
	v13 =	vld.idx.msk [tilespmem:v58+s2+$0x0], $0xffff;
	v8 =	vunpack.i.u.bf16.f32 v8;
	v14 =	vmul.f32 v59, v11  }
0xc3: {  	v21 =	vor.u32 $0x5, v10;
	v60 =	vunpack.i.l.bf16.f32 v7;
	v8 =	vmul.f32 v8, v11  }
0xc4: {  	v7 =	vunpack.i.u.bf16.f32 v7;
	v15 =	vmul.f32 v60, v9;
	v14 =	vadd.f32 $0.0e+00, v14  }
0xc5: {  	v61 =	vunpack.i.l.bf16.f32 v6;
	v7 =	vmul.f32 v7, v9;
	v8 =	vadd.f32 $0.0e+00, v8  }
0xc6: {  	v6 =	vunpack.i.u.bf16.f32 v6;
	v62 =	vmul.f32 v61, v2;
	v14 =	vadd.f32 v15, v14  }
0xc7: {  	v19 =	vunpack.i.l.bf16.f32 v13;
	v6 =	vmul.f32 v6, v2;
	v7 =	vadd.f32 v7, v8  }
0xc8: {  	v13 =	vunpack.i.u.bf16.f32 v13;
	v63 =	vadd.f32 v62, v14;
	v14 =	vmul.f32 v19, v4  }
0xc9: {  	v1 =	vor.u32 $0x3, v1;
	v22 =	vmul.f32 v13, v4;
	v6 =	vadd.f32 v6, v7  }
0xca: {  	v3 =	vor.u32 $0x3, v3;
	v8 =	vadd.f32 v14, v63  }
0xcb: {  	v5 =	vor.u32 $0x3, v5;
	v6 =	vadd.f32 v22, v6  }
0xcc: {  	[tilespmem:v20+s19+$0x0] =	vst.idx.msk $0xffff, v8  }
0xcd: {  	[tilespmem:v21+s19+$0x0] =	vst.idx.msk $0xffff, v6  }
0xce: {  	v1 =	vld.idx.msk [tilespmem:v1+s2+$0x0], $0xffff  }
0xcf: {  	v23 =	vor.u32 $0x3, v31;
	v3 =	vld.idx.msk [tilespmem:v3+s2+$0x0], $0xffff  }
0xd0: {  	v5 =	vld.idx.msk [tilespmem:v5+s2+$0x0], $0xffff;
	_ =	sdelay $0x2  }
0xd1: {  	v24 =	vunpack.i.l.bf16.f32 v1;
	v1 =	vunpack.i.u.bf16.f32 v1  }
0xd2: {  	v6 =	vld.idx.msk [tilespmem:v23+s2+$0x0], $0xffff;
	v25 =	vunpack.i.l.bf16.f32 v3;
	v7 =	vmul.f32 v24, v11;
	v1 =	vmul.f32 v1, v11  }
0xd3: {  	v3 =	vunpack.i.u.bf16.f32 v3;
	v26 =	vunpack.i.l.bf16.f32 v5;
	v8 =	vmul.f32 v25, v9  }
0xd4: {  	v3 =	vmul.f32 v3, v9;
	v7 =	vadd.f32 $0.0e+00, v7;
	v1 =	vadd.f32 $0.0e+00, v1  }
0xd5: {  	v29 =	vor.u32 $0x6, v10;
	v27 =	vmul.f32 v26, v2  }
0xd6: {  	v7 =	vadd.f32 v8, v7;
	v1 =	vadd.f32 v3, v1;
	v3 =	vunpack.i.u.bf16.f32 v5  }
0xd7: {  	v30 =	vor.u32 $0x7, v10;
	v2 =	vmul.f32 v3, v2;
	v3 =	vunpack.i.l.bf16.f32 v6  }
0xd8: {  	v6 =	vunpack.i.u.bf16.f32 v6;
	v28 =	vadd.f32 v27, v7;
	v3 =	vmul.f32 v3, v4  }
0xd9: {  	v1 =	vadd.f32 v2, v1;
	v2 =	vmul.f32 v6, v4  }
0xda: {  	v3 =	vadd.f32 v3, v28  }
0xdb: {  	v1 =	vadd.f32 v2, v1  }
0xdc: {  	[tilespmem:v29+s19+$0x0] =	vst.idx.msk $0xffff, v3  }
0xdd: {  	[tilespmem:v30+s19+$0x0] =	vst.idx.msk $0xffff, v1  }
0xde: {  	v1 =	vld [tilespmem:s29+$0x0]  }
0xdf: {  	v2 =	vld [tilespmem:s30+$0x0];
	_ =	sdelay $0x4  }
0xe0: {  	v1 =	vmul.f32 $6.400000000e+01, v1;
	v2 =	vmul.f32 $6.400000000e+01, v2;
	_ =	sdelay $0x1  }
0xe1: {  	v31 =	vadd.f32 $6.350000000e+01, v1;
	v2 =	vadd.f32 $6.350000000e+01, v2;
	_ =	sdelay $0x1  }
0xe2: {  	v1 =	vtrunc.f32 v31;
	v3 =	vtrunc.f32 v2  }
0xe3: {  	v1 =	vcvt.f32.s32 v1;
	v3 =	vcvt.f32.s32 v3;
	_ =	sdelay $0x1  }
0xe4: {  	v1 =	vcvt.s32.f32 v1;
	v3 =	vcvt.s32.f32 v3;
	_ =	sdelay $0x1  }
0xe5: {  	v32 =	vadd.f32 $-1.000000000e+00, v1;
	v33 =	vadd.f32 $-1.000000000e+00, v3  }
0xe6: {  	vm6 =	vlt.f32 v31, v1;
	vm7 =	vlt.f32 v2, v3  }
0xe7: {  	v5 =	vsel vm6, v32, v1;
	v6 =	vsel vm7, v33, v3  }
0xe8: {  	v34 =	vadd.f32 $1.000000000e+00, v5;
	v1 =	vmul.f32 $1.280000000e+02, v6  }
0xe9: {  	v3 =	vadd.f32 $1.000000000e+00, v6;
	vm0 =	vgt.f32 v5, $-1.000000000e+00;
	vm8 =	vlt.f32 v5, $1.280000000e+02  }
0xea: {  	vm11 =	vgt.f32 v6, $-1.000000000e+00;
	vm12 =	vlt.f32 v6, $1.280000000e+02;
	v4 =	vsub.f32 v31, v5  }
0xeb: {  	v6 =	vsub.f32 v2, v6;
	vm0 =	vmand vm0, vm8;
	vm13 =	vmand vm11, vm12  }
0xec: {  	vm9 =	vgt.f32 v34, $-1.000000000e+00;
	v35 =	vadd.f32 v1, v5;
	vm10 =	vlt.f32 v34, $1.280000000e+02  }
0xed: {  	v36 =	vmul.f32 $1.280000000e+02, v3;
	v1 =	vadd.f32 v1, v34;
	vm14 =	vgt.f32 v3, $-1.000000000e+00  }
0xee: {  	vm4 =	vmand vm0, vm13;
	vm15 =	vlt.f32 v3, $1.280000000e+02;
	v8 =	vtrunc.f32 v35  }
0xef: {  	vm1 =	vmand vm9, vm10;
	v37 =	vadd.f32 v36, v5;
	v8 =	vcvt.f32.s32 v8  }
0xf0: {  	vm3 =	vmand vm14, vm15;
	v1 =	vtrunc.f32 v1;
	v7 =	vadd.f32 v36, v34  }
0xf1: {  	v38 =	vcvt.f32.s32 v1;
	v3 =	vtrunc.f32 v37;
	v8 =	vshll.u32 v8, $0x2  }
0xf2: {  	v2 =	vtrunc.f32 v7;
	v10 =	vcvt.f32.s32 v3;
	v1 =	vnsel vm4, $0x0, v8  }
0xf3: {  	vm2 =	vmand vm1, vm13;
	v39 =	vshll.u32 v38, $0x2;
	v2 =	vcvt.f32.s32 v2  }
0xf4: {  	vm0 =	vmand vm0, vm3;
	v3 =	vnsel vm2, $0x0, v39;
	v40 =	vshll.u32 v10, $0x2  }
0xf5: {  	vm1 =	vmand vm1, vm3;
	v2 =	vshll.u32 v2, $0x2;
	v5 =	vnsel vm0, $0x0, v40  }
0xf6: {  	v46 =	vnsel vm1, $0x0, v2  }
0xf7: {  	v42 =	vsub.f32 $1.000000000e+00, v4;
	v43 =	vsub.f32 $1.000000000e+00, v6;
	v41 =	vld.idx.msk [tilespmem:v1+s2+$0x0], $0xffff;
	_ =	sdelay $0x1  }
0xf8: {  	v45 =	vmul.f32 v43, v42;
	v44 =	vld.idx.msk [tilespmem:v3+s2+$0x0], $0xffff  }
0xf9: {  	s31 =	sadd.s32 $0x20, s28;
	v9 =	vmul.f32 v43, v4;
	v4 =	vmul.f32 v6, v4;
	v47 =	vld.idx.msk [tilespmem:v5+s2+$0x0], $0xffff  }
0xfa: {  	v53 =	vmov s31;
	v11 =	vnsel vm4, $0x0, v45;
	v2 =	vmul.f32 v42, v6;
	v51 =	vld.idx.msk [tilespmem:v46+s2+$0x0], $0xffff  }
0xfb: {  	v9 =	vnsel vm2, $0x0, v9;
	v4 =	vnsel vm1, $0x0, v4;
	v48 =	vunpack.i.l.bf16.f32 v41  }
0xfc: {  	v2 =	vnsel vm0, $0x0, v2;
	v7 =	vunpack.i.u.bf16.f32 v41;
	v13 =	vmul.f32 v11, v48  }
0xfd: {  	v50 =	vunpack.i.l.bf16.f32 v44;
	v10 =	vunpack.i.u.bf16.f32 v44;
	v49 =	vmul.f32 v11, v7  }
0xfe: {  	v7 =	vmul.f32 v9, v50;
	v10 =	vmul.f32 v9, v10;
	v13 =	vadd.f32 $0.0e+00, v13  }
0xff: {  	v52 =	vunpack.i.l.bf16.f32 v47;
	v8 =	vunpack.i.u.bf16.f32 v47;
	v55 =	vunpack.i.l.bf16.f32 v51  }
0x100: {  	v6 =	vadd.f32 $0.0e+00, v49;
	v7 =	vadd.f32 v13, v7;
	v13 =	vshll.u32 v53, $0x3  }
0x101: {  	v14 =	vunpack.i.u.bf16.f32 v51;
	v15 =	vmul.f32 v2, v52;
	v54 =	vor.u32 v0, v13  }
0x102: {  	v8 =	vmul.f32 v2, v8;
	v6 =	vadd.f32 v6, v10;
	v10 =	vand.u32 $0x7FFFFF78, v54  }
0x103: {  	v13 =	vmul.f32 v55, v4;
	v7 =	vadd.f32 v7, v15;
	v56 =	vor.u32 $0x1, v10  }
0x104: {  	v58 =	vor.u32 $0x1, v1;
	v57 =	vmul.f32 v14, v4;
	v6 =	vadd.f32 v6, v8  }
0x105: {  	v7 =	vadd.f32 v7, v13  }
0x106: {  	v59 =	vor.u32 $0x1, v3;
	v6 =	vadd.f32 v6, v57  }
0x107: {  	[tilespmem:v10+s19+$0x0] =	vst.idx.msk $0xffff, v7  }
0x108: {  	v60 =	vor.u32 $0x1, v5;
	[tilespmem:v56+s19+$0x0] =	vst.idx.msk $0xffff, v6  }
0x109: {  	v7 =	vld.idx.msk [tilespmem:v58+s2+$0x0], $0xffff  }
0x10a: {  	v61 =	vor.u32 $0x1, v46  }
0x10b: {  	v8 =	vld.idx.msk [tilespmem:v59+s2+$0x0], $0xffff;
	_ =	sdelay $0x1  }
0x10c: {  	v6 =	vld.idx.msk [tilespmem:v60+s2+$0x0], $0xffff  }
0x10d: {  	v14 =	vunpack.i.l.bf16.f32 v7  }
0x10e: {  	v23 =	vor.u32 $0x2, v10;
	v13 =	vld.idx.msk [tilespmem:v61+s2+$0x0], $0xffff;
	v7 =	vunpack.i.u.bf16.f32 v7;
	v14 =	vmul.f32 v14, v11  }
0x10f: {  	v24 =	vor.u32 $0x3, v10;
	v62 =	vunpack.i.l.bf16.f32 v8;
	v7 =	vmul.f32 v7, v11  }
0x110: {  	v8 =	vunpack.i.u.bf16.f32 v8;
	v15 =	vmul.f32 v62, v9;
	v14 =	vadd.f32 $0.0e+00, v14  }
0x111: {  	v63 =	vunpack.i.l.bf16.f32 v6;
	v8 =	vmul.f32 v8, v9;
	v7 =	vadd.f32 $0.0e+00, v7  }
0x112: {  	v6 =	vunpack.i.u.bf16.f32 v6;
	v20 =	vmul.f32 v63, v2;
	v14 =	vadd.f32 v15, v14  }
0x113: {  	v22 =	vunpack.i.l.bf16.f32 v13;
	v6 =	vmul.f32 v6, v2;
	v7 =	vadd.f32 v8, v7  }
0x114: {  	v13 =	vunpack.i.u.bf16.f32 v13;
	v21 =	vadd.f32 v20, v14;
	v14 =	vmul.f32 v22, v4  }
0x115: {  	v26 =	vor.u32 $0x2, v1;
	v25 =	vmul.f32 v13, v4;
	v6 =	vadd.f32 v6, v7  }
0x116: {  	v8 =	vadd.f32 v14, v21  }
0x117: {  	v27 =	vor.u32 $0x2, v3;
	v6 =	vadd.f32 v25, v6  }
0x118: {  	[tilespmem:v23+s19+$0x0] =	vst.idx.msk $0xffff, v8  }
0x119: {  	v28 =	vor.u32 $0x2, v5;
	[tilespmem:v24+s19+$0x0] =	vst.idx.msk $0xffff, v6  }
0x11a: {  	v8 =	vld.idx.msk [tilespmem:v26+s2+$0x0], $0xffff  }
0x11b: {  	v29 =	vor.u32 $0x2, v46  }
0x11c: {  	v7 =	vld.idx.msk [tilespmem:v27+s2+$0x0], $0xffff;
	_ =	sdelay $0x1  }
0x11d: {  	v6 =	vld.idx.msk [tilespmem:v28+s2+$0x0], $0xffff  }
0x11e: {  	v30 =	vunpack.i.l.bf16.f32 v8  }
0x11f: {  	v36 =	vor.u32 $0x4, v10;
	v13 =	vld.idx.msk [tilespmem:v29+s2+$0x0], $0xffff;
	v8 =	vunpack.i.u.bf16.f32 v8;
	v14 =	vmul.f32 v30, v11  }
0x120: {  	v37 =	vor.u32 $0x5, v10;
	v31 =	vunpack.i.l.bf16.f32 v7;
	v8 =	vmul.f32 v8, v11  }
0x121: {  	v7 =	vunpack.i.u.bf16.f32 v7;
	v15 =	vmul.f32 v31, v9;
	v14 =	vadd.f32 $0.0e+00, v14  }
0x122: {  	v32 =	vunpack.i.l.bf16.f32 v6;
	v7 =	vmul.f32 v7, v9;
	v8 =	vadd.f32 $0.0e+00, v8  }
0x123: {  	v6 =	vunpack.i.u.bf16.f32 v6;
	v33 =	vmul.f32 v32, v2;
	v14 =	vadd.f32 v15, v14  }
0x124: {  	v35 =	vunpack.i.l.bf16.f32 v13;
	v6 =	vmul.f32 v6, v2;
	v7 =	vadd.f32 v7, v8  }
0x125: {  	v13 =	vunpack.i.u.bf16.f32 v13;
	v34 =	vadd.f32 v33, v14;
	v14 =	vmul.f32 v35, v4  }
0x126: {  	v1 =	vor.u32 $0x3, v1;
	v38 =	vmul.f32 v13, v4;
	v6 =	vadd.f32 v6, v7  }
0x127: {  	v3 =	vor.u32 $0x3, v3;
	v8 =	vadd.f32 v14, v34  }
0x128: {  	v5 =	vor.u32 $0x3, v5;
	v6 =	vadd.f32 v38, v6  }
0x129: {  	[tilespmem:v36+s19+$0x0] =	vst.idx.msk $0xffff, v8  }
0x12a: {  	[tilespmem:v37+s19+$0x0] =	vst.idx.msk $0xffff, v6  }
0x12b: {  	v1 =	vld.idx.msk [tilespmem:v1+s2+$0x0], $0xffff  }
0x12c: {  	v39 =	vor.u32 $0x3, v46;
	v3 =	vld.idx.msk [tilespmem:v3+s2+$0x0], $0xffff  }
0x12d: {  	v5 =	vld.idx.msk [tilespmem:v5+s2+$0x0], $0xffff;
	_ =	sdelay $0x2  }
0x12e: {  	v40 =	vunpack.i.l.bf16.f32 v1;
	v1 =	vunpack.i.u.bf16.f32 v1  }
0x12f: {  	v6 =	vld.idx.msk [tilespmem:v39+s2+$0x0], $0xffff;
	v41 =	vunpack.i.l.bf16.f32 v3;
	v7 =	vmul.f32 v40, v11;
	v1 =	vmul.f32 v1, v11  }
0x130: {  	v3 =	vunpack.i.u.bf16.f32 v3;
	v42 =	vunpack.i.l.bf16.f32 v5;
	v8 =	vmul.f32 v41, v9  }
0x131: {  	v3 =	vmul.f32 v3, v9;
	v7 =	vadd.f32 $0.0e+00, v7;
	v1 =	vadd.f32 $0.0e+00, v1  }
0x132: {  	v45 =	vor.u32 $0x6, v10;
	v43 =	vmul.f32 v42, v2  }
0x133: {  	v7 =	vadd.f32 v8, v7;
	v1 =	vadd.f32 v3, v1;
	v3 =	vunpack.i.u.bf16.f32 v5  }
0x134: {  	v46 =	vor.u32 $0x7, v10;
	v2 =	vmul.f32 v3, v2;
	v3 =	vunpack.i.l.bf16.f32 v6  }
0x135: {  	v6 =	vunpack.i.u.bf16.f32 v6;
	v44 =	vadd.f32 v43, v7;
	v3 =	vmul.f32 v3, v4  }
0x136: {  	v1 =	vadd.f32 v2, v1;
	v2 =	vmul.f32 v6, v4  }
0x137: {  	v3 =	vadd.f32 v3, v44  }
0x138: {  	v1 =	vadd.f32 v2, v1  }
0x139: {  	[tilespmem:v45+s19+$0x0] =	vst.idx.msk $0xffff, v3  }
0x13a: {  	[tilespmem:v46+s19+$0x0] =	vst.idx.msk $0xffff, v1  }
0x13b: {  	v1 =	vld [tilespmem:s29+$0x10]  }
0x13c: {  	v2 =	vld [tilespmem:s30+$0x10];
	_ =	sdelay $0x4  }
0x13d: {  	v1 =	vmul.f32 $6.400000000e+01, v1;
	v2 =	vmul.f32 $6.400000000e+01, v2;
	_ =	sdelay $0x1  }
0x13e: {  	v1 =	vadd.f32 $6.350000000e+01, v1;
	v2 =	vadd.f32 $6.350000000e+01, v2;
	_ =	sdelay $0x1  }
0x13f: {  	v3 =	vtrunc.f32 v1;
	v47 =	vtrunc.f32 v2  }
0x140: {  	v3 =	vcvt.f32.s32 v3;
	v4 =	vcvt.f32.s32 v47;
	_ =	sdelay $0x1  }
0x141: {  	v3 =	vcvt.s32.f32 v3;
	v4 =	vcvt.s32.f32 v4;
	_ =	sdelay $0x1  }
0x142: {  	v48 =	vadd.f32 $-1.000000000e+00, v3;
	v49 =	vadd.f32 $-1.000000000e+00, v4  }
0x143: {  	vm6 =	vlt.f32 v1, v3;
	vm7 =	vlt.f32 v2, v4  }
0x144: {  	v3 =	vsel vm6, v48, v3;
	v4 =	vsel vm7, v49, v4  }
0x145: {  	v5 =	vsub.f32 v1, v3;
	v1 =	vmul.f32 $1.280000000e+02, v4  }
0x146: {  	v50 =	vadd.f32 $1.000000000e+00, v3;
	v51 =	vadd.f32 $1.000000000e+00, v4;
	vm0 =	vgt.f32 v3, $-1.000000000e+00  }
0x147: {  	vm8 =	vlt.f32 v3, $1.280000000e+02;
	vm10 =	vgt.f32 v4, $-1.000000000e+00;
	vm11 =	vlt.f32 v4, $1.280000000e+02  }
0x148: {  	v4 =	vsub.f32 v2, v4;
	vm0 =	vmand vm0, vm8;
	v52 =	vadd.f32 v1, v3  }
0x149: {  	vm2 =	vmand vm10, vm11;
	vm9 =	vgt.f32 v50, $-1.000000000e+00;
	v1 =	vadd.f32 v1, v50  }
0x14a: {  	v53 =	vmul.f32 $1.280000000e+02, v51;
	vm12 =	vlt.f32 v50, $1.280000000e+02;
	v8 =	vtrunc.f32 v52  }
0x14b: {  	vm13 =	vmand vm0, vm2;
	vm14 =	vgt.f32 v51, $-1.000000000e+00;
	v8 =	vcvt.f32.s32 v8  }
0x14c: {  	vm15 =	vlt.f32 v51, $1.280000000e+02;
	v1 =	vtrunc.f32 v1;
	v3 =	vadd.f32 v53, v3  }
0x14d: {  	vm1 =	vmand vm9, vm12;
	v54 =	vcvt.f32.s32 v1;
	v8 =	vshll.u32 v8, $0x2  }
0x14e: {  	v2 =	vadd.f32 v53, v50;
	v56 =	vtrunc.f32 v3;
	v1 =	vnsel vm13, $0x0, v8  }
0x14f: {  	vm2 =	vmand vm1, vm2;
	v55 =	vshll.u32 v54, $0x2;
	v57 =	vcvt.f32.s32 v56  }
0x150: {  	vm3 =	vmand vm14, vm15;
	v2 =	vtrunc.f32 v2;
	v3 =	vnsel vm2, $0x0, v55  }
0x151: {  	vm0 =	vmand vm0, vm3;
	v2 =	vcvt.f32.s32 v2;
	v7 =	vshll.u32 v57, $0x2  }
0x152: {  	v58 =	vsub.f32 $1.000000000e+00, v5;
	v59 =	vsub.f32 $1.000000000e+00, v4;
	v7 =	vnsel vm0, $0x0, v7  }
0x153: {  	vm1 =	vmand vm1, vm3;
	v2 =	vshll.u32 v2, $0x2;
	v60 =	vld.idx.msk [tilespmem:v1+s2+$0x0], $0xffff  }
0x154: {  	v61 =	vmul.f32 v59, v58;
	v63 =	vnsel vm1, $0x0, v2  }
0x155: {  	s31 =	sadd.s32 $0x30, s28;
	v6 =	vmul.f32 v58, v4;
	v4 =	vmul.f32 v4, v5;
	v62 =	vld.idx.msk [tilespmem:v3+s2+$0x0], $0xffff  }
0x156: {  	v23 =	vmov s31;
	v2 =	vmul.f32 v59, v5  }
0x157: {  	v10 =	vnsel vm13, $0x0, v61;
	v4 =	vnsel vm1, $0x0, v4;
	v5 =	vshll.u32 v23, $0x3;
	v20 =	vld.idx.msk [tilespmem:v7+s2+$0x0], $0xffff  }
0x158: {  	v5 =	vor.u32 v0, v5;
	v21 =	vnsel vm2, $0x0, v2;
	v19 =	vunpack.i.l.bf16.f32 v60  }
0x159: {  	v2 =	vnsel vm0, $0x0, v6;
	v15 =	vld.idx.msk [tilespmem:v63+s2+$0x0], $0xffff;
	v9 =	vunpack.i.u.bf16.f32 v60;
	v8 =	vmul.f32 v10, v19  }
0x15a: {  	v29 =	vor.u32 $0x1, v5;
	v22 =	vunpack.i.l.bf16.f32 v62;
	v9 =	vmul.f32 v10, v9  }
0x15b: {  	v11 =	vunpack.i.u.bf16.f32 v62;
	v6 =	vmul.f32 v21, v22;
	v8 =	vadd.f32 $0.0e+00, v8  }
0x15c: {  	v11 =	vmul.f32 v21, v11;
	v24 =	vunpack.i.l.bf16.f32 v20;
	v9 =	vadd.f32 $0.0e+00, v9  }
0x15d: {  	v25 =	vunpack.i.u.bf16.f32 v20;
	v6 =	vadd.f32 v8, v6;
	v8 =	vmul.f32 v2, v24  }
0x15e: {  	v27 =	vunpack.i.l.bf16.f32 v15;
	v26 =	vmul.f32 v2, v25;
	v9 =	vadd.f32 v9, v11  }
0x15f: {  	v28 =	vunpack.i.u.bf16.f32 v15;
	v11 =	vmul.f32 v27, v4;
	v6 =	vadd.f32 v6, v8  }
0x160: {  	v31 =	vor.u32 $0x1, v1;
	v30 =	vmul.f32 v28, v4;
	v8 =	vadd.f32 v9, v26  }
0x161: {  	v6 =	vadd.f32 v6, v11  }
0x162: {  	v32 =	vor.u32 $0x1, v3;
	v8 =	vadd.f32 v8, v30  }
0x163: {  	[tilespmem:v5+s19+$0x0] =	vst.idx.msk $0xffff, v6  }
0x164: {  	v33 =	vor.u32 $0x1, v7;
	[tilespmem:v29+s19+$0x0] =	vst.idx.msk $0xffff, v8  }
0x165: {  	v8 =	vld.idx.msk [tilespmem:v31+s2+$0x0], $0xffff  }
0x166: {  	v34 =	vor.u32 $0x1, v63  }
0x167: {  	v9 =	vld.idx.msk [tilespmem:v32+s2+$0x0], $0xffff;
	_ =	sdelay $0x1  }
0x168: {  	v6 =	vld.idx.msk [tilespmem:v33+s2+$0x0], $0xffff  }
0x169: {  	v13 =	vunpack.i.l.bf16.f32 v8  }
0x16a: {  	v40 =	vor.u32 $0x2, v5;
	v11 =	vld.idx.msk [tilespmem:v34+s2+$0x0], $0xffff;
	v8 =	vunpack.i.u.bf16.f32 v8;
	v13 =	vmul.f32 v13, v10  }
0x16b: {  	v41 =	vor.u32 $0x3, v5;
	v35 =	vunpack.i.l.bf16.f32 v9;
	v8 =	vmul.f32 v8, v10  }
0x16c: {  	v9 =	vunpack.i.u.bf16.f32 v9;
	v15 =	vmul.f32 v35, v21;
	v13 =	vadd.f32 $0.0e+00, v13  }
0x16d: {  	v36 =	vunpack.i.l.bf16.f32 v6;
	v9 =	vmul.f32 v9, v21;
	v8 =	vadd.f32 $0.0e+00, v8  }
0x16e: {  	v6 =	vunpack.i.u.bf16.f32 v6;
	v37 =	vmul.f32 v36, v2;
	v13 =	vadd.f32 v15, v13  }
0x16f: {  	v39 =	vunpack.i.l.bf16.f32 v11;
	v6 =	vmul.f32 v6, v2;
	v8 =	vadd.f32 v9, v8  }
0x170: {  	v11 =	vunpack.i.u.bf16.f32 v11;
	v38 =	vadd.f32 v37, v13;
	v13 =	vmul.f32 v39, v4  }
0x171: {  	v43 =	vor.u32 $0x2, v1;
	v42 =	vmul.f32 v11, v4;
	v6 =	vadd.f32 v6, v8  }
0x172: {  	v9 =	vadd.f32 v13, v38  }
0x173: {  	v44 =	vor.u32 $0x2, v3;
	v6 =	vadd.f32 v42, v6  }
0x174: {  	[tilespmem:v40+s19+$0x0] =	vst.idx.msk $0xffff, v9  }
0x175: {  	v45 =	vor.u32 $0x2, v7;
	[tilespmem:v41+s19+$0x0] =	vst.idx.msk $0xffff, v6  }
0x176: {  	v9 =	vld.idx.msk [tilespmem:v43+s2+$0x0], $0xffff  }
0x177: {  	v46 =	vor.u32 $0x2, v63  }
0x178: {  	v8 =	vld.idx.msk [tilespmem:v44+s2+$0x0], $0xffff;
	_ =	sdelay $0x1  }
0x179: {  	v6 =	vld.idx.msk [tilespmem:v45+s2+$0x0], $0xffff  }
0x17a: {  	v47 =	vunpack.i.l.bf16.f32 v9  }
0x17b: {  	v53 =	vor.u32 $0x4, v5;
	v11 =	vld.idx.msk [tilespmem:v46+s2+$0x0], $0xffff;
	v9 =	vunpack.i.u.bf16.f32 v9;
	v13 =	vmul.f32 v47, v10  }
0x17c: {  	v54 =	vor.u32 $0x5, v5;
	v48 =	vunpack.i.l.bf16.f32 v8;
	v9 =	vmul.f32 v9, v10  }
0x17d: {  	v8 =	vunpack.i.u.bf16.f32 v8;
	v15 =	vmul.f32 v48, v21;
	v13 =	vadd.f32 $0.0e+00, v13  }
0x17e: {  	v49 =	vunpack.i.l.bf16.f32 v6;
	v8 =	vmul.f32 v8, v21;
	v9 =	vadd.f32 $0.0e+00, v9  }
0x17f: {  	v6 =	vunpack.i.u.bf16.f32 v6;
	v50 =	vmul.f32 v49, v2;
	v13 =	vadd.f32 v15, v13  }
0x180: {  	v52 =	vunpack.i.l.bf16.f32 v11;
	v6 =	vmul.f32 v6, v2;
	v8 =	vadd.f32 v8, v9  }
0x181: {  	v11 =	vunpack.i.u.bf16.f32 v11;
	v51 =	vadd.f32 v50, v13;
	v13 =	vmul.f32 v52, v4  }
0x182: {  	v1 =	vor.u32 $0x3, v1;
	v55 =	vmul.f32 v11, v4;
	v6 =	vadd.f32 v6, v8  }
0x183: {  	v3 =	vor.u32 $0x3, v3;
	v9 =	vadd.f32 v13, v51  }
0x184: {  	v56 =	vor.u32 $0x3, v7;
	v6 =	vadd.f32 v55, v6  }
0x185: {  	[tilespmem:v53+s19+$0x0] =	vst.idx.msk $0xffff, v9  }
0x186: {  	[tilespmem:v54+s19+$0x0] =	vst.idx.msk $0xffff, v6  }
0x187: {  	v1 =	vld.idx.msk [tilespmem:v1+s2+$0x0], $0xffff  }
0x188: {  	v57 =	vor.u32 $0x3, v63;
	v3 =	vld.idx.msk [tilespmem:v3+s2+$0x0], $0xffff  }
0x189: {  	v6 =	vld.idx.msk [tilespmem:v56+s2+$0x0], $0xffff;
	_ =	sdelay $0x2  }
0x18a: {  	v58 =	vunpack.i.l.bf16.f32 v1;
	v1 =	vunpack.i.u.bf16.f32 v1  }
0x18b: {  	v7 =	vld.idx.msk [tilespmem:v57+s2+$0x0], $0xffff;
	v59 =	vunpack.i.l.bf16.f32 v3;
	v8 =	vmul.f32 v58, v10;
	v1 =	vmul.f32 v1, v10  }
0x18c: {  	v3 =	vunpack.i.u.bf16.f32 v3;
	v60 =	vunpack.i.l.bf16.f32 v6;
	v9 =	vmul.f32 v59, v21  }
0x18d: {  	v3 =	vmul.f32 v3, v21;
	v8 =	vadd.f32 $0.0e+00, v8;
	v1 =	vadd.f32 $0.0e+00, v1  }
0x18e: {  	v63 =	vor.u32 $0x6, v5;
	v61 =	vmul.f32 v60, v2  }
0x18f: {  	v8 =	vadd.f32 v9, v8;
	v1 =	vadd.f32 v3, v1;
	v3 =	vunpack.i.u.bf16.f32 v6  }
0x190: {  	s26 =	sadd.s32 $0x4, s26;
	v5 =	vor.u32 $0x7, v5;
	v2 =	vmul.f32 v3, v2;
	v3 =	vunpack.i.l.bf16.f32 v7  }
0x191: {  	p0 =	slt.u32 s26, $0x3C;
	v7 =	vunpack.i.u.bf16.f32 v7;
	v62 =	vadd.f32 v61, v8;
	v3 =	vmul.f32 v3, v4  }
.Ltmp0:
0x192: {  	v1 =	vadd.f32 v2, v1;
	v2 =	vmul.f32 v7, v4;
	(pc) =	sbr.rel @p0 .LBB2_3-.Ltmp0, $4  }
0x193: {  	v3 =	vadd.f32 v3, v62  }
0x194: {  	v1 =	vadd.f32 v2, v1  }
0x195: {  	[tilespmem:v63+s19+$0x0] =	vst.idx.msk $0xffff, v3  }
0x196: {  	s28 =	sadd.s32 $0x40, s28;
	s29 =	sadd.s32 $0x40, s29;
	s30 =	sadd.s32 $0x40, s30;
	[tilespmem:v5+s19+$0x0] =	vst.idx.msk $0xffff, v1  }
0x197: {  	s26 =	sadd.s32 s25, s9  }
0x198: {  	[hbm4b:s26+s2] =	stream.linear.scatter [tilespmem:s19], [sflag:$0x2], $0x2000, $0x38;
	[tilespmem:$0x15000] =	vst v63  }
0x199: {  	_ =	swait.ge [sflag:s16], $0x400  }
0x19a: {  	[sflag:s16] =	ssyncset.done $0x0  }
0x19b: {  	p0 =	seq.s32 s23, $0x2B;
	[sflag:s16] =	ssyncadd.s32 $0xFFFFFC00  }
0x19c: {  	s25 =	sadd.s32 @!p0 s25, s10;
	_ =	swait.ge [sflag:s16], $0x400  }
0x19d: {  	s28 =	simm.s32 @!p0 $0x0;
	s25 =	sshrl.u32 @!p0 s25, $0x3;
	[sflag:s16] =	ssyncset.done $0x0  }
0x19e: {  	s29 =	simm.s32 @!p0 $0x10000;
	s26 =	sadd.s32 @!p0 s3, s25;
	[sflag:s16] =	ssyncadd.s32 $0xFFFFFC00  }
0x19f: {  	[tilespmem:s29], [sflag:$0x1] =	stream.linear.gather @!p0 [hbm4b:s26+s28], $0x400, $0x38;
	[tilespmem:$0x15000] =	vst v63  }
0x1a0: {  	p1 =	seq.s32 @!p0 s23, $0x0;
	s25 =	sadd.s32 @!p0 s4, s25;
	s26 =	simm.s32 @!p0 $0x10800  }
0x1a1: {  	[tilespmem:s26], [sflag:$0x1] =	stream.linear.gather @!p0 [hbm4b:s25+s28], $0x400, $0x38;
	[tilespmem:$0x15000] =	vst v63  }
0x1a2: {  	p0 =	por p0, !p1  }
0x1a3: {  	_ =	swait.ge @p0 [sflag:s21], $0x2000  }
0x1a4: {  	s29 =	simm.s32 $0x10C20;
	s25 =	simm.s32 $0xFFFFFFFC;
	[sflag:s21] =	ssyncset.done @p0 $0x0  }
0x1a5: {  	s26 =	simm.s32 $0x0;
	s28 =	simm.s32 $0x10420;
	[sflag:s21] =	ssyncadd.s32 @p0 $0xFFFFE000  }
.LBB2_5:
0x1a6: {  	v1 =	vld [tilespmem:s28+$0xFFFFFFE0]  }
0x1a7: {  	v2 =	vld [tilespmem:s29+$0xFFFFFFE0];
	_ =	sdelay $0x4  }
0x1a8: {  	v1 =	vmul.f32 $6.400000000e+01, v1;
	v2 =	vmul.f32 $6.400000000e+01, v2;
	_ =	sdelay $0x1  }
0x1a9: {  	v1 =	vadd.f32 $6.350000000e+01, v1;
	v2 =	vadd.f32 $6.350000000e+01, v2;
	_ =	sdelay $0x1  }
0x1aa: {  	v3 =	vtrunc.f32 v1;
	v4 =	vtrunc.f32 v2  }
0x1ab: {  	v3 =	vcvt.f32.s32 v3;
	v4 =	vcvt.f32.s32 v4;
	_ =	sdelay $0x1  }
0x1ac: {  	v3 =	vcvt.s32.f32 v3;
	v4 =	vcvt.s32.f32 v4;
	_ =	sdelay $0x1  }
0x1ad: {  	v5 =	vadd.f32 $-1.000000000e+00, v3;
	v6 =	vadd.f32 $-1.000000000e+00, v4  }
0x1ae: {  	vm0 =	vlt.f32 v1, v3;
	vm1 =	vlt.f32 v2, v4  }
0x1af: {  	v3 =	vsel vm0, v5, v3;
	v4 =	vsel vm1, v6, v4  }
0x1b0: {  	v5 =	vsub.f32 v1, v3;
	v1 =	vmul.f32 $1.280000000e+02, v4  }
0x1b1: {  	v22 =	vadd.f32 $1.000000000e+00, v3;
	v7 =	vadd.f32 $1.000000000e+00, v4;
	vm0 =	vgt.f32 v3, $-1.000000000e+00  }
0x1b2: {  	vm12 =	vlt.f32 v3, $1.280000000e+02;
	vm2 =	vgt.f32 v4, $-1.000000000e+00;
	vm3 =	vlt.f32 v4, $1.280000000e+02  }
0x1b3: {  	v2 =	vsub.f32 v2, v4;
	vm0 =	vmand vm0, vm12;
	v8 =	vadd.f32 v1, v3  }
0x1b4: {  	vm2 =	vmand vm2, vm3;
	vm13 =	vgt.f32 v22, $-1.000000000e+00;
	v1 =	vadd.f32 v1, v22  }
0x1b5: {  	v9 =	vmul.f32 $1.280000000e+02, v7;
	vm14 =	vlt.f32 v22, $1.280000000e+02;
	v8 =	vtrunc.f32 v8  }
0x1b6: {  	vm4 =	vmand vm0, vm2;
	vm15 =	vgt.f32 v7, $-1.000000000e+00;
	v8 =	vcvt.f32.s32 v8  }
0x1b7: {  	vm5 =	vlt.f32 v7, $1.280000000e+02;
	v1 =	vtrunc.f32 v1;
	v3 =	vadd.f32 v9, v3  }
0x1b8: {  	vm1 =	vmand vm13, vm14;
	v10 =	vcvt.f32.s32 v1;
	v8 =	vshll.u32 v8, $0x2  }
0x1b9: {  	v25 =	vadd.f32 v9, v22;
	v3 =	vtrunc.f32 v3;
	v1 =	vnsel vm4, $0x0, v8  }
0x1ba: {  	vm2 =	vmand vm1, vm2;
	v23 =	vshll.u32 v10, $0x2;
	v3 =	vcvt.f32.s32 v3  }
0x1bb: {  	vm3 =	vmand vm15, vm5;
	v4 =	vtrunc.f32 v25;
	v24 =	vnsel vm2, $0x0, v23  }
0x1bc: {  	vm0 =	vmand vm0, vm3;
	v4 =	vcvt.f32.s32 v4;
	v3 =	vshll.u32 v3, $0x2  }
0x1bd: {  	v26 =	vsub.f32 $1.000000000e+00, v5;
	v3 =	vnsel vm0, $0x0, v3  }
0x1be: {  	vm1 =	vmand vm1, vm3;
	v4 =	vshll.u32 v4, $0x2;
	v28 =	vld.idx.msk [tilespmem:v1+s2+$0x0], $0xffff  }
0x1bf: {  	v27 =	vsub.f32 $1.000000000e+00, v2;
	v6 =	vmul.f32 v26, v2;
	v4 =	vnsel vm1, $0x0, v4  }
0x1c0: {  	v2 =	vmul.f32 v2, v5;
	v11 =	vld.idx.msk [tilespmem:v24+s2+$0x0], $0xffff  }
0x1c1: {  	v30 =	vmov s26;
	v29 =	vmul.f32 v27, v26;
	v6 =	vnsel vm0, $0x0, v6  }
0x1c2: {  	v2 =	vnsel vm1, $0x0, v2;
	v8 =	vmul.f32 v27, v5;
	v5 =	vshll.u32 v30, $0x3;
	v13 =	vld.idx.msk [tilespmem:v3+s2+$0x0], $0xffff  }
0x1c3: {  	v10 =	vnsel vm4, $0x0, v29;
	v5 =	vor.u32 v0, v5;
	v12 =	vunpack.i.l.bf16.f32 v28  }
0x1c4: {  	v8 =	vnsel vm2, $0x0, v8;
	v15 =	vld.idx.msk [tilespmem:v4+s2+$0x0], $0xffff;
	v9 =	vunpack.i.u.bf16.f32 v28;
	v12 =	vmul.f32 v10, v12  }
0x1c5: {  	v35 =	vor.u32 $0x1, v5;
	v14 =	vunpack.i.l.bf16.f32 v11;
	v9 =	vmul.f32 v10, v9  }
0x1c6: {  	v11 =	vunpack.i.u.bf16.f32 v11;
	v14 =	vmul.f32 v8, v14;
	v12 =	vadd.f32 $0.0e+00, v12  }
0x1c7: {  	v11 =	vmul.f32 v8, v11;
	v31 =	vunpack.i.l.bf16.f32 v13;
	v9 =	vadd.f32 $0.0e+00, v9  }
0x1c8: {  	v32 =	vunpack.i.u.bf16.f32 v13;
	v12 =	vadd.f32 v12, v14;
	v14 =	vmul.f32 v6, v31  }
0x1c9: {  	v33 =	vunpack.i.l.bf16.f32 v15;
	v9 =	vadd.f32 v9, v11;
	v11 =	vmul.f32 v6, v32  }
0x1ca: {  	v34 =	vunpack.i.u.bf16.f32 v15;
	v13 =	vmul.f32 v33, v2;
	v12 =	vadd.f32 v12, v14  }
0x1cb: {  	v37 =	vor.u32 $0x1, v1;
	v36 =	vmul.f32 v34, v2;
	v9 =	vadd.f32 v9, v11  }
0x1cc: {  	v12 =	vadd.f32 v12, v13  }
0x1cd: {  	v38 =	vor.u32 $0x1, v24;
	v9 =	vadd.f32 v9, v36  }
0x1ce: {  	[tilespmem:v5+s20+$0x0] =	vst.idx.msk $0xffff, v12  }
0x1cf: {  	v39 =	vor.u32 $0x1, v3;
	[tilespmem:v35+s20+$0x0] =	vst.idx.msk $0xffff, v9  }
0x1d0: {  	v12 =	vld.idx.msk [tilespmem:v37+s2+$0x0], $0xffff  }
0x1d1: {  	v40 =	vor.u32 $0x1, v4  }
0x1d2: {  	v11 =	vld.idx.msk [tilespmem:v38+s2+$0x0], $0xffff;
	_ =	sdelay $0x1  }
0x1d3: {  	v9 =	vld.idx.msk [tilespmem:v39+s2+$0x0], $0xffff  }
0x1d4: {  	v14 =	vunpack.i.l.bf16.f32 v12  }
0x1d5: {  	v45 =	vor.u32 $0x2, v5;
	v13 =	vld.idx.msk [tilespmem:v40+s2+$0x0], $0xffff;
	v12 =	vunpack.i.u.bf16.f32 v12;
	v14 =	vmul.f32 v14, v10  }
0x1d6: {  	v46 =	vor.u32 $0x3, v5;
	v41 =	vunpack.i.l.bf16.f32 v11;
	v12 =	vmul.f32 v12, v10  }
0x1d7: {  	v11 =	vunpack.i.u.bf16.f32 v11;
	v15 =	vmul.f32 v41, v8;
	v14 =	vadd.f32 $0.0e+00, v14  }
0x1d8: {  	v16 =	vunpack.i.l.bf16.f32 v9;
	v11 =	vmul.f32 v11, v8;
	v12 =	vadd.f32 $0.0e+00, v12  }
0x1d9: {  	v9 =	vunpack.i.u.bf16.f32 v9;
	v42 =	vmul.f32 v16, v6;
	v14 =	vadd.f32 v15, v14  }
0x1da: {  	v44 =	vunpack.i.l.bf16.f32 v13;
	v9 =	vmul.f32 v9, v6;
	v11 =	vadd.f32 v11, v12  }
0x1db: {  	v13 =	vunpack.i.u.bf16.f32 v13;
	v43 =	vadd.f32 v42, v14;
	v14 =	vmul.f32 v44, v2  }
0x1dc: {  	v48 =	vor.u32 $0x2, v1;
	v47 =	vmul.f32 v13, v2;
	v9 =	vadd.f32 v9, v11  }
0x1dd: {  	v12 =	vadd.f32 v14, v43  }
0x1de: {  	v49 =	vor.u32 $0x2, v24;
	v9 =	vadd.f32 v47, v9  }
0x1df: {  	[tilespmem:v45+s20+$0x0] =	vst.idx.msk $0xffff, v12  }
0x1e0: {  	v50 =	vor.u32 $0x2, v3;
	[tilespmem:v46+s20+$0x0] =	vst.idx.msk $0xffff, v9  }
0x1e1: {  	v12 =	vld.idx.msk [tilespmem:v48+s2+$0x0], $0xffff  }
0x1e2: {  	v51 =	vor.u32 $0x2, v4  }
0x1e3: {  	v11 =	vld.idx.msk [tilespmem:v49+s2+$0x0], $0xffff;
	_ =	sdelay $0x1  }
0x1e4: {  	v9 =	vld.idx.msk [tilespmem:v50+s2+$0x0], $0xffff  }
0x1e5: {  	v52 =	vunpack.i.l.bf16.f32 v12  }
0x1e6: {  	v58 =	vor.u32 $0x4, v5;
	v13 =	vld.idx.msk [tilespmem:v51+s2+$0x0], $0xffff;
	v12 =	vunpack.i.u.bf16.f32 v12;
	v14 =	vmul.f32 v52, v10  }
0x1e7: {  	v59 =	vor.u32 $0x5, v5;
	v53 =	vunpack.i.l.bf16.f32 v11;
	v12 =	vmul.f32 v12, v10  }
0x1e8: {  	v11 =	vunpack.i.u.bf16.f32 v11;
	v15 =	vmul.f32 v53, v8;
	v14 =	vadd.f32 $0.0e+00, v14  }
0x1e9: {  	v54 =	vunpack.i.l.bf16.f32 v9;
	v11 =	vmul.f32 v11, v8;
	v12 =	vadd.f32 $0.0e+00, v12  }
0x1ea: {  	v9 =	vunpack.i.u.bf16.f32 v9;
	v55 =	vmul.f32 v54, v6;
	v14 =	vadd.f32 v15, v14  }
0x1eb: {  	v57 =	vunpack.i.l.bf16.f32 v13;
	v9 =	vmul.f32 v9, v6;
	v11 =	vadd.f32 v11, v12  }
0x1ec: {  	v13 =	vunpack.i.u.bf16.f32 v13;
	v56 =	vadd.f32 v55, v14;
	v14 =	vmul.f32 v57, v2  }
0x1ed: {  	v1 =	vor.u32 $0x3, v1;
	v60 =	vmul.f32 v13, v2;
	v9 =	vadd.f32 v9, v11  }
0x1ee: {  	v12 =	vadd.f32 v14, v56  }
0x1ef: {  	v7 =	vor.u32 $0x3, v24;
	v9 =	vadd.f32 v60, v9  }
0x1f0: {  	[tilespmem:v58+s20+$0x0] =	vst.idx.msk $0xffff, v12  }
0x1f1: {  	v3 =	vor.u32 $0x3, v3;
	[tilespmem:v59+s20+$0x0] =	vst.idx.msk $0xffff, v9  }
0x1f2: {  	v1 =	vld.idx.msk [tilespmem:v1+s2+$0x0], $0xffff  }
0x1f3: {  	v4 =	vor.u32 $0x3, v4  }
0x1f4: {  	v7 =	vld.idx.msk [tilespmem:v7+s2+$0x0], $0xffff;
	_ =	sdelay $0x1  }
0x1f5: {  	v3 =	vld.idx.msk [tilespmem:v3+s2+$0x0], $0xffff  }
0x1f6: {  	v61 =	vunpack.i.l.bf16.f32 v1  }
0x1f7: {  	v15 =	vor.u32 $0x6, v5;
	v4 =	vld.idx.msk [tilespmem:v4+s2+$0x0], $0xffff;
	v1 =	vunpack.i.u.bf16.f32 v1;
	v9 =	vmul.f32 v61, v10  }
0x1f8: {  	v5 =	vor.u32 $0x7, v5;
	v62 =	vunpack.i.l.bf16.f32 v7;
	v1 =	vmul.f32 v1, v10  }
0x1f9: {  	v7 =	vunpack.i.u.bf16.f32 v7;
	v10 =	vmul.f32 v62, v8;
	v9 =	vadd.f32 $0.0e+00, v9  }
0x1fa: {  	v63 =	vunpack.i.l.bf16.f32 v3;
	v7 =	vmul.f32 v7, v8;
	v1 =	vadd.f32 $0.0e+00, v1  }
0x1fb: {  	v3 =	vunpack.i.u.bf16.f32 v3;
	v12 =	vmul.f32 v63, v6;
	v9 =	vadd.f32 v10, v9  }
0x1fc: {  	v14 =	vunpack.i.l.bf16.f32 v4;
	v3 =	vmul.f32 v3, v6;
	v1 =	vadd.f32 v7, v1  }
0x1fd: {  	v4 =	vunpack.i.u.bf16.f32 v4;
	v6 =	vmul.f32 v14, v2;
	v13 =	vadd.f32 v12, v9  }
0x1fe: {  	v2 =	vmul.f32 v4, v2;
	v1 =	vadd.f32 v3, v1  }
0x1ff: {  	v3 =	vadd.f32 v6, v13  }
0x200: {  	v1 =	vadd.f32 v2, v1  }
0x201: {  	[tilespmem:v15+s20+$0x0] =	vst.idx.msk $0xffff, v3  }
0x202: {  	[tilespmem:v5+s20+$0x0] =	vst.idx.msk $0xffff, v1  }
0x203: {  	v1 =	vld [tilespmem:s28+$0xFFFFFFF0]  }
0x204: {  	v2 =	vld [tilespmem:s29+$0xFFFFFFF0];
	_ =	sdelay $0x4  }
0x205: {  	v1 =	vmul.f32 $6.400000000e+01, v1;
	v2 =	vmul.f32 $6.400000000e+01, v2;
	_ =	sdelay $0x1  }
0x206: {  	v16 =	vadd.f32 $6.350000000e+01, v1;
	v2 =	vadd.f32 $6.350000000e+01, v2;
	_ =	sdelay $0x1  }
0x207: {  	v1 =	vtrunc.f32 v16;
	v3 =	vtrunc.f32 v2  }
0x208: {  	v1 =	vcvt.f32.s32 v1;
	v3 =	vcvt.f32.s32 v3;
	_ =	sdelay $0x1  }
0x209: {  	v1 =	vcvt.s32.f32 v1;
	v3 =	vcvt.s32.f32 v3;
	_ =	sdelay $0x1  }
0x20a: {  	v17 =	vadd.f32 $-1.000000000e+00, v1;
	v18 =	vadd.f32 $-1.000000000e+00, v3  }
0x20b: {  	vm6 =	vlt.f32 v16, v1;
	vm7 =	vlt.f32 v2, v3  }
0x20c: {  	v5 =	vsel vm6, v17, v1;
	v6 =	vsel vm7, v18, v3  }
0x20d: {  	v19 =	vadd.f32 $1.000000000e+00, v5;
	v1 =	vmul.f32 $1.280000000e+02, v6  }
0x20e: {  	v3 =	vadd.f32 $1.000000000e+00, v6;
	vm0 =	vgt.f32 v5, $-1.000000000e+00;
	vm8 =	vlt.f32 v5, $1.280000000e+02  }
0x20f: {  	vm11 =	vgt.f32 v6, $-1.000000000e+00;
	vm12 =	vlt.f32 v6, $1.280000000e+02;
	v4 =	vsub.f32 v16, v5  }
0x210: {  	v6 =	vsub.f32 v2, v6;
	vm0 =	vmand vm0, vm8;
	vm13 =	vmand vm11, vm12  }
0x211: {  	vm9 =	vgt.f32 v19, $-1.000000000e+00;
	v20 =	vadd.f32 v1, v5;
	vm10 =	vlt.f32 v19, $1.280000000e+02  }
0x212: {  	v21 =	vmul.f32 $1.280000000e+02, v3;
	v1 =	vadd.f32 v1, v19;
	vm14 =	vgt.f32 v3, $-1.000000000e+00  }
0x213: {  	vm4 =	vmand vm0, vm13;
	vm15 =	vlt.f32 v3, $1.280000000e+02;
	v8 =	vtrunc.f32 v20  }
0x214: {  	vm1 =	vmand vm9, vm10;
	v22 =	vadd.f32 v21, v5;
	v8 =	vcvt.f32.s32 v8  }
0x215: {  	vm3 =	vmand vm14, vm15;
	v1 =	vtrunc.f32 v1;
	v7 =	vadd.f32 v21, v19  }
0x216: {  	v23 =	vcvt.f32.s32 v1;
	v3 =	vtrunc.f32 v22;
	v8 =	vshll.u32 v8, $0x2  }
0x217: {  	v2 =	vtrunc.f32 v7;
	v10 =	vcvt.f32.s32 v3;
	v1 =	vnsel vm4, $0x0, v8  }
0x218: {  	vm2 =	vmand vm1, vm13;
	v24 =	vshll.u32 v23, $0x2;
	v2 =	vcvt.f32.s32 v2  }
0x219: {  	vm0 =	vmand vm0, vm3;
	v3 =	vnsel vm2, $0x0, v24;
	v25 =	vshll.u32 v10, $0x2  }
0x21a: {  	vm1 =	vmand vm1, vm3;
	v2 =	vshll.u32 v2, $0x2;
	v5 =	vnsel vm0, $0x0, v25  }
0x21b: {  	v31 =	vnsel vm1, $0x0, v2  }
0x21c: {  	v27 =	vsub.f32 $1.000000000e+00, v4;
	v28 =	vsub.f32 $1.000000000e+00, v6;
	v26 =	vld.idx.msk [tilespmem:v1+s2+$0x0], $0xffff;
	_ =	sdelay $0x1  }
0x21d: {  	v30 =	vmul.f32 v28, v27;
	v29 =	vld.idx.msk [tilespmem:v3+s2+$0x0], $0xffff  }
0x21e: {  	s30 =	sadd.s32 $0x10, s26;
	v9 =	vmul.f32 v28, v4;
	v4 =	vmul.f32 v6, v4;
	v32 =	vld.idx.msk [tilespmem:v5+s2+$0x0], $0xffff  }
0x21f: {  	v38 =	vmov s30;
	v11 =	vnsel vm4, $0x0, v30;
	v2 =	vmul.f32 v27, v6;
	v36 =	vld.idx.msk [tilespmem:v31+s2+$0x0], $0xffff  }
0x220: {  	v9 =	vnsel vm2, $0x0, v9;
	v4 =	vnsel vm1, $0x0, v4;
	v33 =	vunpack.i.l.bf16.f32 v26  }
0x221: {  	v2 =	vnsel vm0, $0x0, v2;
	v7 =	vunpack.i.u.bf16.f32 v26;
	v13 =	vmul.f32 v11, v33  }
0x222: {  	v35 =	vunpack.i.l.bf16.f32 v29;
	v10 =	vunpack.i.u.bf16.f32 v29;
	v34 =	vmul.f32 v11, v7  }
0x223: {  	v7 =	vmul.f32 v9, v35;
	v10 =	vmul.f32 v9, v10;
	v13 =	vadd.f32 $0.0e+00, v13  }
0x224: {  	v37 =	vunpack.i.l.bf16.f32 v32;
	v8 =	vunpack.i.u.bf16.f32 v32;
	v40 =	vunpack.i.l.bf16.f32 v36  }
0x225: {  	v6 =	vadd.f32 $0.0e+00, v34;
	v7 =	vadd.f32 v13, v7;
	v13 =	vshll.u32 v38, $0x3  }
0x226: {  	v14 =	vunpack.i.u.bf16.f32 v36;
	v15 =	vmul.f32 v2, v37;
	v39 =	vor.u32 v0, v13  }
0x227: {  	v8 =	vmul.f32 v2, v8;
	v6 =	vadd.f32 v6, v10;
	v10 =	vand.u32 $0x7FFFFEF8, v39  }
0x228: {  	v13 =	vmul.f32 v40, v4;
	v7 =	vadd.f32 v7, v15;
	v41 =	vor.u32 $0x1, v10  }
0x229: {  	v43 =	vor.u32 $0x1, v1;
	v42 =	vmul.f32 v14, v4;
	v6 =	vadd.f32 v6, v8  }
0x22a: {  	v7 =	vadd.f32 v7, v13  }
0x22b: {  	v44 =	vor.u32 $0x1, v3;
	v6 =	vadd.f32 v6, v42  }
0x22c: {  	[tilespmem:v10+s20+$0x0] =	vst.idx.msk $0xffff, v7  }
0x22d: {  	v45 =	vor.u32 $0x1, v5;
	[tilespmem:v41+s20+$0x0] =	vst.idx.msk $0xffff, v6  }
0x22e: {  	v7 =	vld.idx.msk [tilespmem:v43+s2+$0x0], $0xffff  }
0x22f: {  	v46 =	vor.u32 $0x1, v31  }
0x230: {  	v8 =	vld.idx.msk [tilespmem:v44+s2+$0x0], $0xffff;
	_ =	sdelay $0x1  }
0x231: {  	v6 =	vld.idx.msk [tilespmem:v45+s2+$0x0], $0xffff  }
0x232: {  	v14 =	vunpack.i.l.bf16.f32 v7  }
0x233: {  	v52 =	vor.u32 $0x2, v10;
	v13 =	vld.idx.msk [tilespmem:v46+s2+$0x0], $0xffff;
	v7 =	vunpack.i.u.bf16.f32 v7;
	v14 =	vmul.f32 v14, v11  }
0x234: {  	v53 =	vor.u32 $0x3, v10;
	v47 =	vunpack.i.l.bf16.f32 v8;
	v7 =	vmul.f32 v7, v11  }
0x235: {  	v8 =	vunpack.i.u.bf16.f32 v8;
	v15 =	vmul.f32 v47, v9;
	v14 =	vadd.f32 $0.0e+00, v14  }
0x236: {  	v48 =	vunpack.i.l.bf16.f32 v6;
	v8 =	vmul.f32 v8, v9;
	v7 =	vadd.f32 $0.0e+00, v7  }
0x237: {  	v6 =	vunpack.i.u.bf16.f32 v6;
	v49 =	vmul.f32 v48, v2;
	v14 =	vadd.f32 v15, v14  }
0x238: {  	v51 =	vunpack.i.l.bf16.f32 v13;
	v6 =	vmul.f32 v6, v2;
	v7 =	vadd.f32 v8, v7  }
0x239: {  	v13 =	vunpack.i.u.bf16.f32 v13;
	v50 =	vadd.f32 v49, v14;
	v14 =	vmul.f32 v51, v4  }
0x23a: {  	v55 =	vor.u32 $0x2, v1;
	v54 =	vmul.f32 v13, v4;
	v6 =	vadd.f32 v6, v7  }
0x23b: {  	v8 =	vadd.f32 v14, v50  }
0x23c: {  	v56 =	vor.u32 $0x2, v3;
	v6 =	vadd.f32 v54, v6  }
0x23d: {  	[tilespmem:v52+s20+$0x0] =	vst.idx.msk $0xffff, v8  }
0x23e: {  	v57 =	vor.u32 $0x2, v5;
	[tilespmem:v53+s20+$0x0] =	vst.idx.msk $0xffff, v6  }
0x23f: {  	v8 =	vld.idx.msk [tilespmem:v55+s2+$0x0], $0xffff  }
0x240: {  	v58 =	vor.u32 $0x2, v31  }
0x241: {  	v7 =	vld.idx.msk [tilespmem:v56+s2+$0x0], $0xffff;
	_ =	sdelay $0x1  }
0x242: {  	v6 =	vld.idx.msk [tilespmem:v57+s2+$0x0], $0xffff  }
0x243: {  	v59 =	vunpack.i.l.bf16.f32 v8  }
0x244: {  	v20 =	vor.u32 $0x4, v10;
	v13 =	vld.idx.msk [tilespmem:v58+s2+$0x0], $0xffff;
	v8 =	vunpack.i.u.bf16.f32 v8;
	v14 =	vmul.f32 v59, v11  }
0x245: {  	v21 =	vor.u32 $0x5, v10;
	v60 =	vunpack.i.l.bf16.f32 v7;
	v8 =	vmul.f32 v8, v11  }
0x246: {  	v7 =	vunpack.i.u.bf16.f32 v7;
	v15 =	vmul.f32 v60, v9;
	v14 =	vadd.f32 $0.0e+00, v14  }
0x247: {  	v61 =	vunpack.i.l.bf16.f32 v6;
	v7 =	vmul.f32 v7, v9;
	v8 =	vadd.f32 $0.0e+00, v8  }
0x248: {  	v6 =	vunpack.i.u.bf16.f32 v6;
	v62 =	vmul.f32 v61, v2;
	v14 =	vadd.f32 v15, v14  }
0x249: {  	v19 =	vunpack.i.l.bf16.f32 v13;
	v6 =	vmul.f32 v6, v2;
	v7 =	vadd.f32 v7, v8  }
0x24a: {  	v13 =	vunpack.i.u.bf16.f32 v13;
	v63 =	vadd.f32 v62, v14;
	v14 =	vmul.f32 v19, v4  }
0x24b: {  	v1 =	vor.u32 $0x3, v1;
	v22 =	vmul.f32 v13, v4;
	v6 =	vadd.f32 v6, v7  }
0x24c: {  	v3 =	vor.u32 $0x3, v3;
	v8 =	vadd.f32 v14, v63  }
0x24d: {  	v5 =	vor.u32 $0x3, v5;
	v6 =	vadd.f32 v22, v6  }
0x24e: {  	[tilespmem:v20+s20+$0x0] =	vst.idx.msk $0xffff, v8  }
0x24f: {  	[tilespmem:v21+s20+$0x0] =	vst.idx.msk $0xffff, v6  }
0x250: {  	v1 =	vld.idx.msk [tilespmem:v1+s2+$0x0], $0xffff  }
0x251: {  	v23 =	vor.u32 $0x3, v31;
	v3 =	vld.idx.msk [tilespmem:v3+s2+$0x0], $0xffff  }
0x252: {  	v5 =	vld.idx.msk [tilespmem:v5+s2+$0x0], $0xffff;
	_ =	sdelay $0x2  }
0x253: {  	v24 =	vunpack.i.l.bf16.f32 v1;
	v1 =	vunpack.i.u.bf16.f32 v1  }
0x254: {  	v6 =	vld.idx.msk [tilespmem:v23+s2+$0x0], $0xffff;
	v25 =	vunpack.i.l.bf16.f32 v3;
	v7 =	vmul.f32 v24, v11;
	v1 =	vmul.f32 v1, v11  }
0x255: {  	v3 =	vunpack.i.u.bf16.f32 v3;
	v26 =	vunpack.i.l.bf16.f32 v5;
	v8 =	vmul.f32 v25, v9  }
0x256: {  	v3 =	vmul.f32 v3, v9;
	v7 =	vadd.f32 $0.0e+00, v7;
	v1 =	vadd.f32 $0.0e+00, v1  }
0x257: {  	v29 =	vor.u32 $0x6, v10;
	v27 =	vmul.f32 v26, v2  }
0x258: {  	v7 =	vadd.f32 v8, v7;
	v1 =	vadd.f32 v3, v1;
	v3 =	vunpack.i.u.bf16.f32 v5  }
0x259: {  	v30 =	vor.u32 $0x7, v10;
	v2 =	vmul.f32 v3, v2;
	v3 =	vunpack.i.l.bf16.f32 v6  }
0x25a: {  	v6 =	vunpack.i.u.bf16.f32 v6;
	v28 =	vadd.f32 v27, v7;
	v3 =	vmul.f32 v3, v4  }
0x25b: {  	v1 =	vadd.f32 v2, v1;
	v2 =	vmul.f32 v6, v4  }
0x25c: {  	v3 =	vadd.f32 v3, v28  }
0x25d: {  	v1 =	vadd.f32 v2, v1  }
0x25e: {  	[tilespmem:v29+s20+$0x0] =	vst.idx.msk $0xffff, v3  }
0x25f: {  	[tilespmem:v30+s20+$0x0] =	vst.idx.msk $0xffff, v1  }
0x260: {  	v1 =	vld [tilespmem:s28+$0x0]  }
0x261: {  	v2 =	vld [tilespmem:s29+$0x0];
	_ =	sdelay $0x4  }
0x262: {  	v1 =	vmul.f32 $6.400000000e+01, v1;
	v2 =	vmul.f32 $6.400000000e+01, v2;
	_ =	sdelay $0x1  }
0x263: {  	v31 =	vadd.f32 $6.350000000e+01, v1;
	v2 =	vadd.f32 $6.350000000e+01, v2;
	_ =	sdelay $0x1  }
0x264: {  	v1 =	vtrunc.f32 v31;
	v3 =	vtrunc.f32 v2  }
0x265: {  	v1 =	vcvt.f32.s32 v1;
	v3 =	vcvt.f32.s32 v3;
	_ =	sdelay $0x1  }
0x266: {  	v1 =	vcvt.s32.f32 v1;
	v3 =	vcvt.s32.f32 v3;
	_ =	sdelay $0x1  }
0x267: {  	v32 =	vadd.f32 $-1.000000000e+00, v1;
	v33 =	vadd.f32 $-1.000000000e+00, v3  }
0x268: {  	vm6 =	vlt.f32 v31, v1;
	vm7 =	vlt.f32 v2, v3  }
0x269: {  	v5 =	vsel vm6, v32, v1;
	v6 =	vsel vm7, v33, v3  }
0x26a: {  	v34 =	vadd.f32 $1.000000000e+00, v5;
	v1 =	vmul.f32 $1.280000000e+02, v6  }
0x26b: {  	v3 =	vadd.f32 $1.000000000e+00, v6;
	vm0 =	vgt.f32 v5, $-1.000000000e+00;
	vm8 =	vlt.f32 v5, $1.280000000e+02  }
0x26c: {  	vm11 =	vgt.f32 v6, $-1.000000000e+00;
	vm12 =	vlt.f32 v6, $1.280000000e+02;
	v4 =	vsub.f32 v31, v5  }
0x26d: {  	v6 =	vsub.f32 v2, v6;
	vm0 =	vmand vm0, vm8;
	vm13 =	vmand vm11, vm12  }
0x26e: {  	vm9 =	vgt.f32 v34, $-1.000000000e+00;
	v35 =	vadd.f32 v1, v5;
	vm10 =	vlt.f32 v34, $1.280000000e+02  }
0x26f: {  	v36 =	vmul.f32 $1.280000000e+02, v3;
	v1 =	vadd.f32 v1, v34;
	vm14 =	vgt.f32 v3, $-1.000000000e+00  }
0x270: {  	vm4 =	vmand vm0, vm13;
	vm15 =	vlt.f32 v3, $1.280000000e+02;
	v8 =	vtrunc.f32 v35  }
0x271: {  	vm1 =	vmand vm9, vm10;
	v37 =	vadd.f32 v36, v5;
	v8 =	vcvt.f32.s32 v8  }
0x272: {  	vm3 =	vmand vm14, vm15;
	v1 =	vtrunc.f32 v1;
	v7 =	vadd.f32 v36, v34  }
0x273: {  	v38 =	vcvt.f32.s32 v1;
	v3 =	vtrunc.f32 v37;
	v8 =	vshll.u32 v8, $0x2  }
0x274: {  	v2 =	vtrunc.f32 v7;
	v10 =	vcvt.f32.s32 v3;
	v1 =	vnsel vm4, $0x0, v8  }
0x275: {  	vm2 =	vmand vm1, vm13;
	v39 =	vshll.u32 v38, $0x2;
	v2 =	vcvt.f32.s32 v2  }
0x276: {  	vm0 =	vmand vm0, vm3;
	v3 =	vnsel vm2, $0x0, v39;
	v40 =	vshll.u32 v10, $0x2  }
0x277: {  	vm1 =	vmand vm1, vm3;
	v2 =	vshll.u32 v2, $0x2;
	v5 =	vnsel vm0, $0x0, v40  }
0x278: {  	v46 =	vnsel vm1, $0x0, v2  }
0x279: {  	v42 =	vsub.f32 $1.000000000e+00, v4;
	v43 =	vsub.f32 $1.000000000e+00, v6;
	v41 =	vld.idx.msk [tilespmem:v1+s2+$0x0], $0xffff;
	_ =	sdelay $0x1  }
0x27a: {  	v45 =	vmul.f32 v43, v42;
	v44 =	vld.idx.msk [tilespmem:v3+s2+$0x0], $0xffff  }
0x27b: {  	s31 =	sadd.s32 $0x20, s26;
	v9 =	vmul.f32 v43, v4;
	v4 =	vmul.f32 v6, v4;
	v47 =	vld.idx.msk [tilespmem:v5+s2+$0x0], $0xffff  }
0x27c: {  	v53 =	vmov s31;
	v11 =	vnsel vm4, $0x0, v45;
	v2 =	vmul.f32 v42, v6;
	v51 =	vld.idx.msk [tilespmem:v46+s2+$0x0], $0xffff  }
0x27d: {  	v9 =	vnsel vm2, $0x0, v9;
	v4 =	vnsel vm1, $0x0, v4;
	v48 =	vunpack.i.l.bf16.f32 v41  }
0x27e: {  	v2 =	vnsel vm0, $0x0, v2;
	v7 =	vunpack.i.u.bf16.f32 v41;
	v13 =	vmul.f32 v11, v48  }
0x27f: {  	v50 =	vunpack.i.l.bf16.f32 v44;
	v10 =	vunpack.i.u.bf16.f32 v44;
	v49 =	vmul.f32 v11, v7  }
0x280: {  	v7 =	vmul.f32 v9, v50;
	v10 =	vmul.f32 v9, v10;
	v13 =	vadd.f32 $0.0e+00, v13  }
0x281: {  	v52 =	vunpack.i.l.bf16.f32 v47;
	v8 =	vunpack.i.u.bf16.f32 v47;
	v55 =	vunpack.i.l.bf16.f32 v51  }
0x282: {  	v6 =	vadd.f32 $0.0e+00, v49;
	v7 =	vadd.f32 v13, v7;
	v13 =	vshll.u32 v53, $0x3  }
0x283: {  	v14 =	vunpack.i.u.bf16.f32 v51;
	v15 =	vmul.f32 v2, v52;
	v54 =	vor.u32 v0, v13  }
0x284: {  	v8 =	vmul.f32 v2, v8;
	v6 =	vadd.f32 v6, v10;
	v10 =	vand.u32 $0x7FFFFF78, v54  }
0x285: {  	v13 =	vmul.f32 v55, v4;
	v7 =	vadd.f32 v7, v15;
	v56 =	vor.u32 $0x1, v10  }
0x286: {  	v58 =	vor.u32 $0x1, v1;
	v57 =	vmul.f32 v14, v4;
	v6 =	vadd.f32 v6, v8  }
0x287: {  	v7 =	vadd.f32 v7, v13  }
0x288: {  	v59 =	vor.u32 $0x1, v3;
	v6 =	vadd.f32 v6, v57  }
0x289: {  	[tilespmem:v10+s20+$0x0] =	vst.idx.msk $0xffff, v7  }
0x28a: {  	v60 =	vor.u32 $0x1, v5;
	[tilespmem:v56+s20+$0x0] =	vst.idx.msk $0xffff, v6  }
0x28b: {  	v7 =	vld.idx.msk [tilespmem:v58+s2+$0x0], $0xffff  }
0x28c: {  	v61 =	vor.u32 $0x1, v46  }
0x28d: {  	v8 =	vld.idx.msk [tilespmem:v59+s2+$0x0], $0xffff;
	_ =	sdelay $0x1  }
0x28e: {  	v6 =	vld.idx.msk [tilespmem:v60+s2+$0x0], $0xffff  }
0x28f: {  	v14 =	vunpack.i.l.bf16.f32 v7  }
0x290: {  	v23 =	vor.u32 $0x2, v10;
	v13 =	vld.idx.msk [tilespmem:v61+s2+$0x0], $0xffff;
	v7 =	vunpack.i.u.bf16.f32 v7;
	v14 =	vmul.f32 v14, v11  }
0x291: {  	v24 =	vor.u32 $0x3, v10;
	v62 =	vunpack.i.l.bf16.f32 v8;
	v7 =	vmul.f32 v7, v11  }
0x292: {  	v8 =	vunpack.i.u.bf16.f32 v8;
	v15 =	vmul.f32 v62, v9;
	v14 =	vadd.f32 $0.0e+00, v14  }
0x293: {  	v63 =	vunpack.i.l.bf16.f32 v6;
	v8 =	vmul.f32 v8, v9;
	v7 =	vadd.f32 $0.0e+00, v7  }
0x294: {  	v6 =	vunpack.i.u.bf16.f32 v6;
	v20 =	vmul.f32 v63, v2;
	v14 =	vadd.f32 v15, v14  }
0x295: {  	v22 =	vunpack.i.l.bf16.f32 v13;
	v6 =	vmul.f32 v6, v2;
	v7 =	vadd.f32 v8, v7  }
0x296: {  	v13 =	vunpack.i.u.bf16.f32 v13;
	v21 =	vadd.f32 v20, v14;
	v14 =	vmul.f32 v22, v4  }
0x297: {  	v26 =	vor.u32 $0x2, v1;
	v25 =	vmul.f32 v13, v4;
	v6 =	vadd.f32 v6, v7  }
0x298: {  	v8 =	vadd.f32 v14, v21  }
0x299: {  	v27 =	vor.u32 $0x2, v3;
	v6 =	vadd.f32 v25, v6  }
0x29a: {  	[tilespmem:v23+s20+$0x0] =	vst.idx.msk $0xffff, v8  }
0x29b: {  	v28 =	vor.u32 $0x2, v5;
	[tilespmem:v24+s20+$0x0] =	vst.idx.msk $0xffff, v6  }
0x29c: {  	v8 =	vld.idx.msk [tilespmem:v26+s2+$0x0], $0xffff  }
0x29d: {  	v29 =	vor.u32 $0x2, v46  }
0x29e: {  	v7 =	vld.idx.msk [tilespmem:v27+s2+$0x0], $0xffff;
	_ =	sdelay $0x1  }
0x29f: {  	v6 =	vld.idx.msk [tilespmem:v28+s2+$0x0], $0xffff  }
0x2a0: {  	v30 =	vunpack.i.l.bf16.f32 v8  }
0x2a1: {  	v36 =	vor.u32 $0x4, v10;
	v13 =	vld.idx.msk [tilespmem:v29+s2+$0x0], $0xffff;
	v8 =	vunpack.i.u.bf16.f32 v8;
	v14 =	vmul.f32 v30, v11  }
0x2a2: {  	v37 =	vor.u32 $0x5, v10;
	v31 =	vunpack.i.l.bf16.f32 v7;
	v8 =	vmul.f32 v8, v11  }
0x2a3: {  	v7 =	vunpack.i.u.bf16.f32 v7;
	v15 =	vmul.f32 v31, v9;
	v14 =	vadd.f32 $0.0e+00, v14  }
0x2a4: {  	v32 =	vunpack.i.l.bf16.f32 v6;
	v7 =	vmul.f32 v7, v9;
	v8 =	vadd.f32 $0.0e+00, v8  }
0x2a5: {  	v6 =	vunpack.i.u.bf16.f32 v6;
	v33 =	vmul.f32 v32, v2;
	v14 =	vadd.f32 v15, v14  }
0x2a6: {  	v35 =	vunpack.i.l.bf16.f32 v13;
	v6 =	vmul.f32 v6, v2;
	v7 =	vadd.f32 v7, v8  }
0x2a7: {  	v13 =	vunpack.i.u.bf16.f32 v13;
	v34 =	vadd.f32 v33, v14;
	v14 =	vmul.f32 v35, v4  }
0x2a8: {  	v1 =	vor.u32 $0x3, v1;
	v38 =	vmul.f32 v13, v4;
	v6 =	vadd.f32 v6, v7  }
0x2a9: {  	v3 =	vor.u32 $0x3, v3;
	v8 =	vadd.f32 v14, v34  }
0x2aa: {  	v5 =	vor.u32 $0x3, v5;
	v6 =	vadd.f32 v38, v6  }
0x2ab: {  	[tilespmem:v36+s20+$0x0] =	vst.idx.msk $0xffff, v8  }
0x2ac: {  	[tilespmem:v37+s20+$0x0] =	vst.idx.msk $0xffff, v6  }
0x2ad: {  	v1 =	vld.idx.msk [tilespmem:v1+s2+$0x0], $0xffff  }
0x2ae: {  	v39 =	vor.u32 $0x3, v46;
	v3 =	vld.idx.msk [tilespmem:v3+s2+$0x0], $0xffff  }
0x2af: {  	v5 =	vld.idx.msk [tilespmem:v5+s2+$0x0], $0xffff;
	_ =	sdelay $0x2  }
0x2b0: {  	v40 =	vunpack.i.l.bf16.f32 v1;
	v1 =	vunpack.i.u.bf16.f32 v1  }
0x2b1: {  	v6 =	vld.idx.msk [tilespmem:v39+s2+$0x0], $0xffff;
	v41 =	vunpack.i.l.bf16.f32 v3;
	v7 =	vmul.f32 v40, v11;
	v1 =	vmul.f32 v1, v11  }
0x2b2: {  	v3 =	vunpack.i.u.bf16.f32 v3;
	v42 =	vunpack.i.l.bf16.f32 v5;
	v8 =	vmul.f32 v41, v9  }
0x2b3: {  	v3 =	vmul.f32 v3, v9;
	v7 =	vadd.f32 $0.0e+00, v7;
	v1 =	vadd.f32 $0.0e+00, v1  }
0x2b4: {  	v45 =	vor.u32 $0x6, v10;
	v43 =	vmul.f32 v42, v2  }
0x2b5: {  	v7 =	vadd.f32 v8, v7;
	v1 =	vadd.f32 v3, v1;
	v3 =	vunpack.i.u.bf16.f32 v5  }
0x2b6: {  	v46 =	vor.u32 $0x7, v10;
	v2 =	vmul.f32 v3, v2;
	v3 =	vunpack.i.l.bf16.f32 v6  }
0x2b7: {  	v6 =	vunpack.i.u.bf16.f32 v6;
	v44 =	vadd.f32 v43, v7;
	v3 =	vmul.f32 v3, v4  }
0x2b8: {  	v1 =	vadd.f32 v2, v1;
	v2 =	vmul.f32 v6, v4  }
0x2b9: {  	v3 =	vadd.f32 v3, v44  }
0x2ba: {  	v1 =	vadd.f32 v2, v1  }
0x2bb: {  	[tilespmem:v45+s20+$0x0] =	vst.idx.msk $0xffff, v3  }
0x2bc: {  	[tilespmem:v46+s20+$0x0] =	vst.idx.msk $0xffff, v1  }
0x2bd: {  	v1 =	vld [tilespmem:s28+$0x10]  }
0x2be: {  	v2 =	vld [tilespmem:s29+$0x10];
	_ =	sdelay $0x4  }
0x2bf: {  	v1 =	vmul.f32 $6.400000000e+01, v1;
	v2 =	vmul.f32 $6.400000000e+01, v2;
	_ =	sdelay $0x1  }
0x2c0: {  	v1 =	vadd.f32 $6.350000000e+01, v1;
	v2 =	vadd.f32 $6.350000000e+01, v2;
	_ =	sdelay $0x1  }
0x2c1: {  	v3 =	vtrunc.f32 v1;
	v47 =	vtrunc.f32 v2  }
0x2c2: {  	v3 =	vcvt.f32.s32 v3;
	v4 =	vcvt.f32.s32 v47;
	_ =	sdelay $0x1  }
0x2c3: {  	v3 =	vcvt.s32.f32 v3;
	v4 =	vcvt.s32.f32 v4;
	_ =	sdelay $0x1  }
0x2c4: {  	v48 =	vadd.f32 $-1.000000000e+00, v3;
	v49 =	vadd.f32 $-1.000000000e+00, v4  }
0x2c5: {  	vm6 =	vlt.f32 v1, v3;
	vm7 =	vlt.f32 v2, v4  }
0x2c6: {  	v3 =	vsel vm6, v48, v3;
	v4 =	vsel vm7, v49, v4  }
0x2c7: {  	v5 =	vsub.f32 v1, v3;
	v1 =	vmul.f32 $1.280000000e+02, v4  }
0x2c8: {  	v50 =	vadd.f32 $1.000000000e+00, v3;
	v51 =	vadd.f32 $1.000000000e+00, v4;
	vm0 =	vgt.f32 v3, $-1.000000000e+00  }
0x2c9: {  	vm8 =	vlt.f32 v3, $1.280000000e+02;
	vm10 =	vgt.f32 v4, $-1.000000000e+00;
	vm11 =	vlt.f32 v4, $1.280000000e+02  }
0x2ca: {  	v4 =	vsub.f32 v2, v4;
	vm0 =	vmand vm0, vm8;
	v52 =	vadd.f32 v1, v3  }
0x2cb: {  	vm2 =	vmand vm10, vm11;
	vm9 =	vgt.f32 v50, $-1.000000000e+00;
	v1 =	vadd.f32 v1, v50  }
0x2cc: {  	v53 =	vmul.f32 $1.280000000e+02, v51;
	vm12 =	vlt.f32 v50, $1.280000000e+02;
	v8 =	vtrunc.f32 v52  }
0x2cd: {  	vm13 =	vmand vm0, vm2;
	vm14 =	vgt.f32 v51, $-1.000000000e+00;
	v8 =	vcvt.f32.s32 v8  }
0x2ce: {  	vm15 =	vlt.f32 v51, $1.280000000e+02;
	v1 =	vtrunc.f32 v1;
	v3 =	vadd.f32 v53, v3  }
0x2cf: {  	vm1 =	vmand vm9, vm12;
	v54 =	vcvt.f32.s32 v1;
	v8 =	vshll.u32 v8, $0x2  }
0x2d0: {  	v2 =	vadd.f32 v53, v50;
	v56 =	vtrunc.f32 v3;
	v1 =	vnsel vm13, $0x0, v8  }
0x2d1: {  	vm2 =	vmand vm1, vm2;
	v55 =	vshll.u32 v54, $0x2;
	v57 =	vcvt.f32.s32 v56  }
0x2d2: {  	vm3 =	vmand vm14, vm15;
	v2 =	vtrunc.f32 v2;
	v3 =	vnsel vm2, $0x0, v55  }
0x2d3: {  	vm0 =	vmand vm0, vm3;
	v2 =	vcvt.f32.s32 v2;
	v7 =	vshll.u32 v57, $0x2  }
0x2d4: {  	v58 =	vsub.f32 $1.000000000e+00, v5;
	v59 =	vsub.f32 $1.000000000e+00, v4;
	v7 =	vnsel vm0, $0x0, v7  }
0x2d5: {  	vm1 =	vmand vm1, vm3;
	v2 =	vshll.u32 v2, $0x2;
	v60 =	vld.idx.msk [tilespmem:v1+s2+$0x0], $0xffff  }
0x2d6: {  	v61 =	vmul.f32 v59, v58;
	v63 =	vnsel vm1, $0x0, v2  }
0x2d7: {  	s31 =	sadd.s32 $0x30, s26;
	v6 =	vmul.f32 v58, v4;
	v4 =	vmul.f32 v4, v5;
	v62 =	vld.idx.msk [tilespmem:v3+s2+$0x0], $0xffff  }
0x2d8: {  	v23 =	vmov s31;
	v2 =	vmul.f32 v59, v5  }
0x2d9: {  	v10 =	vnsel vm13, $0x0, v61;
	v4 =	vnsel vm1, $0x0, v4;
	v5 =	vshll.u32 v23, $0x3;
	v20 =	vld.idx.msk [tilespmem:v7+s2+$0x0], $0xffff  }
0x2da: {  	v5 =	vor.u32 v0, v5;
	v21 =	vnsel vm2, $0x0, v2;
	v19 =	vunpack.i.l.bf16.f32 v60  }
0x2db: {  	v2 =	vnsel vm0, $0x0, v6;
	v15 =	vld.idx.msk [tilespmem:v63+s2+$0x0], $0xffff;
	v9 =	vunpack.i.u.bf16.f32 v60;
	v8 =	vmul.f32 v10, v19  }
0x2dc: {  	v29 =	vor.u32 $0x1, v5;
	v22 =	vunpack.i.l.bf16.f32 v62;
	v9 =	vmul.f32 v10, v9  }
0x2dd: {  	v11 =	vunpack.i.u.bf16.f32 v62;
	v6 =	vmul.f32 v21, v22;
	v8 =	vadd.f32 $0.0e+00, v8  }
0x2de: {  	v11 =	vmul.f32 v21, v11;
	v24 =	vunpack.i.l.bf16.f32 v20;
	v9 =	vadd.f32 $0.0e+00, v9  }
0x2df: {  	v25 =	vunpack.i.u.bf16.f32 v20;
	v6 =	vadd.f32 v8, v6;
	v8 =	vmul.f32 v2, v24  }
0x2e0: {  	v27 =	vunpack.i.l.bf16.f32 v15;
	v26 =	vmul.f32 v2, v25;
	v9 =	vadd.f32 v9, v11  }
0x2e1: {  	v28 =	vunpack.i.u.bf16.f32 v15;
	v11 =	vmul.f32 v27, v4;
	v6 =	vadd.f32 v6, v8  }
0x2e2: {  	v31 =	vor.u32 $0x1, v1;
	v30 =	vmul.f32 v28, v4;
	v8 =	vadd.f32 v9, v26  }
0x2e3: {  	v6 =	vadd.f32 v6, v11  }
0x2e4: {  	v32 =	vor.u32 $0x1, v3;
	v8 =	vadd.f32 v8, v30  }
0x2e5: {  	[tilespmem:v5+s20+$0x0] =	vst.idx.msk $0xffff, v6  }
0x2e6: {  	v33 =	vor.u32 $0x1, v7;
	[tilespmem:v29+s20+$0x0] =	vst.idx.msk $0xffff, v8  }
0x2e7: {  	v8 =	vld.idx.msk [tilespmem:v31+s2+$0x0], $0xffff  }
0x2e8: {  	v34 =	vor.u32 $0x1, v63  }
0x2e9: {  	v9 =	vld.idx.msk [tilespmem:v32+s2+$0x0], $0xffff;
	_ =	sdelay $0x1  }
0x2ea: {  	v6 =	vld.idx.msk [tilespmem:v33+s2+$0x0], $0xffff  }
0x2eb: {  	v13 =	vunpack.i.l.bf16.f32 v8  }
0x2ec: {  	v40 =	vor.u32 $0x2, v5;
	v11 =	vld.idx.msk [tilespmem:v34+s2+$0x0], $0xffff;
	v8 =	vunpack.i.u.bf16.f32 v8;
	v13 =	vmul.f32 v13, v10  }
0x2ed: {  	v41 =	vor.u32 $0x3, v5;
	v35 =	vunpack.i.l.bf16.f32 v9;
	v8 =	vmul.f32 v8, v10  }
0x2ee: {  	v9 =	vunpack.i.u.bf16.f32 v9;
	v15 =	vmul.f32 v35, v21;
	v13 =	vadd.f32 $0.0e+00, v13  }
0x2ef: {  	v36 =	vunpack.i.l.bf16.f32 v6;
	v9 =	vmul.f32 v9, v21;
	v8 =	vadd.f32 $0.0e+00, v8  }
0x2f0: {  	v6 =	vunpack.i.u.bf16.f32 v6;
	v37 =	vmul.f32 v36, v2;
	v13 =	vadd.f32 v15, v13  }
0x2f1: {  	v39 =	vunpack.i.l.bf16.f32 v11;
	v6 =	vmul.f32 v6, v2;
	v8 =	vadd.f32 v9, v8  }
0x2f2: {  	v11 =	vunpack.i.u.bf16.f32 v11;
	v38 =	vadd.f32 v37, v13;
	v13 =	vmul.f32 v39, v4  }
0x2f3: {  	v43 =	vor.u32 $0x2, v1;
	v42 =	vmul.f32 v11, v4;
	v6 =	vadd.f32 v6, v8  }
0x2f4: {  	v9 =	vadd.f32 v13, v38  }
0x2f5: {  	v44 =	vor.u32 $0x2, v3;
	v6 =	vadd.f32 v42, v6  }
0x2f6: {  	[tilespmem:v40+s20+$0x0] =	vst.idx.msk $0xffff, v9  }
0x2f7: {  	v45 =	vor.u32 $0x2, v7;
	[tilespmem:v41+s20+$0x0] =	vst.idx.msk $0xffff, v6  }
0x2f8: {  	v9 =	vld.idx.msk [tilespmem:v43+s2+$0x0], $0xffff  }
0x2f9: {  	v46 =	vor.u32 $0x2, v63  }
0x2fa: {  	v8 =	vld.idx.msk [tilespmem:v44+s2+$0x0], $0xffff;
	_ =	sdelay $0x1  }
0x2fb: {  	v6 =	vld.idx.msk [tilespmem:v45+s2+$0x0], $0xffff  }
0x2fc: {  	v47 =	vunpack.i.l.bf16.f32 v9  }
0x2fd: {  	v53 =	vor.u32 $0x4, v5;
	v11 =	vld.idx.msk [tilespmem:v46+s2+$0x0], $0xffff;
	v9 =	vunpack.i.u.bf16.f32 v9;
	v13 =	vmul.f32 v47, v10  }
0x2fe: {  	v54 =	vor.u32 $0x5, v5;
	v48 =	vunpack.i.l.bf16.f32 v8;
	v9 =	vmul.f32 v9, v10  }
0x2ff: {  	v8 =	vunpack.i.u.bf16.f32 v8;
	v15 =	vmul.f32 v48, v21;
	v13 =	vadd.f32 $0.0e+00, v13  }
0x300: {  	v49 =	vunpack.i.l.bf16.f32 v6;
	v8 =	vmul.f32 v8, v21;
	v9 =	vadd.f32 $0.0e+00, v9  }
0x301: {  	v6 =	vunpack.i.u.bf16.f32 v6;
	v50 =	vmul.f32 v49, v2;
	v13 =	vadd.f32 v15, v13  }
0x302: {  	v52 =	vunpack.i.l.bf16.f32 v11;
	v6 =	vmul.f32 v6, v2;
	v8 =	vadd.f32 v8, v9  }
0x303: {  	v11 =	vunpack.i.u.bf16.f32 v11;
	v51 =	vadd.f32 v50, v13;
	v13 =	vmul.f32 v52, v4  }
0x304: {  	v1 =	vor.u32 $0x3, v1;
	v55 =	vmul.f32 v11, v4;
	v6 =	vadd.f32 v6, v8  }
0x305: {  	v3 =	vor.u32 $0x3, v3;
	v9 =	vadd.f32 v13, v51  }
0x306: {  	v56 =	vor.u32 $0x3, v7;
	v6 =	vadd.f32 v55, v6  }
0x307: {  	[tilespmem:v53+s20+$0x0] =	vst.idx.msk $0xffff, v9  }
0x308: {  	[tilespmem:v54+s20+$0x0] =	vst.idx.msk $0xffff, v6  }
0x309: {  	v1 =	vld.idx.msk [tilespmem:v1+s2+$0x0], $0xffff  }
0x30a: {  	v57 =	vor.u32 $0x3, v63;
	v3 =	vld.idx.msk [tilespmem:v3+s2+$0x0], $0xffff  }
0x30b: {  	v6 =	vld.idx.msk [tilespmem:v56+s2+$0x0], $0xffff;
	_ =	sdelay $0x2  }
0x30c: {  	v58 =	vunpack.i.l.bf16.f32 v1;
	v1 =	vunpack.i.u.bf16.f32 v1  }
0x30d: {  	v7 =	vld.idx.msk [tilespmem:v57+s2+$0x0], $0xffff;
	v59 =	vunpack.i.l.bf16.f32 v3;
	v8 =	vmul.f32 v58, v10;
	v1 =	vmul.f32 v1, v10  }
0x30e: {  	v3 =	vunpack.i.u.bf16.f32 v3;
	v60 =	vunpack.i.l.bf16.f32 v6;
	v9 =	vmul.f32 v59, v21  }
0x30f: {  	v3 =	vmul.f32 v3, v21;
	v8 =	vadd.f32 $0.0e+00, v8;
	v1 =	vadd.f32 $0.0e+00, v1  }
0x310: {  	v63 =	vor.u32 $0x6, v5;
	v61 =	vmul.f32 v60, v2  }
0x311: {  	v8 =	vadd.f32 v9, v8;
	v1 =	vadd.f32 v3, v1;
	v3 =	vunpack.i.u.bf16.f32 v6  }
0x312: {  	s25 =	sadd.s32 $0x4, s25;
	v5 =	vor.u32 $0x7, v5;
	v2 =	vmul.f32 v3, v2;
	v3 =	vunpack.i.l.bf16.f32 v7  }
0x313: {  	p0 =	slt.u32 s25, $0x3C;
	v7 =	vunpack.i.u.bf16.f32 v7;
	v62 =	vadd.f32 v61, v8;
	v3 =	vmul.f32 v3, v4  }
.Ltmp1:
0x314: {  	v1 =	vadd.f32 v2, v1;
	v2 =	vmul.f32 v7, v4;
	(pc) =	sbr.rel @p0 .LBB2_5-.Ltmp1, $4  }
0x315: {  	v3 =	vadd.f32 v3, v62  }
0x316: {  	v1 =	vadd.f32 v2, v1  }
0x317: {  	[tilespmem:v63+s20+$0x0] =	vst.idx.msk $0xffff, v3  }
0x318: {  	s26 =	sadd.s32 $0x40, s26;
	s28 =	sadd.s32 $0x40, s28;
	s29 =	sadd.s32 $0x40, s29;
	[tilespmem:v5+s20+$0x0] =	vst.idx.msk $0xffff, v1  }
0x319: {  	s23 =	sadd.s32 $0x1, s23  }
0x31a: {  	p0 =	sne.s32 s23, $0x2C  }
.Ltmp2:
0x31b: {  	_ = 	snop;
	(pc) =	sbr.rel @p0 .LBB2_2-.Ltmp2, $3  }
0x31c: {  	_ =	sdelay $0x1  }
0x31d: {  	s24 =	sadd.s32 s24, s11  }
0x31e: {  	[hbm4b:s24+s2] =	stream.linear.scatter [tilespmem:s20], [sflag:$0x2], $0x2000, $0x38;
	[tilespmem:$0x15000] =	vst v63  }
0x31f: {  	s22 =	sadd.s32 $0x1, s22  }
0x320: {  	_ =	swait.ge [sflag:s21], $0x2000;
	p0 =	sne.s32 s22, s12  }
.Ltmp3:
0x321: {  	[sflag:s21] =	ssyncset.done $0x0;
	(pc) =	sbr.rel @p0 .LBB2_1-.Ltmp3, $4  }
0x322: {  	[sflag:s21] =	ssyncadd.s32 $0xFFFFE000  }
0x323: {  	_ =	swait.ge [sflag:s21], $0x2000  }
0x324: {  	[sflag:s21] =	ssyncset.done $0x0  }
0x325: {  	[sflag:s21] =	ssyncadd.s32 $0xFFFFE000  }
0x326: {  	_ =	sfence.sel $0x180000  }
0x327: {  	[bflag:$0x0] =	sbarrier.arrive $0xFFFF  }
0x328: {  	p0 =	sne.s32 s1, $0x0;
	_ =	strace $0x90000047  }
0x329: {  	s0 =	sadd.s32 @!p0 $0x100000, s0;
	[bflag:$0x2] =	sbarrier.arrive $0xFFFF  }
0x32a: {  	[sflag:s0] =	ssyncadd.tile.s32 @!p0 $0x1;
	_ =	shalt  }
.Lfunc_end2:
_tile_overlayer_lowered:
.L_overlay_start_2:
0x32b: {  	(tag) =	ssettag $0x2  }
0x32c: {  	s0 =	rddreg [dreg:$0x0];
	s2 =	stileid.u32  }
0x32d: {  	s1 =	rddreg [dreg:$0x1];
	p0 =	sne.s32 s2, $0x0  }
0x32e: {  	s3 =	rddreg [dreg:$0x2];
	[bflag:$0x3] =	sbarrier.arrive $0xFFFF;
	s2 =	simm.s32 @!p0 $0x1C03  }
0x32f: {  	[timem:s3], [sflag:s2] =	dma.local @!p0 [hbm:s0], s1  }
0x330: {  	s0 =	simm.s32 @!p0 $0x3  }
0x331: {  	_ =	swait.ge @!p0 [sflag:s0], s1  }
0x332: {  	s1 =	ssub.s32 @!p0 $0x0, s1;
	[sflag:s0] =	ssyncset.done @!p0 $0x0  }
0x333: {  	[sflag:s0] =	ssyncadd.s32 @!p0 s1  }
0x334: {  	[bflag:$0x3] =	sbarrier.arrive $0xFFFF  }
0x335: {  	_ =	shalt  }

// kernel: kernel.7.cloned.1.call-start
scs
__scs_entry_jumppad:
0x0: {  	(pc) =	sbr.rel $0x88, $3  }
0x1: {  	(tag) =	ssettag $0x0;
	lr =	simm.s32 $0x1  }
0x2: {  	[smem:$0x3F9F] =	sst lr;
	_ =	strace $0xD0000000  }
0x3: {  	_ = 	snop  }
0x4: {  	_ = 	snop  }
0x5: {  	_ = 	snop  }
0x6: {  	_ = 	snop  }
0x7: {  	_ = 	snop  }
__scs_overlays_trampoline_lowered:
0x8: {  	[smem:$0x3FAE] =	sst s0  }
0x9: {  	[smem:$0x3FAF] =	sst s1  }
0xa: {  	[smem:$0x3FB0] =	sst s2  }
0xb: {  	[smem:$0x3FB1] =	sst s3  }
0xc: {  	[smem:$0x3FB2] =	sst s4  }
0xd: {  	[smem:$0x3FB3] =	sst s5  }
0xe: {  	[smem:$0x3FB4] =	sst s6  }
0xf: {  	[smem:$0x3FB5] =	sst s7  }
0x10: {  	[smem:$0x3FB6] =	sst s8  }
0x11: {  	[smem:$0x3FB7] =	sst s9;
	s0 =	simm.s32 @!p0 $0x0  }
0x12: {  	s1 =	sld [smem:$0x3F9D];
	s0 =	simm.s32 @p0 $0x1  }
0x13: {  	[smem:$0x3FB8] =	sst s0;
	s0 =	simm.s32 @!p1 $0x0  }
0x14: {  	s2 =	sld [smem:$0x3F9C];
	s0 =	simm.s32 @p1 $0x1  }
0x15: {  	[smem:$0x3FB9] =	sst s0;
	s0 =	simm.s32 @!p2 $0x0  }
0x16: {  	s3 =	sld [smem:$0x3FDB];
	s0 =	simm.s32 @p2 $0x1  }
0x17: {  	s4 =	simm.s32 $0x1BF5;
	[smem:$0x3FBB] =	sst s0  }
0x18: {  	s0 =	sld [smem:$0x3F9E];
	_ =	swait.ge [sflag:s4], $0x0  }
0x19: {  	s7 =	sld [smem:$0x3F9F]  }
0x1a: {  	s8 =	sadd.s32 $0xFFFFE003, lr  }
0x1b: {  	s9 =	sadd.s32 $0xFFFFFEF7, lr;
	s5 =	simm.s32 $0xFFFFFFFF;
	p2 =	slt.u32 s8, $0xFFFFF086  }
0x1c: {  	p1 =	slt.u32 s9, $0xF7A;
	s5 =	simm.s32 @!p2 $0x0  }
0x1d: {  	s5 =	simm.s32 @p1 $0x1;
	p0 =	seq.s32 s7, s2  }
0x1e: {  	s7 =	smul.u32 @!p0 $0xF7A, s2;
	p2 =	seq.s32 @!p0 s5, $0x0  }
0x1f: {  	s9 =	smul.u32 $0xF7A, s1;
	s8 =	simm.s32 @!p0 $0x1BF5;
	p2 =	por !p2, p0  }
0x20: {  	[sflag:s8] =	ssyncset.s32 @!p0 $0xFFFFF086;
	s6 =	sadd.s32 @!p0 s3, s7;
	s7 =	simm.s32 @!p0 $0x108  }
0x21: {  	s3 =	sadd.s32 s3, s9;
	s6 =	sadd.s32 @!p0 $0x88, s6;
	s7 =	simm.s32 @p2 $0x1082  }
0x22: {  	[simem:s7], [sflag:s8] =	dma.local @!p0 [hbm:s6], $0xF7A  }
0x23: {  	s9 =	sor.u32 $0xD0000000, s2;
	s6 =	simm.s32 $0x108;
	_ =	swait.ge @!p0 [sflag:s8], $0x0  }
0x24: {  	s3 =	sadd.s32 $0x88, s3;
	s6 =	simm.s32 @!p1 $0x1082;
	[sflag:s4] =	ssyncset.s32 $0xFFFFF086  }
0x25: {  	[simem:s6], [sflag:s4] =	dma.local [hbm:s3], $0xF7A  }
0x26: {  	[smem:$0x3F9F] =	sst s1;
	(tag) =	ssettag s2;
	_ =	strace s9  }
0x27: {  	s1 =	sld [smem:$0x3FAF]  }
0x28: {  	s2 =	sld [smem:$0x3FB0]  }
0x29: {  	s4 =	sld [smem:$0x3FB2]  }
0x2a: {  	p0 =	seq.s32 s5, $0x0;
	s5 =	sld [smem:$0x3FB3]  }
0x2b: {  	s6 =	sld [smem:$0x3FB4]  }
0x2c: {  	s7 =	sld [smem:$0x3FB5]  }
0x2d: {  	s3 =	simm.s32 $0x108;
	s8 =	sld [smem:$0x3FB6]  }
0x2e: {  	s3 =	simm.s32 @!p0 $0x1082;
	s9 =	sld [smem:$0x3FB7]  }
0x2f: {  	lr =	sadd.s32 s0, s3;
	s0 =	sld [smem:$0x3FAE]  }
0x30: {  	s3 =	sld [smem:$0x3FB1]  }
0x31: {  	[smem:$0x3FBA] =	sst s10  }
0x32: {  	s10 =	sld [smem:$0x3FB8];
	_ =	sdelay $0x3  }
0x33: {  	p0 =	seq.s32 s10, $0x1;
	s10 =	sld [smem:$0x3FBA];
	_ =	sdelay $0x3  }
0x34: {  	[smem:$0x3FBA] =	sst s10  }
0x35: {  	s10 =	sld [smem:$0x3FB9];
	_ =	sdelay $0x3  }
0x36: {  	p1 =	seq.s32 s10, $0x1;
	s10 =	sld [smem:$0x3FBA];
	_ =	sdelay $0x3  }
0x37: {  	[smem:$0x3FBA] =	sst s10  }
0x38: {  	s10 =	sld [smem:$0x3FBB]  }
0x39: {  	_ = 	snop;
	(pc) =	sbr.ind lr, $3  }
0x3a: {  	_ = 	snop  }
0x3b: {  	_ = 	snop  }
0x3c: {  	p2 =	seq.s32 s10, $0x1;
	s10 =	sld [smem:$0x3FBA]  }
0x3d: {  	_ =	shalt  }
0x3e: {  	_ =	shalt  }
0x3f: {  	_ =	shalt  }
0x40: {  	_ =	shalt  }
0x41: {  	_ =	shalt  }
0x42: {  	_ =	shalt  }
0x43: {  	_ =	shalt  }
0x44: {  	_ =	shalt  }
0x45: {  	_ =	shalt  }
0x46: {  	_ =	shalt  }
0x47: {  	_ =	shalt  }
0x48: {  	_ =	shalt  }
0x49: {  	_ =	shalt  }
0x4a: {  	_ =	shalt  }
0x4b: {  	_ =	shalt  }
0x4c: {  	_ =	shalt  }
0x4d: {  	_ =	shalt  }
0x4e: {  	_ =	shalt  }
0x4f: {  	_ =	shalt  }
0x50: {  	_ =	shalt  }
0x51: {  	_ =	shalt  }
0x52: {  	_ =	shalt  }
0x53: {  	_ =	shalt  }
0x54: {  	_ =	shalt  }
0x55: {  	_ =	shalt  }
0x56: {  	_ =	shalt  }
0x57: {  	_ =	shalt  }
0x58: {  	_ =	shalt  }
0x59: {  	_ =	shalt  }
0x5a: {  	_ =	shalt  }
0x5b: {  	_ =	shalt  }
0x5c: {  	_ =	shalt  }
0x5d: {  	_ =	shalt  }
0x5e: {  	_ =	shalt  }
0x5f: {  	_ =	shalt  }
0x60: {  	_ =	shalt  }
0x61: {  	_ =	shalt  }
0x62: {  	_ =	shalt  }
0x63: {  	_ =	shalt  }
0x64: {  	_ =	shalt  }
0x65: {  	_ =	shalt  }
0x66: {  	_ =	shalt  }
0x67: {  	_ =	shalt  }
0x68: {  	_ =	shalt  }
0x69: {  	_ =	shalt  }
0x6a: {  	_ =	shalt  }
0x6b: {  	_ =	shalt  }
0x6c: {  	_ =	shalt  }
0x6d: {  	_ =	shalt  }
0x6e: {  	_ =	shalt  }
0x6f: {  	_ =	shalt  }
0x70: {  	_ =	shalt  }
0x71: {  	_ =	shalt  }
0x72: {  	_ =	shalt  }
0x73: {  	_ =	shalt  }
0x74: {  	_ =	shalt  }
0x75: {  	_ =	shalt  }
0x76: {  	_ =	shalt  }
0x77: {  	_ =	shalt  }
0x78: {  	_ =	shalt  }
0x79: {  	_ =	shalt  }
0x7a: {  	_ =	shalt  }
0x7b: {  	_ =	shalt  }
0x7c: {  	_ =	shalt  }
0x7d: {  	_ =	shalt  }
0x7e: {  	_ =	shalt  }
0x7f: {  	_ =	shalt  }
0x80: {  	_ =	shalt  }
0x81: {  	_ =	shalt  }
0x82: {  	_ =	shalt  }
0x83: {  	_ =	shalt  }
0x84: {  	_ =	shalt  }
0x85: {  	_ =	shalt  }
0x86: {  	_ =	shalt  }
0x87: {  	_ =	shalt  }
.Lfunc_end0:
.L_simem_size_0:
called_computation.2_lowered:
.L_overlay_start_0:
0x88: {  	s2 =	sld [smem:$0x3FD9]  }
0x89: {  	s3 =	sld [smem:$0x3FFE];
	_ =	sdelay $0x1  }
0x8a: {  	s1 =	srdreg.scid  }
0x8b: {  	s0 =	sand.u32 $0x1, s1  }
0x8c: {  	s17 =	sshll.u32 s0, $0xA;
	s2 =	sadd.s32 s3, s2  }
0x8d: {  	s2 =	sadd.s32 s2, s17  }
0x8e: {  	[smem:$0x3FC6] =	sst s2  }
0x8f: {  	_ = 	snop  }
0x90: {  	s2 =	sld [smem:$0x3FD0];
	(tm) =	ssettm $0x1  }
0x91: {  	s18 =	sld [smem:$0x3FFB];
	_ =	sdelay $0x3  }
0x92: {  	_ =	strace s18  }
0x93: {  	s3 =	sld [smem:$0x3FFC];
	_ =	sdelay $0x3  }
0x94: {  	_ =	strace s3  }
0x95: {  	s3 =	sld [smem:$0x3FFD];
	_ =	sdelay $0x3  }
0x96: {  	_ =	strace s3  }
0x97: {  	_ =	strace $0x8FFFFFFF  }
0x98: {  	s19 =	sld [smem:$0x3FDB];
	_ =	sdelay $0x1  }
0x99: {  	s4 =	simm.s32 $_scs_section_size  }
0x9a: {  	s5 =	simm.s32 $_size__tile_overlayer_lowered;
	s6 =	simm.s32 $_tile_overlayer_lowered  }
0x9b: {  	s22 =	simm.s32 $0x1BFF;
	s21 =	sshll.u32 s6, $0x1;
	s3 =	sadd.s32 s4, s19  }
0x9c: {  	s7 =	simm.s32 $0x0;
	s20 =	sshll.u32 s5, $0x1;
	s5 =	sadd.s32 s21, s3  }
0x9d: {  	[timem:s7], [sflag:s22] =	dma.local [hbm:s5], s20  }
0x9e: {  	_ =	swait.ge [sflag:s22], s20  }
0x9f: {  	s4 =	ssub.s32 $0x0, s20;
	[sflag:s22] =	ssyncset.done $0x0  }
0xa0: {  	[sflag:s22] =	ssyncadd.s32 s4;
	_ =	sdelay $0x1  }
0xa1: {  	s23 =	simm.s32 $0x1B8B  }
0xa2: {  	_ =	swait.ge [sflag:s23], $0x1  }
0xa3: {  	[sflag:s23] =	ssyncset.done $0x0  }
0xa4: {  	s25 =	simm.s32 $0x1B8E;
	s24 =	sld [smem:$0x3FFE];
	[sflag:s23] =	ssyncadd.s32 $0xFFFFFFFF  }
0xa5: {  	s26 =	simm.s32 $execute0_lowered;
	[smem:$0x3FD2] =	sst s25  }
0xa6: {  	s5 =	sshll.u32 s26, $0x1;
	_ =	strace $0x80000049;
	[dreg:$0x1] =	wrdreg $0xFFFFFFFF  }
0xa7: {  	s28 =	simm.s32 $_size_execute0_lowered;
	s3 =	sadd.s32 s3, s5;
	[dreg:$0x0] =	wrdreg $0x0  }
0xa8: {  	s5 =	sshll.u32 s28, $0x1;
	[dreg:$0x2] =	wrdreg s3  }
0xa9: {  	[dreg:$0x3] =	wrdreg s5  }
0xaa: {  	[dreg:$0x4] =	wrdreg $0xC0  }
0xab: {  	_ =	task [dreg:s7], $0x5FFFF  }
0xac: {  	[dreg:$0x1] =	wrdreg $0xFFFFFFFF  }
0xad: {  	[dreg:$0x0] =	wrdreg $0x60  }
0xae: {  	[dreg:$0x2] =	wrdreg s24  }
0xaf: {  	[dreg:$0x3] =	wrdreg s2  }
0xb0: {  	[dreg:$0x4] =	wrdreg $0x9  }
0xb1: {  	_ =	task.clear_ibuf [dreg:s7], $0x5FFFF;
	_ =	strace $0x90000049  }
0xb2: {  	s29 =	simm.s32 $0x9;
	_ =	strace $0x8000004B  }
0xb3: {  	_ =	swait.ge [sflag:s29], $0x1  }
0xb4: {  	[sflag:s29] =	ssyncadd.s32 $0xFFFFFFFF  }
0xb5: {  	_ =	strace $0x9000004B  }
0xb6: {  	_ =	sfence  }
0xb7: {  	s30 =	sld [smem:$0x0];
	_ =	sdelay $0x2  }
0xb8: {  	s31 =	sshll.u32 s1, $0xD;
	s1 =	sshrl.u32 s1, $0x2  }
0xb9: {  	s3 =	sand.u32 $0x4000, s31;
	s1 =	sadd.s32 s1, s30  }
0xba: {  	s0 =	sor.u32 s3, s0;
	s1 =	sshll.u32 s1, $0x11  }
0xbb: {  	s0 =	sor.u32 s1, s0  }
0xbc: {  	s0 =	sadd.s32 $0x8F2B, s0  }
0xbd: {  	[sflag:s0] =	ssyncadd.remote.s32 $0x1  }
0xbe: {  	_ =	sfence.sel $0xFFFF  }
0xbf: {  	[dreg:$0x0] =	wrdreg $0xFFFFFFFF;
	(pc) =	sbr.abs _section_cstart, $3  }
0xc0: {  	[dreg:$0x1] =	wrdreg $0xFFFFFFFF  }
0xc1: {  	_ =	task.clear_ibuf [dreg:s7], $0x2FFFF;
	_ =	strace $0x9FFFFFFF  }
0xc2: {  	(tm) =	ssettm $0x7FFFFFFF  }
0xc3: {  	_ =	shalt  }
tec
execute0_lowered:
.L_overlay_start_1:
0x0: {  	(tag) =	ssettag $0x1  }
0x1: {  	v0 =	vimm.s32 $0x23222120;
	v1 =	vimm.s32 $0x27262524;
	v2 =	vimm.s32 $0x76543210  }
0x2: {  	s0 =	srdreg.scid;
	s6 =	rddreg [dreg:$0x0];
	v3 =	vimm.s32 $0xFEDCBA98;
	v4 =	vimm.s32 $0x2B2A2928;
	v5 =	vimm.s32 $0x2F2E2D2C  }
0x3: {  	s1 =	stileid.u32;
	s2 =	rddreg [dreg:$0x1];
	v6 =	vimm.s32 $0x13121110;
	v7 =	vimm.s32 $0x17161514;
	v8 =	vimm.s32 $0x3B3A3938  }
0x4: {  	s3 =	simm.s32 $0x0;
	v9 =	vimm.s32 $0x3F3E3D3C;
	v10 =	vimm.s32 $0x1B1A1918;
	s19 =	simm.s32 $0x1;
	s20 =	simm.s32 $0x4000  }
0x5: {  	vm0 =	vcmask $0x1F10;
	v11 =	vimm.s32 $0x1F1E1D1C;
	s21 =	simm.s32 $0x5000;
	s22 =	simm.s32 $0x6000;
	s23 =	simm.s32 $0x7000  }
0x6: {  	s24 =	simm.s32 $0x8000;
	s0 =	sand.u32 $0x1, s0;
	s1 =	sshll.u32 s1, $0x1;
	v0 =	vunpack.c.0.s8.s32 v0;
	v1 =	vunpack.c.0.s8.s32 v1;
	v2 =	vunpack.c.l.s4.s8 v2  }
0x7: {  	s25 =	simm.s32 $0xC000;
	s26 =	simm.s32 $0x2;
	v3 =	vunpack.c.l.s4.s8 v3;
	v4 =	vunpack.c.0.s8.s32 v4;
	v5 =	vunpack.c.0.s8.s32 v5;
	s1 =	sor.u32 s0, s1  }
0x8: {  	s28 =	simm.s32 $0x0;
	s4 =	sadd.s32 $0x35600, s6;
	v6 =	vunpack.c.0.s8.s32 v6;
	v7 =	vunpack.c.0.s8.s32 v7;
	v8 =	vunpack.c.0.s8.s32 v8;
	s5 =	smul.u32 $0x2C000, s1  }
0x9: {  	[smem:$0x7FF] =	sst s3;
	s11 =	sadd.s32 $0xE5600, s6;
	s12 =	sadd.s32 $0x195600, s6;
	v0 =	vsel vm0, v1, v0;
	v1 =	vunpack.c.0.s8.s32 v2;
	v2 =	vunpack.c.0.s8.s32 v3  }
0xa: {  	s13 =	sadd.s32 $0x245600, s6;
	s0 =	ssub.s32 $0x2, s0;
	v3 =	vsel vm0, v5, v4;
	v4 =	vimm.s32 $0x33323130;
	v5 =	vimm.s32 $0x37363534;
	s5 =	sshrl.u32 s5, $0x3  }
0xb: {  	v9 =	vunpack.c.0.s8.s32 v9;
	_ =	strace $0x8000004A;
	s31 =	sshrl.u32 s0, $0x1;
	v4 =	vunpack.c.0.s8.s32 v4;
	v5 =	vunpack.c.0.s8.s32 v5;
	s8 =	sadd.s32 s4, s5  }
0xc: {  	v10 =	vunpack.c.0.s8.s32 v10;
	v11 =	vunpack.c.0.s8.s32 v11;
	s9 =	smul.u32 $0xB0000, s1;
	s0 =	ssub.s32 s0, s31;
	v2 =	vand.u32 $0xF, v2;
	s7 =	sadd.s32 $0xB0000, s8  }
0xd: {  	v0 =	vcombine.low v1, v0;
	s5 =	smul.u32 $0x5800, s1;
	v1 =	vcombine.low v2, v3;
	v2 =	vsel vm0, v5, v4;
	s29 =	sadd.s32 $0x160000, s8;
	[dreg:$0x3] =	wrdreg s7  }
0xe: {  	s15 =	smax.u32 s0, $0x1;
	v3 =	vsel vm0, v7, v6;
	v4 =	vsel vm0, v9, v8;
	v5 =	vsel vm0, v11, v10;
	s30 =	sadd.s32 $0x210000, s8;
	[dreg:$0x4] =	wrdreg s29  }
0xf: {  	v2 =	vcombine.low v3, v2;
	v3 =	vcombine.low v5, v4;
	[dreg:$0x5] =	wrdreg s30;
	s10 =	sor.u32 $0x400, s5;
	s14 =	sadd.s32 s4, s5  }
.LBB2_1:
0x10: {  	[tilespmem:s3], [sflag:$0x1] =	stream.linear.gather [hbm4b:s14+s3], $0x1000, $0x38;
	[tilespmem:$0x10000] =	vst v63  }
0x11: {  	s0 =	rddreg [dreg:$0x3];
	s1 =	simm.s32 $0x1000  }
0x12: {  	[tilespmem:s1], [sflag:$0x1] =	stream.linear.gather [hbm4b:s0+s3], $0x1000, $0x38;
	[tilespmem:$0x10000] =	vst v63  }
0x13: {  	s17 =	rddreg [dreg:$0x4];
	s18 =	simm.s32 $0x2000  }
0x14: {  	[tilespmem:s18], [sflag:$0x1] =	stream.linear.gather [hbm4b:s17+s3], $0x1000, $0x38;
	[tilespmem:$0x10000] =	vst v63  }
0x15: {  	s30 =	rddreg [dreg:$0x5];
	s31 =	simm.s32 $0x3000;
	s29 =	simm.s32 $0x0  }
0x16: {  	[tilespmem:s31], [sflag:$0x1] =	stream.linear.gather [hbm4b:s30+s3], $0x1000, $0x38;
	[tilespmem:$0x10000] =	vst v63  }
.LBB2_2:
0x17: {  	_ =	swait.ge [sflag:s19], $0x1000  }
0x18: {  	[sflag:s19] =	ssyncset.done $0x0  }
0x19: {  	[sflag:s19] =	ssyncadd.s32 $0xFFFFF000  }
0x1a: {  	_ =	swait.ge [sflag:s19], $0x1000  }
0x1b: {  	[sflag:s19] =	ssyncset.done $0x0  }
0x1c: {  	[sflag:s19] =	ssyncadd.s32 $0xFFFFF000  }
0x1d: {  	_ =	swait.ge [sflag:s19], $0x1000  }
0x1e: {  	[sflag:s19] =	ssyncset.done $0x0  }
0x1f: {  	s30 =	sshllo.u32 s29, $0x1;
	[sflag:s19] =	ssyncadd.s32 $0xFFFFF000  }
0x20: {  	s0 =	sshll.u32 s30, $0x9;
	_ =	swait.ge [sflag:s19], $0x1000  }
0x21: {  	s0 =	sadd.s32 s5, s0;
	[sflag:s19] =	ssyncset.done $0x0  }
0x22: {  	s1 =	sadd.s32 s4, s0;
	[sflag:s19] =	ssyncadd.s32 $0xFFFFF000  }
0x23: {  	[tilespmem:s20], [sflag:$0x1] =	stream.linear.gather [hbm4b:s1+s3], $0x1000, $0x38;
	[tilespmem:$0x10000] =	vst v63  }
0x24: {  	s17 =	sadd.s32 s11, s0  }
0x25: {  	[tilespmem:s21], [sflag:$0x1] =	stream.linear.gather [hbm4b:s17+s3], $0x1000, $0x38;
	[tilespmem:$0x10000] =	vst v63  }
0x26: {  	s18 =	sadd.s32 s12, s0  }
0x27: {  	[tilespmem:s22], [sflag:$0x1] =	stream.linear.gather [hbm4b:s18+s3], $0x1000, $0x38;
	[tilespmem:$0x10000] =	vst v63  }
0x28: {  	p0 =	seq.s32 s29, $0x0;
	s0 =	sadd.s32 s13, s0  }
0x29: {  	[tilespmem:s23], [sflag:$0x1] =	stream.linear.gather [hbm4b:s0+s3], $0x1000, $0x38;
	[tilespmem:$0x10000] =	vst v63  }
0x2a: {  	s0 =	simm.s32 @!p0 $0x2  }
0x2b: {  	_ =	swait.ge @!p0 [sflag:s0], $0x4000  }
0x2c: {  	[sflag:s0] =	ssyncset.done @!p0 $0x0  }
0x2d: {  	s31 =	simm.s32 $0x0;
	s1 =	simm.s32 $0x0;
	[sflag:s0] =	ssyncadd.s32 @!p0 $0xFFFFC000  }
0x2e: {  	v5 =	vor.u32 s1, v0;
	v4 =	vld [tilespmem:s31+$0x0];
	_ =	sdelay $0x4  }
0x2f: {  	s0 =	simm.s32 $0x40;
	[tilespmem:v5+s24+$0x0] =	vst.idx.msk $0xffff, v4  }
0x30: {  	v5 =	vor.u32 s0, v0;
	v4 =	vld [tilespmem:s31+$0x10];
	_ =	sdelay $0x4  }
0x31: {  	s16 =	simm.s32 $0x80;
	[tilespmem:v5+s24+$0x0] =	vst.idx.msk $0xffff, v4  }
0x32: {  	v5 =	vor.u32 s16, v0;
	v4 =	vld [tilespmem:s31+$0x20];
	_ =	sdelay $0x4  }
0x33: {  	s17 =	simm.s32 $0xC0;
	[tilespmem:v5+s24+$0x0] =	vst.idx.msk $0xffff, v4  }
0x34: {  	v5 =	vor.u32 s17, v0;
	v4 =	vld [tilespmem:s31+$0x30];
	_ =	sdelay $0x3  }
0x35: {  	s6 =	simm.s32 $0x100;
	s18 =	simm.s32 $0x0  }
.LBB2_3:
0x36: {  	s7 =	sshra.s32 s6, $0x2;
	s18 =	sadd.s32 $0x4, s18;
	[tilespmem:v5+s24+$0x0] =	vst.idx.msk $0xffff, v4  }
0x37: {  	v5 =	vor.u32 s6, v0;
	v4 =	vld [tilespmem:s7+$0x0];
	p0 =	slt.u32 s18, $0xFC;
	_ =	sdelay $0x4  }
0x38: {  	s8 =	sadd.s32 $0x40, s6;
	[tilespmem:v5+s24+$0x0] =	vst.idx.msk $0xffff, v4  }
0x39: {  	v5 =	vor.u32 s8, v0;
	v4 =	vld [tilespmem:s7+$0x10];
	_ =	sdelay $0x4  }
0x3a: {  	s8 =	sadd.s32 $0x80, s6;
	[tilespmem:v5+s24+$0x0] =	vst.idx.msk $0xffff, v4  }
0x3b: {  	v5 =	vor.u32 s8, v0;
	v4 =	vld [tilespmem:s7+$0x20];
	_ =	sdelay $0x4  }
0x3c: {  	s8 =	sadd.s32 $0xC0, s6;
	[tilespmem:v5+s24+$0x0] =	vst.idx.msk $0xffff, v4  }
.Ltmp0:
0x3d: {  	v5 =	vor.u32 s8, v0;
	v4 =	vld [tilespmem:s7+$0x30];
	(pc) =	sbr.rel @p0 .LBB2_3-.Ltmp0, $2  }
0x3e: {  	_ =	sdelay $0x2  }
0x3f: {  	s6 =	sadd.s32 $0x100, s6  }
0x40: {  	_ =	sdelay $0x3  }
0x41: {  	[tilespmem:v5+s24+$0x0] =	vst.idx.msk $0xffff, v4  }
0x42: {  	v5 =	vor.u32 s1, v1;
	v4 =	vld [tilespmem:s31+$0x1000];
	_ =	sdelay $0x4  }
0x43: {  	[tilespmem:v5+s24+$0x0] =	vst.idx.msk $0xffff, v4  }
0x44: {  	v5 =	vor.u32 s0, v1;
	v4 =	vld [tilespmem:s31+$0x1010];
	_ =	sdelay $0x4  }
0x45: {  	[tilespmem:v5+s24+$0x0] =	vst.idx.msk $0xffff, v4  }
0x46: {  	v5 =	vor.u32 s16, v1;
	v4 =	vld [tilespmem:s31+$0x1020];
	_ =	sdelay $0x4  }
0x47: {  	[tilespmem:v5+s24+$0x0] =	vst.idx.msk $0xffff, v4  }
0x48: {  	v5 =	vor.u32 s17, v1;
	v4 =	vld [tilespmem:s31+$0x1030];
	_ =	sdelay $0x3  }
0x49: {  	s0 =	simm.s32 $0x0;
	s16 =	simm.s32 $0x100  }
.LBB2_5:
0x4a: {  	s1 =	sshra.s32 s16, $0x2;
	s0 =	sadd.s32 $0x4, s0;
	[tilespmem:v5+s24+$0x0] =	vst.idx.msk $0xffff, v4  }
0x4b: {  	v5 =	vor.u32 s16, v1;
	v4 =	vld [tilespmem:s1+$0x1000];
	p0 =	slt.u32 s0, $0xFC;
	_ =	sdelay $0x4  }
0x4c: {  	s6 =	sadd.s32 $0x40, s16;
	[tilespmem:v5+s24+$0x0] =	vst.idx.msk $0xffff, v4  }
0x4d: {  	v5 =	vor.u32 s6, v1;
	v4 =	vld [tilespmem:s1+$0x1010];
	_ =	sdelay $0x4  }
0x4e: {  	s6 =	sadd.s32 $0x80, s16;
	[tilespmem:v5+s24+$0x0] =	vst.idx.msk $0xffff, v4  }
0x4f: {  	v5 =	vor.u32 s6, v1;
	v4 =	vld [tilespmem:s1+$0x1020];
	_ =	sdelay $0x4  }
0x50: {  	s6 =	sadd.s32 $0xC0, s16;
	[tilespmem:v5+s24+$0x0] =	vst.idx.msk $0xffff, v4  }
.Ltmp1:
0x51: {  	v5 =	vor.u32 s6, v1;
	v4 =	vld [tilespmem:s1+$0x1030];
	(pc) =	sbr.rel @p0 .LBB2_5-.Ltmp1, $2  }
0x52: {  	_ =	sdelay $0x2  }
0x53: {  	s16 =	sadd.s32 $0x100, s16;
	s1 =	simm.s32 $0x0  }
0x54: {  	_ =	sdelay $0x3  }
0x55: {  	[tilespmem:v5+s24+$0x0] =	vst.idx.msk $0xffff, v4;
	s31 =	simm.s32 $0x0  }
0x56: {  	v5 =	vor.u32 s1, v2;
	v4 =	vld [tilespmem:s31+$0x2000];
	_ =	sdelay $0x4  }
0x57: {  	s0 =	simm.s32 $0x40;
	[tilespmem:v5+s24+$0x0] =	vst.idx.msk $0xffff, v4  }
0x58: {  	v5 =	vor.u32 s0, v2;
	v4 =	vld [tilespmem:s31+$0x2010];
	_ =	sdelay $0x4  }
0x59: {  	s16 =	simm.s32 $0x80;
	[tilespmem:v5+s24+$0x0] =	vst.idx.msk $0xffff, v4  }
0x5a: {  	v5 =	vor.u32 s16, v2;
	v4 =	vld [tilespmem:s31+$0x2020];
	_ =	sdelay $0x4  }
0x5b: {  	s17 =	simm.s32 $0xC0;
	[tilespmem:v5+s24+$0x0] =	vst.idx.msk $0xffff, v4  }
0x5c: {  	v5 =	vor.u32 s17, v2;
	v4 =	vld [tilespmem:s31+$0x2030];
	_ =	sdelay $0x3  }
0x5d: {  	s18 =	simm.s32 $0x0;
	s6 =	simm.s32 $0x100  }
.LBB2_7:
0x5e: {  	s7 =	sshra.s32 s6, $0x2;
	s18 =	sadd.s32 $0x4, s18;
	[tilespmem:v5+s24+$0x0] =	vst.idx.msk $0xffff, v4  }
0x5f: {  	v5 =	vor.u32 s6, v2;
	v4 =	vld [tilespmem:s7+$0x2000];
	p0 =	slt.u32 s18, $0xFC;
	_ =	sdelay $0x4  }
0x60: {  	s8 =	sadd.s32 $0x40, s6;
	[tilespmem:v5+s24+$0x0] =	vst.idx.msk $0xffff, v4  }
0x61: {  	v5 =	vor.u32 s8, v2;
	v4 =	vld [tilespmem:s7+$0x2010];
	_ =	sdelay $0x4  }
0x62: {  	s8 =	sadd.s32 $0x80, s6;
	[tilespmem:v5+s24+$0x0] =	vst.idx.msk $0xffff, v4  }
0x63: {  	v5 =	vor.u32 s8, v2;
	v4 =	vld [tilespmem:s7+$0x2020];
	_ =	sdelay $0x4  }
0x64: {  	s8 =	sadd.s32 $0xC0, s6;
	[tilespmem:v5+s24+$0x0] =	vst.idx.msk $0xffff, v4  }
.Ltmp2:
0x65: {  	v5 =	vor.u32 s8, v2;
	v4 =	vld [tilespmem:s7+$0x2030];
	(pc) =	sbr.rel @p0 .LBB2_7-.Ltmp2, $2  }
0x66: {  	_ =	sdelay $0x2  }
0x67: {  	s6 =	sadd.s32 $0x100, s6  }
0x68: {  	_ =	sdelay $0x3  }
0x69: {  	[tilespmem:v5+s24+$0x0] =	vst.idx.msk $0xffff, v4  }
0x6a: {  	v5 =	vor.u32 s1, v3;
	v4 =	vld [tilespmem:s31+$0x3000];
	_ =	sdelay $0x4  }
0x6b: {  	[tilespmem:v5+s24+$0x0] =	vst.idx.msk $0xffff, v4  }
0x6c: {  	v5 =	vor.u32 s0, v3;
	v4 =	vld [tilespmem:s31+$0x3010];
	_ =	sdelay $0x4  }
0x6d: {  	[tilespmem:v5+s24+$0x0] =	vst.idx.msk $0xffff, v4  }
0x6e: {  	v5 =	vor.u32 s16, v3;
	v4 =	vld [tilespmem:s31+$0x3020];
	_ =	sdelay $0x4  }
0x6f: {  	[tilespmem:v5+s24+$0x0] =	vst.idx.msk $0xffff, v4  }
0x70: {  	v5 =	vor.u32 s17, v3;
	v4 =	vld [tilespmem:s31+$0x3030];
	_ =	sdelay $0x3  }
0x71: {  	s1 =	simm.s32 $0x100;
	s0 =	simm.s32 $0x0  }
.LBB2_9:
0x72: {  	s6 =	sshra.s32 s1, $0x2;
	s0 =	sadd.s32 $0x4, s0;
	[tilespmem:v5+s24+$0x0] =	vst.idx.msk $0xffff, v4  }
0x73: {  	v5 =	vor.u32 s1, v3;
	v4 =	vld [tilespmem:s6+$0x3000];
	p0 =	slt.u32 s0, $0xFC;
	_ =	sdelay $0x4  }
0x74: {  	s7 =	sadd.s32 $0x40, s1;
	[tilespmem:v5+s24+$0x0] =	vst.idx.msk $0xffff, v4  }
0x75: {  	v5 =	vor.u32 s7, v3;
	v4 =	vld [tilespmem:s6+$0x3010];
	_ =	sdelay $0x4  }
0x76: {  	s7 =	sadd.s32 $0x80, s1;
	[tilespmem:v5+s24+$0x0] =	vst.idx.msk $0xffff, v4  }
0x77: {  	v5 =	vor.u32 s7, v3;
	v4 =	vld [tilespmem:s6+$0x3020];
	_ =	sdelay $0x4  }
0x78: {  	s7 =	sadd.s32 $0xC0, s1;
	[tilespmem:v5+s24+$0x0] =	vst.idx.msk $0xffff, v4  }
.Ltmp3:
0x79: {  	v5 =	vor.u32 s7, v3;
	v4 =	vld [tilespmem:s6+$0x3030];
	(pc) =	sbr.rel @p0 .LBB2_9-.Ltmp3, $2  }
0x7a: {  	_ =	sdelay $0x2  }
0x7b: {  	s1 =	sadd.s32 $0x100, s1  }
0x7c: {  	_ = 	snop  }
0x7d: {  	s0 =	sshll.u32 s29, $0xF  }
0x7e: {  	s0 =	sadd.s32 s9, s0  }
0x7f: {  	s0 =	sshrl.u32 s0, $0x3  }
0x80: {  	[tilespmem:v5+s24+$0x0] =	vst.idx.msk $0xffff, v4;
	s0 =	sadd.s32 s2, s0  }
0x81: {  	[hbm4b:s0+s3] =	stream.linear.scatter [tilespmem:s24], [sflag:$0x2], $0x4000, $0x38;
	[tilespmem:$0x10000] =	vst v63  }
0x82: {  	_ =	swait.ge [sflag:s19], $0x1000  }
0x83: {  	[sflag:s19] =	ssyncset.done $0x0  }
0x84: {  	[sflag:s19] =	ssyncadd.s32 $0xFFFFF000  }
0x85: {  	_ =	swait.ge [sflag:s19], $0x1000  }
0x86: {  	[sflag:s19] =	ssyncset.done $0x0  }
0x87: {  	[sflag:s19] =	ssyncadd.s32 $0xFFFFF000  }
0x88: {  	_ =	swait.ge [sflag:s19], $0x1000  }
0x89: {  	[sflag:s19] =	ssyncset.done $0x0  }
0x8a: {  	p0 =	seq.s32 s29, $0x15;
	[sflag:s19] =	ssyncadd.s32 $0xFFFFF000  }
0x8b: {  	s0 =	sshll.u32 @!p0 s29, $0xA;
	_ =	swait.ge [sflag:s19], $0x1000  }
0x8c: {  	s0 =	sadd.s32 @!p0 s0, s10;
	[sflag:s19] =	ssyncset.done $0x0  }
0x8d: {  	s6 =	simm.s32 @!p0 $0x0;
	s1 =	sadd.s32 @!p0 s4, s0;
	[sflag:s19] =	ssyncadd.s32 $0xFFFFF000  }
0x8e: {  	[tilespmem:s6], [sflag:$0x1] =	stream.linear.gather @!p0 [hbm4b:s1+s6], $0x1000, $0x38;
	[tilespmem:$0x10000] =	vst v63  }
0x8f: {  	s7 =	simm.s32 @!p0 $0x1000;
	s1 =	sadd.s32 @!p0 s11, s0  }
0x90: {  	[tilespmem:s7], [sflag:$0x1] =	stream.linear.gather @!p0 [hbm4b:s1+s6], $0x1000, $0x38;
	[tilespmem:$0x10000] =	vst v63  }
0x91: {  	s1 =	sadd.s32 @!p0 s12, s0;
	s7 =	simm.s32 @!p0 $0x2000  }
0x92: {  	[tilespmem:s7], [sflag:$0x1] =	stream.linear.gather @!p0 [hbm4b:s1+s6], $0x1000, $0x38;
	[tilespmem:$0x10000] =	vst v63  }
0x93: {  	p1 =	seq.s32 @!p0 s29, $0x0;
	s0 =	sadd.s32 @!p0 s13, s0;
	s1 =	simm.s32 @!p0 $0x3000  }
0x94: {  	[tilespmem:s1], [sflag:$0x1] =	stream.linear.gather @!p0 [hbm4b:s0+s6], $0x1000, $0x38;
	[tilespmem:$0x10000] =	vst v63  }
0x95: {  	p0 =	por p0, !p1  }
0x96: {  	_ =	swait.ge @p0 [sflag:s26], $0x4000  }
0x97: {  	[sflag:s26] =	ssyncset.done @p0 $0x0  }
0x98: {  	s31 =	simm.s32 $0x0;
	s1 =	simm.s32 $0x0;
	[sflag:s26] =	ssyncadd.s32 @p0 $0xFFFFC000  }
0x99: {  	v5 =	vor.u32 s1, v0;
	v4 =	vld [tilespmem:s31+$0x4000];
	_ =	sdelay $0x4  }
0x9a: {  	s0 =	simm.s32 $0x40;
	[tilespmem:v5+s25+$0x0] =	vst.idx.msk $0xffff, v4  }
0x9b: {  	v5 =	vor.u32 s0, v0;
	v4 =	vld [tilespmem:s31+$0x4010];
	_ =	sdelay $0x4  }
0x9c: {  	s16 =	simm.s32 $0x80;
	[tilespmem:v5+s25+$0x0] =	vst.idx.msk $0xffff, v4  }
0x9d: {  	v5 =	vor.u32 s16, v0;
	v4 =	vld [tilespmem:s31+$0x4020];
	_ =	sdelay $0x4  }
0x9e: {  	s17 =	simm.s32 $0xC0;
	[tilespmem:v5+s25+$0x0] =	vst.idx.msk $0xffff, v4  }
0x9f: {  	v5 =	vor.u32 s17, v0;
	v4 =	vld [tilespmem:s31+$0x4030];
	_ =	sdelay $0x3  }
0xa0: {  	s18 =	simm.s32 $0x0;
	s6 =	simm.s32 $0x100  }
.LBB2_11:
0xa1: {  	s7 =	sshra.s32 s6, $0x2;
	s18 =	sadd.s32 $0x4, s18;
	[tilespmem:v5+s25+$0x0] =	vst.idx.msk $0xffff, v4  }
0xa2: {  	v5 =	vor.u32 s6, v0;
	v4 =	vld [tilespmem:s7+$0x4000];
	p0 =	slt.u32 s18, $0xFC;
	_ =	sdelay $0x4  }
0xa3: {  	s8 =	sadd.s32 $0x40, s6;
	[tilespmem:v5+s25+$0x0] =	vst.idx.msk $0xffff, v4  }
0xa4: {  	v5 =	vor.u32 s8, v0;
	v4 =	vld [tilespmem:s7+$0x4010];
	_ =	sdelay $0x4  }
0xa5: {  	s8 =	sadd.s32 $0x80, s6;
	[tilespmem:v5+s25+$0x0] =	vst.idx.msk $0xffff, v4  }
0xa6: {  	v5 =	vor.u32 s8, v0;
	v4 =	vld [tilespmem:s7+$0x4020];
	_ =	sdelay $0x4  }
0xa7: {  	s8 =	sadd.s32 $0xC0, s6;
	[tilespmem:v5+s25+$0x0] =	vst.idx.msk $0xffff, v4  }
.Ltmp4:
0xa8: {  	v5 =	vor.u32 s8, v0;
	v4 =	vld [tilespmem:s7+$0x4030];
	(pc) =	sbr.rel @p0 .LBB2_11-.Ltmp4, $2  }
0xa9: {  	_ =	sdelay $0x2  }
0xaa: {  	s6 =	sadd.s32 $0x100, s6  }
0xab: {  	_ =	sdelay $0x3  }
0xac: {  	[tilespmem:v5+s25+$0x0] =	vst.idx.msk $0xffff, v4  }
0xad: {  	v5 =	vor.u32 s1, v1;
	v4 =	vld [tilespmem:s31+$0x5000];
	_ =	sdelay $0x4  }
0xae: {  	[tilespmem:v5+s25+$0x0] =	vst.idx.msk $0xffff, v4  }
0xaf: {  	v5 =	vor.u32 s0, v1;
	v4 =	vld [tilespmem:s31+$0x5010];
	_ =	sdelay $0x4  }
0xb0: {  	[tilespmem:v5+s25+$0x0] =	vst.idx.msk $0xffff, v4  }
0xb1: {  	v5 =	vor.u32 s16, v1;
	v4 =	vld [tilespmem:s31+$0x5020];
	_ =	sdelay $0x4  }
0xb2: {  	[tilespmem:v5+s25+$0x0] =	vst.idx.msk $0xffff, v4  }
0xb3: {  	v5 =	vor.u32 s17, v1;
	v4 =	vld [tilespmem:s31+$0x5030];
	_ =	sdelay $0x3  }
0xb4: {  	s0 =	simm.s32 $0x0;
	s16 =	simm.s32 $0x100  }
.LBB2_13:
0xb5: {  	s1 =	sshra.s32 s16, $0x2;
	s0 =	sadd.s32 $0x4, s0;
	[tilespmem:v5+s25+$0x0] =	vst.idx.msk $0xffff, v4  }
0xb6: {  	v5 =	vor.u32 s16, v1;
	v4 =	vld [tilespmem:s1+$0x5000];
	p0 =	slt.u32 s0, $0xFC;
	_ =	sdelay $0x4  }
0xb7: {  	s6 =	sadd.s32 $0x40, s16;
	[tilespmem:v5+s25+$0x0] =	vst.idx.msk $0xffff, v4  }
0xb8: {  	v5 =	vor.u32 s6, v1;
	v4 =	vld [tilespmem:s1+$0x5010];
	_ =	sdelay $0x4  }
0xb9: {  	s6 =	sadd.s32 $0x80, s16;
	[tilespmem:v5+s25+$0x0] =	vst.idx.msk $0xffff, v4  }
0xba: {  	v5 =	vor.u32 s6, v1;
	v4 =	vld [tilespmem:s1+$0x5020];
	_ =	sdelay $0x4  }
0xbb: {  	s6 =	sadd.s32 $0xC0, s16;
	[tilespmem:v5+s25+$0x0] =	vst.idx.msk $0xffff, v4  }
.Ltmp5:
0xbc: {  	v5 =	vor.u32 s6, v1;
	v4 =	vld [tilespmem:s1+$0x5030];
	(pc) =	sbr.rel @p0 .LBB2_13-.Ltmp5, $2  }
0xbd: {  	_ =	sdelay $0x2  }
0xbe: {  	s16 =	sadd.s32 $0x100, s16;
	s1 =	simm.s32 $0x0  }
0xbf: {  	_ =	sdelay $0x3  }
0xc0: {  	[tilespmem:v5+s25+$0x0] =	vst.idx.msk $0xffff, v4;
	s31 =	simm.s32 $0x0  }
0xc1: {  	v5 =	vor.u32 s1, v2;
	v4 =	vld [tilespmem:s31+$0x6000];
	_ =	sdelay $0x4  }
0xc2: {  	s0 =	simm.s32 $0x40;
	[tilespmem:v5+s25+$0x0] =	vst.idx.msk $0xffff, v4  }
0xc3: {  	v5 =	vor.u32 s0, v2;
	v4 =	vld [tilespmem:s31+$0x6010];
	_ =	sdelay $0x4  }
0xc4: {  	s16 =	simm.s32 $0x80;
	[tilespmem:v5+s25+$0x0] =	vst.idx.msk $0xffff, v4  }
0xc5: {  	v5 =	vor.u32 s16, v2;
	v4 =	vld [tilespmem:s31+$0x6020];
	_ =	sdelay $0x4  }
0xc6: {  	s17 =	simm.s32 $0xC0;
	[tilespmem:v5+s25+$0x0] =	vst.idx.msk $0xffff, v4  }
0xc7: {  	v5 =	vor.u32 s17, v2;
	v4 =	vld [tilespmem:s31+$0x6030];
	_ =	sdelay $0x3  }
0xc8: {  	s18 =	simm.s32 $0x0;
	s6 =	simm.s32 $0x100  }
.LBB2_15:
0xc9: {  	s7 =	sshra.s32 s6, $0x2;
	s18 =	sadd.s32 $0x4, s18;
	[tilespmem:v5+s25+$0x0] =	vst.idx.msk $0xffff, v4  }
0xca: {  	v5 =	vor.u32 s6, v2;
	v4 =	vld [tilespmem:s7+$0x6000];
	p0 =	slt.u32 s18, $0xFC;
	_ =	sdelay $0x4  }
0xcb: {  	s8 =	sadd.s32 $0x40, s6;
	[tilespmem:v5+s25+$0x0] =	vst.idx.msk $0xffff, v4  }
0xcc: {  	v5 =	vor.u32 s8, v2;
	v4 =	vld [tilespmem:s7+$0x6010];
	_ =	sdelay $0x4  }
0xcd: {  	s8 =	sadd.s32 $0x80, s6;
	[tilespmem:v5+s25+$0x0] =	vst.idx.msk $0xffff, v4  }
0xce: {  	v5 =	vor.u32 s8, v2;
	v4 =	vld [tilespmem:s7+$0x6020];
	_ =	sdelay $0x4  }
0xcf: {  	s8 =	sadd.s32 $0xC0, s6;
	[tilespmem:v5+s25+$0x0] =	vst.idx.msk $0xffff, v4  }
.Ltmp6:
0xd0: {  	v5 =	vor.u32 s8, v2;
	v4 =	vld [tilespmem:s7+$0x6030];
	(pc) =	sbr.rel @p0 .LBB2_15-.Ltmp6, $2  }
0xd1: {  	_ =	sdelay $0x2  }
0xd2: {  	s6 =	sadd.s32 $0x100, s6  }
0xd3: {  	_ =	sdelay $0x3  }
0xd4: {  	[tilespmem:v5+s25+$0x0] =	vst.idx.msk $0xffff, v4  }
0xd5: {  	v5 =	vor.u32 s1, v3;
	v4 =	vld [tilespmem:s31+$0x7000];
	_ =	sdelay $0x4  }
0xd6: {  	[tilespmem:v5+s25+$0x0] =	vst.idx.msk $0xffff, v4  }
0xd7: {  	v5 =	vor.u32 s0, v3;
	v4 =	vld [tilespmem:s31+$0x7010];
	_ =	sdelay $0x4  }
0xd8: {  	[tilespmem:v5+s25+$0x0] =	vst.idx.msk $0xffff, v4  }
0xd9: {  	v5 =	vor.u32 s16, v3;
	v4 =	vld [tilespmem:s31+$0x7020];
	_ =	sdelay $0x4  }
0xda: {  	[tilespmem:v5+s25+$0x0] =	vst.idx.msk $0xffff, v4  }
0xdb: {  	v5 =	vor.u32 s17, v3;
	v4 =	vld [tilespmem:s31+$0x7030];
	_ =	sdelay $0x3  }
0xdc: {  	s1 =	simm.s32 $0x100;
	s0 =	simm.s32 $0x0  }
.LBB2_17:
0xdd: {  	s6 =	sshra.s32 s1, $0x2;
	s0 =	sadd.s32 $0x4, s0;
	[tilespmem:v5+s25+$0x0] =	vst.idx.msk $0xffff, v4  }
0xde: {  	v5 =	vor.u32 s1, v3;
	v4 =	vld [tilespmem:s6+$0x7000];
	p0 =	slt.u32 s0, $0xFC;
	_ =	sdelay $0x4  }
0xdf: {  	s7 =	sadd.s32 $0x40, s1;
	[tilespmem:v5+s25+$0x0] =	vst.idx.msk $0xffff, v4  }
0xe0: {  	v5 =	vor.u32 s7, v3;
	v4 =	vld [tilespmem:s6+$0x7010];
	_ =	sdelay $0x4  }
0xe1: {  	s7 =	sadd.s32 $0x80, s1;
	[tilespmem:v5+s25+$0x0] =	vst.idx.msk $0xffff, v4  }
0xe2: {  	v5 =	vor.u32 s7, v3;
	v4 =	vld [tilespmem:s6+$0x7020];
	_ =	sdelay $0x4  }
0xe3: {  	s7 =	sadd.s32 $0xC0, s1;
	[tilespmem:v5+s25+$0x0] =	vst.idx.msk $0xffff, v4  }
.Ltmp7:
0xe4: {  	v5 =	vor.u32 s7, v3;
	v4 =	vld [tilespmem:s6+$0x7030];
	(pc) =	sbr.rel @p0 .LBB2_17-.Ltmp7, $2  }
0xe5: {  	_ =	sdelay $0x2  }
0xe6: {  	s1 =	sadd.s32 $0x100, s1  }
0xe7: {  	s29 =	sadd.s32 $0x1, s29  }
0xe8: {  	p0 =	sne.s32 s29, $0x16  }
.Ltmp8:
0xe9: {  	s0 =	sshll.u32 s30, $0xE;
	(pc) =	sbr.rel @p0 .LBB2_2-.Ltmp8, $4  }
0xea: {  	s0 =	sadd.s32 s9, s0  }
0xeb: {  	s0 =	sshrl.u32 s0, $0x3  }
0xec: {  	[tilespmem:v5+s25+$0x0] =	vst.idx.msk $0xffff, v4;
	s0 =	sadd.s32 s2, s0  }
0xed: {  	[hbm4b:s0+s3] =	stream.linear.scatter [tilespmem:s25], [sflag:$0x2], $0x4000, $0x38;
	[tilespmem:$0x10000] =	vst v63  }
0xee: {  	s28 =	sadd.s32 $0x1, s28  }
0xef: {  	_ =	swait.ge [sflag:s26], $0x4000;
	p0 =	sne.s32 s28, s15  }
.Ltmp9:
0xf0: {  	[sflag:s26] =	ssyncset.done $0x0;
	(pc) =	sbr.rel @p0 .LBB2_1-.Ltmp9, $4  }
0xf1: {  	[sflag:s26] =	ssyncadd.s32 $0xFFFFC000  }
0xf2: {  	_ =	swait.ge [sflag:s26], $0x4000  }
0xf3: {  	[sflag:s26] =	ssyncset.done $0x0  }
0xf4: {  	[sflag:s26] =	ssyncadd.s32 $0xFFFFC000  }
0xf5: {  	_ =	sfence.sel $0x180000  }
0xf6: {  	[bflag:$0x0] =	sbarrier.arrive $0xFFFF  }
0xf7: {  	_ =	strace $0x9000004A  }
0xf8: {  	s0 =	stileid.u32;
	[bflag:$0x2] =	sbarrier.arrive $0xFFFF  }
0xf9: {  	p0 =	sne.s32 s0, $0x0;
	s0 =	rddreg [dreg:$0x2]  }
0xfa: {  	s0 =	sadd.s32 @!p0 $0x100000, s0  }
0xfb: {  	[sflag:s0] =	ssyncadd.tile.s32 @!p0 $0x1;
	_ =	shalt  }
.Lfunc_end2:
_tile_overlayer_lowered:
.L_overlay_start_2:
0xfc: {  	(tag) =	ssettag $0x2  }
0xfd: {  	s0 =	rddreg [dreg:$0x0];
	s2 =	stileid.u32  }
0xfe: {  	s1 =	rddreg [dreg:$0x1];
	p0 =	sne.s32 s2, $0x0  }
0xff: {  	s3 =	rddreg [dreg:$0x2];
	[bflag:$0x3] =	sbarrier.arrive $0xFFFF;
	s2 =	simm.s32 @!p0 $0x1C03  }
0x100: {  	[timem:s3], [sflag:s2] =	dma.local @!p0 [hbm:s0], s1  }
0x101: {  	s0 =	simm.s32 @!p0 $0x3  }
0x102: {  	_ =	swait.ge @!p0 [sflag:s0], s1  }
0x103: {  	s1 =	ssub.s32 @!p0 $0x0, s1;
	[sflag:s0] =	ssyncset.done @!p0 $0x0  }
0x104: {  	[sflag:s0] =	ssyncadd.s32 @!p0 s1  }
0x105: {  	[bflag:$0x3] =	sbarrier.arrive $0xFFFF  }
0x106: {  	_ =	shalt  }

// kernel: sparse-core-data-format-call.cloned.1.call-start
scs
called_computation_lowered:
.L_overlay_start_0:
0x0: {  	s2 =	sld [smem:$0x3FD9]  }
0x1: {  	s3 =	sld [smem:$0x3FFE];
	_ =	sdelay $0x1  }
0x2: {  	s1 =	srdreg.scid  }
0x3: {  	s0 =	sand.u32 $0x1, s1  }
0x4: {  	s18 =	sshll.u32 s0, $0xA;
	s2 =	sadd.s32 s3, s2  }
0x5: {  	s2 =	sadd.s32 s2, s18  }
0x6: {  	[smem:$0x3FC6] =	sst s2  }
0x7: {  	_ = 	snop  }
0x8: {  	s2 =	sld [smem:$0x3FD0];
	(tm) =	ssettm $0x1  }
0x9: {  	s19 =	sld [smem:$0x3FFB];
	_ =	sdelay $0x3  }
0xa: {  	_ =	strace s19  }
0xb: {  	s3 =	sld [smem:$0x3FFC];
	_ =	sdelay $0x3  }
0xc: {  	_ =	strace s3  }
0xd: {  	s3 =	sld [smem:$0x3FFD];
	_ =	sdelay $0x3  }
0xe: {  	_ =	strace s3  }
0xf: {  	_ =	strace $0x8FFFFFFF  }
0x10: {  	s20 =	sld [smem:$0x3FDB];
	_ =	sdelay $0x1  }
0x11: {  	s4 =	simm.s32 $_scs_section_size  }
0x12: {  	s5 =	simm.s32 $_size__tile_overlayer_lowered;
	s6 =	simm.s32 $_tile_overlayer_lowered  }
0x13: {  	s23 =	simm.s32 $0x1BFF;
	s22 =	sshll.u32 s6, $0x1;
	s3 =	sadd.s32 s4, s20  }
0x14: {  	s7 =	simm.s32 $0x0;
	s21 =	sshll.u32 s5, $0x1;
	s5 =	sadd.s32 s22, s3  }
0x15: {  	[timem:s7], [sflag:s23] =	dma.local [hbm:s5], s21  }
0x16: {  	_ =	swait.ge [sflag:s23], s21  }
0x17: {  	s4 =	ssub.s32 $0x0, s21;
	[sflag:s23] =	ssyncset.done $0x0  }
0x18: {  	[sflag:s23] =	ssyncadd.s32 s4;
	_ =	sdelay $0x1  }
0x19: {  	s24 =	simm.s32 $0x1B8B  }
0x1a: {  	_ =	swait.ge [sflag:s24], $0x1  }
0x1b: {  	[sflag:s24] =	ssyncset.done $0x0  }
0x1c: {  	s26 =	simm.s32 $0x1B8E;
	s25 =	sld [smem:$0x3FFE];
	[sflag:s24] =	ssyncadd.s32 $0xFFFFFFFF  }
0x1d: {  	s27 =	simm.s32 $execute0_lowered;
	[smem:$0x3FD2] =	sst s26  }
0x1e: {  	s5 =	sshll.u32 s27, $0x1;
	_ =	strace $0x8000004C;
	[dreg:$0x1] =	wrdreg $0xFFFFFFFF  }
0x1f: {  	s28 =	simm.s32 $_size_execute0_lowered;
	s3 =	sadd.s32 s3, s5;
	[dreg:$0x0] =	wrdreg $0x0  }
0x20: {  	s5 =	sshll.u32 s28, $0x1;
	[dreg:$0x2] =	wrdreg s3  }
0x21: {  	[dreg:$0x3] =	wrdreg s5  }
0x22: {  	[dreg:$0x4] =	wrdreg $0xC0  }
0x23: {  	_ =	task [dreg:s7], $0x5FFFF  }
0x24: {  	[dreg:$0x1] =	wrdreg $0xFFFFFFFF  }
0x25: {  	[dreg:$0x0] =	wrdreg $0x60  }
0x26: {  	[dreg:$0x2] =	wrdreg s25  }
0x27: {  	[dreg:$0x3] =	wrdreg s2  }
0x28: {  	[dreg:$0x4] =	wrdreg $0x9  }
0x29: {  	_ =	task.clear_ibuf [dreg:s7], $0x5FFFF;
	_ =	strace $0x9000004C  }
0x2a: {  	s29 =	simm.s32 $0x9;
	_ =	strace $0x8000004E  }
0x2b: {  	_ =	swait.ge [sflag:s29], $0x1  }
0x2c: {  	[sflag:s29] =	ssyncadd.s32 $0xFFFFFFFF  }
0x2d: {  	_ =	strace $0x9000004E  }
0x2e: {  	_ =	sfence  }
0x2f: {  	s30 =	sld [smem:$0x0];
	_ =	sdelay $0x2  }
0x30: {  	s31 =	sshll.u32 s1, $0xD;
	s1 =	sshrl.u32 s1, $0x2  }
0x31: {  	s3 =	sand.u32 $0x4000, s31;
	s1 =	sadd.s32 s1, s30  }
0x32: {  	s0 =	sor.u32 s3, s0;
	s1 =	sshll.u32 s1, $0x11  }
0x33: {  	s0 =	sor.u32 s1, s0  }
0x34: {  	s0 =	sadd.s32 $0x8F2B, s0  }
0x35: {  	[sflag:s0] =	ssyncadd.remote.s32 $0x1  }
0x36: {  	_ =	sfence.sel $0xFFFF  }
0x37: {  	[dreg:$0x0] =	wrdreg $0xFFFFFFFF;
	(pc) =	sbr.abs _section_cstart, $3  }
0x38: {  	[dreg:$0x1] =	wrdreg $0xFFFFFFFF  }
0x39: {  	_ =	task.clear_ibuf [dreg:s7], $0x2FFFF;
	_ =	strace $0x9FFFFFFF  }
0x3a: {  	(tm) =	ssettm $0x7FFFFFFF  }
0x3b: {  	_ =	shalt  }
tec
execute0_lowered:
.L_overlay_start_1:
0x0: {  	(tag) =	ssettag $0x1  }
0x1: {  	s0 =	srdreg.scid  }
0x2: {  	s1 =	sshll.u32 s0, $0x4  }
0x3: {  	s9 =	rddreg [dreg:$0x0];
	s0 =	stileid.u32;
	s1 =	sand.u32 $0x10, s1  }
0x4: {  	s3 =	rddreg [dreg:$0x1];
	s5 =	simm.s32 $0x1;
	s1 =	sor.u32 s0, s1  }
0x5: {  	s7 =	simm.s32 $0x2;
	s15 =	simm.s32 $0x0;
	s2 =	sshll.u32 s1, $0x7  }
0x6: {  	s11 =	simm.s32 $0x20000;
	s16 =	simm.s32 $0x0;
	s4 =	ssub.s32 $0x4000, s2  }
0x7: {  	s13 =	simm.s32 $0x0;
	s14 =	simm.s32 $0x0;
	s31 =	sand.u32 $0xF80, s4  }
0x8: {  	s8 =	sadd.s32 $0x81600, s9;
	s1 =	rddreg [dreg:$0x2];
	p0 =	sne.s32 s31, $0x0  }
.Ltmp0:
0x9: {  	s6 =	sshrl.u32 s4, $0xC;
	s5 =	simm.s32 @!p0 $0x0;
	(pc) =	sbr.rel .LBB1_1-.Ltmp0, $4  }
0xa: {  	_ =	strace $0x8000004D;
	s4 =	simm.s32 $0x1;
	s5 =	sadd.s32 s5, s6  }
0xb: {  	s12 =	smov.u32 s2;
	[sflag:s4] =	ssyncpa.u1 $0x0;
	s5 =	smul.u32 $0xB, s5  }
0xc: {  	[sflag:s7] =	ssyncpa.u1 $0x0;
	s7 =	sadd.s32 $0x41600, s9;
	p0 =	por $0x0, $0x0  }
0xd: {  	s6 =	sadd.s32 $0x1600, s9;
	s9 =	sadd.s32 $0xC1600, s9;
	s10 =	sadd.s32 $0x1, s5  }
.LBB1_7:
0xe: {  	s17 =	sadd.s32 $0x1000, s12  }
0xf: {  	s15 =	sadd.s32 $0x4, s13;
	s19 =	smov.u32 s13;
	p2 =	sgt.s32 s17, $0x3FFF  }
0x10: {  	s19 =	smov.u32 @p2 s15  }
0x11: {  	s17 =	smov.u32 @p2 s2;
	p2 =	sgt.s32 s19, $0x2B  }
0x12: {  	s19 =	simm.s32 @p2 $0x0;
	p2 =	sne.s32 s14, s10  }
.Ltmp1:
0x13: {  	p1 =	slt.u32 s14, $0x2;
	(pc) =	sbr.rel @!p2 .LBB1_8-.Ltmp1, $4  }
0x14: {  	s18 =	simm.s32 @!p1 $0x2  }
0x15: {  	s16 =	smov.u32 s13;
	p0 =	por !p0, !p0;
	_ =	swait.ge @!p1 [sflag:s18], $0x4000  }
0x16: {  	s15 =	smov.u32 s12;
	[sflag:s18] =	ssyncset.done @!p1 $0x0;
	s12 =	smov.u32 s17  }
0x17: {  	s14 =	sadd.s32 $0x1, s14;
	[sflag:s18] =	ssyncadd.s32 @!p1 $0xFFFFC000;
	s13 =	smov.u32 s19  }
.LBB1_1:
0x18: {  	p1 =	sge.u32 s14, s5  }
0x19: {  	s17 =	sxor.u32 @!p1 $0xFFFFFFFF, s14  }
0x1a: {  	s18 =	sshll.u32 @!p1 s13, $0x12;
	s19 =	sshll.u32 @!p1 s12, $0x4;
	s21 =	simm.s32 @!p1 $0x20  }
0x1b: {  	s17 =	sshll.u32 @!p1 s17, $0xE;
	s19 =	sand.u32 @!p1 $0x3FFF0, s19;
	s20 =	sadd.s32 @!p1 s6, s18  }
0x1c: {  	s22 =	simm.s32 @!p1 $0x80;
	s17 =	sand.u32 @!p1 $0x4000, s17;
	s20 =	sadd.s32 @!p1 s19, s20  }
0x1d: {  	[tilespmem:s17], [sflag:$0x1] =	stream.strided.gather @!p1 [hbm4b:s20+s21], $0x1000, s22, s21, $0x38;
	[tilespmem:$0x10100] =	vst v63  }
0x1e: {  	s20 =	sadd.s32 @!p1 s18, s7  }
0x1f: {  	s23 =	sor.u32 @!p1 $0x1000, s17;
	s20 =	sadd.s32 @!p1 s19, s20  }
0x20: {  	[tilespmem:s23], [sflag:$0x1] =	stream.strided.gather @!p1 [hbm4b:s20+s21], $0x1000, s22, s21, $0x38;
	[tilespmem:$0x10100] =	vst v63  }
0x21: {  	s20 =	sadd.s32 @!p1 s18, s8  }
0x22: {  	s23 =	sor.u32 @!p1 $0x2000, s17;
	s18 =	sadd.s32 @!p1 s18, s9;
	s20 =	sadd.s32 @!p1 s19, s20  }
0x23: {  	[tilespmem:s23], [sflag:$0x1] =	stream.strided.gather @!p1 [hbm4b:s20+s21], $0x1000, s22, s21, $0x38;
	[tilespmem:$0x10100] =	vst v63  }
0x24: {  	s31 =	sadd.s32 $0xFFFFFFFF, s14;
	s17 =	sor.u32 @!p1 $0x3000, s17;
	s18 =	sadd.s32 @!p1 s19, s18  }
0x25: {  	[tilespmem:s17], [sflag:$0x1] =	stream.strided.gather @!p1 [hbm4b:s18+s21], $0x1000, s22, s21, $0x38;
	[tilespmem:$0x10100] =	vst v63  }
0x26: {  	p1 =	sge.u32 s31, s5  }
.Ltmp2:
0x27: {  	_ = 	snop;
	(pc) =	sbr.rel @p1 .LBB1_7-.Ltmp2, $1  }
0x28: {  	_ =	sdelay $0x3  }
0x29: {  	s17 =	simm.s32 $0x1;
	s19 =	sand.u32 $0x1, s14  }
0x2a: {  	_ =	swait.ge [sflag:s4], $0x4000;
	s17 =	simm.s32 @!p0 $0x0;
	s20 =	smul.u32 $0x10200, s19  }
0x2b: {  	[sflag:s4] =	ssyncset.done $0x0;
	s18 =	smul.u32 $0x10200, s17  }
0x2c: {  	s17 =	sshll.u32 s17, $0xE;
	[sflag:s4] =	ssyncadd.s32 $0xFFFFC000  }
0x2d: {  	s19 =	sor.u32 $0x10, s17;
	s31 =	sshrl.u32 s20, $0x2;
	s18 =	sshrl.u32 s18, $0x2  }
0x2e: {  	s20 =	simm.s32 $0x0;
	s17 =	sor.u32 $0x8000, s31;
	s18 =	sor.u32 $0x8000, s18  }
.LBB1_3:
0x2f: {  	v1 =	vld [tilespmem:s19+$0x0]  }
0x30: {  	v0 =	vld [tilespmem:s19+$0xFFFFFFF0];
	_ =	sdelay $0x2  }
0x31: {  	s23 =	sadd.s32 $0x0, s18  }
0x32: {  	s21 =	simm.s32 $0x4;
	s22 =	sadd.s32 $0x20, s19;
	[tilespmem:s23+$0x810 ss:$0x81] =	vst.msk $0xffff, v1  }
.LBB1_4:
0x33: {  	v1 =	vld [tilespmem:s22+$0x0];
	p1 =	sne.s32 s21, $0x1FC;
	[tilespmem:s23+$0x0 ss:$0x81] =	vst.msk $0xffff, v0;
	s23 =	smov.u32 s21;
	s21 =	sadd.s32 $0x4, s21  }
.Ltmp3:
0x34: {  	v0 =	vld [tilespmem:s22+$0xFFFFFFF0];
	(pc) =	sbr.rel @p1 .LBB1_4-.Ltmp3, $4  }
0x35: {  	_ = 	snop  }
0x36: {  	s23 =	sshra.s32 s23, $0x2  }
0x37: {  	s23 =	sadd.s32 s23, s18  }
0x38: {  	s22 =	sadd.s32 $0x20, s22;
	[tilespmem:s23+$0x810 ss:$0x81] =	vst.msk $0xffff, v1  }
0x39: {  	s20 =	sadd.s32 $0x1, s20  }
0x3a: {  	p1 =	sne.s32 s20, $0x4  }
.Ltmp4:
0x3b: {  	_ = 	snop;
	(pc) =	sbr.rel @p1 .LBB1_3-.Ltmp4, $2  }
0x3c: {  	_ =	sdelay $0x2  }
0x3d: {  	[tilespmem:s23+$0x0 ss:$0x81] =	vst.msk $0xffff, v0;
	s18 =	sadd.s32 $0x1020, s18;
	s19 =	sadd.s32 $0x1000, s19  }
0x3e: {  	s18 =	sshll.u32 s15, $0x3;
	s19 =	sand.u32 $0x78, s15;
	s16 =	sshll.u32 s16, $0x10  }
.Ltmp5:
0x3f: {  	s30 =	sand.u32 $0xF800, s15;
	s18 =	sand.u32 $0x3C00, s18;
	(pc) =	sbr.rel .LBB1_7-.Ltmp5, $4  }
0x40: {  	s31 =	sand.u32 $0x7, s15;
	s16 =	sadd.s32 s3, s16;
	s18 =	sor.u32 s19, s18  }
0x41: {  	s15 =	sshll.u32 s31, $0x12;
	s16 =	sadd.s32 s30, s16;
	s18 =	sshrl.u32 s18, $0x3  }
0x42: {  	s15 =	sor.u32 $0x400, s15;
	s16 =	sadd.s32 s18, s16  }
0x43: {  	[hbm4b:s16+s15] =	stream.strided.scatter [tilespmem:s17], [sflag:$0x2], $0x4000, s11, s15, $0x20;
	[tilespmem:$0x10100] =	vst v63  }
.LBB1_8:
0x44: {  	_ =	sfence.sel $0x180000  }
0x45: {  	s2 =	simm.s32 $0x1;
	[bflag:$0x0] =	sbarrier.arrive $0xFFFF  }
0x46: {  	s31 =	simm.s32 $0x2;
	[sflag:s2] =	ssyncpa.u1 $0x1  }
0x47: {  	[sflag:s31] =	ssyncpa.u1 $0x1  }
0x48: {  	p0 =	sne.s32 s0, $0x0;
	_ =	strace $0x9000004D  }
0x49: {  	s0 =	sadd.s32 @!p0 $0x100000, s1;
	[bflag:$0x2] =	sbarrier.arrive $0xFFFF  }
0x4a: {  	[sflag:s0] =	ssyncadd.tile.s32 @!p0 $0x1;
	_ =	shalt  }
.Lfunc_end1:
_tile_overlayer_lowered:
.L_overlay_start_2:
0x4b: {  	(tag) =	ssettag $0x2  }
0x4c: {  	s0 =	rddreg [dreg:$0x0];
	s2 =	stileid.u32  }
0x4d: {  	s1 =	rddreg [dreg:$0x1];
	p0 =	sne.s32 s2, $0x0  }
0x4e: {  	s3 =	rddreg [dreg:$0x2];
	[bflag:$0x3] =	sbarrier.arrive $0xFFFF;
	s2 =	simm.s32 @!p0 $0x1C01  }
0x4f: {  	[timem:s3], [sflag:s2] =	dma.local @!p0 [hbm:s0], s1  }
0x50: {  	s0 =	simm.s32 @!p0 $0x1  }
0x51: {  	_ =	swait.ge @!p0 [sflag:s0], s1  }
0x52: {  	s1 =	ssub.s32 @!p0 $0x0, s1;
	[sflag:s0] =	ssyncset.done @!p0 $0x0  }
0x53: {  	[sflag:s0] =	ssyncadd.s32 @!p0 s1  }
0x54: {  	[bflag:$0x3] =	sbarrier.arrive $0xFFFF  }
0x55: {  	_ =	shalt  }

</sc_bundles>
